<compile_context>
chip_gen: v7x
topology: tpu7x:2x2x1
jax: 0.10.2.dev20260603
libtpu: 0.0.44.dev20260713+nightly
codegen_flags: <defaults>
</compile_context>

<pallas_src>
import jax
import jax.numpy as jnp
from jax import lax
from jax.experimental import pallas as pl
from jax.experimental.pallas import tpu as pltpu
from jax.experimental.pallas import tpu_sc as plsc

NN = 10000
EE = 320000
DD = 128
BB = 64
HW = 64

NC = 2
NS = 16
DH = DD // NC
EPW = EE // NS
CH = 80
NCHUNK = EPW // CH
RPS = NN // NS
ZR = 25

NBUF = 6
LOOK = 3

_sc_mesh = plsc.VectorSubcoreMesh(
    core_axis_name="c", subcore_axis_name="s", num_cores=NC, num_subcores=NS)


def _make_segsum(with_deg):
  out_type = [jax.ShapeDtypeStruct((NN, DD), jnp.float32)]
  scratch = [
      pltpu.VMEM((NCHUNK, CH), jnp.int32),
      pltpu.VMEM((NCHUNK, CH), jnp.int32),
      [pltpu.VMEM((CH, DH), jnp.float32) for _ in range(NBUF)],
      pltpu.VMEM((ZR, DH), jnp.float32),
      pltpu.VMEM_SHARED((NN, DH), jnp.float32),
      [pltpu.SemaphoreType.DMA for _ in range(NBUF)],
      [pltpu.SemaphoreType.DMA for _ in range(NBUF)],
  ]
  if with_deg:
    out_type.append(jax.ShapeDtypeStruct((NN, 16), jnp.float32))
    scratch += [
        pltpu.VMEM((CH, 16), jnp.float32),
        pltpu.VMEM((ZR, 16), jnp.float32),
        pltpu.VMEM_SHARED((NN, 16), jnp.float32),
        [pltpu.SemaphoreType.DMA for _ in range(NBUF)],
    ]

  def body(table_hbm, src_hbm, dst_hbm, *refs):
    if with_deg:
      (out_hbm, deg_hbm, src_all, dst_all, rows, zero_v, acc_sh, sem_g,
       sem_s, ones_v, zdeg_v, deg_sh, sem_d) = refs
    else:
      out_hbm, src_all, dst_all, rows, zero_v, acc_sh, sem_g, sem_s = refs

    c = lax.axis_index("c")
    s = lax.axis_index("s")
    base_r = s * RPS
    on_deg_core = c == 0

    z16 = jnp.zeros((16,), jnp.float32)

    def zrow(r, carry):
      for k in range(DH // 16):
        zero_v[r, k * 16:(k + 1) * 16] = z16
      return carry
    lax.fori_loop(0, ZR, zrow, 0)
    for j in range(RPS // ZR):
      pltpu.sync_copy(zero_v, acc_sh.at[pl.ds(base_r + j * ZR, ZR)])

    pltpu.sync_copy(src_hbm.at[s], src_all)
    pltpu.sync_copy(dst_hbm.at[s], dst_all)

    @pl.when(c == 1)
    def _():
      def adj(r, carry):
        for kk in range(CH // 16):
          sl = slice(kk * 16, (kk + 1) * 16)
          src_all[r, sl] = src_all[r, sl] + 1
        return carry
      lax.fori_loop(0, NCHUNK, adj, 0)

    if with_deg:
      @pl.when(on_deg_core)
      def _():
        o16 = jnp.ones((16,), jnp.float32)

        def frow(r, carry):
          ones_v[r, :] = o16
          return carry
        lax.fori_loop(0, CH, frow, 0)

        def zdrow(r, carry):
          zdeg_v[r, :] = z16
          return carry
        lax.fori_loop(0, ZR, zdrow, 0)
        for j in range(RPS // ZR):
          pltpu.sync_copy(zdeg_v, deg_sh.at[pl.ds(base_r + j * ZR, ZR)])

    plsc.subcore_barrier()

    def issue_gather(i, k):
      pltpu.async_copy(table_hbm.at[src_all.at[i]], rows[k], sem_g[k])

    def wait_gather(i, k):
      pltpu.make_async_copy(table_hbm.at[src_all.at[i]], rows[k],
                            sem_g[k]).wait()

    def issue_scatter(i, k):
      pltpu.async_copy(rows[k], acc_sh.at[dst_all.at[i]], sem_s[k], add=True)
      if with_deg:
        @pl.when(on_deg_core)
        def _():
          pltpu.async_copy(ones_v, deg_sh.at[dst_all.at[i]], sem_d[k],
                           add=True)

    def wait_scatter(i, k):
      pltpu.make_async_copy(rows[k], acc_sh.at[dst_all.at[i]],
                            sem_s[k]).wait()
      if with_deg:
        @pl.when(on_deg_core)
        def _():
          pltpu.make_async_copy(ones_v, deg_sh.at[dst_all.at[i]],
                                sem_d[k]).wait()

    def step(i, k):
      wait_gather(i, k)
      issue_scatter(i, k)
      k2 = (k + LOOK) % NBUF
      wait_scatter(i - LOOK, k2)
      issue_gather(i + LOOK, k2)

    for i in range(LOOK):
      issue_gather(i, i % NBUF)
    for i in range(LOOK):
      k = i % NBUF
      wait_gather(i, k)
      issue_scatter(i, k)
      issue_gather(i + LOOK, (k + LOOK) % NBUF)

    n_main = (NCHUNK - LOOK - (NBUF - 1)) // NBUF
    tail0 = LOOK + n_main * NBUF

    def outer(j, carry):
      i0 = LOOK + j * NBUF
      for b in range(NBUF):
        step(i0 + b, (LOOK + b) % NBUF)
      return carry
    lax.fori_loop(0, n_main, outer, 0)

    for i in range(tail0, NCHUNK):
      k = i % NBUF
      wait_gather(i, k)
      issue_scatter(i, k)
      if i + LOOK < NCHUNK:
        k2 = (k + LOOK) % NBUF
        wait_scatter(i + LOOK - NBUF, k2)
        issue_gather(i + LOOK, k2)

    for i in range(NCHUNK - NBUF, NCHUNK):
      wait_scatter(i, i % NBUF)

    plsc.subcore_barrier()

    pltpu.sync_copy(acc_sh.at[pl.ds(base_r, RPS)],
                    out_hbm.at[pl.ds(base_r, RPS), pl.ds(c * DH, DH)])
    if with_deg:
      @pl.when(on_deg_core)
      def _():
        pltpu.sync_copy(deg_sh.at[pl.ds(base_r, RPS)],
                        deg_hbm.at[pl.ds(base_r, RPS)])

  out = tuple(out_type) if with_deg else out_type[0]
  return pl.kernel(body, out_type=out, mesh=_sc_mesh,
                   scratch_types=scratch,
                   compiler_params=pltpu.CompilerParams(
                       use_tc_tiling_on_sc=False),
                   name="segsum_deg" if with_deg else "segsum")


_segsum_deg = _make_segsum(True)
_segsum = _make_segsum(False)


ROWS_BLK = 1000
GRID = NN // ROWS_BLK


def _full(shape):
  return pl.BlockSpec(shape, lambda i: (0,) * len(shape))


def _rows(w):
  return pl.BlockSpec((ROWS_BLK, w), lambda i: (i, 0))


def _dotT(a, w):
  return lax.dot_general(a, w, (((1,), (1,)), ((), ())),
                         preferred_element_type=jnp.float32)


def _tbl_spec():
  return pl.BlockSpec((NC, ROWS_BLK, DH), lambda i: (0, i, 0))


def _tc_pre_body(x_ref, wl_ref, wr_ref, bl_ref, tbl_ref, xr_ref):
  xb = x_ref[...]
  tbl_ref[...] = _dotT(xb, wl_ref[...])
  xr_ref[...] = _dotT(xb, wr_ref[...]) + bl_ref[...]


_tc_pre = pl.pallas_call(
    _tc_pre_body,
    grid=(GRID,),
    in_specs=[_rows(DD), _full((DD, DD)), _full((DD, DD)), _full((1, DD))],
    out_specs=[_rows(DD), _rows(DD)],
    out_shape=[jax.ShapeDtypeStruct((NN, DD), jnp.float32),
               jax.ShapeDtypeStruct((NN, DD), jnp.float32)],
)


def _tc_mid_body(p_ref, d_ref, xr1_ref, wl_ref, wr_ref,
                 bl_ref, tbl2_ref, xr2_ref, dinv_ref):
  deg = d_ref[...][:, :1]
  dinv = 1.0 / jnp.maximum(deg, 1.0)
  h1 = jnp.maximum(p_ref[...] * dinv + xr1_ref[...], 0.0)
  tbl2_ref[...] = _dotT(h1, wl_ref[...])
  xr2_ref[...] = _dotT(h1, wr_ref[...]) + bl_ref[...]
  dinv_ref[...] = jnp.broadcast_to(dinv, (ROWS_BLK, 8))


_tc_mid = pl.pallas_call(
    _tc_mid_body,
    grid=(GRID,),
    in_specs=[_rows(DD), _rows(16), _rows(DD),
              _full((DD, DD)), _full((DD, DD)), _full((1, DD))],
    out_specs=[_rows(DD), _rows(DD), _rows(8)],
    out_shape=[jax.ShapeDtypeStruct((NN, DD), jnp.float32),
               jax.ShapeDtypeStruct((NN, DD), jnp.float32),
               jax.ShapeDtypeStruct((NN, 8), jnp.float32)],
)


def _tc_head_body(q_ref, xr2_ref, dinv_ref, bv_ref, ltni_ref,
                  wc1_ref, bc1_ref, wc2_ref, bc2_ref, out_ref):
  h2 = jnp.maximum(q_ref[...] * dinv_ref[...][:, :1]
                   + xr2_ref[...], 0.0)
  bv = bv_ref[...]
  iota_b = lax.broadcasted_iota(jnp.int32, (BB, 1), 0)
  cmp = (bv < iota_b).astype(jnp.int32)
  offs = jnp.sum(cmp, axis=1, keepdims=True) + ltni_ref[...]
  iota_n = lax.broadcasted_iota(jnp.int32, (1, NN), 1)
  onehot = (offs == iota_n).astype(jnp.float32)
  tgt = lax.dot_general(onehot, h2, (((1,), (0,)), ((), ())),
                        preferred_element_type=jnp.float32)
  z = jnp.maximum(_dotT(tgt, wc1_ref[...]) + bc1_ref[...], 0.0)
  out_ref[...] = jnp.sum(z * wc2_ref[...], axis=1, keepdims=True) + bc2_ref[...]


_tc_head = pl.pallas_call(
    _tc_head_body,
    grid=(1,),
    in_specs=[_full((NN, DD)), _full((NN, DD)),
              _full((NN, 8)), _full((1, NN)), _full((BB, 1)),
              _full((HW, DD)), _full((1, HW)),
              _full((1, HW)), _full((BB, 1))],
    out_specs=_full((BB, 1)),
    out_shape=jax.ShapeDtypeStruct((BB, 1), jnp.float32),
)


@jax.jit
def kernel(x, edge_index, local_target_node_idx, batch_vector,
           Wl1, bl1, Wr1, Wl2, bl2, Wr2, Wc1, bc1, Wc2, bc2):
  src = (edge_index[0].astype(jnp.int32) * 2).reshape(NS, NCHUNK, CH)
  dst = edge_index[1].astype(jnp.int32).reshape(NS, NCHUNK, CH)

  tbl1, xr1 = _tc_pre(x, Wl1, Wr1, bl1.reshape(1, DD))
  p1, deg = _segsum_deg(tbl1.reshape(2 * NN, DH), src, dst)
  tbl2, xr2, dinv = _tc_mid(p1, deg, xr1,
                            Wl2, Wr2, bl2.reshape(1, DD))
  p2 = _segsum(tbl2.reshape(2 * NN, DH), src, dst)
  out = _tc_head(p2, xr2, dinv,
                 batch_vector.reshape(1, NN).astype(jnp.int32),
                 local_target_node_idx.reshape(BB, 1).astype(jnp.int32),
                 Wc1, bc1.reshape(1, HW), Wc2.reshape(1, HW),
                 jnp.broadcast_to(bc2.reshape(1, 1), (BB, 1)))
  return out

# --- scband reference (transcript-rebuilt; emitter-appended) ---
"""Pipeline reference for scband-gnnmodel-32358283608543 (READ-ONLY COPY).

The authoritative reference and input builder live on the scoring server;
editing this copy changes nothing except your own understanding.
"""

import jax, jax.numpy as jnp
import numpy as np

N = 10000
E = 320000
D = 128
H = 128
O = 128
B = 64


def _sage_conv(x, src, dst, Wl, bl, Wr, n_nodes):
    # PyG SAGEConv with mean aggregation: out = lin_l(mean_j x_j) + lin_r(x_i)
    msg = x[src]
    agg = jax.ops.segment_sum(msg, dst, num_segments=n_nodes)
    deg = jax.ops.segment_sum(jnp.ones((src.shape[0],), dtype=x.dtype), dst, num_segments=n_nodes)
    agg = agg / jnp.maximum(deg, 1.0)[:, None]
    return agg @ Wl.T + bl + x @ Wr.T


def setup_inputs(seed: int = 0) -> dict:
    key = jax.random.key(seed)
    ks = jax.random.split(key, 16)
    x = jax.random.normal(ks[0], (N, D), dtype=jnp.float32)
    edge_index = jax.random.randint(ks[1], (2, E), 0, N)
    local_target_node_idx = jnp.zeros((B,), dtype=jnp.int32)
    batch_vector = jnp.sort(jax.random.randint(ks[2], (N,), 0, B))
    s_d = 1.0 / np.sqrt(D)
    s_h = 1.0 / np.sqrt(H)
    s_o = 1.0 / np.sqrt(O)
    s_c = 1.0 / np.sqrt(O // 2)
    Wl1 = jax.random.normal(ks[3], (H, D), dtype=jnp.float32) * s_d
    bl1 = jnp.zeros((H,), dtype=jnp.float32)
    Wr1 = jax.random.normal(ks[4], (H, D), dtype=jnp.float32) * s_d
    Wl2 = jax.random.normal(ks[5], (O, H), dtype=jnp.float32) * s_h
    bl2 = jnp.zeros((O,), dtype=jnp.float32)
    Wr2 = jax.random.normal(ks[6], (O, H), dtype=jnp.float32) * s_h
    Wc1 = jax.random.normal(ks[7], (O // 2, O), dtype=jnp.float32) * s_o
    bc1 = jnp.zeros((O // 2,), dtype=jnp.float32)
    Wc2 = jax.random.normal(ks[8], (1, O // 2), dtype=jnp.float32) * s_c
    bc2 = jnp.zeros((1,), dtype=jnp.float32)
    return {"x": x, "edge_index": edge_index, "local_target_node_idx": local_target_node_idx,
            "batch_vector": batch_vector, "Wl1": Wl1, "bl1": bl1, "Wr1": Wr1,
            "Wl2": Wl2, "bl2": bl2, "Wr2": Wr2, "Wc1": Wc1, "bc1": bc1, "Wc2": Wc2, "bc2": bc2}


def reference(x, edge_index, local_target_node_idx, batch_vector,
              Wl1, bl1, Wr1, Wl2, bl2, Wr2, Wc1, bc1, Wc2, bc2):
    src = edge_index[0]
    dst = edge_index[1]
    h = jax.nn.relu(_sage_conv(x, src, dst, Wl1, bl1, Wr1, N))
    h = jax.nn.relu(_sage_conv(h, src, dst, Wl2, bl2, Wr2, N))
    counts = jnp.bincount(batch_vector, length=B)
    offsets = jnp.cumsum(counts) - counts
    tgt = h[local_target_node_idx + offsets]
    z = jax.nn.relu(tgt @ Wc1.T + bc1)
    return z @ Wc2.T + bc2

if __name__ == "__main__":
    import jax
    _d = setup_inputs()
    print(jax.jit(kernel)(*tuple(_d.values())))

</pallas_src>

<mosaic_0001>
#map = affine_map<(d0, d1) -> (0, 0)>
#map1 = affine_map<(d0, d1) -> (0, 0, 0)>
module attributes {stable_mosaic.version = 14 : i64} {
  func.func @segsum_deg(%arg0: i32, %arg1: i32, %arg2: memref<20000x64xf32, #tpu.memory_space<hbm>>, %arg3: memref<16x250x80xi32, #tpu.memory_space<hbm>>, %arg4: memref<16x250x80xi32, #tpu.memory_space<hbm>>, %arg5: memref<10000x128xf32, #tpu.memory_space<hbm>>, %arg6: memref<10000x16xf32, #tpu.memory_space<hbm>>, %arg7: memref<250x80xi32, #tpu.memory_space<vmem>>, %arg8: memref<250x80xi32, #tpu.memory_space<vmem>>, %arg9: memref<80x64xf32, #tpu.memory_space<vmem>>, %arg10: memref<80x64xf32, #tpu.memory_space<vmem>>, %arg11: memref<80x64xf32, #tpu.memory_space<vmem>>, %arg12: memref<80x64xf32, #tpu.memory_space<vmem>>, %arg13: memref<80x64xf32, #tpu.memory_space<vmem>>, %arg14: memref<80x64xf32, #tpu.memory_space<vmem>>, %arg15: memref<25x64xf32, #tpu.memory_space<vmem>>, %arg16: memref<10000x64xf32, #tpu.memory_space<vmem_shared>>, %arg17: memref<!tpu.dma_semaphore, #tpu.memory_space<semaphore_mem>>, %arg18: memref<!tpu.dma_semaphore, #tpu.memory_space<semaphore_mem>>, %arg19: memref<!tpu.dma_semaphore, #tpu.memory_space<semaphore_mem>>, %arg20: memref<!tpu.dma_semaphore, #tpu.memory_space<semaphore_mem>>, %arg21: memref<!tpu.dma_semaphore, #tpu.memory_space<semaphore_mem>>, %arg22: memref<!tpu.dma_semaphore, #tpu.memory_space<semaphore_mem>>, %arg23: memref<!tpu.dma_semaphore, #tpu.memory_space<semaphore_mem>>, %arg24: memref<!tpu.dma_semaphore, #tpu.memory_space<semaphore_mem>>, %arg25: memref<!tpu.dma_semaphore, #tpu.memory_space<semaphore_mem>>, %arg26: memref<!tpu.dma_semaphore, #tpu.memory_space<semaphore_mem>>, %arg27: memref<!tpu.dma_semaphore, #tpu.memory_space<semaphore_mem>>, %arg28: memref<!tpu.dma_semaphore, #tpu.memory_space<semaphore_mem>>, %arg29: memref<80x16xf32, #tpu.memory_space<vmem>>, %arg30: memref<25x16xf32, #tpu.memory_space<vmem>>, %arg31: memref<10000x16xf32, #tpu.memory_space<vmem_shared>>, %arg32: memref<!tpu.dma_semaphore, #tpu.memory_space<semaphore_mem>>, %arg33: memref<!tpu.dma_semaphore, #tpu.memory_space<semaphore_mem>>, %arg34: memref<!tpu.dma_semaphore, #tpu.memory_space<semaphore_mem>>, %arg35: memref<!tpu.dma_semaphore, #tpu.memory_space<semaphore_mem>>, %arg36: memref<!tpu.dma_semaphore, #tpu.memory_space<semaphore_mem>>, %arg37: memref<!tpu.dma_semaphore, #tpu.memory_space<semaphore_mem>>) attributes {dimension_semantics = [#tpu.dimension_semantics<core_parallel>, #tpu.dimension_semantics<subcore_parallel>], iteration_bounds = array<i64: 2, 16>, scalar_prefetch = 0 : i64, scratch_operands = 31 : i64, tpu.core_type = #tpu.core_type<sc_vector_subcore>, window_params = [{transform_indices = #map}, {transform_indices = #map1}, {transform_indices = #map1}, {transform_indices = #map}, {transform_indices = #map}]} {
    %mul3A = arith.constant 625 : i32
    %mul3A_0 = arith.muli %arg1, %mul3A : i32
    %eq3A = arith.constant 0 : i32
    %eq3A_1 = arith.cmpi eq, %arg0, %eq3A : i32
    %broadcast_in_dim3A = arith.constant 0.000000e+00 : f32
    %broadcast_in_dim3A_2 = vector.broadcast %broadcast_in_dim3A : f32 to vector<16xf32>
    %scan3A = arith.constant 0 : i32
    %scan3A_3 = arith.constant 0 : i32
    %scan3A_4 = arith.constant 25 : i32
    %scan3A_5 = arith.addi %scan3A_3, %scan3A_4 : i32
    %scan3A_6 = arith.constant 1 : i32
    scf.for %scan3A_413 = %scan3A_3 to %scan3A_5 step %scan3A_6  : i32 {
      %swap3A = arith.index_cast %scan3A_413 : i32 to index
      %swap3A_414 = arith.constant 0 : index
      %swap3A_415 = tpu.vector_load %arg15[%swap3A, %swap3A_414] {strides = array<i32>} : memref<25x64xf32, #tpu.memory_space<vmem>>, vector<1x16xf32>,
      %swap3A_416 = vector.shape_cast %swap3A_415 : vector<1x16xf32> to vector<16xf32>
      %swap3A_417 = vector.shape_cast %broadcast_in_dim3A_2 : vector<16xf32> to vector<1x16xf32>
      tpu.vector_store %arg15[%swap3A, %swap3A_414], %swap3A_417 {strides = array<i32>} : memref<25x64xf32, #tpu.memory_space<vmem>>, vector<1x16xf32>,
      %swap3A_418 = arith.index_cast %scan3A_413 : i32 to index
      %swap3A_419 = arith.constant 16 : index
      %swap3A_420 = tpu.vector_load %arg15[%swap3A_418, %swap3A_419] {strides = array<i32>} : memref<25x64xf32, #tpu.memory_space<vmem>>, vector<1x16xf32>,
      %swap3A_421 = vector.shape_cast %swap3A_420 : vector<1x16xf32> to vector<16xf32>
      %swap3A_422 = vector.shape_cast %broadcast_in_dim3A_2 : vector<16xf32> to vector<1x16xf32>
      tpu.vector_store %arg15[%swap3A_418, %swap3A_419], %swap3A_422 {strides = array<i32>} : memref<25x64xf32, #tpu.memory_space<vmem>>, vector<1x16xf32>,
      %swap3A_423 = arith.index_cast %scan3A_413 : i32 to index
      %swap3A_424 = arith.constant 32 : index
      %swap3A_425 = tpu.vector_load %arg15[%swap3A_423, %swap3A_424] {strides = array<i32>} : memref<25x64xf32, #tpu.memory_space<vmem>>, vector<1x16xf32>,
      %swap3A_426 = vector.shape_cast %swap3A_425 : vector<1x16xf32> to vector<16xf32>
      %swap3A_427 = vector.shape_cast %broadcast_in_dim3A_2 : vector<16xf32> to vector<1x16xf32>
      tpu.vector_store %arg15[%swap3A_423, %swap3A_424], %swap3A_427 {strides = array<i32>} : memref<25x64xf32, #tpu.memory_space<vmem>>, vector<1x16xf32>,
      %swap3A_428 = arith.index_cast %scan3A_413 : i32 to index
      %swap3A_429 = arith.constant 48 : index
      %swap3A_430 = tpu.vector_load %arg15[%swap3A_428, %swap3A_429] {strides = array<i32>} : memref<25x64xf32, #tpu.memory_space<vmem>>, vector<1x16xf32>,
      %swap3A_431 = vector.shape_cast %swap3A_430 : vector<1x16xf32> to vector<16xf32>
      %swap3A_432 = vector.shape_cast %broadcast_in_dim3A_2 : vector<16xf32> to vector<1x16xf32>
      tpu.vector_store %arg15[%swap3A_428, %swap3A_429], %swap3A_432 {strides = array<i32>} : memref<25x64xf32, #tpu.memory_space<vmem>>, vector<1x16xf32>,
    }
    %scan3A_7 = arith.constant 25 : i32
    %add3A = arith.constant 0 : i32
    %add3A_8 = arith.addi %mul3A_0, %add3A : i32
    "tpu.region"() ({
      %run_scoped3A = tpu.sem_alloc : memref<!tpu.dma_semaphore, #tpu.memory_space<semaphore_mem>>
      %dma_start3A_413 = arith.constant 0 : i32
      %dma_start3A_414 = tpu.memref_slice %arg16[%add3A_8, %dma_start3A_413] : memref<10000x64xf32, #tpu.memory_space<vmem_shared>> -> memref<25x64xf32, #tpu.memory_space<vmem_shared>>
      %dma_start3A_415 = arith.constant 0 : i32
      %dma_start3A_416 = tpu.memref_slice %arg16[%add3A_8, %dma_start3A_415] : memref<10000x64xf32, #tpu.memory_space<vmem_shared>> -> memref<25x64xf32, #tpu.memory_space<vmem_shared>>
      tpu.enqueue_dma source(%arg15 : memref<25x64xf32, #tpu.memory_space<vmem>>) target(%dma_start3A_416 : memref<25x64xf32, #tpu.memory_space<vmem_shared>>) target_semaphore(%run_scoped3A : memref<!tpu.dma_semaphore, #tpu.memory_space<semaphore_mem>>)
      %dma_wait3A_417 = arith.constant 0 : i32
      %dma_wait3A_418 = tpu.memref_slice %arg16[%add3A_8, %dma_wait3A_417] : memref<10000x64xf32, #tpu.memory_space<vmem_shared>> -> memref<25x64xf32, #tpu.memory_space<vmem_shared>>
      %dma_wait3A_419 = arith.constant 0 : i32
      %dma_wait3A_420 = tpu.memref_slice %arg16[%add3A_8, %dma_wait3A_419] : memref<10000x64xf32, #tpu.memory_space<vmem_shared>> -> memref<25x64xf32, #tpu.memory_space<vmem_shared>>
      tpu.wait_dma2 semaphore(%run_scoped3A : memref<!tpu.dma_semaphore, #tpu.memory_space<semaphore_mem>>) src(%arg15 : memref<25x64xf32, #tpu.memory_space<vmem>>) dst(%dma_wait3A_420 : memref<25x64xf32, #tpu.memory_space<vmem_shared>>)
      tpu.yield
    }) : () -> ()
    %add3A_9 = arith.constant 25 : i32
    %add3A_10 = arith.addi %mul3A_0, %add3A_9 : i32
    "tpu.region"() ({
      %run_scoped3A = tpu.sem_alloc : memref<!tpu.dma_semaphore, #tpu.memory_space<semaphore_mem>>
      %dma_start3A_413 = arith.constant 0 : i32
      %dma_start3A_414 = tpu.memref_slice %arg16[%add3A_10, %dma_start3A_413] : memref<10000x64xf32, #tpu.memory_space<vmem_shared>> -> memref<25x64xf32, #tpu.memory_space<vmem_shared>>
      %dma_start3A_415 = arith.constant 0 : i32
      %dma_start3A_416 = tpu.memref_slice %arg16[%add3A_10, %dma_start3A_415] : memref<10000x64xf32, #tpu.memory_space<vmem_shared>> -> memref<25x64xf32, #tpu.memory_space<vmem_shared>>
      tpu.enqueue_dma source(%arg15 : memref<25x64xf32, #tpu.memory_space<vmem>>) target(%dma_start3A_416 : memref<25x64xf32, #tpu.memory_space<vmem_shared>>) target_semaphore(%run_scoped3A : memref<!tpu.dma_semaphore, #tpu.memory_space<semaphore_mem>>)
      %dma_wait3A_417 = arith.constant 0 : i32
      %dma_wait3A_418 = tpu.memref_slice %arg16[%add3A_10, %dma_wait3A_417] : memref<10000x64xf32, #tpu.memory_space<vmem_shared>> -> memref<25x64xf32, #tpu.memory_space<vmem_shared>>
      %dma_wait3A_419 = arith.constant 0 : i32
      %dma_wait3A_420 = tpu.memref_slice %arg16[%add3A_10, %dma_wait3A_419] : memref<10000x64xf32, #tpu.memory_space<vmem_shared>> -> memref<25x64xf32, #tpu.memory_space<vmem_shared>>
      tpu.wait_dma2 semaphore(%run_scoped3A : memref<!tpu.dma_semaphore, #tpu.memory_space<semaphore_mem>>) src(%arg15 : memref<25x64xf32, #tpu.memory_space<vmem>>) dst(%dma_wait3A_420 : memref<25x64xf32, #tpu.memory_space<vmem_shared>>)
      tpu.yield
    }) : () -> ()
    %add3A_11 = arith.constant 50 : i32
    %add3A_12 = arith.addi %mul3A_0, %add3A_11 : i32
    "tpu.region"() ({
      %run_scoped3A = tpu.sem_alloc : memref<!tpu.dma_semaphore, #tpu.memory_space<semaphore_mem>>
      %dma_start3A_413 = arith.constant 0 : i32
      %dma_start3A_414 = tpu.memref_slice %arg16[%add3A_12, %dma_start3A_413] : memref<10000x64xf32, #tpu.memory_space<vmem_shared>> -> memref<25x64xf32, #tpu.memory_space<vmem_shared>>
      %dma_start3A_415 = arith.constant 0 : i32
      %dma_start3A_416 = tpu.memref_slice %arg16[%add3A_12, %dma_start3A_415] : memref<10000x64xf32, #tpu.memory_space<vmem_shared>> -> memref<25x64xf32, #tpu.memory_space<vmem_shared>>
      tpu.enqueue_dma source(%arg15 : memref<25x64xf32, #tpu.memory_space<vmem>>) target(%dma_start3A_416 : memref<25x64xf32, #tpu.memory_space<vmem_shared>>) target_semaphore(%run_scoped3A : memref<!tpu.dma_semaphore, #tpu.memory_space<semaphore_mem>>)
      %dma_wait3A_417 = arith.constant 0 : i32
      %dma_wait3A_418 = tpu.memref_slice %arg16[%add3A_12, %dma_wait3A_417] : memref<10000x64xf32, #tpu.memory_space<vmem_shared>> -> memref<25x64xf32, #tpu.memory_space<vmem_shared>>
      %dma_wait3A_419 = arith.constant 0 : i32
      %dma_wait3A_420 = tpu.memref_slice %arg16[%add3A_12, %dma_wait3A_419] : memref<10000x64xf32, #tpu.memory_space<vmem_shared>> -> memref<25x64xf32, #tpu.memory_space<vmem_shared>>
      tpu.wait_dma2 semaphore(%run_scoped3A : memref<!tpu.dma_semaphore, #tpu.memory_space<semaphore_mem>>) src(%arg15 : memref<25x64xf32, #tpu.memory_space<vmem>>) dst(%dma_wait3A_420 : memref<25x64xf32, #tpu.memory_space<vmem_shared>>)
      tpu.yield
    }) : () -> ()
    %add3A_13 = arith.constant 75 : i32
    %add3A_14 = arith.addi %mul3A_0, %add3A_13 : i32
    "tpu.region"() ({
      %run_scoped3A = tpu.sem_alloc : memref<!tpu.dma_semaphore, #tpu.memory_space<semaphore_mem>>
      %dma_start3A_413 = arith.constant 0 : i32
      %dma_start3A_414 = tpu.memref_slice %arg16[%add3A_14, %dma_start3A_413] : memref<10000x64xf32, #tpu.memory_space<vmem_shared>> -> memref<25x64xf32, #tpu.memory_space<vmem_shared>>
      %dma_start3A_415 = arith.constant 0 : i32
      %dma_start3A_416 = tpu.memref_slice %arg16[%add3A_14, %dma_start3A_415] : memref<10000x64xf32, #tpu.memory_space<vmem_shared>> -> memref<25x64xf32, #tpu.memory_space<vmem_shared>>
      tpu.enqueue_dma source(%arg15 : memref<25x64xf32, #tpu.memory_space<vmem>>) target(%dma_start3A_416 : memref<25x64xf32, #tpu.memory_space<vmem_shared>>) target_semaphore(%run_scoped3A : memref<!tpu.dma_semaphore, #tpu.memory_space<semaphore_mem>>)
      %dma_wait3A_417 = arith.constant 0 : i32
      %dma_wait3A_418 = tpu.memref_slice %arg16[%add3A_14, %dma_wait3A_417] : memref<10000x64xf32, #tpu.memory_space<vmem_shared>> -> memref<25x64xf32, #tpu.memory_space<vmem_shared>>
      %dma_wait3A_419 = arith.constant 0 : i32
      %dma_wait3A_420 = tpu.memref_slice %arg16[%add3A_14, %dma_wait3A_419] : memref<10000x64xf32, #tpu.memory_space<vmem_shared>> -> memref<25x64xf32, #tpu.memory_space<vmem_shared>>
      tpu.wait_dma2 semaphore(%run_scoped3A : memref<!tpu.dma_semaphore, #tpu.memory_space<semaphore_mem>>) src(%arg15 : memref<25x64xf32, #tpu.memory_space<vmem>>) dst(%dma_wait3A_420 : memref<25x64xf32, #tpu.memory_space<vmem_shared>>)
      tpu.yield
    }) : () -> ()
    %add3A_15 = arith.constant 100 : i32
    %add3A_16 = arith.addi %mul3A_0, %add3A_15 : i32
    "tpu.region"() ({
      %run_scoped3A = tpu.sem_alloc : memref<!tpu.dma_semaphore, #tpu.memory_space<semaphore_mem>>
      %dma_start3A_413 = arith.constant 0 : i32
      %dma_start3A_414 = tpu.memref_slice %arg16[%add3A_16, %dma_start3A_413] : memref<10000x64xf32, #tpu.memory_space<vmem_shared>> -> memref<25x64xf32, #tpu.memory_space<vmem_shared>>
      %dma_start3A_415 = arith.constant 0 : i32
      %dma_start3A_416 = tpu.memref_slice %arg16[%add3A_16, %dma_start3A_415] : memref<10000x64xf32, #tpu.memory_space<vmem_shared>> -> memref<25x64xf32, #tpu.memory_space<vmem_shared>>
      tpu.enqueue_dma source(%arg15 : memref<25x64xf32, #tpu.memory_space<vmem>>) target(%dma_start3A_416 : memref<25x64xf32, #tpu.memory_space<vmem_shared>>) target_semaphore(%run_scoped3A : memref<!tpu.dma_semaphore, #tpu.memory_space<semaphore_mem>>)
      %dma_wait3A_417 = arith.constant 0 : i32
      %dma_wait3A_418 = tpu.memref_slice %arg16[%add3A_16, %dma_wait3A_417] : memref<10000x64xf32, #tpu.memory_space<vmem_shared>> -> memref<25x64xf32, #tpu.memory_space<vmem_shared>>
      %dma_wait3A_419 = arith.constant 0 : i32
      %dma_wait3A_420 = tpu.memref_slice %arg16[%add3A_16, %dma_wait3A_419] : memref<10000x64xf32, #tpu.memory_space<vmem_shared>> -> memref<25x64xf32, #tpu.memory_space<vmem_shared>>
      tpu.wait_dma2 semaphore(%run_scoped3A : memref<!tpu.dma_semaphore, #tpu.memory_space<semaphore_mem>>) src(%arg15 : memref<25x64xf32, #tpu.memory_space<vmem>>) dst(%dma_wait3A_420 : memref<25x64xf32, #tpu.memory_space<vmem_shared>>)
      tpu.yield
    }) : () -> ()
    %add3A_17 = arith.constant 125 : i32
    %add3A_18 = arith.addi %mul3A_0, %add3A_17 : i32
    "tpu.region"() ({
      %run_scoped3A = tpu.sem_alloc : memref<!tpu.dma_semaphore, #tpu.memory_space<semaphore_mem>>
      %dma_start3A_413 = arith.constant 0 : i32
      %dma_start3A_414 = tpu.memref_slice %arg16[%add3A_18, %dma_start3A_413] : memref<10000x64xf32, #tpu.memory_space<vmem_shared>> -> memref<25x64xf32, #tpu.memory_space<vmem_shared>>
      %dma_start3A_415 = arith.constant 0 : i32
      %dma_start3A_416 = tpu.memref_slice %arg16[%add3A_18, %dma_start3A_415] : memref<10000x64xf32, #tpu.memory_space<vmem_shared>> -> memref<25x64xf32, #tpu.memory_space<vmem_shared>>
      tpu.enqueue_dma source(%arg15 : memref<25x64xf32, #tpu.memory_space<vmem>>) target(%dma_start3A_416 : memref<25x64xf32, #tpu.memory_space<vmem_shared>>) target_semaphore(%run_scoped3A : memref<!tpu.dma_semaphore, #tpu.memory_space<semaphore_mem>>)
      %dma_wait3A_417 = arith.constant 0 : i32
      %dma_wait3A_418 = tpu.memref_slice %arg16[%add3A_18, %dma_wait3A_417] : memref<10000x64xf32, #tpu.memory_space<vmem_shared>> -> memref<25x64xf32, #tpu.memory_space<vmem_shared>>
      %dma_wait3A_419 = arith.constant 0 : i32
      %dma_wait3A_420 = tpu.memref_slice %arg16[%add3A_18, %dma_wait3A_419] : memref<10000x64xf32, #tpu.memory_space<vmem_shared>> -> memref<25x64xf32, #tpu.memory_space<vmem_shared>>
      tpu.wait_dma2 semaphore(%run_scoped3A : memref<!tpu.dma_semaphore, #tpu.memory_space<semaphore_mem>>) src(%arg15 : memref<25x64xf32, #tpu.memory_space<vmem>>) dst(%dma_wait3A_420 : memref<25x64xf32, #tpu.memory_space<vmem_shared>>)
      tpu.yield
    }) : () -> ()
    %add3A_19 = arith.constant 150 : i32
    %add3A_20 = arith.addi %mul3A_0, %add3A_19 : i32
    "tpu.region"() ({
      %run_scoped3A = tpu.sem_alloc : memref<!tpu.dma_semaphore, #tpu.memory_space<semaphore_mem>>
      %dma_start3A_413 = arith.constant 0 : i32
      %dma_start3A_414 = tpu.memref_slice %arg16[%add3A_20, %dma_start3A_413] : memref<10000x64xf32, #tpu.memory_space<vmem_shared>> -> memref<25x64xf32, #tpu.memory_space<vmem_shared>>
      %dma_start3A_415 = arith.constant 0 : i32
      %dma_start3A_416 = tpu.memref_slice %arg16[%add3A_20, %dma_start3A_415] : memref<10000x64xf32, #tpu.memory_space<vmem_shared>> -> memref<25x64xf32, #tpu.memory_space<vmem_shared>>
      tpu.enqueue_dma source(%arg15 : memref<25x64xf32, #tpu.memory_space<vmem>>) target(%dma_start3A_416 : memref<25x64xf32, #tpu.memory_space<vmem_shared>>) target_semaphore(%run_scoped3A : memref<!tpu.dma_semaphore, #tpu.memory_space<semaphore_mem>>)
      %dma_wait3A_417 = arith.constant 0 : i32
      %dma_wait3A_418 = tpu.memref_slice %arg16[%add3A_20, %dma_wait3A_417] : memref<10000x64xf32, #tpu.memory_space<vmem_shared>> -> memref<25x64xf32, #tpu.memory_space<vmem_shared>>
      %dma_wait3A_419 = arith.constant 0 : i32
      %dma_wait3A_420 = tpu.memref_slice %arg16[%add3A_20, %dma_wait3A_419] : memref<10000x64xf32, #tpu.memory_space<vmem_shared>> -> memref<25x64xf32, #tpu.memory_space<vmem_shared>>
      tpu.wait_dma2 semaphore(%run_scoped3A : memref<!tpu.dma_semaphore, #tpu.memory_space<semaphore_mem>>) src(%arg15 : memref<25x64xf32, #tpu.memory_space<vmem>>) dst(%dma_wait3A_420 : memref<25x64xf32, #tpu.memory_space<vmem_shared>>)
      tpu.yield
    }) : () -> ()
    %add3A_21 = arith.constant 175 : i32
    %add3A_22 = arith.addi %mul3A_0, %add3A_21 : i32
    "tpu.region"() ({
      %run_scoped3A = tpu.sem_alloc : memref<!tpu.dma_semaphore, #tpu.memory_space<semaphore_mem>>
      %dma_start3A_413 = arith.constant 0 : i32
      %dma_start3A_414 = tpu.memref_slice %arg16[%add3A_22, %dma_start3A_413] : memref<10000x64xf32, #tpu.memory_space<vmem_shared>> -> memref<25x64xf32, #tpu.memory_space<vmem_shared>>
      %dma_start3A_415 = arith.constant 0 : i32
      %dma_start3A_416 = tpu.memref_slice %arg16[%add3A_22, %dma_start3A_415] : memref<10000x64xf32, #tpu.memory_space<vmem_shared>> -> memref<25x64xf32, #tpu.memory_space<vmem_shared>>
      tpu.enqueue_dma source(%arg15 : memref<25x64xf32, #tpu.memory_space<vmem>>) target(%dma_start3A_416 : memref<25x64xf32, #tpu.memory_space<vmem_shared>>) target_semaphore(%run_scoped3A : memref<!tpu.dma_semaphore, #tpu.memory_space<semaphore_mem>>)
      %dma_wait3A_417 = arith.constant 0 : i32
      %dma_wait3A_418 = tpu.memref_slice %arg16[%add3A_22, %dma_wait3A_417] : memref<10000x64xf32, #tpu.memory_space<vmem_shared>> -> memref<25x64xf32, #tpu.memory_space<vmem_shared>>
      %dma_wait3A_419 = arith.constant 0 : i32
      %dma_wait3A_420 = tpu.memref_slice %arg16[%add3A_22, %dma_wait3A_419] : memref<10000x64xf32, #tpu.memory_space<vmem_shared>> -> memref<25x64xf32, #tpu.memory_space<vmem_shared>>
      tpu.wait_dma2 semaphore(%run_scoped3A : memref<!tpu.dma_semaphore, #tpu.memory_space<semaphore_mem>>) src(%arg15 : memref<25x64xf32, #tpu.memory_space<vmem>>) dst(%dma_wait3A_420 : memref<25x64xf32, #tpu.memory_space<vmem_shared>>)
      tpu.yield
    }) : () -> ()
    %add3A_23 = arith.constant 200 : i32
    %add3A_24 = arith.addi %mul3A_0, %add3A_23 : i32
    "tpu.region"() ({
      %run_scoped3A = tpu.sem_alloc : memref<!tpu.dma_semaphore, #tpu.memory_space<semaphore_mem>>
      %dma_start3A_413 = arith.constant 0 : i32
      %dma_start3A_414 = tpu.memref_slice %arg16[%add3A_24, %dma_start3A_413] : memref<10000x64xf32, #tpu.memory_space<vmem_shared>> -> memref<25x64xf32, #tpu.memory_space<vmem_shared>>
      %dma_start3A_415 = arith.constant 0 : i32
      %dma_start3A_416 = tpu.memref_slice %arg16[%add3A_24, %dma_start3A_415] : memref<10000x64xf32, #tpu.memory_space<vmem_shared>> -> memref<25x64xf32, #tpu.memory_space<vmem_shared>>
      tpu.enqueue_dma source(%arg15 : memref<25x64xf32, #tpu.memory_space<vmem>>) target(%dma_start3A_416 : memref<25x64xf32, #tpu.memory_space<vmem_shared>>) target_semaphore(%run_scoped3A : memref<!tpu.dma_semaphore, #tpu.memory_space<semaphore_mem>>)
      %dma_wait3A_417 = arith.constant 0 : i32
      %dma_wait3A_418 = tpu.memref_slice %arg16[%add3A_24, %dma_wait3A_417] : memref<10000x64xf32, #tpu.memory_space<vmem_shared>> -> memref<25x64xf32, #tpu.memory_space<vmem_shared>>
      %dma_wait3A_419 = arith.constant 0 : i32
      %dma_wait3A_420 = tpu.memref_slice %arg16[%add3A_24, %dma_wait3A_419] : memref<10000x64xf32, #tpu.memory_space<vmem_shared>> -> memref<25x64xf32, #tpu.memory_space<vmem_shared>>
      tpu.wait_dma2 semaphore(%run_scoped3A : memref<!tpu.dma_semaphore, #tpu.memory_space<semaphore_mem>>) src(%arg15 : memref<25x64xf32, #tpu.memory_space<vmem>>) dst(%dma_wait3A_420 : memref<25x64xf32, #tpu.memory_space<vmem_shared>>)
      tpu.yield
    }) : () -> ()
    %add3A_25 = arith.constant 225 : i32
    %add3A_26 = arith.addi %mul3A_0, %add3A_25 : i32
    "tpu.region"() ({
      %run_scoped3A = tpu.sem_alloc : memref<!tpu.dma_semaphore, #tpu.memory_space<semaphore_mem>>
      %dma_start3A_413 = arith.constant 0 : i32
      %dma_start3A_414 = tpu.memref_slice %arg16[%add3A_26, %dma_start3A_413] : memref<10000x64xf32, #tpu.memory_space<vmem_shared>> -> memref<25x64xf32, #tpu.memory_space<vmem_shared>>
      %dma_start3A_415 = arith.constant 0 : i32
      %dma_start3A_416 = tpu.memref_slice %arg16[%add3A_26, %dma_start3A_415] : memref<10000x64xf32, #tpu.memory_space<vmem_shared>> -> memref<25x64xf32, #tpu.memory_space<vmem_shared>>
      tpu.enqueue_dma source(%arg15 : memref<25x64xf32, #tpu.memory_space<vmem>>) target(%dma_start3A_416 : memref<25x64xf32, #tpu.memory_space<vmem_shared>>) target_semaphore(%run_scoped3A : memref<!tpu.dma_semaphore, #tpu.memory_space<semaphore_mem>>)
      %dma_wait3A_417 = arith.constant 0 : i32
      %dma_wait3A_418 = tpu.memref_slice %arg16[%add3A_26, %dma_wait3A_417] : memref<10000x64xf32, #tpu.memory_space<vmem_shared>> -> memref<25x64xf32, #tpu.memory_space<vmem_shared>>
      %dma_wait3A_419 = arith.constant 0 : i32
      %dma_wait3A_420 = tpu.memref_slice %arg16[%add3A_26, %dma_wait3A_419] : memref<10000x64xf32, #tpu.memory_space<vmem_shared>> -> memref<25x64xf32, #tpu.memory_space<vmem_shared>>
      tpu.wait_dma2 semaphore(%run_scoped3A : memref<!tpu.dma_semaphore, #tpu.memory_space<semaphore_mem>>) src(%arg15 : memref<25x64xf32, #tpu.memory_space<vmem>>) dst(%dma_wait3A_420 : memref<25x64xf32, #tpu.memory_space<vmem_shared>>)
      tpu.yield
    }) : () -> ()
    %add3A_27 = arith.constant 250 : i32
    %add3A_28 = arith.addi %mul3A_0, %add3A_27 : i32
    "tpu.region"() ({
      %run_scoped3A = tpu.sem_alloc : memref<!tpu.dma_semaphore, #tpu.memory_space<semaphore_mem>>
      %dma_start3A_413 = arith.constant 0 : i32
      %dma_start3A_414 = tpu.memref_slice %arg16[%add3A_28, %dma_start3A_413] : memref<10000x64xf32, #tpu.memory_space<vmem_shared>> -> memref<25x64xf32, #tpu.memory_space<vmem_shared>>
      %dma_start3A_415 = arith.constant 0 : i32
      %dma_start3A_416 = tpu.memref_slice %arg16[%add3A_28, %dma_start3A_415] : memref<10000x64xf32, #tpu.memory_space<vmem_shared>> -> memref<25x64xf32, #tpu.memory_space<vmem_shared>>
      tpu.enqueue_dma source(%arg15 : memref<25x64xf32, #tpu.memory_space<vmem>>) target(%dma_start3A_416 : memref<25x64xf32, #tpu.memory_space<vmem_shared>>) target_semaphore(%run_scoped3A : memref<!tpu.dma_semaphore, #tpu.memory_space<semaphore_mem>>)
      %dma_wait3A_417 = arith.constant 0 : i32
      %dma_wait3A_418 = tpu.memref_slice %arg16[%add3A_28, %dma_wait3A_417] : memref<10000x64xf32, #tpu.memory_space<vmem_shared>> -> memref<25x64xf32, #tpu.memory_space<vmem_shared>>
      %dma_wait3A_419 = arith.constant 0 : i32
      %dma_wait3A_420 = tpu.memref_slice %arg16[%add3A_28, %dma_wait3A_419] : memref<10000x64xf32, #tpu.memory_space<vmem_shared>> -> memref<25x64xf32, #tpu.memory_space<vmem_shared>>
      tpu.wait_dma2 semaphore(%run_scoped3A : memref<!tpu.dma_semaphore, #tpu.memory_space<semaphore_mem>>) src(%arg15 : memref<25x64xf32, #tpu.memory_space<vmem>>) dst(%dma_wait3A_420 : memref<25x64xf32, #tpu.memory_space<vmem_shared>>)
      tpu.yield
    }) : () -> ()
    %add3A_29 = arith.constant 275 : i32
    %add3A_30 = arith.addi %mul3A_0, %add3A_29 : i32
    "tpu.region"() ({
      %run_scoped3A = tpu.sem_alloc : memref<!tpu.dma_semaphore, #tpu.memory_space<semaphore_mem>>
      %dma_start3A_413 = arith.constant 0 : i32
      %dma_start3A_414 = tpu.memref_slice %arg16[%add3A_30, %dma_start3A_413] : memref<10000x64xf32, #tpu.memory_space<vmem_shared>> -> memref<25x64xf32, #tpu.memory_space<vmem_shared>>
      %dma_start3A_415 = arith.constant 0 : i32
      %dma_start3A_416 = tpu.memref_slice %arg16[%add3A_30, %dma_start3A_415] : memref<10000x64xf32, #tpu.memory_space<vmem_shared>> -> memref<25x64xf32, #tpu.memory_space<vmem_shared>>
      tpu.enqueue_dma source(%arg15 : memref<25x64xf32, #tpu.memory_space<vmem>>) target(%dma_start3A_416 : memref<25x64xf32, #tpu.memory_space<vmem_shared>>) target_semaphore(%run_scoped3A : memref<!tpu.dma_semaphore, #tpu.memory_space<semaphore_mem>>)
      %dma_wait3A_417 = arith.constant 0 : i32
      %dma_wait3A_418 = tpu.memref_slice %arg16[%add3A_30, %dma_wait3A_417] : memref<10000x64xf32, #tpu.memory_space<vmem_shared>> -> memref<25x64xf32, #tpu.memory_space<vmem_shared>>
      %dma_wait3A_419 = arith.constant 0 : i32
      %dma_wait3A_420 = tpu.memref_slice %arg16[%add3A_30, %dma_wait3A_419] : memref<10000x64xf32, #tpu.memory_space<vmem_shared>> -> memref<25x64xf32, #tpu.memory_space<vmem_shared>>
      tpu.wait_dma2 semaphore(%run_scoped3A : memref<!tpu.dma_semaphore, #tpu.memory_space<semaphore_mem>>) src(%arg15 : memref<25x64xf32, #tpu.memory_space<vmem>>) dst(%dma_wait3A_420 : memref<25x64xf32, #tpu.memory_space<vmem_shared>>)
      tpu.yield
    }) : () -> ()
    %add3A_31 = arith.constant 300 : i32
    %add3A_32 = arith.addi %mul3A_0, %add3A_31 : i32
    "tpu.region"() ({
      %run_scoped3A = tpu.sem_alloc : memref<!tpu.dma_semaphore, #tpu.memory_space<semaphore_mem>>
      %dma_start3A_413 = arith.constant 0 : i32
      %dma_start3A_414 = tpu.memref_slice %arg16[%add3A_32, %dma_start3A_413] : memref<10000x64xf32, #tpu.memory_space<vmem_shared>> -> memref<25x64xf32, #tpu.memory_space<vmem_shared>>
      %dma_start3A_415 = arith.constant 0 : i32
      %dma_start3A_416 = tpu.memref_slice %arg16[%add3A_32, %dma_start3A_415] : memref<10000x64xf32, #tpu.memory_space<vmem_shared>> -> memref<25x64xf32, #tpu.memory_space<vmem_shared>>
      tpu.enqueue_dma source(%arg15 : memref<25x64xf32, #tpu.memory_space<vmem>>) target(%dma_start3A_416 : memref<25x64xf32, #tpu.memory_space<vmem_shared>>) target_semaphore(%run_scoped3A : memref<!tpu.dma_semaphore, #tpu.memory_space<semaphore_mem>>)
      %dma_wait3A_417 = arith.constant 0 : i32
      %dma_wait3A_418 = tpu.memref_slice %arg16[%add3A_32, %dma_wait3A_417] : memref<10000x64xf32, #tpu.memory_space<vmem_shared>> -> memref<25x64xf32, #tpu.memory_space<vmem_shared>>
      %dma_wait3A_419 = arith.constant 0 : i32
      %dma_wait3A_420 = tpu.memref_slice %arg16[%add3A_32, %dma_wait3A_419] : memref<10000x64xf32, #tpu.memory_space<vmem_shared>> -> memref<25x64xf32, #tpu.memory_space<vmem_shared>>
      tpu.wait_dma2 semaphore(%run_scoped3A : memref<!tpu.dma_semaphore, #tpu.memory_space<semaphore_mem>>) src(%arg15 : memref<25x64xf32, #tpu.memory_space<vmem>>) dst(%dma_wait3A_420 : memref<25x64xf32, #tpu.memory_space<vmem_shared>>)
      tpu.yield
    }) : () -> ()
    %add3A_33 = arith.constant 325 : i32
    %add3A_34 = arith.addi %mul3A_0, %add3A_33 : i32
    "tpu.region"() ({
      %run_scoped3A = tpu.sem_alloc : memref<!tpu.dma_semaphore, #tpu.memory_space<semaphore_mem>>
      %dma_start3A_413 = arith.constant 0 : i32
      %dma_start3A_414 = tpu.memref_slice %arg16[%add3A_34, %dma_start3A_413] : memref<10000x64xf32, #tpu.memory_space<vmem_shared>> -> memref<25x64xf32, #tpu.memory_space<vmem_shared>>
      %dma_start3A_415 = arith.constant 0 : i32
      %dma_start3A_416 = tpu.memref_slice %arg16[%add3A_34, %dma_start3A_415] : memref<10000x64xf32, #tpu.memory_space<vmem_shared>> -> memref<25x64xf32, #tpu.memory_space<vmem_shared>>
      tpu.enqueue_dma source(%arg15 : memref<25x64xf32, #tpu.memory_space<vmem>>) target(%dma_start3A_416 : memref<25x64xf32, #tpu.memory_space<vmem_shared>>) target_semaphore(%run_scoped3A : memref<!tpu.dma_semaphore, #tpu.memory_space<semaphore_mem>>)
      %dma_wait3A_417 = arith.constant 0 : i32
      %dma_wait3A_418 = tpu.memref_slice %arg16[%add3A_34, %dma_wait3A_417] : memref<10000x64xf32, #tpu.memory_space<vmem_shared>> -> memref<25x64xf32, #tpu.memory_space<vmem_shared>>
      %dma_wait3A_419 = arith.constant 0 : i32
      %dma_wait3A_420 = tpu.memref_slice %arg16[%add3A_34, %dma_wait3A_419] : memref<10000x64xf32, #tpu.memory_space<vmem_shared>> -> memref<25x64xf32, #tpu.memory_space<vmem_shared>>
      tpu.wait_dma2 semaphore(%run_scoped3A : memref<!tpu.dma_semaphore, #tpu.memory_space<semaphore_mem>>) src(%arg15 : memref<25x64xf32, #tpu.memory_space<vmem>>) dst(%dma_wait3A_420 : memref<25x64xf32, #tpu.memory_space<vmem_shared>>)
      tpu.yield
    }) : () -> ()
    %add3A_35 = arith.constant 350 : i32
    %add3A_36 = arith.addi %mul3A_0, %add3A_35 : i32
    "tpu.region"() ({
      %run_scoped3A = tpu.sem_alloc : memref<!tpu.dma_semaphore, #tpu.memory_space<semaphore_mem>>
      %dma_start3A_413 = arith.constant 0 : i32
      %dma_start3A_414 = tpu.memref_slice %arg16[%add3A_36, %dma_start3A_413] : memref<10000x64xf32, #tpu.memory_space<vmem_shared>> -> memref<25x64xf32, #tpu.memory_space<vmem_shared>>
      %dma_start3A_415 = arith.constant 0 : i32
      %dma_start3A_416 = tpu.memref_slice %arg16[%add3A_36, %dma_start3A_415] : memref<10000x64xf32, #tpu.memory_space<vmem_shared>> -> memref<25x64xf32, #tpu.memory_space<vmem_shared>>
      tpu.enqueue_dma source(%arg15 : memref<25x64xf32, #tpu.memory_space<vmem>>) target(%dma_start3A_416 : memref<25x64xf32, #tpu.memory_space<vmem_shared>>) target_semaphore(%run_scoped3A : memref<!tpu.dma_semaphore, #tpu.memory_space<semaphore_mem>>)
      %dma_wait3A_417 = arith.constant 0 : i32
      %dma_wait3A_418 = tpu.memref_slice %arg16[%add3A_36, %dma_wait3A_417] : memref<10000x64xf32, #tpu.memory_space<vmem_shared>> -> memref<25x64xf32, #tpu.memory_space<vmem_shared>>
      %dma_wait3A_419 = arith.constant 0 : i32
      %dma_wait3A_420 = tpu.memref_slice %arg16[%add3A_36, %dma_wait3A_419] : memref<10000x64xf32, #tpu.memory_space<vmem_shared>> -> memref<25x64xf32, #tpu.memory_space<vmem_shared>>
      tpu.wait_dma2 semaphore(%run_scoped3A : memref<!tpu.dma_semaphore, #tpu.memory_space<semaphore_mem>>) src(%arg15 : memref<25x64xf32, #tpu.memory_space<vmem>>) dst(%dma_wait3A_420 : memref<25x64xf32, #tpu.memory_space<vmem_shared>>)
      tpu.yield
    }) : () -> ()
    %add3A_37 = arith.constant 375 : i32
    %add3A_38 = arith.addi %mul3A_0, %add3A_37 : i32
    "tpu.region"() ({
      %run_scoped3A = tpu.sem_alloc : memref<!tpu.dma_semaphore, #tpu.memory_space<semaphore_mem>>
      %dma_start3A_413 = arith.constant 0 : i32
      %dma_start3A_414 = tpu.memref_slice %arg16[%add3A_38, %dma_start3A_413] : memref<10000x64xf32, #tpu.memory_space<vmem_shared>> -> memref<25x64xf32, #tpu.memory_space<vmem_shared>>
      %dma_start3A_415 = arith.constant 0 : i32
      %dma_start3A_416 = tpu.memref_slice %arg16[%add3A_38, %dma_start3A_415] : memref<10000x64xf32, #tpu.memory_space<vmem_shared>> -> memref<25x64xf32, #tpu.memory_space<vmem_shared>>
      tpu.enqueue_dma source(%arg15 : memref<25x64xf32, #tpu.memory_space<vmem>>) target(%dma_start3A_416 : memref<25x64xf32, #tpu.memory_space<vmem_shared>>) target_semaphore(%run_scoped3A : memref<!tpu.dma_semaphore, #tpu.memory_space<semaphore_mem>>)
      %dma_wait3A_417 = arith.constant 0 : i32
      %dma_wait3A_418 = tpu.memref_slice %arg16[%add3A_38, %dma_wait3A_417] : memref<10000x64xf32, #tpu.memory_space<vmem_shared>> -> memref<25x64xf32, #tpu.memory_space<vmem_shared>>
      %dma_wait3A_419 = arith.constant 0 : i32
      %dma_wait3A_420 = tpu.memref_slice %arg16[%add3A_38, %dma_wait3A_419] : memref<10000x64xf32, #tpu.memory_space<vmem_shared>> -> memref<25x64xf32, #tpu.memory_space<vmem_shared>>
      tpu.wait_dma2 semaphore(%run_scoped3A : memref<!tpu.dma_semaphore, #tpu.memory_space<semaphore_mem>>) src(%arg15 : memref<25x64xf32, #tpu.memory_space<vmem>>) dst(%dma_wait3A_420 : memref<25x64xf32, #tpu.memory_space<vmem_shared>>)
      tpu.yield
    }) : () -> ()
    %add3A_39 = arith.constant 400 : i32
    %add3A_40 = arith.addi %mul3A_0, %add3A_39 : i32
    "tpu.region"() ({
      %run_scoped3A = tpu.sem_alloc : memref<!tpu.dma_semaphore, #tpu.memory_space<semaphore_mem>>
      %dma_start3A_413 = arith.constant 0 : i32
      %dma_start3A_414 = tpu.memref_slice %arg16[%add3A_40, %dma_start3A_413] : memref<10000x64xf32, #tpu.memory_space<vmem_shared>> -> memref<25x64xf32, #tpu.memory_space<vmem_shared>>
      %dma_start3A_415 = arith.constant 0 : i32
      %dma_start3A_416 = tpu.memref_slice %arg16[%add3A_40, %dma_start3A_415] : memref<10000x64xf32, #tpu.memory_space<vmem_shared>> -> memref<25x64xf32, #tpu.memory_space<vmem_shared>>
      tpu.enqueue_dma source(%arg15 : memref<25x64xf32, #tpu.memory_space<vmem>>) target(%dma_start3A_416 : memref<25x64xf32, #tpu.memory_space<vmem_shared>>) target_semaphore(%run_scoped3A : memref<!tpu.dma_semaphore, #tpu.memory_space<semaphore_mem>>)
      %dma_wait3A_417 = arith.constant 0 : i32
      %dma_wait3A_418 = tpu.memref_slice %arg16[%add3A_40, %dma_wait3A_417] : memref<10000x64xf32, #tpu.memory_space<vmem_shared>> -> memref<25x64xf32, #tpu.memory_space<vmem_shared>>
      %dma_wait3A_419 = arith.constant 0 : i32
      %dma_wait3A_420 = tpu.memref_slice %arg16[%add3A_40, %dma_wait3A_419] : memref<10000x64xf32, #tpu.memory_space<vmem_shared>> -> memref<25x64xf32, #tpu.memory_space<vmem_shared>>
      tpu.wait_dma2 semaphore(%run_scoped3A : memref<!tpu.dma_semaphore, #tpu.memory_space<semaphore_mem>>) src(%arg15 : memref<25x64xf32, #tpu.memory_space<vmem>>) dst(%dma_wait3A_420 : memref<25x64xf32, #tpu.memory_space<vmem_shared>>)
      tpu.yield
    }) : () -> ()
    %add3A_41 = arith.constant 425 : i32
    %add3A_42 = arith.addi %mul3A_0, %add3A_41 : i32
    "tpu.region"() ({
      %run_scoped3A = tpu.sem_alloc : memref<!tpu.dma_semaphore, #tpu.memory_space<semaphore_mem>>
      %dma_start3A_413 = arith.constant 0 : i32
      %dma_start3A_414 = tpu.memref_slice %arg16[%add3A_42, %dma_start3A_413] : memref<10000x64xf32, #tpu.memory_space<vmem_shared>> -> memref<25x64xf32, #tpu.memory_space<vmem_shared>>
      %dma_start3A_415 = arith.constant 0 : i32
      %dma_start3A_416 = tpu.memref_slice %arg16[%add3A_42, %dma_start3A_415] : memref<10000x64xf32, #tpu.memory_space<vmem_shared>> -> memref<25x64xf32, #tpu.memory_space<vmem_shared>>
      tpu.enqueue_dma source(%arg15 : memref<25x64xf32, #tpu.memory_space<vmem>>) target(%dma_start3A_416 : memref<25x64xf32, #tpu.memory_space<vmem_shared>>) target_semaphore(%run_scoped3A : memref<!tpu.dma_semaphore, #tpu.memory_space<semaphore_mem>>)
      %dma_wait3A_417 = arith.constant 0 : i32
      %dma_wait3A_418 = tpu.memref_slice %arg16[%add3A_42, %dma_wait3A_417] : memref<10000x64xf32, #tpu.memory_space<vmem_shared>> -> memref<25x64xf32, #tpu.memory_space<vmem_shared>>
      %dma_wait3A_419 = arith.constant 0 : i32
      %dma_wait3A_420 = tpu.memref_slice %arg16[%add3A_42, %dma_wait3A_419] : memref<10000x64xf32, #tpu.memory_space<vmem_shared>> -> memref<25x64xf32, #tpu.memory_space<vmem_shared>>
      tpu.wait_dma2 semaphore(%run_scoped3A : memref<!tpu.dma_semaphore, #tpu.memory_space<semaphore_mem>>) src(%arg15 : memref<25x64xf32, #tpu.memory_space<vmem>>) dst(%dma_wait3A_420 : memref<25x64xf32, #tpu.memory_space<vmem_shared>>)
      tpu.yield
    }) : () -> ()
    %add3A_43 = arith.constant 450 : i32
    %add3A_44 = arith.addi %mul3A_0, %add3A_43 : i32
    "tpu.region"() ({
      %run_scoped3A = tpu.sem_alloc : memref<!tpu.dma_semaphore, #tpu.memory_space<semaphore_mem>>
      %dma_start3A_413 = arith.constant 0 : i32
      %dma_start3A_414 = tpu.memref_slice %arg16[%add3A_44, %dma_start3A_413] : memref<10000x64xf32, #tpu.memory_space<vmem_shared>> -> memref<25x64xf32, #tpu.memory_space<vmem_shared>>
      %dma_start3A_415 = arith.constant 0 : i32
      %dma_start3A_416 = tpu.memref_slice %arg16[%add3A_44, %dma_start3A_415] : memref<10000x64xf32, #tpu.memory_space<vmem_shared>> -> memref<25x64xf32, #tpu.memory_space<vmem_shared>>
      tpu.enqueue_dma source(%arg15 : memref<25x64xf32, #tpu.memory_space<vmem>>) target(%dma_start3A_416 : memref<25x64xf32, #tpu.memory_space<vmem_shared>>) target_semaphore(%run_scoped3A : memref<!tpu.dma_semaphore, #tpu.memory_space<semaphore_mem>>)
      %dma_wait3A_417 = arith.constant 0 : i32
      %dma_wait3A_418 = tpu.memref_slice %arg16[%add3A_44, %dma_wait3A_417] : memref<10000x64xf32, #tpu.memory_space<vmem_shared>> -> memref<25x64xf32, #tpu.memory_space<vmem_shared>>
      %dma_wait3A_419 = arith.constant 0 : i32
      %dma_wait3A_420 = tpu.memref_slice %arg16[%add3A_44, %dma_wait3A_419] : memref<10000x64xf32, #tpu.memory_space<vmem_shared>> -> memref<25x64xf32, #tpu.memory_space<vmem_shared>>
      tpu.wait_dma2 semaphore(%run_scoped3A : memref<!tpu.dma_semaphore, #tpu.memory_space<semaphore_mem>>) src(%arg15 : memref<25x64xf32, #tpu.memory_space<vmem>>) dst(%dma_wait3A_420 : memref<25x64xf32, #tpu.memory_space<vmem_shared>>)
      tpu.yield
    }) : () -> ()
    %add3A_45 = arith.constant 475 : i32
    %add3A_46 = arith.addi %mul3A_0, %add3A_45 : i32
    "tpu.region"() ({
      %run_scoped3A = tpu.sem_alloc : memref<!tpu.dma_semaphore, #tpu.memory_space<semaphore_mem>>
      %dma_start3A_413 = arith.constant 0 : i32
      %dma_start3A_414 = tpu.memref_slice %arg16[%add3A_46, %dma_start3A_413] : memref<10000x64xf32, #tpu.memory_space<vmem_shared>> -> memref<25x64xf32, #tpu.memory_space<vmem_shared>>
      %dma_start3A_415 = arith.constant 0 : i32
      %dma_start3A_416 = tpu.memref_slice %arg16[%add3A_46, %dma_start3A_415] : memref<10000x64xf32, #tpu.memory_space<vmem_shared>> -> memref<25x64xf32, #tpu.memory_space<vmem_shared>>
      tpu.enqueue_dma source(%arg15 : memref<25x64xf32, #tpu.memory_space<vmem>>) target(%dma_start3A_416 : memref<25x64xf32, #tpu.memory_space<vmem_shared>>) target_semaphore(%run_scoped3A : memref<!tpu.dma_semaphore, #tpu.memory_space<semaphore_mem>>)
      %dma_wait3A_417 = arith.constant 0 : i32
      %dma_wait3A_418 = tpu.memref_slice %arg16[%add3A_46, %dma_wait3A_417] : memref<10000x64xf32, #tpu.memory_space<vmem_shared>> -> memref<25x64xf32, #tpu.memory_space<vmem_shared>>
      %dma_wait3A_419 = arith.constant 0 : i32
      %dma_wait3A_420 = tpu.memref_slice %arg16[%add3A_46, %dma_wait3A_419] : memref<10000x64xf32, #tpu.memory_space<vmem_shared>> -> memref<25x64xf32, #tpu.memory_space<vmem_shared>>
      tpu.wait_dma2 semaphore(%run_scoped3A : memref<!tpu.dma_semaphore, #tpu.memory_space<semaphore_mem>>) src(%arg15 : memref<25x64xf32, #tpu.memory_space<vmem>>) dst(%dma_wait3A_420 : memref<25x64xf32, #tpu.memory_space<vmem_shared>>)
      tpu.yield
    }) : () -> ()
    %add3A_47 = arith.constant 500 : i32
    %add3A_48 = arith.addi %mul3A_0, %add3A_47 : i32
    "tpu.region"() ({
      %run_scoped3A = tpu.sem_alloc : memref<!tpu.dma_semaphore, #tpu.memory_space<semaphore_mem>>
      %dma_start3A_413 = arith.constant 0 : i32
      %dma_start3A_414 = tpu.memref_slice %arg16[%add3A_48, %dma_start3A_413] : memref<10000x64xf32, #tpu.memory_space<vmem_shared>> -> memref<25x64xf32, #tpu.memory_space<vmem_shared>>
      %dma_start3A_415 = arith.constant 0 : i32
      %dma_start3A_416 = tpu.memref_slice %arg16[%add3A_48, %dma_start3A_415] : memref<10000x64xf32, #tpu.memory_space<vmem_shared>> -> memref<25x64xf32, #tpu.memory_space<vmem_shared>>
      tpu.enqueue_dma source(%arg15 : memref<25x64xf32, #tpu.memory_space<vmem>>) target(%dma_start3A_416 : memref<25x64xf32, #tpu.memory_space<vmem_shared>>) target_semaphore(%run_scoped3A : memref<!tpu.dma_semaphore, #tpu.memory_space<semaphore_mem>>)
      %dma_wait3A_417 = arith.constant 0 : i32
      %dma_wait3A_418 = tpu.memref_slice %arg16[%add3A_48, %dma_wait3A_417] : memref<10000x64xf32, #tpu.memory_space<vmem_shared>> -> memref<25x64xf32, #tpu.memory_space<vmem_shared>>
      %dma_wait3A_419 = arith.constant 0 : i32
      %dma_wait3A_420 = tpu.memref_slice %arg16[%add3A_48, %dma_wait3A_419] : memref<10000x64xf32, #tpu.memory_space<vmem_shared>> -> memref<25x64xf32, #tpu.memory_space<vmem_shared>>
      tpu.wait_dma2 semaphore(%run_scoped3A : memref<!tpu.dma_semaphore, #tpu.memory_space<semaphore_mem>>) src(%arg15 : memref<25x64xf32, #tpu.memory_space<vmem>>) dst(%dma_wait3A_420 : memref<25x64xf32, #tpu.memory_space<vmem_shared>>)
      tpu.yield
    }) : () -> ()
    %add3A_49 = arith.constant 525 : i32
    %add3A_50 = arith.addi %mul3A_0, %add3A_49 : i32
    "tpu.region"() ({
      %run_scoped3A = tpu.sem_alloc : memref<!tpu.dma_semaphore, #tpu.memory_space<semaphore_mem>>
      %dma_start3A_413 = arith.constant 0 : i32
      %dma_start3A_414 = tpu.memref_slice %arg16[%add3A_50, %dma_start3A_413] : memref<10000x64xf32, #tpu.memory_space<vmem_shared>> -> memref<25x64xf32, #tpu.memory_space<vmem_shared>>
      %dma_start3A_415 = arith.constant 0 : i32
      %dma_start3A_416 = tpu.memref_slice %arg16[%add3A_50, %dma_start3A_415] : memref<10000x64xf32, #tpu.memory_space<vmem_shared>> -> memref<25x64xf32, #tpu.memory_space<vmem_shared>>
      tpu.enqueue_dma source(%arg15 : memref<25x64xf32, #tpu.memory_space<vmem>>) target(%dma_start3A_416 : memref<25x64xf32, #tpu.memory_space<vmem_shared>>) target_semaphore(%run_scoped3A : memref<!tpu.dma_semaphore, #tpu.memory_space<semaphore_mem>>)
      %dma_wait3A_417 = arith.constant 0 : i32
      %dma_wait3A_418 = tpu.memref_slice %arg16[%add3A_50, %dma_wait3A_417] : memref<10000x64xf32, #tpu.memory_space<vmem_shared>> -> memref<25x64xf32, #tpu.memory_space<vmem_shared>>
      %dma_wait3A_419 = arith.constant 0 : i32
      %dma_wait3A_420 = tpu.memref_slice %arg16[%add3A_50, %dma_wait3A_419] : memref<10000x64xf32, #tpu.memory_space<vmem_shared>> -> memref<25x64xf32, #tpu.memory_space<vmem_shared>>
      tpu.wait_dma2 semaphore(%run_scoped3A : memref<!tpu.dma_semaphore, #tpu.memory_space<semaphore_mem>>) src(%arg15 : memref<25x64xf32, #tpu.memory_space<vmem>>) dst(%dma_wait3A_420 : memref<25x64xf32, #tpu.memory_space<vmem_shared>>)
      tpu.yield
    }) : () -> ()
    %add3A_51 = arith.constant 550 : i32
    %add3A_52 = arith.addi %mul3A_0, %add3A_51 : i32
    "tpu.region"() ({
      %run_scoped3A = tpu.sem_alloc : memref<!tpu.dma_semaphore, #tpu.memory_space<semaphore_mem>>
      %dma_start3A_413 = arith.constant 0 : i32
      %dma_start3A_414 = tpu.memref_slice %arg16[%add3A_52, %dma_start3A_413] : memref<10000x64xf32, #tpu.memory_space<vmem_shared>> -> memref<25x64xf32, #tpu.memory_space<vmem_shared>>
      %dma_start3A_415 = arith.constant 0 : i32
      %dma_start3A_416 = tpu.memref_slice %arg16[%add3A_52, %dma_start3A_415] : memref<10000x64xf32, #tpu.memory_space<vmem_shared>> -> memref<25x64xf32, #tpu.memory_space<vmem_shared>>
      tpu.enqueue_dma source(%arg15 : memref<25x64xf32, #tpu.memory_space<vmem>>) target(%dma_start3A_416 : memref<25x64xf32, #tpu.memory_space<vmem_shared>>) target_semaphore(%run_scoped3A : memref<!tpu.dma_semaphore, #tpu.memory_space<semaphore_mem>>)
      %dma_wait3A_417 = arith.constant 0 : i32
      %dma_wait3A_418 = tpu.memref_slice %arg16[%add3A_52, %dma_wait3A_417] : memref<10000x64xf32, #tpu.memory_space<vmem_shared>> -> memref<25x64xf32, #tpu.memory_space<vmem_shared>>
      %dma_wait3A_419 = arith.constant 0 : i32
      %dma_wait3A_420 = tpu.memref_slice %arg16[%add3A_52, %dma_wait3A_419] : memref<10000x64xf32, #tpu.memory_space<vmem_shared>> -> memref<25x64xf32, #tpu.memory_space<vmem_shared>>
      tpu.wait_dma2 semaphore(%run_scoped3A : memref<!tpu.dma_semaphore, #tpu.memory_space<semaphore_mem>>) src(%arg15 : memref<25x64xf32, #tpu.memory_space<vmem>>) dst(%dma_wait3A_420 : memref<25x64xf32, #tpu.memory_space<vmem_shared>>)
      tpu.yield
    }) : () -> ()
    %add3A_53 = arith.constant 575 : i32
    %add3A_54 = arith.addi %mul3A_0, %add3A_53 : i32
    "tpu.region"() ({
      %run_scoped3A = tpu.sem_alloc : memref<!tpu.dma_semaphore, #tpu.memory_space<semaphore_mem>>
      %dma_start3A_413 = arith.constant 0 : i32
      %dma_start3A_414 = tpu.memref_slice %arg16[%add3A_54, %dma_start3A_413] : memref<10000x64xf32, #tpu.memory_space<vmem_shared>> -> memref<25x64xf32, #tpu.memory_space<vmem_shared>>
      %dma_start3A_415 = arith.constant 0 : i32
      %dma_start3A_416 = tpu.memref_slice %arg16[%add3A_54, %dma_start3A_415] : memref<10000x64xf32, #tpu.memory_space<vmem_shared>> -> memref<25x64xf32, #tpu.memory_space<vmem_shared>>
      tpu.enqueue_dma source(%arg15 : memref<25x64xf32, #tpu.memory_space<vmem>>) target(%dma_start3A_416 : memref<25x64xf32, #tpu.memory_space<vmem_shared>>) target_semaphore(%run_scoped3A : memref<!tpu.dma_semaphore, #tpu.memory_space<semaphore_mem>>)
      %dma_wait3A_417 = arith.constant 0 : i32
      %dma_wait3A_418 = tpu.memref_slice %arg16[%add3A_54, %dma_wait3A_417] : memref<10000x64xf32, #tpu.memory_space<vmem_shared>> -> memref<25x64xf32, #tpu.memory_space<vmem_shared>>
      %dma_wait3A_419 = arith.constant 0 : i32
      %dma_wait3A_420 = tpu.memref_slice %arg16[%add3A_54, %dma_wait3A_419] : memref<10000x64xf32, #tpu.memory_space<vmem_shared>> -> memref<25x64xf32, #tpu.memory_space<vmem_shared>>
      tpu.wait_dma2 semaphore(%run_scoped3A : memref<!tpu.dma_semaphore, #tpu.memory_space<semaphore_mem>>) src(%arg15 : memref<25x64xf32, #tpu.memory_space<vmem>>) dst(%dma_wait3A_420 : memref<25x64xf32, #tpu.memory_space<vmem_shared>>)
      tpu.yield
    }) : () -> ()
    %add3A_55 = arith.constant 600 : i32
    %add3A_56 = arith.addi %mul3A_0, %add3A_55 : i32
    "tpu.region"() ({
      %run_scoped3A = tpu.sem_alloc : memref<!tpu.dma_semaphore, #tpu.memory_space<semaphore_mem>>
      %dma_start3A_413 = arith.constant 0 : i32
      %dma_start3A_414 = tpu.memref_slice %arg16[%add3A_56, %dma_start3A_413] : memref<10000x64xf32, #tpu.memory_space<vmem_shared>> -> memref<25x64xf32, #tpu.memory_space<vmem_shared>>
      %dma_start3A_415 = arith.constant 0 : i32
      %dma_start3A_416 = tpu.memref_slice %arg16[%add3A_56, %dma_start3A_415] : memref<10000x64xf32, #tpu.memory_space<vmem_shared>> -> memref<25x64xf32, #tpu.memory_space<vmem_shared>>
      tpu.enqueue_dma source(%arg15 : memref<25x64xf32, #tpu.memory_space<vmem>>) target(%dma_start3A_416 : memref<25x64xf32, #tpu.memory_space<vmem_shared>>) target_semaphore(%run_scoped3A : memref<!tpu.dma_semaphore, #tpu.memory_space<semaphore_mem>>)
      %dma_wait3A_417 = arith.constant 0 : i32
      %dma_wait3A_418 = tpu.memref_slice %arg16[%add3A_56, %dma_wait3A_417] : memref<10000x64xf32, #tpu.memory_space<vmem_shared>> -> memref<25x64xf32, #tpu.memory_space<vmem_shared>>
      %dma_wait3A_419 = arith.constant 0 : i32
      %dma_wait3A_420 = tpu.memref_slice %arg16[%add3A_56, %dma_wait3A_419] : memref<10000x64xf32, #tpu.memory_space<vmem_shared>> -> memref<25x64xf32, #tpu.memory_space<vmem_shared>>
      tpu.wait_dma2 semaphore(%run_scoped3A : memref<!tpu.dma_semaphore, #tpu.memory_space<semaphore_mem>>) src(%arg15 : memref<25x64xf32, #tpu.memory_space<vmem>>) dst(%dma_wait3A_420 : memref<25x64xf32, #tpu.memory_space<vmem_shared>>)
      tpu.yield
    }) : () -> ()
    "tpu.region"() ({
      %run_scoped3A = tpu.sem_alloc : memref<!tpu.dma_semaphore, #tpu.memory_space<semaphore_mem>>
      %dma_start3A_413 = arith.constant 0 : i32
      %dma_start3A_414 = arith.constant 0 : i32
      %dma_start3A_415 = tpu.memref_slice %arg3[%arg1, %dma_start3A_413, %dma_start3A_414] : memref<16x250x80xi32, #tpu.memory_space<hbm>> -> memref<1x250x80xi32, #tpu.memory_space<hbm>>
      %dma_start3A_416 = tpu.memref_squeeze %dma_start3A_415 : memref<1x250x80xi32, #tpu.memory_space<hbm>> -> memref<250x80xi32, #tpu.memory_space<hbm>>
      %dma_start3A_417 = arith.constant 0 : i32
      %dma_start3A_418 = arith.constant 0 : i32
      %dma_start3A_419 = tpu.memref_slice %arg3[%arg1, %dma_start3A_417, %dma_start3A_418] : memref<16x250x80xi32, #tpu.memory_space<hbm>> -> memref<1x250x80xi32, #tpu.memory_space<hbm>>
      %dma_start3A_420 = tpu.memref_squeeze %dma_start3A_419 : memref<1x250x80xi32, #tpu.memory_space<hbm>> -> memref<250x80xi32, #tpu.memory_space<hbm>>
      tpu.enqueue_dma source(%dma_start3A_420 : memref<250x80xi32, #tpu.memory_space<hbm>>) target(%arg7 : memref<250x80xi32, #tpu.memory_space<vmem>>) target_semaphore(%run_scoped3A : memref<!tpu.dma_semaphore, #tpu.memory_space<semaphore_mem>>)
      %dma_wait3A_421 = arith.constant 0 : i32
      %dma_wait3A_422 = arith.constant 0 : i32
      %dma_wait3A_423 = tpu.memref_slice %arg3[%arg1, %dma_wait3A_421, %dma_wait3A_422] : memref<16x250x80xi32, #tpu.memory_space<hbm>> -> memref<1x250x80xi32, #tpu.memory_space<hbm>>
      %dma_wait3A_424 = tpu.memref_squeeze %dma_wait3A_423 : memref<1x250x80xi32, #tpu.memory_space<hbm>> -> memref<250x80xi32, #tpu.memory_space<hbm>>
      %dma_wait3A_425 = arith.constant 0 : i32
      %dma_wait3A_426 = arith.constant 0 : i32
      %dma_wait3A_427 = tpu.memref_slice %arg3[%arg1, %dma_wait3A_425, %dma_wait3A_426] : memref<16x250x80xi32, #tpu.memory_space<hbm>> -> memref<1x250x80xi32, #tpu.memory_space<hbm>>
      %dma_wait3A_428 = tpu.memref_squeeze %dma_wait3A_427 : memref<1x250x80xi32, #tpu.memory_space<hbm>> -> memref<250x80xi32, #tpu.memory_space<hbm>>
      tpu.wait_dma2 semaphore(%run_scoped3A : memref<!tpu.dma_semaphore, #tpu.memory_space<semaphore_mem>>) src(%dma_wait3A_428 : memref<250x80xi32, #tpu.memory_space<hbm>>) dst(%arg7 : memref<250x80xi32, #tpu.memory_space<vmem>>)
      tpu.yield
    }) : () -> ()
    "tpu.region"() ({
      %run_scoped3A = tpu.sem_alloc : memref<!tpu.dma_semaphore, #tpu.memory_space<semaphore_mem>>
      %dma_start3A_413 = arith.constant 0 : i32
      %dma_start3A_414 = arith.constant 0 : i32
      %dma_start3A_415 = tpu.memref_slice %arg4[%arg1, %dma_start3A_413, %dma_start3A_414] : memref<16x250x80xi32, #tpu.memory_space<hbm>> -> memref<1x250x80xi32, #tpu.memory_space<hbm>>
      %dma_start3A_416 = tpu.memref_squeeze %dma_start3A_415 : memref<1x250x80xi32, #tpu.memory_space<hbm>> -> memref<250x80xi32, #tpu.memory_space<hbm>>
      %dma_start3A_417 = arith.constant 0 : i32
      %dma_start3A_418 = arith.constant 0 : i32
      %dma_start3A_419 = tpu.memref_slice %arg4[%arg1, %dma_start3A_417, %dma_start3A_418] : memref<16x250x80xi32, #tpu.memory_space<hbm>> -> memref<1x250x80xi32, #tpu.memory_space<hbm>>
      %dma_start3A_420 = tpu.memref_squeeze %dma_start3A_419 : memref<1x250x80xi32, #tpu.memory_space<hbm>> -> memref<250x80xi32, #tpu.memory_space<hbm>>
      tpu.enqueue_dma source(%dma_start3A_420 : memref<250x80xi32, #tpu.memory_space<hbm>>) target(%arg8 : memref<250x80xi32, #tpu.memory_space<vmem>>) target_semaphore(%run_scoped3A : memref<!tpu.dma_semaphore, #tpu.memory_space<semaphore_mem>>)
      %dma_wait3A_421 = arith.constant 0 : i32
      %dma_wait3A_422 = arith.constant 0 : i32
      %dma_wait3A_423 = tpu.memref_slice %arg4[%arg1, %dma_wait3A_421, %dma_wait3A_422] : memref<16x250x80xi32, #tpu.memory_space<hbm>> -> memref<1x250x80xi32, #tpu.memory_space<hbm>>
      %dma_wait3A_424 = tpu.memref_squeeze %dma_wait3A_423 : memref<1x250x80xi32, #tpu.memory_space<hbm>> -> memref<250x80xi32, #tpu.memory_space<hbm>>
      %dma_wait3A_425 = arith.constant 0 : i32
      %dma_wait3A_426 = arith.constant 0 : i32
      %dma_wait3A_427 = tpu.memref_slice %arg4[%arg1, %dma_wait3A_425, %dma_wait3A_426] : memref<16x250x80xi32, #tpu.memory_space<hbm>> -> memref<1x250x80xi32, #tpu.memory_space<hbm>>
      %dma_wait3A_428 = tpu.memref_squeeze %dma_wait3A_427 : memref<1x250x80xi32, #tpu.memory_space<hbm>> -> memref<250x80xi32, #tpu.memory_space<hbm>>
      tpu.wait_dma2 semaphore(%run_scoped3A : memref<!tpu.dma_semaphore, #tpu.memory_space<semaphore_mem>>) src(%dma_wait3A_428 : memref<250x80xi32, #tpu.memory_space<hbm>>) dst(%arg8 : memref<250x80xi32, #tpu.memory_space<vmem>>)
      tpu.yield
    }) : () -> ()
    %eq3A_57 = arith.constant 1 : i32
    %eq3A_58 = arith.cmpi eq, %arg0, %eq3A_57 : i32
    %convert_element_type3A = arith.extui %eq3A_58 : i1 to i32
    %cond3A = arith.constant 0 : i32
    %cond3A_59 = arith.cmpi ne, %convert_element_type3A, %cond3A : i32
    scf.if %cond3A_59 {
      %scan3A_413 = arith.constant 0 : i32
      %scan3A_414 = arith.constant 0 : i32
      %scan3A_415 = arith.constant 250 : i32
      %scan3A_416 = arith.addi %scan3A_414, %scan3A_415 : i32
      %scan3A_417 = arith.constant 1 : i32
      scf.for %scan3A_419 = %scan3A_414 to %scan3A_416 step %scan3A_417  : i32 {
        %get3A = arith.index_cast %scan3A_419 : i32 to index
        %get3A_420 = arith.constant 0 : index
        %get3A_421 = tpu.vector_load %arg7[%get3A, %get3A_420] {strides = array<i32>} : memref<250x80xi32, #tpu.memory_space<vmem>>, vector<1x16xi32>,
        %get3A_422 = vector.shape_cast %get3A_421 : vector<1x16xi32> to vector<16xi32>
        %add3A_423 = arith.constant 1 : i32
        %add3A_424 = vector.broadcast %add3A_423 : i32 to vector<16xi32>
        %add3A_425 = arith.addi %get3A_422, %add3A_424 : vector<16xi32>
        %swap3A = arith.index_cast %scan3A_419 : i32 to index
        %swap3A_426 = arith.constant 0 : index
        %swap3A_427 = tpu.vector_load %arg7[%swap3A, %swap3A_426] {strides = array<i32>} : memref<250x80xi32, #tpu.memory_space<vmem>>, vector<1x16xi32>,
        %swap3A_428 = vector.shape_cast %swap3A_427 : vector<1x16xi32> to vector<16xi32>
        %swap3A_429 = vector.shape_cast %add3A_425 : vector<16xi32> to vector<1x16xi32>
        tpu.vector_store %arg7[%swap3A, %swap3A_426], %swap3A_429 {strides = array<i32>} : memref<250x80xi32, #tpu.memory_space<vmem>>, vector<1x16xi32>,
        %get3A_430 = arith.index_cast %scan3A_419 : i32 to index
        %get3A_431 = arith.constant 16 : index
        %get3A_432 = tpu.vector_load %arg7[%get3A_430, %get3A_431] {strides = array<i32>} : memref<250x80xi32, #tpu.memory_space<vmem>>, vector<1x16xi32>,
        %get3A_433 = vector.shape_cast %get3A_432 : vector<1x16xi32> to vector<16xi32>
        %add3A_434 = arith.constant 1 : i32
        %add3A_435 = vector.broadcast %add3A_434 : i32 to vector<16xi32>
        %add3A_436 = arith.addi %get3A_433, %add3A_435 : vector<16xi32>
        %swap3A_437 = arith.index_cast %scan3A_419 : i32 to index
        %swap3A_438 = arith.constant 16 : index
        %swap3A_439 = tpu.vector_load %arg7[%swap3A_437, %swap3A_438] {strides = array<i32>} : memref<250x80xi32, #tpu.memory_space<vmem>>, vector<1x16xi32>,
        %swap3A_440 = vector.shape_cast %swap3A_439 : vector<1x16xi32> to vector<16xi32>
        %swap3A_441 = vector.shape_cast %add3A_436 : vector<16xi32> to vector<1x16xi32>
        tpu.vector_store %arg7[%swap3A_437, %swap3A_438], %swap3A_441 {strides = array<i32>} : memref<250x80xi32, #tpu.memory_space<vmem>>, vector<1x16xi32>,
        %get3A_442 = arith.index_cast %scan3A_419 : i32 to index
        %get3A_443 = arith.constant 32 : index
        %get3A_444 = tpu.vector_load %arg7[%get3A_442, %get3A_443] {strides = array<i32>} : memref<250x80xi32, #tpu.memory_space<vmem>>, vector<1x16xi32>,
        %get3A_445 = vector.shape_cast %get3A_444 : vector<1x16xi32> to vector<16xi32>
        %add3A_446 = arith.constant 1 : i32
        %add3A_447 = vector.broadcast %add3A_446 : i32 to vector<16xi32>
        %add3A_448 = arith.addi %get3A_445, %add3A_447 : vector<16xi32>
        %swap3A_449 = arith.index_cast %scan3A_419 : i32 to index
        %swap3A_450 = arith.constant 32 : index
        %swap3A_451 = tpu.vector_load %arg7[%swap3A_449, %swap3A_450] {strides = array<i32>} : memref<250x80xi32, #tpu.memory_space<vmem>>, vector<1x16xi32>,
        %swap3A_452 = vector.shape_cast %swap3A_451 : vector<1x16xi32> to vector<16xi32>
        %swap3A_453 = vector.shape_cast %add3A_448 : vector<16xi32> to vector<1x16xi32>
        tpu.vector_store %arg7[%swap3A_449, %swap3A_450], %swap3A_453 {strides = array<i32>} : memref<250x80xi32, #tpu.memory_space<vmem>>, vector<1x16xi32>,
        %get3A_454 = arith.index_cast %scan3A_419 : i32 to index
        %get3A_455 = arith.constant 48 : index
        %get3A_456 = tpu.vector_load %arg7[%get3A_454, %get3A_455] {strides = array<i32>} : memref<250x80xi32, #tpu.memory_space<vmem>>, vector<1x16xi32>,
        %get3A_457 = vector.shape_cast %get3A_456 : vector<1x16xi32> to vector<16xi32>
        %add3A_458 = arith.constant 1 : i32
        %add3A_459 = vector.broadcast %add3A_458 : i32 to vector<16xi32>
        %add3A_460 = arith.addi %get3A_457, %add3A_459 : vector<16xi32>
        %swap3A_461 = arith.index_cast %scan3A_419 : i32 to index
        %swap3A_462 = arith.constant 48 : index
        %swap3A_463 = tpu.vector_load %arg7[%swap3A_461, %swap3A_462] {strides = array<i32>} : memref<250x80xi32, #tpu.memory_space<vmem>>, vector<1x16xi32>,
        %swap3A_464 = vector.shape_cast %swap3A_463 : vector<1x16xi32> to vector<16xi32>
        %swap3A_465 = vector.shape_cast %add3A_460 : vector<16xi32> to vector<1x16xi32>
        tpu.vector_store %arg7[%swap3A_461, %swap3A_462], %swap3A_465 {strides = array<i32>} : memref<250x80xi32, #tpu.memory_space<vmem>>, vector<1x16xi32>,
        %get3A_466 = arith.index_cast %scan3A_419 : i32 to index
        %get3A_467 = arith.constant 64 : index
        %get3A_468 = tpu.vector_load %arg7[%get3A_466, %get3A_467] {strides = array<i32>} : memref<250x80xi32, #tpu.memory_space<vmem>>, vector<1x16xi32>,
        %get3A_469 = vector.shape_cast %get3A_468 : vector<1x16xi32> to vector<16xi32>
        %add3A_470 = arith.constant 1 : i32
        %add3A_471 = vector.broadcast %add3A_470 : i32 to vector<16xi32>
        %add3A_472 = arith.addi %get3A_469, %add3A_471 : vector<16xi32>
        %swap3A_473 = arith.index_cast %scan3A_419 : i32 to index
        %swap3A_474 = arith.constant 64 : index
        %swap3A_475 = tpu.vector_load %arg7[%swap3A_473, %swap3A_474] {strides = array<i32>} : memref<250x80xi32, #tpu.memory_space<vmem>>, vector<1x16xi32>,
        %swap3A_476 = vector.shape_cast %swap3A_475 : vector<1x16xi32> to vector<16xi32>
        %swap3A_477 = vector.shape_cast %add3A_472 : vector<16xi32> to vector<1x16xi32>
        tpu.vector_store %arg7[%swap3A_473, %swap3A_474], %swap3A_477 {strides = array<i32>} : memref<250x80xi32, #tpu.memory_space<vmem>>, vector<1x16xi32>,
      }
      %scan3A_418 = arith.constant 250 : i32
    } else {
    }
    %convert_element_type3A_60 = arith.extui %eq3A_1 : i1 to i32
    %cond3A_61 = arith.constant 0 : i32
    %cond3A_62 = arith.cmpi ne, %convert_element_type3A_60, %cond3A_61 : i32
    scf.if %cond3A_62 {
      %broadcast_in_dim3A_413 = arith.constant 1.000000e+00 : f32
      %broadcast_in_dim3A_414 = vector.broadcast %broadcast_in_dim3A_413 : f32 to vector<16xf32>
      %scan3A_415 = arith.constant 0 : i32
      %scan3A_416 = arith.constant 0 : i32
      %scan3A_417 = arith.constant 80 : i32
      %scan3A_418 = arith.addi %scan3A_416, %scan3A_417 : i32
      %scan3A_419 = arith.constant 1 : i32
      scf.for %scan3A_477 = %scan3A_416 to %scan3A_418 step %scan3A_419  : i32 {
        %swap3A = arith.index_cast %scan3A_477 : i32 to index
        %swap3A_478 = arith.constant 0 : index
        %swap3A_479 = tpu.vector_load %arg29[%swap3A, %swap3A_478] {strides = array<i32>} : memref<80x16xf32, #tpu.memory_space<vmem>>, vector<1x16xf32>,
        %swap3A_480 = vector.shape_cast %swap3A_479 : vector<1x16xf32> to vector<16xf32>
        %swap3A_481 = vector.shape_cast %broadcast_in_dim3A_414 : vector<16xf32> to vector<1x16xf32>
        tpu.vector_store %arg29[%swap3A, %swap3A_478], %swap3A_481 {strides = array<i32>} : memref<80x16xf32, #tpu.memory_space<vmem>>, vector<1x16xf32>,
      }
      %scan3A_420 = arith.constant 80 : i32
      %scan3A_421 = arith.constant 0 : i32
      %scan3A_422 = arith.constant 0 : i32
      %scan3A_423 = arith.constant 25 : i32
      %scan3A_424 = arith.addi %scan3A_422, %scan3A_423 : i32
      %scan3A_425 = arith.constant 1 : i32
      scf.for %scan3A_477 = %scan3A_422 to %scan3A_424 step %scan3A_425  : i32 {
        %swap3A = arith.index_cast %scan3A_477 : i32 to index
        %swap3A_478 = arith.constant 0 : index
        %swap3A_479 = tpu.vector_load %arg30[%swap3A, %swap3A_478] {strides = array<i32>} : memref<25x16xf32, #tpu.memory_space<vmem>>, vector<1x16xf32>,
        %swap3A_480 = vector.shape_cast %swap3A_479 : vector<1x16xf32> to vector<16xf32>
        %swap3A_481 = vector.shape_cast %broadcast_in_dim3A_2 : vector<16xf32> to vector<1x16xf32>
        tpu.vector_store %arg30[%swap3A, %swap3A_478], %swap3A_481 {strides = array<i32>} : memref<25x16xf32, #tpu.memory_space<vmem>>, vector<1x16xf32>,
      }
      %scan3A_426 = arith.constant 25 : i32
      %add3A_427 = arith.constant 0 : i32
      %add3A_428 = arith.addi %mul3A_0, %add3A_427 : i32
      "tpu.region"() ({
        %run_scoped3A = tpu.sem_alloc : memref<!tpu.dma_semaphore, #tpu.memory_space<semaphore_mem>>
        %dma_start3A_477 = arith.constant 0 : i32
        %dma_start3A_478 = tpu.memref_slice %arg31[%add3A_428, %dma_start3A_477] : memref<10000x16xf32, #tpu.memory_space<vmem_shared>> -> memref<25x16xf32, #tpu.memory_space<vmem_shared>>
        %dma_start3A_479 = arith.constant 0 : i32
        %dma_start3A_480 = tpu.memref_slice %arg31[%add3A_428, %dma_start3A_479] : memref<10000x16xf32, #tpu.memory_space<vmem_shared>> -> memref<25x16xf32, #tpu.memory_space<vmem_shared>>
        tpu.enqueue_dma source(%arg30 : memref<25x16xf32, #tpu.memory_space<vmem>>) target(%dma_start3A_480 : memref<25x16xf32, #tpu.memory_space<vmem_shared>>) target_semaphore(%run_scoped3A : memref<!tpu.dma_semaphore, #tpu.memory_space<semaphore_mem>>)
        %dma_wait3A_481 = arith.constant 0 : i32
        %dma_wait3A_482 = tpu.memref_slice %arg31[%add3A_428, %dma_wait3A_481] : memref<10000x16xf32, #tpu.memory_space<vmem_shared>> -> memref<25x16xf32, #tpu.memory_space<vmem_shared>>
        %dma_wait3A_483 = arith.constant 0 : i32
        %dma_wait3A_484 = tpu.memref_slice %arg31[%add3A_428, %dma_wait3A_483] : memref<10000x16xf32, #tpu.memory_space<vmem_shared>> -> memref<25x16xf32, #tpu.memory_space<vmem_shared>>
        tpu.wait_dma2 semaphore(%run_scoped3A : memref<!tpu.dma_semaphore, #tpu.memory_space<semaphore_mem>>) src(%arg30 : memref<25x16xf32, #tpu.memory_space<vmem>>) dst(%dma_wait3A_484 : memref<25x16xf32, #tpu.memory_space<vmem_shared>>)
        tpu.yield
      }) : () -> ()
      %add3A_429 = arith.constant 25 : i32
      %add3A_430 = arith.addi %mul3A_0, %add3A_429 : i32
      "tpu.region"() ({
        %run_scoped3A = tpu.sem_alloc : memref<!tpu.dma_semaphore, #tpu.memory_space<semaphore_mem>>
        %dma_start3A_477 = arith.constant 0 : i32
        %dma_start3A_478 = tpu.memref_slice %arg31[%add3A_430, %dma_start3A_477] : memref<10000x16xf32, #tpu.memory_space<vmem_shared>> -> memref<25x16xf32, #tpu.memory_space<vmem_shared>>
        %dma_start3A_479 = arith.constant 0 : i32
        %dma_start3A_480 = tpu.memref_slice %arg31[%add3A_430, %dma_start3A_479] : memref<10000x16xf32, #tpu.memory_space<vmem_shared>> -> memref<25x16xf32, #tpu.memory_space<vmem_shared>>
        tpu.enqueue_dma source(%arg30 : memref<25x16xf32, #tpu.memory_space<vmem>>) target(%dma_start3A_480 : memref<25x16xf32, #tpu.memory_space<vmem_shared>>) target_semaphore(%run_scoped3A : memref<!tpu.dma_semaphore, #tpu.memory_space<semaphore_mem>>)
        %dma_wait3A_481 = arith.constant 0 : i32
        %dma_wait3A_482 = tpu.memref_slice %arg31[%add3A_430, %dma_wait3A_481] : memref<10000x16xf32, #tpu.memory_space<vmem_shared>> -> memref<25x16xf32, #tpu.memory_space<vmem_shared>>
        %dma_wait3A_483 = arith.constant 0 : i32
        %dma_wait3A_484 = tpu.memref_slice %arg31[%add3A_430, %dma_wait3A_483] : memref<10000x16xf32, #tpu.memory_space<vmem_shared>> -> memref<25x16xf32, #tpu.memory_space<vmem_shared>>
        tpu.wait_dma2 semaphore(%run_scoped3A : memref<!tpu.dma_semaphore, #tpu.memory_space<semaphore_mem>>) src(%arg30 : memref<25x16xf32, #tpu.memory_space<vmem>>) dst(%dma_wait3A_484 : memref<25x16xf32, #tpu.memory_space<vmem_shared>>)
        tpu.yield
      }) : () -> ()
      %add3A_431 = arith.constant 50 : i32
      %add3A_432 = arith.addi %mul3A_0, %add3A_431 : i32
      "tpu.region"() ({
        %run_scoped3A = tpu.sem_alloc : memref<!tpu.dma_semaphore, #tpu.memory_space<semaphore_mem>>
        %dma_start3A_477 = arith.constant 0 : i32
        %dma_start3A_478 = tpu.memref_slice %arg31[%add3A_432, %dma_start3A_477] : memref<10000x16xf32, #tpu.memory_space<vmem_shared>> -> memref<25x16xf32, #tpu.memory_space<vmem_shared>>
        %dma_start3A_479 = arith.constant 0 : i32
        %dma_start3A_480 = tpu.memref_slice %arg31[%add3A_432, %dma_start3A_479] : memref<10000x16xf32, #tpu.memory_space<vmem_shared>> -> memref<25x16xf32, #tpu.memory_space<vmem_shared>>
        tpu.enqueue_dma source(%arg30 : memref<25x16xf32, #tpu.memory_space<vmem>>) target(%dma_start3A_480 : memref<25x16xf32, #tpu.memory_space<vmem_shared>>) target_semaphore(%run_scoped3A : memref<!tpu.dma_semaphore, #tpu.memory_space<semaphore_mem>>)
        %dma_wait3A_481 = arith.constant 0 : i32
        %dma_wait3A_482 = tpu.memref_slice %arg31[%add3A_432, %dma_wait3A_481] : memref<10000x16xf32, #tpu.memory_space<vmem_shared>> -> memref<25x16xf32, #tpu.memory_space<vmem_shared>>
        %dma_wait3A_483 = arith.constant 0 : i32
        %dma_wait3A_484 = tpu.memref_slice %arg31[%add3A_432, %dma_wait3A_483] : memref<10000x16xf32, #tpu.memory_space<vmem_shared>> -> memref<25x16xf32, #tpu.memory_space<vmem_shared>>
        tpu.wait_dma2 semaphore(%run_scoped3A : memref<!tpu.dma_semaphore, #tpu.memory_space<semaphore_mem>>) src(%arg30 : memref<25x16xf32, #tpu.memory_space<vmem>>) dst(%dma_wait3A_484 : memref<25x16xf32, #tpu.memory_space<vmem_shared>>)
        tpu.yield
      }) : () -> ()
      %add3A_433 = arith.constant 75 : i32
      %add3A_434 = arith.addi %mul3A_0, %add3A_433 : i32
      "tpu.region"() ({
        %run_scoped3A = tpu.sem_alloc : memref<!tpu.dma_semaphore, #tpu.memory_space<semaphore_mem>>
        %dma_start3A_477 = arith.constant 0 : i32
        %dma_start3A_478 = tpu.memref_slice %arg31[%add3A_434, %dma_start3A_477] : memref<10000x16xf32, #tpu.memory_space<vmem_shared>> -> memref<25x16xf32, #tpu.memory_space<vmem_shared>>
        %dma_start3A_479 = arith.constant 0 : i32
        %dma_start3A_480 = tpu.memref_slice %arg31[%add3A_434, %dma_start3A_479] : memref<10000x16xf32, #tpu.memory_space<vmem_shared>> -> memref<25x16xf32, #tpu.memory_space<vmem_shared>>
        tpu.enqueue_dma source(%arg30 : memref<25x16xf32, #tpu.memory_space<vmem>>) target(%dma_start3A_480 : memref<25x16xf32, #tpu.memory_space<vmem_shared>>) target_semaphore(%run_scoped3A : memref<!tpu.dma_semaphore, #tpu.memory_space<semaphore_mem>>)
        %dma_wait3A_481 = arith.constant 0 : i32
        %dma_wait3A_482 = tpu.memref_slice %arg31[%add3A_434, %dma_wait3A_481] : memref<10000x16xf32, #tpu.memory_space<vmem_shared>> -> memref<25x16xf32, #tpu.memory_space<vmem_shared>>
        %dma_wait3A_483 = arith.constant 0 : i32
        %dma_wait3A_484 = tpu.memref_slice %arg31[%add3A_434, %dma_wait3A_483] : memref<10000x16xf32, #tpu.memory_space<vmem_shared>> -> memref<25x16xf32, #tpu.memory_space<vmem_shared>>
        tpu.wait_dma2 semaphore(%run_scoped3A : memref<!tpu.dma_semaphore, #tpu.memory_space<semaphore_mem>>) src(%arg30 : memref<25x16xf32, #tpu.memory_space<vmem>>) dst(%dma_wait3A_484 : memref<25x16xf32, #tpu.memory_space<vmem_shared>>)
        tpu.yield
      }) : () -> ()
      %add3A_435 = arith.constant 100 : i32
      %add3A_436 = arith.addi %mul3A_0, %add3A_435 : i32
      "tpu.region"() ({
        %run_scoped3A = tpu.sem_alloc : memref<!tpu.dma_semaphore, #tpu.memory_space<semaphore_mem>>
        %dma_start3A_477 = arith.constant 0 : i32
        %dma_start3A_478 = tpu.memref_slice %arg31[%add3A_436, %dma_start3A_477] : memref<10000x16xf32, #tpu.memory_space<vmem_shared>> -> memref<25x16xf32, #tpu.memory_space<vmem_shared>>
        %dma_start3A_479 = arith.constant 0 : i32
        %dma_start3A_480 = tpu.memref_slice %arg31[%add3A_436, %dma_start3A_479] : memref<10000x16xf32, #tpu.memory_space<vmem_shared>> -> memref<25x16xf32, #tpu.memory_space<vmem_shared>>
        tpu.enqueue_dma source(%arg30 : memref<25x16xf32, #tpu.memory_space<vmem>>) target(%dma_start3A_480 : memref<25x16xf32, #tpu.memory_space<vmem_shared>>) target_semaphore(%run_scoped3A : memref<!tpu.dma_semaphore, #tpu.memory_space<semaphore_mem>>)
        %dma_wait3A_481 = arith.constant 0 : i32
        %dma_wait3A_482 = tpu.memref_slice %arg31[%add3A_436, %dma_wait3A_481] : memref<10000x16xf32, #tpu.memory_space<vmem_shared>> -> memref<25x16xf32, #tpu.memory_space<vmem_shared>>
        %dma_wait3A_483 = arith.constant 0 : i32
        %dma_wait3A_484 = tpu.memref_slice %arg31[%add3A_436, %dma_wait3A_483] : memref<10000x16xf32, #tpu.memory_space<vmem_shared>> -> memref<25x16xf32, #tpu.memory_space<vmem_shared>>
        tpu.wait_dma2 semaphore(%run_scoped3A : memref<!tpu.dma_semaphore, #tpu.memory_space<semaphore_mem>>) src(%arg30 : memref<25x16xf32, #tpu.memory_space<vmem>>) dst(%dma_wait3A_484 : memref<25x16xf32, #tpu.memory_space<vmem_shared>>)
        tpu.yield
      }) : () -> ()
      %add3A_437 = arith.constant 125 : i32
      %add3A_438 = arith.addi %mul3A_0, %add3A_437 : i32
      "tpu.region"() ({
        %run_scoped3A = tpu.sem_alloc : memref<!tpu.dma_semaphore, #tpu.memory_space<semaphore_mem>>
        %dma_start3A_477 = arith.constant 0 : i32
        %dma_start3A_478 = tpu.memref_slice %arg31[%add3A_438, %dma_start3A_477] : memref<10000x16xf32, #tpu.memory_space<vmem_shared>> -> memref<25x16xf32, #tpu.memory_space<vmem_shared>>
        %dma_start3A_479 = arith.constant 0 : i32
        %dma_start3A_480 = tpu.memref_slice %arg31[%add3A_438, %dma_start3A_479] : memref<10000x16xf32, #tpu.memory_space<vmem_shared>> -> memref<25x16xf32, #tpu.memory_space<vmem_shared>>
        tpu.enqueue_dma source(%arg30 : memref<25x16xf32, #tpu.memory_space<vmem>>) target(%dma_start3A_480 : memref<25x16xf32, #tpu.memory_space<vmem_shared>>) target_semaphore(%run_scoped3A : memref<!tpu.dma_semaphore, #tpu.memory_space<semaphore_mem>>)
        %dma_wait3A_481 = arith.constant 0 : i32
        %dma_wait3A_482 = tpu.memref_slice %arg31[%add3A_438, %dma_wait3A_481] : memref<10000x16xf32, #tpu.memory_space<vmem_shared>> -> memref<25x16xf32, #tpu.memory_space<vmem_shared>>
        %dma_wait3A_483 = arith.constant 0 : i32
        %dma_wait3A_484 = tpu.memref_slice %arg31[%add3A_438, %dma_wait3A_483] : memref<10000x16xf32, #tpu.memory_space<vmem_shared>> -> memref<25x16xf32, #tpu.memory_space<vmem_shared>>
        tpu.wait_dma2 semaphore(%run_scoped3A : memref<!tpu.dma_semaphore, #tpu.memory_space<semaphore_mem>>) src(%arg30 : memref<25x16xf32, #tpu.memory_space<vmem>>) dst(%dma_wait3A_484 : memref<25x16xf32, #tpu.memory_space<vmem_shared>>)
        tpu.yield
      }) : () -> ()
      %add3A_439 = arith.constant 150 : i32
      %add3A_440 = arith.addi %mul3A_0, %add3A_439 : i32
      "tpu.region"() ({
        %run_scoped3A = tpu.sem_alloc : memref<!tpu.dma_semaphore, #tpu.memory_space<semaphore_mem>>
        %dma_start3A_477 = arith.constant 0 : i32
        %dma_start3A_478 = tpu.memref_slice %arg31[%add3A_440, %dma_start3A_477] : memref<10000x16xf32, #tpu.memory_space<vmem_shared>> -> memref<25x16xf32, #tpu.memory_space<vmem_shared>>
        %dma_start3A_479 = arith.constant 0 : i32
        %dma_start3A_480 = tpu.memref_slice %arg31[%add3A_440, %dma_start3A_479] : memref<10000x16xf32, #tpu.memory_space<vmem_shared>> -> memref<25x16xf32, #tpu.memory_space<vmem_shared>>
        tpu.enqueue_dma source(%arg30 : memref<25x16xf32, #tpu.memory_space<vmem>>) target(%dma_start3A_480 : memref<25x16xf32, #tpu.memory_space<vmem_shared>>) target_semaphore(%run_scoped3A : memref<!tpu.dma_semaphore, #tpu.memory_space<semaphore_mem>>)
        %dma_wait3A_481 = arith.constant 0 : i32
        %dma_wait3A_482 = tpu.memref_slice %arg31[%add3A_440, %dma_wait3A_481] : memref<10000x16xf32, #tpu.memory_space<vmem_shared>> -> memref<25x16xf32, #tpu.memory_space<vmem_shared>>
        %dma_wait3A_483 = arith.constant 0 : i32
        %dma_wait3A_484 = tpu.memref_slice %arg31[%add3A_440, %dma_wait3A_483] : memref<10000x16xf32, #tpu.memory_space<vmem_shared>> -> memref<25x16xf32, #tpu.memory_space<vmem_shared>>
        tpu.wait_dma2 semaphore(%run_scoped3A : memref<!tpu.dma_semaphore, #tpu.memory_space<semaphore_mem>>) src(%arg30 : memref<25x16xf32, #tpu.memory_space<vmem>>) dst(%dma_wait3A_484 : memref<25x16xf32, #tpu.memory_space<vmem_shared>>)
        tpu.yield
      }) : () -> ()
      %add3A_441 = arith.constant 175 : i32
      %add3A_442 = arith.addi %mul3A_0, %add3A_441 : i32
      "tpu.region"() ({
        %run_scoped3A = tpu.sem_alloc : memref<!tpu.dma_semaphore, #tpu.memory_space<semaphore_mem>>
        %dma_start3A_477 = arith.constant 0 : i32
        %dma_start3A_478 = tpu.memref_slice %arg31[%add3A_442, %dma_start3A_477] : memref<10000x16xf32, #tpu.memory_space<vmem_shared>> -> memref<25x16xf32, #tpu.memory_space<vmem_shared>>
        %dma_start3A_479 = arith.constant 0 : i32
        %dma_start3A_480 = tpu.memref_slice %arg31[%add3A_442, %dma_start3A_479] : memref<10000x16xf32, #tpu.memory_space<vmem_shared>> -> memref<25x16xf32, #tpu.memory_space<vmem_shared>>
        tpu.enqueue_dma source(%arg30 : memref<25x16xf32, #tpu.memory_space<vmem>>) target(%dma_start3A_480 : memref<25x16xf32, #tpu.memory_space<vmem_shared>>) target_semaphore(%run_scoped3A : memref<!tpu.dma_semaphore, #tpu.memory_space<semaphore_mem>>)
        %dma_wait3A_481 = arith.constant 0 : i32
        %dma_wait3A_482 = tpu.memref_slice %arg31[%add3A_442, %dma_wait3A_481] : memref<10000x16xf32, #tpu.memory_space<vmem_shared>> -> memref<25x16xf32, #tpu.memory_space<vmem_shared>>
        %dma_wait3A_483 = arith.constant 0 : i32
        %dma_wait3A_484 = tpu.memref_slice %arg31[%add3A_442, %dma_wait3A_483] : memref<10000x16xf32, #tpu.memory_space<vmem_shared>> -> memref<25x16xf32, #tpu.memory_space<vmem_shared>>
        tpu.wait_dma2 semaphore(%run_scoped3A : memref<!tpu.dma_semaphore, #tpu.memory_space<semaphore_mem>>) src(%arg30 : memref<25x16xf32, #tpu.memory_space<vmem>>) dst(%dma_wait3A_484 : memref<25x16xf32, #tpu.memory_space<vmem_shared>>)
        tpu.yield
      }) : () -> ()
      %add3A_443 = arith.constant 200 : i32
      %add3A_444 = arith.addi %mul3A_0, %add3A_443 : i32
      "tpu.region"() ({
        %run_scoped3A = tpu.sem_alloc : memref<!tpu.dma_semaphore, #tpu.memory_space<semaphore_mem>>
        %dma_start3A_477 = arith.constant 0 : i32
        %dma_start3A_478 = tpu.memref_slice %arg31[%add3A_444, %dma_start3A_477] : memref<10000x16xf32, #tpu.memory_space<vmem_shared>> -> memref<25x16xf32, #tpu.memory_space<vmem_shared>>
        %dma_start3A_479 = arith.constant 0 : i32
        %dma_start3A_480 = tpu.memref_slice %arg31[%add3A_444, %dma_start3A_479] : memref<10000x16xf32, #tpu.memory_space<vmem_shared>> -> memref<25x16xf32, #tpu.memory_space<vmem_shared>>
        tpu.enqueue_dma source(%arg30 : memref<25x16xf32, #tpu.memory_space<vmem>>) target(%dma_start3A_480 : memref<25x16xf32, #tpu.memory_space<vmem_shared>>) target_semaphore(%run_scoped3A : memref<!tpu.dma_semaphore, #tpu.memory_space<semaphore_mem>>)
        %dma_wait3A_481 = arith.constant 0 : i32
        %dma_wait3A_482 = tpu.memref_slice %arg31[%add3A_444, %dma_wait3A_481] : memref<10000x16xf32, #tpu.memory_space<vmem_shared>> -> memref<25x16xf32, #tpu.memory_space<vmem_shared>>
        %dma_wait3A_483 = arith.constant 0 : i32
        %dma_wait3A_484 = tpu.memref_slice %arg31[%add3A_444, %dma_wait3A_483] : memref<10000x16xf32, #tpu.memory_space<vmem_shared>> -> memref<25x16xf32, #tpu.memory_space<vmem_shared>>
        tpu.wait_dma2 semaphore(%run_scoped3A : memref<!tpu.dma_semaphore, #tpu.memory_space<semaphore_mem>>) src(%arg30 : memref<25x16xf32, #tpu.memory_space<vmem>>) dst(%dma_wait3A_484 : memref<25x16xf32, #tpu.memory_space<vmem_shared>>)
        tpu.yield
      }) : () -> ()
      %add3A_445 = arith.constant 225 : i32
      %add3A_446 = arith.addi %mul3A_0, %add3A_445 : i32
      "tpu.region"() ({
        %run_scoped3A = tpu.sem_alloc : memref<!tpu.dma_semaphore, #tpu.memory_space<semaphore_mem>>
        %dma_start3A_477 = arith.constant 0 : i32
        %dma_start3A_478 = tpu.memref_slice %arg31[%add3A_446, %dma_start3A_477] : memref<10000x16xf32, #tpu.memory_space<vmem_shared>> -> memref<25x16xf32, #tpu.memory_space<vmem_shared>>
        %dma_start3A_479 = arith.constant 0 : i32
        %dma_start3A_480 = tpu.memref_slice %arg31[%add3A_446, %dma_start3A_479] : memref<10000x16xf32, #tpu.memory_space<vmem_shared>> -> memref<25x16xf32, #tpu.memory_space<vmem_shared>>
        tpu.enqueue_dma source(%arg30 : memref<25x16xf32, #tpu.memory_space<vmem>>) target(%dma_start3A_480 : memref<25x16xf32, #tpu.memory_space<vmem_shared>>) target_semaphore(%run_scoped3A : memref<!tpu.dma_semaphore, #tpu.memory_space<semaphore_mem>>)
        %dma_wait3A_481 = arith.constant 0 : i32
        %dma_wait3A_482 = tpu.memref_slice %arg31[%add3A_446, %dma_wait3A_481] : memref<10000x16xf32, #tpu.memory_space<vmem_shared>> -> memref<25x16xf32, #tpu.memory_space<vmem_shared>>
        %dma_wait3A_483 = arith.constant 0 : i32
        %dma_wait3A_484 = tpu.memref_slice %arg31[%add3A_446, %dma_wait3A_483] : memref<10000x16xf32, #tpu.memory_space<vmem_shared>> -> memref<25x16xf32, #tpu.memory_space<vmem_shared>>
        tpu.wait_dma2 semaphore(%run_scoped3A : memref<!tpu.dma_semaphore, #tpu.memory_space<semaphore_mem>>) src(%arg30 : memref<25x16xf32, #tpu.memory_space<vmem>>) dst(%dma_wait3A_484 : memref<25x16xf32, #tpu.memory_space<vmem_shared>>)
        tpu.yield
      }) : () -> ()
      %add3A_447 = arith.constant 250 : i32
      %add3A_448 = arith.addi %mul3A_0, %add3A_447 : i32
      "tpu.region"() ({
        %run_scoped3A = tpu.sem_alloc : memref<!tpu.dma_semaphore, #tpu.memory_space<semaphore_mem>>
        %dma_start3A_477 = arith.constant 0 : i32
        %dma_start3A_478 = tpu.memref_slice %arg31[%add3A_448, %dma_start3A_477] : memref<10000x16xf32, #tpu.memory_space<vmem_shared>> -> memref<25x16xf32, #tpu.memory_space<vmem_shared>>
        %dma_start3A_479 = arith.constant 0 : i32
        %dma_start3A_480 = tpu.memref_slice %arg31[%add3A_448, %dma_start3A_479] : memref<10000x16xf32, #tpu.memory_space<vmem_shared>> -> memref<25x16xf32, #tpu.memory_space<vmem_shared>>
        tpu.enqueue_dma source(%arg30 : memref<25x16xf32, #tpu.memory_space<vmem>>) target(%dma_start3A_480 : memref<25x16xf32, #tpu.memory_space<vmem_shared>>) target_semaphore(%run_scoped3A : memref<!tpu.dma_semaphore, #tpu.memory_space<semaphore_mem>>)
        %dma_wait3A_481 = arith.constant 0 : i32
        %dma_wait3A_482 = tpu.memref_slice %arg31[%add3A_448, %dma_wait3A_481] : memref<10000x16xf32, #tpu.memory_space<vmem_shared>> -> memref<25x16xf32, #tpu.memory_space<vmem_shared>>
        %dma_wait3A_483 = arith.constant 0 : i32
        %dma_wait3A_484 = tpu.memref_slice %arg31[%add3A_448, %dma_wait3A_483] : memref<10000x16xf32, #tpu.memory_space<vmem_shared>> -> memref<25x16xf32, #tpu.memory_space<vmem_shared>>
        tpu.wait_dma2 semaphore(%run_scoped3A : memref<!tpu.dma_semaphore, #tpu.memory_space<semaphore_mem>>) src(%arg30 : memref<25x16xf32, #tpu.memory_space<vmem>>) dst(%dma_wait3A_484 : memref<25x16xf32, #tpu.memory_space<vmem_shared>>)
        tpu.yield
      }) : () -> ()
      %add3A_449 = arith.constant 275 : i32
      %add3A_450 = arith.addi %mul3A_0, %add3A_449 : i32
      "tpu.region"() ({
        %run_scoped3A = tpu.sem_alloc : memref<!tpu.dma_semaphore, #tpu.memory_space<semaphore_mem>>
        %dma_start3A_477 = arith.constant 0 : i32
        %dma_start3A_478 = tpu.memref_slice %arg31[%add3A_450, %dma_start3A_477] : memref<10000x16xf32, #tpu.memory_space<vmem_shared>> -> memref<25x16xf32, #tpu.memory_space<vmem_shared>>
        %dma_start3A_479 = arith.constant 0 : i32
        %dma_start3A_480 = tpu.memref_slice %arg31[%add3A_450, %dma_start3A_479] : memref<10000x16xf32, #tpu.memory_space<vmem_shared>> -> memref<25x16xf32, #tpu.memory_space<vmem_shared>>
        tpu.enqueue_dma source(%arg30 : memref<25x16xf32, #tpu.memory_space<vmem>>) target(%dma_start3A_480 : memref<25x16xf32, #tpu.memory_space<vmem_shared>>) target_semaphore(%run_scoped3A : memref<!tpu.dma_semaphore, #tpu.memory_space<semaphore_mem>>)
        %dma_wait3A_481 = arith.constant 0 : i32
        %dma_wait3A_482 = tpu.memref_slice %arg31[%add3A_450, %dma_wait3A_481] : memref<10000x16xf32, #tpu.memory_space<vmem_shared>> -> memref<25x16xf32, #tpu.memory_space<vmem_shared>>
        %dma_wait3A_483 = arith.constant 0 : i32
        %dma_wait3A_484 = tpu.memref_slice %arg31[%add3A_450, %dma_wait3A_483] : memref<10000x16xf32, #tpu.memory_space<vmem_shared>> -> memref<25x16xf32, #tpu.memory_space<vmem_shared>>
        tpu.wait_dma2 semaphore(%run_scoped3A : memref<!tpu.dma_semaphore, #tpu.memory_space<semaphore_mem>>) src(%arg30 : memref<25x16xf32, #tpu.memory_space<vmem>>) dst(%dma_wait3A_484 : memref<25x16xf32, #tpu.memory_space<vmem_shared>>)
        tpu.yield
      }) : () -> ()
      %add3A_451 = arith.constant 300 : i32
      %add3A_452 = arith.addi %mul3A_0, %add3A_451 : i32
      "tpu.region"() ({
        %run_scoped3A = tpu.sem_alloc : memref<!tpu.dma_semaphore, #tpu.memory_space<semaphore_mem>>
        %dma_start3A_477 = arith.constant 0 : i32
        %dma_start3A_478 = tpu.memref_slice %arg31[%add3A_452, %dma_start3A_477] : memref<10000x16xf32, #tpu.memory_space<vmem_shared>> -> memref<25x16xf32, #tpu.memory_space<vmem_shared>>
        %dma_start3A_479 = arith.constant 0 : i32
        %dma_start3A_480 = tpu.memref_slice %arg31[%add3A_452, %dma_start3A_479] : memref<10000x16xf32, #tpu.memory_space<vmem_shared>> -> memref<25x16xf32, #tpu.memory_space<vmem_shared>>
        tpu.enqueue_dma source(%arg30 : memref<25x16xf32, #tpu.memory_space<vmem>>) target(%dma_start3A_480 : memref<25x16xf32, #tpu.memory_space<vmem_shared>>) target_semaphore(%run_scoped3A : memref<!tpu.dma_semaphore, #tpu.memory_space<semaphore_mem>>)
        %dma_wait3A_481 = arith.constant 0 : i32
        %dma_wait3A_482 = tpu.memref_slice %arg31[%add3A_452, %dma_wait3A_481] : memref<10000x16xf32, #tpu.memory_space<vmem_shared>> -> memref<25x16xf32, #tpu.memory_space<vmem_shared>>
        %dma_wait3A_483 = arith.constant 0 : i32
        %dma_wait3A_484 = tpu.memref_slice %arg31[%add3A_452, %dma_wait3A_483] : memref<10000x16xf32, #tpu.memory_space<vmem_shared>> -> memref<25x16xf32, #tpu.memory_space<vmem_shared>>
        tpu.wait_dma2 semaphore(%run_scoped3A : memref<!tpu.dma_semaphore, #tpu.memory_space<semaphore_mem>>) src(%arg30 : memref<25x16xf32, #tpu.memory_space<vmem>>) dst(%dma_wait3A_484 : memref<25x16xf32, #tpu.memory_space<vmem_shared>>)
        tpu.yield
      }) : () -> ()
      %add3A_453 = arith.constant 325 : i32
      %add3A_454 = arith.addi %mul3A_0, %add3A_453 : i32
      "tpu.region"() ({
        %run_scoped3A = tpu.sem_alloc : memref<!tpu.dma_semaphore, #tpu.memory_space<semaphore_mem>>
        %dma_start3A_477 = arith.constant 0 : i32
        %dma_start3A_478 = tpu.memref_slice %arg31[%add3A_454, %dma_start3A_477] : memref<10000x16xf32, #tpu.memory_space<vmem_shared>> -> memref<25x16xf32, #tpu.memory_space<vmem_shared>>
        %dma_start3A_479 = arith.constant 0 : i32
        %dma_start3A_480 = tpu.memref_slice %arg31[%add3A_454, %dma_start3A_479] : memref<10000x16xf32, #tpu.memory_space<vmem_shared>> -> memref<25x16xf32, #tpu.memory_space<vmem_shared>>
        tpu.enqueue_dma source(%arg30 : memref<25x16xf32, #tpu.memory_space<vmem>>) target(%dma_start3A_480 : memref<25x16xf32, #tpu.memory_space<vmem_shared>>) target_semaphore(%run_scoped3A : memref<!tpu.dma_semaphore, #tpu.memory_space<semaphore_mem>>)
        %dma_wait3A_481 = arith.constant 0 : i32
        %dma_wait3A_482 = tpu.memref_slice %arg31[%add3A_454, %dma_wait3A_481] : memref<10000x16xf32, #tpu.memory_space<vmem_shared>> -> memref<25x16xf32, #tpu.memory_space<vmem_shared>>
        %dma_wait3A_483 = arith.constant 0 : i32
        %dma_wait3A_484 = tpu.memref_slice %arg31[%add3A_454, %dma_wait3A_483] : memref<10000x16xf32, #tpu.memory_space<vmem_shared>> -> memref<25x16xf32, #tpu.memory_space<vmem_shared>>
        tpu.wait_dma2 semaphore(%run_scoped3A : memref<!tpu.dma_semaphore, #tpu.memory_space<semaphore_mem>>) src(%arg30 : memref<25x16xf32, #tpu.memory_space<vmem>>) dst(%dma_wait3A_484 : memref<25x16xf32, #tpu.memory_space<vmem_shared>>)
        tpu.yield
      }) : () -> ()
      %add3A_455 = arith.constant 350 : i32
      %add3A_456 = arith.addi %mul3A_0, %add3A_455 : i32
      "tpu.region"() ({
        %run_scoped3A = tpu.sem_alloc : memref<!tpu.dma_semaphore, #tpu.memory_space<semaphore_mem>>
        %dma_start3A_477 = arith.constant 0 : i32
        %dma_start3A_478 = tpu.memref_slice %arg31[%add3A_456, %dma_start3A_477] : memref<10000x16xf32, #tpu.memory_space<vmem_shared>> -> memref<25x16xf32, #tpu.memory_space<vmem_shared>>
        %dma_start3A_479 = arith.constant 0 : i32
        %dma_start3A_480 = tpu.memref_slice %arg31[%add3A_456, %dma_start3A_479] : memref<10000x16xf32, #tpu.memory_space<vmem_shared>> -> memref<25x16xf32, #tpu.memory_space<vmem_shared>>
        tpu.enqueue_dma source(%arg30 : memref<25x16xf32, #tpu.memory_space<vmem>>) target(%dma_start3A_480 : memref<25x16xf32, #tpu.memory_space<vmem_shared>>) target_semaphore(%run_scoped3A : memref<!tpu.dma_semaphore, #tpu.memory_space<semaphore_mem>>)
        %dma_wait3A_481 = arith.constant 0 : i32
        %dma_wait3A_482 = tpu.memref_slice %arg31[%add3A_456, %dma_wait3A_481] : memref<10000x16xf32, #tpu.memory_space<vmem_shared>> -> memref<25x16xf32, #tpu.memory_space<vmem_shared>>
        %dma_wait3A_483 = arith.constant 0 : i32
        %dma_wait3A_484 = tpu.memref_slice %arg31[%add3A_456, %dma_wait3A_483] : memref<10000x16xf32, #tpu.memory_space<vmem_shared>> -> memref<25x16xf32, #tpu.memory_space<vmem_shared>>
        tpu.wait_dma2 semaphore(%run_scoped3A : memref<!tpu.dma_semaphore, #tpu.memory_space<semaphore_mem>>) src(%arg30 : memref<25x16xf32, #tpu.memory_space<vmem>>) dst(%dma_wait3A_484 : memref<25x16xf32, #tpu.memory_space<vmem_shared>>)
        tpu.yield
      }) : () -> ()
      %add3A_457 = arith.constant 375 : i32
      %add3A_458 = arith.addi %mul3A_0, %add3A_457 : i32
      "tpu.region"() ({
        %run_scoped3A = tpu.sem_alloc : memref<!tpu.dma_semaphore, #tpu.memory_space<semaphore_mem>>
        %dma_start3A_477 = arith.constant 0 : i32
        %dma_start3A_478 = tpu.memref_slice %arg31[%add3A_458, %dma_start3A_477] : memref<10000x16xf32, #tpu.memory_space<vmem_shared>> -> memref<25x16xf32, #tpu.memory_space<vmem_shared>>
        %dma_start3A_479 = arith.constant 0 : i32
        %dma_start3A_480 = tpu.memref_slice %arg31[%add3A_458, %dma_start3A_479] : memref<10000x16xf32, #tpu.memory_space<vmem_shared>> -> memref<25x16xf32, #tpu.memory_space<vmem_shared>>
        tpu.enqueue_dma source(%arg30 : memref<25x16xf32, #tpu.memory_space<vmem>>) target(%dma_start3A_480 : memref<25x16xf32, #tpu.memory_space<vmem_shared>>) target_semaphore(%run_scoped3A : memref<!tpu.dma_semaphore, #tpu.memory_space<semaphore_mem>>)
        %dma_wait3A_481 = arith.constant 0 : i32
        %dma_wait3A_482 = tpu.memref_slice %arg31[%add3A_458, %dma_wait3A_481] : memref<10000x16xf32, #tpu.memory_space<vmem_shared>> -> memref<25x16xf32, #tpu.memory_space<vmem_shared>>
        %dma_wait3A_483 = arith.constant 0 : i32
        %dma_wait3A_484 = tpu.memref_slice %arg31[%add3A_458, %dma_wait3A_483] : memref<10000x16xf32, #tpu.memory_space<vmem_shared>> -> memref<25x16xf32, #tpu.memory_space<vmem_shared>>
        tpu.wait_dma2 semaphore(%run_scoped3A : memref<!tpu.dma_semaphore, #tpu.memory_space<semaphore_mem>>) src(%arg30 : memref<25x16xf32, #tpu.memory_space<vmem>>) dst(%dma_wait3A_484 : memref<25x16xf32, #tpu.memory_space<vmem_shared>>)
        tpu.yield
      }) : () -> ()
      %add3A_459 = arith.constant 400 : i32
      %add3A_460 = arith.addi %mul3A_0, %add3A_459 : i32
      "tpu.region"() ({
        %run_scoped3A = tpu.sem_alloc : memref<!tpu.dma_semaphore, #tpu.memory_space<semaphore_mem>>
        %dma_start3A_477 = arith.constant 0 : i32
        %dma_start3A_478 = tpu.memref_slice %arg31[%add3A_460, %dma_start3A_477] : memref<10000x16xf32, #tpu.memory_space<vmem_shared>> -> memref<25x16xf32, #tpu.memory_space<vmem_shared>>
        %dma_start3A_479 = arith.constant 0 : i32
        %dma_start3A_480 = tpu.memref_slice %arg31[%add3A_460, %dma_start3A_479] : memref<10000x16xf32, #tpu.memory_space<vmem_shared>> -> memref<25x16xf32, #tpu.memory_space<vmem_shared>>
        tpu.enqueue_dma source(%arg30 : memref<25x16xf32, #tpu.memory_space<vmem>>) target(%dma_start3A_480 : memref<25x16xf32, #tpu.memory_space<vmem_shared>>) target_semaphore(%run_scoped3A : memref<!tpu.dma_semaphore, #tpu.memory_space<semaphore_mem>>)
        %dma_wait3A_481 = arith.constant 0 : i32
        %dma_wait3A_482 = tpu.memref_slice %arg31[%add3A_460, %dma_wait3A_481] : memref<10000x16xf32, #tpu.memory_space<vmem_shared>> -> memref<25x16xf32, #tpu.memory_space<vmem_shared>>
        %dma_wait3A_483 = arith.constant 0 : i32
        %dma_wait3A_484 = tpu.memref_slice %arg31[%add3A_460, %dma_wait3A_483] : memref<10000x16xf32, #tpu.memory_space<vmem_shared>> -> memref<25x16xf32, #tpu.memory_space<vmem_shared>>
        tpu.wait_dma2 semaphore(%run_scoped3A : memref<!tpu.dma_semaphore, #tpu.memory_space<semaphore_mem>>) src(%arg30 : memref<25x16xf32, #tpu.memory_space<vmem>>) dst(%dma_wait3A_484 : memref<25x16xf32, #tpu.memory_space<vmem_shared>>)
        tpu.yield
      }) : () -> ()
      %add3A_461 = arith.constant 425 : i32
      %add3A_462 = arith.addi %mul3A_0, %add3A_461 : i32
      "tpu.region"() ({
        %run_scoped3A = tpu.sem_alloc : memref<!tpu.dma_semaphore, #tpu.memory_space<semaphore_mem>>
        %dma_start3A_477 = arith.constant 0 : i32
        %dma_start3A_478 = tpu.memref_slice %arg31[%add3A_462, %dma_start3A_477] : memref<10000x16xf32, #tpu.memory_space<vmem_shared>> -> memref<25x16xf32, #tpu.memory_space<vmem_shared>>
        %dma_start3A_479 = arith.constant 0 : i32
        %dma_start3A_480 = tpu.memref_slice %arg31[%add3A_462, %dma_start3A_479] : memref<10000x16xf32, #tpu.memory_space<vmem_shared>> -> memref<25x16xf32, #tpu.memory_space<vmem_shared>>
        tpu.enqueue_dma source(%arg30 : memref<25x16xf32, #tpu.memory_space<vmem>>) target(%dma_start3A_480 : memref<25x16xf32, #tpu.memory_space<vmem_shared>>) target_semaphore(%run_scoped3A : memref<!tpu.dma_semaphore, #tpu.memory_space<semaphore_mem>>)
        %dma_wait3A_481 = arith.constant 0 : i32
        %dma_wait3A_482 = tpu.memref_slice %arg31[%add3A_462, %dma_wait3A_481] : memref<10000x16xf32, #tpu.memory_space<vmem_shared>> -> memref<25x16xf32, #tpu.memory_space<vmem_shared>>
        %dma_wait3A_483 = arith.constant 0 : i32
        %dma_wait3A_484 = tpu.memref_slice %arg31[%add3A_462, %dma_wait3A_483] : memref<10000x16xf32, #tpu.memory_space<vmem_shared>> -> memref<25x16xf32, #tpu.memory_space<vmem_shared>>
        tpu.wait_dma2 semaphore(%run_scoped3A : memref<!tpu.dma_semaphore, #tpu.memory_space<semaphore_mem>>) src(%arg30 : memref<25x16xf32, #tpu.memory_space<vmem>>) dst(%dma_wait3A_484 : memref<25x16xf32, #tpu.memory_space<vmem_shared>>)
        tpu.yield
      }) : () -> ()
      %add3A_463 = arith.constant 450 : i32
      %add3A_464 = arith.addi %mul3A_0, %add3A_463 : i32
      "tpu.region"() ({
        %run_scoped3A = tpu.sem_alloc : memref<!tpu.dma_semaphore, #tpu.memory_space<semaphore_mem>>
        %dma_start3A_477 = arith.constant 0 : i32
        %dma_start3A_478 = tpu.memref_slice %arg31[%add3A_464, %dma_start3A_477] : memref<10000x16xf32, #tpu.memory_space<vmem_shared>> -> memref<25x16xf32, #tpu.memory_space<vmem_shared>>
        %dma_start3A_479 = arith.constant 0 : i32
        %dma_start3A_480 = tpu.memref_slice %arg31[%add3A_464, %dma_start3A_479] : memref<10000x16xf32, #tpu.memory_space<vmem_shared>> -> memref<25x16xf32, #tpu.memory_space<vmem_shared>>
        tpu.enqueue_dma source(%arg30 : memref<25x16xf32, #tpu.memory_space<vmem>>) target(%dma_start3A_480 : memref<25x16xf32, #tpu.memory_space<vmem_shared>>) target_semaphore(%run_scoped3A : memref<!tpu.dma_semaphore, #tpu.memory_space<semaphore_mem>>)
        %dma_wait3A_481 = arith.constant 0 : i32
        %dma_wait3A_482 = tpu.memref_slice %arg31[%add3A_464, %dma_wait3A_481] : memref<10000x16xf32, #tpu.memory_space<vmem_shared>> -> memref<25x16xf32, #tpu.memory_space<vmem_shared>>
        %dma_wait3A_483 = arith.constant 0 : i32
        %dma_wait3A_484 = tpu.memref_slice %arg31[%add3A_464, %dma_wait3A_483] : memref<10000x16xf32, #tpu.memory_space<vmem_shared>> -> memref<25x16xf32, #tpu.memory_space<vmem_shared>>
        tpu.wait_dma2 semaphore(%run_scoped3A : memref<!tpu.dma_semaphore, #tpu.memory_space<semaphore_mem>>) src(%arg30 : memref<25x16xf32, #tpu.memory_space<vmem>>) dst(%dma_wait3A_484 : memref<25x16xf32, #tpu.memory_space<vmem_shared>>)
        tpu.yield
      }) : () -> ()
      %add3A_465 = arith.constant 475 : i32
      %add3A_466 = arith.addi %mul3A_0, %add3A_465 : i32
      "tpu.region"() ({
        %run_scoped3A = tpu.sem_alloc : memref<!tpu.dma_semaphore, #tpu.memory_space<semaphore_mem>>
        %dma_start3A_477 = arith.constant 0 : i32
        %dma_start3A_478 = tpu.memref_slice %arg31[%add3A_466, %dma_start3A_477] : memref<10000x16xf32, #tpu.memory_space<vmem_shared>> -> memref<25x16xf32, #tpu.memory_space<vmem_shared>>
        %dma_start3A_479 = arith.constant 0 : i32
        %dma_start3A_480 = tpu.memref_slice %arg31[%add3A_466, %dma_start3A_479] : memref<10000x16xf32, #tpu.memory_space<vmem_shared>> -> memref<25x16xf32, #tpu.memory_space<vmem_shared>>
        tpu.enqueue_dma source(%arg30 : memref<25x16xf32, #tpu.memory_space<vmem>>) target(%dma_start3A_480 : memref<25x16xf32, #tpu.memory_space<vmem_shared>>) target_semaphore(%run_scoped3A : memref<!tpu.dma_semaphore, #tpu.memory_space<semaphore_mem>>)
        %dma_wait3A_481 = arith.constant 0 : i32
        %dma_wait3A_482 = tpu.memref_slice %arg31[%add3A_466, %dma_wait3A_481] : memref<10000x16xf32, #tpu.memory_space<vmem_shared>> -> memref<25x16xf32, #tpu.memory_space<vmem_shared>>
        %dma_wait3A_483 = arith.constant 0 : i32
        %dma_wait3A_484 = tpu.memref_slice %arg31[%add3A_466, %dma_wait3A_483] : memref<10000x16xf32, #tpu.memory_space<vmem_shared>> -> memref<25x16xf32, #tpu.memory_space<vmem_shared>>
        tpu.wait_dma2 semaphore(%run_scoped3A : memref<!tpu.dma_semaphore, #tpu.memory_space<semaphore_mem>>) src(%arg30 : memref<25x16xf32, #tpu.memory_space<vmem>>) dst(%dma_wait3A_484 : memref<25x16xf32, #tpu.memory_space<vmem_shared>>)
        tpu.yield
      }) : () -> ()
      %add3A_467 = arith.constant 500 : i32
      %add3A_468 = arith.addi %mul3A_0, %add3A_467 : i32
      "tpu.region"() ({
        %run_scoped3A = tpu.sem_alloc : memref<!tpu.dma_semaphore, #tpu.memory_space<semaphore_mem>>
        %dma_start3A_477 = arith.constant 0 : i32
        %dma_start3A_478 = tpu.memref_slice %arg31[%add3A_468, %dma_start3A_477] : memref<10000x16xf32, #tpu.memory_space<vmem_shared>> -> memref<25x16xf32, #tpu.memory_space<vmem_shared>>
        %dma_start3A_479 = arith.constant 0 : i32
        %dma_start3A_480 = tpu.memref_slice %arg31[%add3A_468, %dma_start3A_479] : memref<10000x16xf32, #tpu.memory_space<vmem_shared>> -> memref<25x16xf32, #tpu.memory_space<vmem_shared>>
        tpu.enqueue_dma source(%arg30 : memref<25x16xf32, #tpu.memory_space<vmem>>) target(%dma_start3A_480 : memref<25x16xf32, #tpu.memory_space<vmem_shared>>) target_semaphore(%run_scoped3A : memref<!tpu.dma_semaphore, #tpu.memory_space<semaphore_mem>>)
        %dma_wait3A_481 = arith.constant 0 : i32
        %dma_wait3A_482 = tpu.memref_slice %arg31[%add3A_468, %dma_wait3A_481] : memref<10000x16xf32, #tpu.memory_space<vmem_shared>> -> memref<25x16xf32, #tpu.memory_space<vmem_shared>>
        %dma_wait3A_483 = arith.constant 0 : i32
        %dma_wait3A_484 = tpu.memref_slice %arg31[%add3A_468, %dma_wait3A_483] : memref<10000x16xf32, #tpu.memory_space<vmem_shared>> -> memref<25x16xf32, #tpu.memory_space<vmem_shared>>
        tpu.wait_dma2 semaphore(%run_scoped3A : memref<!tpu.dma_semaphore, #tpu.memory_space<semaphore_mem>>) src(%arg30 : memref<25x16xf32, #tpu.memory_space<vmem>>) dst(%dma_wait3A_484 : memref<25x16xf32, #tpu.memory_space<vmem_shared>>)
        tpu.yield
      }) : () -> ()
      %add3A_469 = arith.constant 525 : i32
      %add3A_470 = arith.addi %mul3A_0, %add3A_469 : i32
      "tpu.region"() ({
        %run_scoped3A = tpu.sem_alloc : memref<!tpu.dma_semaphore, #tpu.memory_space<semaphore_mem>>
        %dma_start3A_477 = arith.constant 0 : i32
        %dma_start3A_478 = tpu.memref_slice %arg31[%add3A_470, %dma_start3A_477] : memref<10000x16xf32, #tpu.memory_space<vmem_shared>> -> memref<25x16xf32, #tpu.memory_space<vmem_shared>>
        %dma_start3A_479 = arith.constant 0 : i32
        %dma_start3A_480 = tpu.memref_slice %arg31[%add3A_470, %dma_start3A_479] : memref<10000x16xf32, #tpu.memory_space<vmem_shared>> -> memref<25x16xf32, #tpu.memory_space<vmem_shared>>
        tpu.enqueue_dma source(%arg30 : memref<25x16xf32, #tpu.memory_space<vmem>>) target(%dma_start3A_480 : memref<25x16xf32, #tpu.memory_space<vmem_shared>>) target_semaphore(%run_scoped3A : memref<!tpu.dma_semaphore, #tpu.memory_space<semaphore_mem>>)
        %dma_wait3A_481 = arith.constant 0 : i32
        %dma_wait3A_482 = tpu.memref_slice %arg31[%add3A_470, %dma_wait3A_481] : memref<10000x16xf32, #tpu.memory_space<vmem_shared>> -> memref<25x16xf32, #tpu.memory_space<vmem_shared>>
        %dma_wait3A_483 = arith.constant 0 : i32
        %dma_wait3A_484 = tpu.memref_slice %arg31[%add3A_470, %dma_wait3A_483] : memref<10000x16xf32, #tpu.memory_space<vmem_shared>> -> memref<25x16xf32, #tpu.memory_space<vmem_shared>>
        tpu.wait_dma2 semaphore(%run_scoped3A : memref<!tpu.dma_semaphore, #tpu.memory_space<semaphore_mem>>) src(%arg30 : memref<25x16xf32, #tpu.memory_space<vmem>>) dst(%dma_wait3A_484 : memref<25x16xf32, #tpu.memory_space<vmem_shared>>)
        tpu.yield
      }) : () -> ()
      %add3A_471 = arith.constant 550 : i32
      %add3A_472 = arith.addi %mul3A_0, %add3A_471 : i32
      "tpu.region"() ({
        %run_scoped3A = tpu.sem_alloc : memref<!tpu.dma_semaphore, #tpu.memory_space<semaphore_mem>>
        %dma_start3A_477 = arith.constant 0 : i32
        %dma_start3A_478 = tpu.memref_slice %arg31[%add3A_472, %dma_start3A_477] : memref<10000x16xf32, #tpu.memory_space<vmem_shared>> -> memref<25x16xf32, #tpu.memory_space<vmem_shared>>
        %dma_start3A_479 = arith.constant 0 : i32
        %dma_start3A_480 = tpu.memref_slice %arg31[%add3A_472, %dma_start3A_479] : memref<10000x16xf32, #tpu.memory_space<vmem_shared>> -> memref<25x16xf32, #tpu.memory_space<vmem_shared>>
        tpu.enqueue_dma source(%arg30 : memref<25x16xf32, #tpu.memory_space<vmem>>) target(%dma_start3A_480 : memref<25x16xf32, #tpu.memory_space<vmem_shared>>) target_semaphore(%run_scoped3A : memref<!tpu.dma_semaphore, #tpu.memory_space<semaphore_mem>>)
        %dma_wait3A_481 = arith.constant 0 : i32
        %dma_wait3A_482 = tpu.memref_slice %arg31[%add3A_472, %dma_wait3A_481] : memref<10000x16xf32, #tpu.memory_space<vmem_shared>> -> memref<25x16xf32, #tpu.memory_space<vmem_shared>>
        %dma_wait3A_483 = arith.constant 0 : i32
        %dma_wait3A_484 = tpu.memref_slice %arg31[%add3A_472, %dma_wait3A_483] : memref<10000x16xf32, #tpu.memory_space<vmem_shared>> -> memref<25x16xf32, #tpu.memory_space<vmem_shared>>
        tpu.wait_dma2 semaphore(%run_scoped3A : memref<!tpu.dma_semaphore, #tpu.memory_space<semaphore_mem>>) src(%arg30 : memref<25x16xf32, #tpu.memory_space<vmem>>) dst(%dma_wait3A_484 : memref<25x16xf32, #tpu.memory_space<vmem_shared>>)
        tpu.yield
      }) : () -> ()
      %add3A_473 = arith.constant 575 : i32
      %add3A_474 = arith.addi %mul3A_0, %add3A_473 : i32
      "tpu.region"() ({
        %run_scoped3A = tpu.sem_alloc : memref<!tpu.dma_semaphore, #tpu.memory_space<semaphore_mem>>
        %dma_start3A_477 = arith.constant 0 : i32
        %dma_start3A_478 = tpu.memref_slice %arg31[%add3A_474, %dma_start3A_477] : memref<10000x16xf32, #tpu.memory_space<vmem_shared>> -> memref<25x16xf32, #tpu.memory_space<vmem_shared>>
        %dma_start3A_479 = arith.constant 0 : i32
        %dma_start3A_480 = tpu.memref_slice %arg31[%add3A_474, %dma_start3A_479] : memref<10000x16xf32, #tpu.memory_space<vmem_shared>> -> memref<25x16xf32, #tpu.memory_space<vmem_shared>>
        tpu.enqueue_dma source(%arg30 : memref<25x16xf32, #tpu.memory_space<vmem>>) target(%dma_start3A_480 : memref<25x16xf32, #tpu.memory_space<vmem_shared>>) target_semaphore(%run_scoped3A : memref<!tpu.dma_semaphore, #tpu.memory_space<semaphore_mem>>)
        %dma_wait3A_481 = arith.constant 0 : i32
        %dma_wait3A_482 = tpu.memref_slice %arg31[%add3A_474, %dma_wait3A_481] : memref<10000x16xf32, #tpu.memory_space<vmem_shared>> -> memref<25x16xf32, #tpu.memory_space<vmem_shared>>
        %dma_wait3A_483 = arith.constant 0 : i32
        %dma_wait3A_484 = tpu.memref_slice %arg31[%add3A_474, %dma_wait3A_483] : memref<10000x16xf32, #tpu.memory_space<vmem_shared>> -> memref<25x16xf32, #tpu.memory_space<vmem_shared>>
        tpu.wait_dma2 semaphore(%run_scoped3A : memref<!tpu.dma_semaphore, #tpu.memory_space<semaphore_mem>>) src(%arg30 : memref<25x16xf32, #tpu.memory_space<vmem>>) dst(%dma_wait3A_484 : memref<25x16xf32, #tpu.memory_space<vmem_shared>>)
        tpu.yield
      }) : () -> ()
      %add3A_475 = arith.constant 600 : i32
      %add3A_476 = arith.addi %mul3A_0, %add3A_475 : i32
      "tpu.region"() ({
        %run_scoped3A = tpu.sem_alloc : memref<!tpu.dma_semaphore, #tpu.memory_space<semaphore_mem>>
        %dma_start3A_477 = arith.constant 0 : i32
        %dma_start3A_478 = tpu.memref_slice %arg31[%add3A_476, %dma_start3A_477] : memref<10000x16xf32, #tpu.memory_space<vmem_shared>> -> memref<25x16xf32, #tpu.memory_space<vmem_shared>>
        %dma_start3A_479 = arith.constant 0 : i32
        %dma_start3A_480 = tpu.memref_slice %arg31[%add3A_476, %dma_start3A_479] : memref<10000x16xf32, #tpu.memory_space<vmem_shared>> -> memref<25x16xf32, #tpu.memory_space<vmem_shared>>
        tpu.enqueue_dma source(%arg30 : memref<25x16xf32, #tpu.memory_space<vmem>>) target(%dma_start3A_480 : memref<25x16xf32, #tpu.memory_space<vmem_shared>>) target_semaphore(%run_scoped3A : memref<!tpu.dma_semaphore, #tpu.memory_space<semaphore_mem>>)
        %dma_wait3A_481 = arith.constant 0 : i32
        %dma_wait3A_482 = tpu.memref_slice %arg31[%add3A_476, %dma_wait3A_481] : memref<10000x16xf32, #tpu.memory_space<vmem_shared>> -> memref<25x16xf32, #tpu.memory_space<vmem_shared>>
        %dma_wait3A_483 = arith.constant 0 : i32
        %dma_wait3A_484 = tpu.memref_slice %arg31[%add3A_476, %dma_wait3A_483] : memref<10000x16xf32, #tpu.memory_space<vmem_shared>> -> memref<25x16xf32, #tpu.memory_space<vmem_shared>>
        tpu.wait_dma2 semaphore(%run_scoped3A : memref<!tpu.dma_semaphore, #tpu.memory_space<semaphore_mem>>) src(%arg30 : memref<25x16xf32, #tpu.memory_space<vmem>>) dst(%dma_wait3A_484 : memref<25x16xf32, #tpu.memory_space<vmem_shared>>)
        tpu.yield
      }) : () -> ()
    } else {
    }
    %barrier3A = arith.constant 0 : index
    tpu.barrier barrier_id(%barrier3A)
    %dma_start3A = arith.constant 0 : i32
    %dma_start3A_63 = arith.constant 0 : i32
    %dma_start3A_64 = tpu.memref_slice %arg7[%dma_start3A, %dma_start3A_63] : memref<250x80xi32, #tpu.memory_space<vmem>> -> memref<1x80xi32, #tpu.memory_space<vmem>>
    %dma_start3A_65 = tpu.memref_squeeze %dma_start3A_64 : memref<1x80xi32, #tpu.memory_space<vmem>> -> memref<80xi32, #tpu.memory_space<vmem>>
    %dma_start3A_66 = arith.constant 0 : i32
    %dma_start3A_67 = arith.constant 0 : i32
    %dma_start3A_68 = tpu.memref_slice %arg2[%dma_start3A_66, %dma_start3A_67] : memref<20000x64xf32, #tpu.memory_space<hbm>> -> memref<20000x64xf32, #tpu.memory_space<hbm>>
    tpu.enqueue_indirect_dma source(%dma_start3A_68 : memref<20000x64xf32, #tpu.memory_space<hbm>>) target(%arg9 : memref<80x64xf32, #tpu.memory_space<vmem>>) offsets(%dma_start3A_65 : memref<80xi32, #tpu.memory_space<vmem>>) semaphore(%arg17 : memref<!tpu.dma_semaphore, #tpu.memory_space<semaphore_mem>>)
    %dma_start3A_69 = arith.constant 1 : i32
    %dma_start3A_70 = arith.constant 0 : i32
    %dma_start3A_71 = tpu.memref_slice %arg7[%dma_start3A_69, %dma_start3A_70] : memref<250x80xi32, #tpu.memory_space<vmem>> -> memref<1x80xi32, #tpu.memory_space<vmem>>
    %dma_start3A_72 = tpu.memref_squeeze %dma_start3A_71 : memref<1x80xi32, #tpu.memory_space<vmem>> -> memref<80xi32, #tpu.memory_space<vmem>>
    %dma_start3A_73 = arith.constant 0 : i32
    %dma_start3A_74 = arith.constant 0 : i32
    %dma_start3A_75 = tpu.memref_slice %arg2[%dma_start3A_73, %dma_start3A_74] : memref<20000x64xf32, #tpu.memory_space<hbm>> -> memref<20000x64xf32, #tpu.memory_space<hbm>>
    tpu.enqueue_indirect_dma source(%dma_start3A_75 : memref<20000x64xf32, #tpu.memory_space<hbm>>) target(%arg10 : memref<80x64xf32, #tpu.memory_space<vmem>>) offsets(%dma_start3A_72 : memref<80xi32, #tpu.memory_space<vmem>>) semaphore(%arg18 : memref<!tpu.dma_semaphore, #tpu.memory_space<semaphore_mem>>)
    %dma_start3A_76 = arith.constant 2 : i32
    %dma_start3A_77 = arith.constant 0 : i32
    %dma_start3A_78 = tpu.memref_slice %arg7[%dma_start3A_76, %dma_start3A_77] : memref<250x80xi32, #tpu.memory_space<vmem>> -> memref<1x80xi32, #tpu.memory_space<vmem>>
    %dma_start3A_79 = tpu.memref_squeeze %dma_start3A_78 : memref<1x80xi32, #tpu.memory_space<vmem>> -> memref<80xi32, #tpu.memory_space<vmem>>
    %dma_start3A_80 = arith.constant 0 : i32
    %dma_start3A_81 = arith.constant 0 : i32
    %dma_start3A_82 = tpu.memref_slice %arg2[%dma_start3A_80, %dma_start3A_81] : memref<20000x64xf32, #tpu.memory_space<hbm>> -> memref<20000x64xf32, #tpu.memory_space<hbm>>
    tpu.enqueue_indirect_dma source(%dma_start3A_82 : memref<20000x64xf32, #tpu.memory_space<hbm>>) target(%arg11 : memref<80x64xf32, #tpu.memory_space<vmem>>) offsets(%dma_start3A_79 : memref<80xi32, #tpu.memory_space<vmem>>) semaphore(%arg19 : memref<!tpu.dma_semaphore, #tpu.memory_space<semaphore_mem>>)
    %dma_wait3A = arith.constant 0 : i32
    %dma_wait3A_83 = arith.constant 0 : i32
    %dma_wait3A_84 = tpu.memref_slice %arg7[%dma_wait3A, %dma_wait3A_83] : memref<250x80xi32, #tpu.memory_space<vmem>> -> memref<1x80xi32, #tpu.memory_space<vmem>>
    %dma_wait3A_85 = tpu.memref_squeeze %dma_wait3A_84 : memref<1x80xi32, #tpu.memory_space<vmem>> -> memref<80xi32, #tpu.memory_space<vmem>>
    %dma_wait3A_86 = arith.constant 0 : i32
    %dma_wait3A_87 = arith.constant 0 : i32
    %dma_wait3A_88 = tpu.memref_slice %arg2[%dma_wait3A_86, %dma_wait3A_87] : memref<20000x64xf32, #tpu.memory_space<hbm>> -> memref<20000x64xf32, #tpu.memory_space<hbm>>
    tpu.wait_indirect_dma semaphore(%arg17 : memref<!tpu.dma_semaphore, #tpu.memory_space<semaphore_mem>>) src(%dma_wait3A_88 : memref<20000x64xf32, #tpu.memory_space<hbm>>) dst(%arg9 : memref<80x64xf32, #tpu.memory_space<vmem>>)
    %dma_start3A_89 = arith.constant 0 : i32
    %dma_start3A_90 = arith.constant 0 : i32
    %dma_start3A_91 = tpu.memref_slice %arg8[%dma_start3A_89, %dma_start3A_90] : memref<250x80xi32, #tpu.memory_space<vmem>> -> memref<1x80xi32, #tpu.memory_space<vmem>>
    %dma_start3A_92 = tpu.memref_squeeze %dma_start3A_91 : memref<1x80xi32, #tpu.memory_space<vmem>> -> memref<80xi32, #tpu.memory_space<vmem>>
    %dma_start3A_93 = arith.constant 0 : i32
    %dma_start3A_94 = arith.constant 0 : i32
    %dma_start3A_95 = tpu.memref_slice %arg16[%dma_start3A_93, %dma_start3A_94] : memref<10000x64xf32, #tpu.memory_space<vmem_shared>> -> memref<10000x64xf32, #tpu.memory_space<vmem_shared>>
    tpu.enqueue_indirect_dma source(%arg9 : memref<80x64xf32, #tpu.memory_space<vmem>>) target(%dma_start3A_95 : memref<10000x64xf32, #tpu.memory_space<vmem_shared>>) offsets(%dma_start3A_92 : memref<80xi32, #tpu.memory_space<vmem>>) semaphore(%arg23 : memref<!tpu.dma_semaphore, #tpu.memory_space<semaphore_mem>>) {add = true}
    %convert_element_type3A_96 = arith.extui %eq3A_1 : i1 to i32
    %cond3A_97 = arith.constant 0 : i32
    %cond3A_98 = arith.cmpi ne, %convert_element_type3A_96, %cond3A_97 : i32
    scf.if %cond3A_98 {
      %dma_start3A_413 = arith.constant 0 : i32
      %dma_start3A_414 = arith.constant 0 : i32
      %dma_start3A_415 = tpu.memref_slice %arg8[%dma_start3A_413, %dma_start3A_414] : memref<250x80xi32, #tpu.memory_space<vmem>> -> memref<1x80xi32, #tpu.memory_space<vmem>>
      %dma_start3A_416 = tpu.memref_squeeze %dma_start3A_415 : memref<1x80xi32, #tpu.memory_space<vmem>> -> memref<80xi32, #tpu.memory_space<vmem>>
      %dma_start3A_417 = arith.constant 0 : i32
      %dma_start3A_418 = arith.constant 0 : i32
      %dma_start3A_419 = tpu.memref_slice %arg31[%dma_start3A_417, %dma_start3A_418] : memref<10000x16xf32, #tpu.memory_space<vmem_shared>> -> memref<10000x16xf32, #tpu.memory_space<vmem_shared>>
      tpu.enqueue_indirect_dma source(%arg29 : memref<80x16xf32, #tpu.memory_space<vmem>>) target(%dma_start3A_419 : memref<10000x16xf32, #tpu.memory_space<vmem_shared>>) offsets(%dma_start3A_416 : memref<80xi32, #tpu.memory_space<vmem>>) semaphore(%arg32 : memref<!tpu.dma_semaphore, #tpu.memory_space<semaphore_mem>>) {add = true}
    } else {
    }
    %dma_start3A_99 = arith.constant 3 : i32
    %dma_start3A_100 = arith.constant 0 : i32
    %dma_start3A_101 = tpu.memref_slice %arg7[%dma_start3A_99, %dma_start3A_100] : memref<250x80xi32, #tpu.memory_space<vmem>> -> memref<1x80xi32, #tpu.memory_space<vmem>>
    %dma_start3A_102 = tpu.memref_squeeze %dma_start3A_101 : memref<1x80xi32, #tpu.memory_space<vmem>> -> memref<80xi32, #tpu.memory_space<vmem>>
    %dma_start3A_103 = arith.constant 0 : i32
    %dma_start3A_104 = arith.constant 0 : i32
    %dma_start3A_105 = tpu.memref_slice %arg2[%dma_start3A_103, %dma_start3A_104] : memref<20000x64xf32, #tpu.memory_space<hbm>> -> memref<20000x64xf32, #tpu.memory_space<hbm>>
    tpu.enqueue_indirect_dma source(%dma_start3A_105 : memref<20000x64xf32, #tpu.memory_space<hbm>>) target(%arg12 : memref<80x64xf32, #tpu.memory_space<vmem>>) offsets(%dma_start3A_102 : memref<80xi32, #tpu.memory_space<vmem>>) semaphore(%arg20 : memref<!tpu.dma_semaphore, #tpu.memory_space<semaphore_mem>>)
    %dma_wait3A_106 = arith.constant 1 : i32
    %dma_wait3A_107 = arith.constant 0 : i32
    %dma_wait3A_108 = tpu.memref_slice %arg7[%dma_wait3A_106, %dma_wait3A_107] : memref<250x80xi32, #tpu.memory_space<vmem>> -> memref<1x80xi32, #tpu.memory_space<vmem>>
    %dma_wait3A_109 = tpu.memref_squeeze %dma_wait3A_108 : memref<1x80xi32, #tpu.memory_space<vmem>> -> memref<80xi32, #tpu.memory_space<vmem>>
    %dma_wait3A_110 = arith.constant 0 : i32
    %dma_wait3A_111 = arith.constant 0 : i32
    %dma_wait3A_112 = tpu.memref_slice %arg2[%dma_wait3A_110, %dma_wait3A_111] : memref<20000x64xf32, #tpu.memory_space<hbm>> -> memref<20000x64xf32, #tpu.memory_space<hbm>>
    tpu.wait_indirect_dma semaphore(%arg18 : memref<!tpu.dma_semaphore, #tpu.memory_space<semaphore_mem>>) src(%dma_wait3A_112 : memref<20000x64xf32, #tpu.memory_space<hbm>>) dst(%arg10 : memref<80x64xf32, #tpu.memory_space<vmem>>)
    %dma_start3A_113 = arith.constant 1 : i32
    %dma_start3A_114 = arith.constant 0 : i32
    %dma_start3A_115 = tpu.memref_slice %arg8[%dma_start3A_113, %dma_start3A_114] : memref<250x80xi32, #tpu.memory_space<vmem>> -> memref<1x80xi32, #tpu.memory_space<vmem>>
    %dma_start3A_116 = tpu.memref_squeeze %dma_start3A_115 : memref<1x80xi32, #tpu.memory_space<vmem>> -> memref<80xi32, #tpu.memory_space<vmem>>
    %dma_start3A_117 = arith.constant 0 : i32
    %dma_start3A_118 = arith.constant 0 : i32
    %dma_start3A_119 = tpu.memref_slice %arg16[%dma_start3A_117, %dma_start3A_118] : memref<10000x64xf32, #tpu.memory_space<vmem_shared>> -> memref<10000x64xf32, #tpu.memory_space<vmem_shared>>
    tpu.enqueue_indirect_dma source(%arg10 : memref<80x64xf32, #tpu.memory_space<vmem>>) target(%dma_start3A_119 : memref<10000x64xf32, #tpu.memory_space<vmem_shared>>) offsets(%dma_start3A_116 : memref<80xi32, #tpu.memory_space<vmem>>) semaphore(%arg24 : memref<!tpu.dma_semaphore, #tpu.memory_space<semaphore_mem>>) {add = true}
    %convert_element_type3A_120 = arith.extui %eq3A_1 : i1 to i32
    %cond3A_121 = arith.constant 0 : i32
    %cond3A_122 = arith.cmpi ne, %convert_element_type3A_120, %cond3A_121 : i32
    scf.if %cond3A_122 {
      %dma_start3A_413 = arith.constant 1 : i32
      %dma_start3A_414 = arith.constant 0 : i32
      %dma_start3A_415 = tpu.memref_slice %arg8[%dma_start3A_413, %dma_start3A_414] : memref<250x80xi32, #tpu.memory_space<vmem>> -> memref<1x80xi32, #tpu.memory_space<vmem>>
      %dma_start3A_416 = tpu.memref_squeeze %dma_start3A_415 : memref<1x80xi32, #tpu.memory_space<vmem>> -> memref<80xi32, #tpu.memory_space<vmem>>
      %dma_start3A_417 = arith.constant 0 : i32
      %dma_start3A_418 = arith.constant 0 : i32
      %dma_start3A_419 = tpu.memref_slice %arg31[%dma_start3A_417, %dma_start3A_418] : memref<10000x16xf32, #tpu.memory_space<vmem_shared>> -> memref<10000x16xf32, #tpu.memory_space<vmem_shared>>
      tpu.enqueue_indirect_dma source(%arg29 : memref<80x16xf32, #tpu.memory_space<vmem>>) target(%dma_start3A_419 : memref<10000x16xf32, #tpu.memory_space<vmem_shared>>) offsets(%dma_start3A_416 : memref<80xi32, #tpu.memory_space<vmem>>) semaphore(%arg33 : memref<!tpu.dma_semaphore, #tpu.memory_space<semaphore_mem>>) {add = true}
    } else {
    }
    %dma_start3A_123 = arith.constant 4 : i32
    %dma_start3A_124 = arith.constant 0 : i32
    %dma_start3A_125 = tpu.memref_slice %arg7[%dma_start3A_123, %dma_start3A_124] : memref<250x80xi32, #tpu.memory_space<vmem>> -> memref<1x80xi32, #tpu.memory_space<vmem>>
    %dma_start3A_126 = tpu.memref_squeeze %dma_start3A_125 : memref<1x80xi32, #tpu.memory_space<vmem>> -> memref<80xi32, #tpu.memory_space<vmem>>
    %dma_start3A_127 = arith.constant 0 : i32
    %dma_start3A_128 = arith.constant 0 : i32
    %dma_start3A_129 = tpu.memref_slice %arg2[%dma_start3A_127, %dma_start3A_128] : memref<20000x64xf32, #tpu.memory_space<hbm>> -> memref<20000x64xf32, #tpu.memory_space<hbm>>
    tpu.enqueue_indirect_dma source(%dma_start3A_129 : memref<20000x64xf32, #tpu.memory_space<hbm>>) target(%arg13 : memref<80x64xf32, #tpu.memory_space<vmem>>) offsets(%dma_start3A_126 : memref<80xi32, #tpu.memory_space<vmem>>) semaphore(%arg21 : memref<!tpu.dma_semaphore, #tpu.memory_space<semaphore_mem>>)
    %dma_wait3A_130 = arith.constant 2 : i32
    %dma_wait3A_131 = arith.constant 0 : i32
    %dma_wait3A_132 = tpu.memref_slice %arg7[%dma_wait3A_130, %dma_wait3A_131] : memref<250x80xi32, #tpu.memory_space<vmem>> -> memref<1x80xi32, #tpu.memory_space<vmem>>
    %dma_wait3A_133 = tpu.memref_squeeze %dma_wait3A_132 : memref<1x80xi32, #tpu.memory_space<vmem>> -> memref<80xi32, #tpu.memory_space<vmem>>
    %dma_wait3A_134 = arith.constant 0 : i32
    %dma_wait3A_135 = arith.constant 0 : i32
    %dma_wait3A_136 = tpu.memref_slice %arg2[%dma_wait3A_134, %dma_wait3A_135] : memref<20000x64xf32, #tpu.memory_space<hbm>> -> memref<20000x64xf32, #tpu.memory_space<hbm>>
    tpu.wait_indirect_dma semaphore(%arg19 : memref<!tpu.dma_semaphore, #tpu.memory_space<semaphore_mem>>) src(%dma_wait3A_136 : memref<20000x64xf32, #tpu.memory_space<hbm>>) dst(%arg11 : memref<80x64xf32, #tpu.memory_space<vmem>>)
    %dma_start3A_137 = arith.constant 2 : i32
    %dma_start3A_138 = arith.constant 0 : i32
    %dma_start3A_139 = tpu.memref_slice %arg8[%dma_start3A_137, %dma_start3A_138] : memref<250x80xi32, #tpu.memory_space<vmem>> -> memref<1x80xi32, #tpu.memory_space<vmem>>
    %dma_start3A_140 = tpu.memref_squeeze %dma_start3A_139 : memref<1x80xi32, #tpu.memory_space<vmem>> -> memref<80xi32, #tpu.memory_space<vmem>>
    %dma_start3A_141 = arith.constant 0 : i32
    %dma_start3A_142 = arith.constant 0 : i32
    %dma_start3A_143 = tpu.memref_slice %arg16[%dma_start3A_141, %dma_start3A_142] : memref<10000x64xf32, #tpu.memory_space<vmem_shared>> -> memref<10000x64xf32, #tpu.memory_space<vmem_shared>>
    tpu.enqueue_indirect_dma source(%arg11 : memref<80x64xf32, #tpu.memory_space<vmem>>) target(%dma_start3A_143 : memref<10000x64xf32, #tpu.memory_space<vmem_shared>>) offsets(%dma_start3A_140 : memref<80xi32, #tpu.memory_space<vmem>>) semaphore(%arg25 : memref<!tpu.dma_semaphore, #tpu.memory_space<semaphore_mem>>) {add = true}
    %convert_element_type3A_144 = arith.extui %eq3A_1 : i1 to i32
    %cond3A_145 = arith.constant 0 : i32
    %cond3A_146 = arith.cmpi ne, %convert_element_type3A_144, %cond3A_145 : i32
    scf.if %cond3A_146 {
      %dma_start3A_413 = arith.constant 2 : i32
      %dma_start3A_414 = arith.constant 0 : i32
      %dma_start3A_415 = tpu.memref_slice %arg8[%dma_start3A_413, %dma_start3A_414] : memref<250x80xi32, #tpu.memory_space<vmem>> -> memref<1x80xi32, #tpu.memory_space<vmem>>
      %dma_start3A_416 = tpu.memref_squeeze %dma_start3A_415 : memref<1x80xi32, #tpu.memory_space<vmem>> -> memref<80xi32, #tpu.memory_space<vmem>>
      %dma_start3A_417 = arith.constant 0 : i32
      %dma_start3A_418 = arith.constant 0 : i32
      %dma_start3A_419 = tpu.memref_slice %arg31[%dma_start3A_417, %dma_start3A_418] : memref<10000x16xf32, #tpu.memory_space<vmem_shared>> -> memref<10000x16xf32, #tpu.memory_space<vmem_shared>>
      tpu.enqueue_indirect_dma source(%arg29 : memref<80x16xf32, #tpu.memory_space<vmem>>) target(%dma_start3A_419 : memref<10000x16xf32, #tpu.memory_space<vmem_shared>>) offsets(%dma_start3A_416 : memref<80xi32, #tpu.memory_space<vmem>>) semaphore(%arg34 : memref<!tpu.dma_semaphore, #tpu.memory_space<semaphore_mem>>) {add = true}
    } else {
    }
    %dma_start3A_147 = arith.constant 5 : i32
    %dma_start3A_148 = arith.constant 0 : i32
    %dma_start3A_149 = tpu.memref_slice %arg7[%dma_start3A_147, %dma_start3A_148] : memref<250x80xi32, #tpu.memory_space<vmem>> -> memref<1x80xi32, #tpu.memory_space<vmem>>
    %dma_start3A_150 = tpu.memref_squeeze %dma_start3A_149 : memref<1x80xi32, #tpu.memory_space<vmem>> -> memref<80xi32, #tpu.memory_space<vmem>>
    %dma_start3A_151 = arith.constant 0 : i32
    %dma_start3A_152 = arith.constant 0 : i32
    %dma_start3A_153 = tpu.memref_slice %arg2[%dma_start3A_151, %dma_start3A_152] : memref<20000x64xf32, #tpu.memory_space<hbm>> -> memref<20000x64xf32, #tpu.memory_space<hbm>>
    tpu.enqueue_indirect_dma source(%dma_start3A_153 : memref<20000x64xf32, #tpu.memory_space<hbm>>) target(%arg14 : memref<80x64xf32, #tpu.memory_space<vmem>>) offsets(%dma_start3A_150 : memref<80xi32, #tpu.memory_space<vmem>>) semaphore(%arg22 : memref<!tpu.dma_semaphore, #tpu.memory_space<semaphore_mem>>)
    %scan3A_154 = arith.constant 0 : i32
    %scan3A_155 = arith.constant 0 : i32
    %scan3A_156 = arith.constant 40 : i32
    %scan3A_157 = arith.addi %scan3A_155, %scan3A_156 : i32
    %scan3A_158 = arith.constant 1 : i32
    scf.for %scan3A_413 = %scan3A_155 to %scan3A_157 step %scan3A_158  : i32 {
      %mul3A_414 = arith.constant 6 : i32
      %mul3A_415 = arith.muli %scan3A_413, %mul3A_414 : i32
      %add3A_416 = arith.constant 3 : i32
      %add3A_417 = arith.addi %add3A_416, %mul3A_415 : i32
      %add3A_418 = arith.constant 0 : i32
      %add3A_419 = arith.addi %add3A_417, %add3A_418 : i32
      %dma_wait3A_420 = arith.constant 0 : i32
      %dma_wait3A_421 = tpu.memref_slice %arg7[%add3A_419, %dma_wait3A_420] : memref<250x80xi32, #tpu.memory_space<vmem>> -> memref<1x80xi32, #tpu.memory_space<vmem>>
      %dma_wait3A_422 = tpu.memref_squeeze %dma_wait3A_421 : memref<1x80xi32, #tpu.memory_space<vmem>> -> memref<80xi32, #tpu.memory_space<vmem>>
      %dma_wait3A_423 = arith.constant 0 : i32
      %dma_wait3A_424 = arith.constant 0 : i32
      %dma_wait3A_425 = tpu.memref_slice %arg2[%dma_wait3A_423, %dma_wait3A_424] : memref<20000x64xf32, #tpu.memory_space<hbm>> -> memref<20000x64xf32, #tpu.memory_space<hbm>>
      tpu.wait_indirect_dma semaphore(%arg20 : memref<!tpu.dma_semaphore, #tpu.memory_space<semaphore_mem>>) src(%dma_wait3A_425 : memref<20000x64xf32, #tpu.memory_space<hbm>>) dst(%arg12 : memref<80x64xf32, #tpu.memory_space<vmem>>)
      %dma_start3A_426 = arith.constant 0 : i32
      %dma_start3A_427 = tpu.memref_slice %arg8[%add3A_419, %dma_start3A_426] : memref<250x80xi32, #tpu.memory_space<vmem>> -> memref<1x80xi32, #tpu.memory_space<vmem>>
      %dma_start3A_428 = tpu.memref_squeeze %dma_start3A_427 : memref<1x80xi32, #tpu.memory_space<vmem>> -> memref<80xi32, #tpu.memory_space<vmem>>
      %dma_start3A_429 = arith.constant 0 : i32
      %dma_start3A_430 = arith.constant 0 : i32
      %dma_start3A_431 = tpu.memref_slice %arg16[%dma_start3A_429, %dma_start3A_430] : memref<10000x64xf32, #tpu.memory_space<vmem_shared>> -> memref<10000x64xf32, #tpu.memory_space<vmem_shared>>
      tpu.enqueue_indirect_dma source(%arg12 : memref<80x64xf32, #tpu.memory_space<vmem>>) target(%dma_start3A_431 : memref<10000x64xf32, #tpu.memory_space<vmem_shared>>) offsets(%dma_start3A_428 : memref<80xi32, #tpu.memory_space<vmem>>) semaphore(%arg26 : memref<!tpu.dma_semaphore, #tpu.memory_space<semaphore_mem>>) {add = true}
      %convert_element_type3A_432 = arith.extui %eq3A_1 : i1 to i32
      %cond3A_433 = arith.constant 0 : i32
      %cond3A_434 = arith.cmpi ne, %convert_element_type3A_432, %cond3A_433 : i32
      scf.if %cond3A_434 {
        %dma_start3A_633 = arith.constant 0 : i32
        %dma_start3A_634 = tpu.memref_slice %arg8[%add3A_419, %dma_start3A_633] : memref<250x80xi32, #tpu.memory_space<vmem>> -> memref<1x80xi32, #tpu.memory_space<vmem>>
        %dma_start3A_635 = tpu.memref_squeeze %dma_start3A_634 : memref<1x80xi32, #tpu.memory_space<vmem>> -> memref<80xi32, #tpu.memory_space<vmem>>
        %dma_start3A_636 = arith.constant 0 : i32
        %dma_start3A_637 = arith.constant 0 : i32
        %dma_start3A_638 = tpu.memref_slice %arg31[%dma_start3A_636, %dma_start3A_637] : memref<10000x16xf32, #tpu.memory_space<vmem_shared>> -> memref<10000x16xf32, #tpu.memory_space<vmem_shared>>
        tpu.enqueue_indirect_dma source(%arg29 : memref<80x16xf32, #tpu.memory_space<vmem>>) target(%dma_start3A_638 : memref<10000x16xf32, #tpu.memory_space<vmem_shared>>) offsets(%dma_start3A_635 : memref<80xi32, #tpu.memory_space<vmem>>) semaphore(%arg35 : memref<!tpu.dma_semaphore, #tpu.memory_space<semaphore_mem>>) {add = true}
      } else {
      }
      %sub3A = arith.constant 3 : i32
      %sub3A_435 = arith.subi %add3A_419, %sub3A : i32
      %dma_wait3A_436 = arith.constant 0 : i32
      %dma_wait3A_437 = tpu.memref_slice %arg8[%sub3A_435, %dma_wait3A_436] : memref<250x80xi32, #tpu.memory_space<vmem>> -> memref<1x80xi32, #tpu.memory_space<vmem>>
      %dma_wait3A_438 = tpu.memref_squeeze %dma_wait3A_437 : memref<1x80xi32, #tpu.memory_space<vmem>> -> memref<80xi32, #tpu.memory_space<vmem>>
      %dma_wait3A_439 = arith.constant 0 : i32
      %dma_wait3A_440 = arith.constant 0 : i32
      %dma_wait3A_441 = tpu.memref_slice %arg16[%dma_wait3A_439, %dma_wait3A_440] : memref<10000x64xf32, #tpu.memory_space<vmem_shared>> -> memref<10000x64xf32, #tpu.memory_space<vmem_shared>>
      tpu.wait_indirect_dma semaphore(%arg23 : memref<!tpu.dma_semaphore, #tpu.memory_space<semaphore_mem>>) src(%arg9 : memref<80x64xf32, #tpu.memory_space<vmem>>) dst(%dma_wait3A_441 : memref<10000x64xf32, #tpu.memory_space<vmem_shared>>)
      %convert_element_type3A_442 = arith.extui %eq3A_1 : i1 to i32
      %cond3A_443 = arith.constant 0 : i32
      %cond3A_444 = arith.cmpi ne, %convert_element_type3A_442, %cond3A_443 : i32
      scf.if %cond3A_444 {
        %dma_wait3A_633 = arith.constant 0 : i32
        %dma_wait3A_634 = tpu.memref_slice %arg8[%sub3A_435, %dma_wait3A_633] : memref<250x80xi32, #tpu.memory_space<vmem>> -> memref<1x80xi32, #tpu.memory_space<vmem>>
        %dma_wait3A_635 = tpu.memref_squeeze %dma_wait3A_634 : memref<1x80xi32, #tpu.memory_space<vmem>> -> memref<80xi32, #tpu.memory_space<vmem>>
        %dma_wait3A_636 = arith.constant 0 : i32
        %dma_wait3A_637 = arith.constant 0 : i32
        %dma_wait3A_638 = tpu.memref_slice %arg31[%dma_wait3A_636, %dma_wait3A_637] : memref<10000x16xf32, #tpu.memory_space<vmem_shared>> -> memref<10000x16xf32, #tpu.memory_space<vmem_shared>>
        tpu.wait_indirect_dma semaphore(%arg32 : memref<!tpu.dma_semaphore, #tpu.memory_space<semaphore_mem>>) src(%arg29 : memref<80x16xf32, #tpu.memory_space<vmem>>) dst(%dma_wait3A_638 : memref<10000x16xf32, #tpu.memory_space<vmem_shared>>)
      } else {
      }
      %add3A_445 = arith.constant 3 : i32
      %add3A_446 = arith.addi %add3A_419, %add3A_445 : i32
      %dma_start3A_447 = arith.constant 0 : i32
      %dma_start3A_448 = tpu.memref_slice %arg7[%add3A_446, %dma_start3A_447] : memref<250x80xi32, #tpu.memory_space<vmem>> -> memref<1x80xi32, #tpu.memory_space<vmem>>
      %dma_start3A_449 = tpu.memref_squeeze %dma_start3A_448 : memref<1x80xi32, #tpu.memory_space<vmem>> -> memref<80xi32, #tpu.memory_space<vmem>>
      %dma_start3A_450 = arith.constant 0 : i32
      %dma_start3A_451 = arith.constant 0 : i32
      %dma_start3A_452 = tpu.memref_slice %arg2[%dma_start3A_450, %dma_start3A_451] : memref<20000x64xf32, #tpu.memory_space<hbm>> -> memref<20000x64xf32, #tpu.memory_space<hbm>>
      tpu.enqueue_indirect_dma source(%dma_start3A_452 : memref<20000x64xf32, #tpu.memory_space<hbm>>) target(%arg9 : memref<80x64xf32, #tpu.memory_space<vmem>>) offsets(%dma_start3A_449 : memref<80xi32, #tpu.memory_space<vmem>>) semaphore(%arg17 : memref<!tpu.dma_semaphore, #tpu.memory_space<semaphore_mem>>)
      %add3A_453 = arith.constant 1 : i32
      %add3A_454 = arith.addi %add3A_417, %add3A_453 : i32
      %dma_wait3A_455 = arith.constant 0 : i32
      %dma_wait3A_456 = tpu.memref_slice %arg7[%add3A_454, %dma_wait3A_455] : memref<250x80xi32, #tpu.memory_space<vmem>> -> memref<1x80xi32, #tpu.memory_space<vmem>>
      %dma_wait3A_457 = tpu.memref_squeeze %dma_wait3A_456 : memref<1x80xi32, #tpu.memory_space<vmem>> -> memref<80xi32, #tpu.memory_space<vmem>>
      %dma_wait3A_458 = arith.constant 0 : i32
      %dma_wait3A_459 = arith.constant 0 : i32
      %dma_wait3A_460 = tpu.memref_slice %arg2[%dma_wait3A_458, %dma_wait3A_459] : memref<20000x64xf32, #tpu.memory_space<hbm>> -> memref<20000x64xf32, #tpu.memory_space<hbm>>
      tpu.wait_indirect_dma semaphore(%arg21 : memref<!tpu.dma_semaphore, #tpu.memory_space<semaphore_mem>>) src(%dma_wait3A_460 : memref<20000x64xf32, #tpu.memory_space<hbm>>) dst(%arg13 : memref<80x64xf32, #tpu.memory_space<vmem>>)
      %dma_start3A_461 = arith.constant 0 : i32
      %dma_start3A_462 = tpu.memref_slice %arg8[%add3A_454, %dma_start3A_461] : memref<250x80xi32, #tpu.memory_space<vmem>> -> memref<1x80xi32, #tpu.memory_space<vmem>>
      %dma_start3A_463 = tpu.memref_squeeze %dma_start3A_462 : memref<1x80xi32, #tpu.memory_space<vmem>> -> memref<80xi32, #tpu.memory_space<vmem>>
      %dma_start3A_464 = arith.constant 0 : i32
      %dma_start3A_465 = arith.constant 0 : i32
      %dma_start3A_466 = tpu.memref_slice %arg16[%dma_start3A_464, %dma_start3A_465] : memref<10000x64xf32, #tpu.memory_space<vmem_shared>> -> memref<10000x64xf32, #tpu.memory_space<vmem_shared>>
      tpu.enqueue_indirect_dma source(%arg13 : memref<80x64xf32, #tpu.memory_space<vmem>>) target(%dma_start3A_466 : memref<10000x64xf32, #tpu.memory_space<vmem_shared>>) offsets(%dma_start3A_463 : memref<80xi32, #tpu.memory_space<vmem>>) semaphore(%arg27 : memref<!tpu.dma_semaphore, #tpu.memory_space<semaphore_mem>>) {add = true}
      %convert_element_type3A_467 = arith.extui %eq3A_1 : i1 to i32
      %cond3A_468 = arith.constant 0 : i32
      %cond3A_469 = arith.cmpi ne, %convert_element_type3A_467, %cond3A_468 : i32
      scf.if %cond3A_469 {
        %dma_start3A_633 = arith.constant 0 : i32
        %dma_start3A_634 = tpu.memref_slice %arg8[%add3A_454, %dma_start3A_633] : memref<250x80xi32, #tpu.memory_space<vmem>> -> memref<1x80xi32, #tpu.memory_space<vmem>>
        %dma_start3A_635 = tpu.memref_squeeze %dma_start3A_634 : memref<1x80xi32, #tpu.memory_space<vmem>> -> memref<80xi32, #tpu.memory_space<vmem>>
        %dma_start3A_636 = arith.constant 0 : i32
        %dma_start3A_637 = arith.constant 0 : i32
        %dma_start3A_638 = tpu.memref_slice %arg31[%dma_start3A_636, %dma_start3A_637] : memref<10000x16xf32, #tpu.memory_space<vmem_shared>> -> memref<10000x16xf32, #tpu.memory_space<vmem_shared>>
        tpu.enqueue_indirect_dma source(%arg29 : memref<80x16xf32, #tpu.memory_space<vmem>>) target(%dma_start3A_638 : memref<10000x16xf32, #tpu.memory_space<vmem_shared>>) offsets(%dma_start3A_635 : memref<80xi32, #tpu.memory_space<vmem>>) semaphore(%arg36 : memref<!tpu.dma_semaphore, #tpu.memory_space<semaphore_mem>>) {add = true}
      } else {
      }
      %sub3A_470 = arith.constant 3 : i32
      %sub3A_471 = arith.subi %add3A_454, %sub3A_470 : i32
      %dma_wait3A_472 = arith.constant 0 : i32
      %dma_wait3A_473 = tpu.memref_slice %arg8[%sub3A_471, %dma_wait3A_472] : memref<250x80xi32, #tpu.memory_space<vmem>> -> memref<1x80xi32, #tpu.memory_space<vmem>>
      %dma_wait3A_474 = tpu.memref_squeeze %dma_wait3A_473 : memref<1x80xi32, #tpu.memory_space<vmem>> -> memref<80xi32, #tpu.memory_space<vmem>>
      %dma_wait3A_475 = arith.constant 0 : i32
      %dma_wait3A_476 = arith.constant 0 : i32
      %dma_wait3A_477 = tpu.memref_slice %arg16[%dma_wait3A_475, %dma_wait3A_476] : memref<10000x64xf32, #tpu.memory_space<vmem_shared>> -> memref<10000x64xf32, #tpu.memory_space<vmem_shared>>
      tpu.wait_indirect_dma semaphore(%arg24 : memref<!tpu.dma_semaphore, #tpu.memory_space<semaphore_mem>>) src(%arg10 : memref<80x64xf32, #tpu.memory_space<vmem>>) dst(%dma_wait3A_477 : memref<10000x64xf32, #tpu.memory_space<vmem_shared>>)
      %convert_element_type3A_478 = arith.extui %eq3A_1 : i1 to i32
      %cond3A_479 = arith.constant 0 : i32
      %cond3A_480 = arith.cmpi ne, %convert_element_type3A_478, %cond3A_479 : i32
      scf.if %cond3A_480 {
        %dma_wait3A_633 = arith.constant 0 : i32
        %dma_wait3A_634 = tpu.memref_slice %arg8[%sub3A_471, %dma_wait3A_633] : memref<250x80xi32, #tpu.memory_space<vmem>> -> memref<1x80xi32, #tpu.memory_space<vmem>>
        %dma_wait3A_635 = tpu.memref_squeeze %dma_wait3A_634 : memref<1x80xi32, #tpu.memory_space<vmem>> -> memref<80xi32, #tpu.memory_space<vmem>>
        %dma_wait3A_636 = arith.constant 0 : i32
        %dma_wait3A_637 = arith.constant 0 : i32
        %dma_wait3A_638 = tpu.memref_slice %arg31[%dma_wait3A_636, %dma_wait3A_637] : memref<10000x16xf32, #tpu.memory_space<vmem_shared>> -> memref<10000x16xf32, #tpu.memory_space<vmem_shared>>
        tpu.wait_indirect_dma semaphore(%arg33 : memref<!tpu.dma_semaphore, #tpu.memory_space<semaphore_mem>>) src(%arg29 : memref<80x16xf32, #tpu.memory_space<vmem>>) dst(%dma_wait3A_638 : memref<10000x16xf32, #tpu.memory_space<vmem_shared>>)
      } else {
      }
      %add3A_481 = arith.constant 3 : i32
      %add3A_482 = arith.addi %add3A_454, %add3A_481 : i32
      %dma_start3A_483 = arith.constant 0 : i32
      %dma_start3A_484 = tpu.memref_slice %arg7[%add3A_482, %dma_start3A_483] : memref<250x80xi32, #tpu.memory_space<vmem>> -> memref<1x80xi32, #tpu.memory_space<vmem>>
      %dma_start3A_485 = tpu.memref_squeeze %dma_start3A_484 : memref<1x80xi32, #tpu.memory_space<vmem>> -> memref<80xi32, #tpu.memory_space<vmem>>
      %dma_start3A_486 = arith.constant 0 : i32
      %dma_start3A_487 = arith.constant 0 : i32
      %dma_start3A_488 = tpu.memref_slice %arg2[%dma_start3A_486, %dma_start3A_487] : memref<20000x64xf32, #tpu.memory_space<hbm>> -> memref<20000x64xf32, #tpu.memory_space<hbm>>
      tpu.enqueue_indirect_dma source(%dma_start3A_488 : memref<20000x64xf32, #tpu.memory_space<hbm>>) target(%arg10 : memref<80x64xf32, #tpu.memory_space<vmem>>) offsets(%dma_start3A_485 : memref<80xi32, #tpu.memory_space<vmem>>) semaphore(%arg18 : memref<!tpu.dma_semaphore, #tpu.memory_space<semaphore_mem>>)
      %add3A_489 = arith.constant 2 : i32
      %add3A_490 = arith.addi %add3A_417, %add3A_489 : i32
      %dma_wait3A_491 = arith.constant 0 : i32
      %dma_wait3A_492 = tpu.memref_slice %arg7[%add3A_490, %dma_wait3A_491] : memref<250x80xi32, #tpu.memory_space<vmem>> -> memref<1x80xi32, #tpu.memory_space<vmem>>
      %dma_wait3A_493 = tpu.memref_squeeze %dma_wait3A_492 : memref<1x80xi32, #tpu.memory_space<vmem>> -> memref<80xi32, #tpu.memory_space<vmem>>
      %dma_wait3A_494 = arith.constant 0 : i32
      %dma_wait3A_495 = arith.constant 0 : i32
      %dma_wait3A_496 = tpu.memref_slice %arg2[%dma_wait3A_494, %dma_wait3A_495] : memref<20000x64xf32, #tpu.memory_space<hbm>> -> memref<20000x64xf32, #tpu.memory_space<hbm>>
      tpu.wait_indirect_dma semaphore(%arg22 : memref<!tpu.dma_semaphore, #tpu.memory_space<semaphore_mem>>) src(%dma_wait3A_496 : memref<20000x64xf32, #tpu.memory_space<hbm>>) dst(%arg14 : memref<80x64xf32, #tpu.memory_space<vmem>>)
      %dma_start3A_497 = arith.constant 0 : i32
      %dma_start3A_498 = tpu.memref_slice %arg8[%add3A_490, %dma_start3A_497] : memref<250x80xi32, #tpu.memory_space<vmem>> -> memref<1x80xi32, #tpu.memory_space<vmem>>
      %dma_start3A_499 = tpu.memref_squeeze %dma_start3A_498 : memref<1x80xi32, #tpu.memory_space<vmem>> -> memref<80xi32, #tpu.memory_space<vmem>>
      %dma_start3A_500 = arith.constant 0 : i32
      %dma_start3A_501 = arith.constant 0 : i32
      %dma_start3A_502 = tpu.memref_slice %arg16[%dma_start3A_500, %dma_start3A_501] : memref<10000x64xf32, #tpu.memory_space<vmem_shared>> -> memref<10000x64xf32, #tpu.memory_space<vmem_shared>>
      tpu.enqueue_indirect_dma source(%arg14 : memref<80x64xf32, #tpu.memory_space<vmem>>) target(%dma_start3A_502 : memref<10000x64xf32, #tpu.memory_space<vmem_shared>>) offsets(%dma_start3A_499 : memref<80xi32, #tpu.memory_space<vmem>>) semaphore(%arg28 : memref<!tpu.dma_semaphore, #tpu.memory_space<semaphore_mem>>) {add = true}
      %convert_element_type3A_503 = arith.extui %eq3A_1 : i1 to i32
      %cond3A_504 = arith.constant 0 : i32
      %cond3A_505 = arith.cmpi ne, %convert_element_type3A_503, %cond3A_504 : i32
      scf.if %cond3A_505 {
        %dma_start3A_633 = arith.constant 0 : i32
        %dma_start3A_634 = tpu.memref_slice %arg8[%add3A_490, %dma_start3A_633] : memref<250x80xi32, #tpu.memory_space<vmem>> -> memref<1x80xi32, #tpu.memory_space<vmem>>
        %dma_start3A_635 = tpu.memref_squeeze %dma_start3A_634 : memref<1x80xi32, #tpu.memory_space<vmem>> -> memref<80xi32, #tpu.memory_space<vmem>>
        %dma_start3A_636 = arith.constant 0 : i32
        %dma_start3A_637 = arith.constant 0 : i32
        %dma_start3A_638 = tpu.memref_slice %arg31[%dma_start3A_636, %dma_start3A_637] : memref<10000x16xf32, #tpu.memory_space<vmem_shared>> -> memref<10000x16xf32, #tpu.memory_space<vmem_shared>>
        tpu.enqueue_indirect_dma source(%arg29 : memref<80x16xf32, #tpu.memory_space<vmem>>) target(%dma_start3A_638 : memref<10000x16xf32, #tpu.memory_space<vmem_shared>>) offsets(%dma_start3A_635 : memref<80xi32, #tpu.memory_space<vmem>>) semaphore(%arg37 : memref<!tpu.dma_semaphore, #tpu.memory_space<semaphore_mem>>) {add = true}
      } else {
      }
      %sub3A_506 = arith.constant 3 : i32
      %sub3A_507 = arith.subi %add3A_490, %sub3A_506 : i32
      %dma_wait3A_508 = arith.constant 0 : i32
      %dma_wait3A_509 = tpu.memref_slice %arg8[%sub3A_507, %dma_wait3A_508] : memref<250x80xi32, #tpu.memory_space<vmem>> -> memref<1x80xi32, #tpu.memory_space<vmem>>
      %dma_wait3A_510 = tpu.memref_squeeze %dma_wait3A_509 : memref<1x80xi32, #tpu.memory_space<vmem>> -> memref<80xi32, #tpu.memory_space<vmem>>
      %dma_wait3A_511 = arith.constant 0 : i32
      %dma_wait3A_512 = arith.constant 0 : i32
      %dma_wait3A_513 = tpu.memref_slice %arg16[%dma_wait3A_511, %dma_wait3A_512] : memref<10000x64xf32, #tpu.memory_space<vmem_shared>> -> memref<10000x64xf32, #tpu.memory_space<vmem_shared>>
      tpu.wait_indirect_dma semaphore(%arg25 : memref<!tpu.dma_semaphore, #tpu.memory_space<semaphore_mem>>) src(%arg11 : memref<80x64xf32, #tpu.memory_space<vmem>>) dst(%dma_wait3A_513 : memref<10000x64xf32, #tpu.memory_space<vmem_shared>>)
      %convert_element_type3A_514 = arith.extui %eq3A_1 : i1 to i32
      %cond3A_515 = arith.constant 0 : i32
      %cond3A_516 = arith.cmpi ne, %convert_element_type3A_514, %cond3A_515 : i32
      scf.if %cond3A_516 {
        %dma_wait3A_633 = arith.constant 0 : i32
        %dma_wait3A_634 = tpu.memref_slice %arg8[%sub3A_507, %dma_wait3A_633] : memref<250x80xi32, #tpu.memory_space<vmem>> -> memref<1x80xi32, #tpu.memory_space<vmem>>
        %dma_wait3A_635 = tpu.memref_squeeze %dma_wait3A_634 : memref<1x80xi32, #tpu.memory_space<vmem>> -> memref<80xi32, #tpu.memory_space<vmem>>
        %dma_wait3A_636 = arith.constant 0 : i32
        %dma_wait3A_637 = arith.constant 0 : i32
        %dma_wait3A_638 = tpu.memref_slice %arg31[%dma_wait3A_636, %dma_wait3A_637] : memref<10000x16xf32, #tpu.memory_space<vmem_shared>> -> memref<10000x16xf32, #tpu.memory_space<vmem_shared>>
        tpu.wait_indirect_dma semaphore(%arg34 : memref<!tpu.dma_semaphore, #tpu.memory_space<semaphore_mem>>) src(%arg29 : memref<80x16xf32, #tpu.memory_space<vmem>>) dst(%dma_wait3A_638 : memref<10000x16xf32, #tpu.memory_space<vmem_shared>>)
      } else {
      }
      %add3A_517 = arith.constant 3 : i32
      %add3A_518 = arith.addi %add3A_490, %add3A_517 : i32
      %dma_start3A_519 = arith.constant 0 : i32
      %dma_start3A_520 = tpu.memref_slice %arg7[%add3A_518, %dma_start3A_519] : memref<250x80xi32, #tpu.memory_space<vmem>> -> memref<1x80xi32, #tpu.memory_space<vmem>>
      %dma_start3A_521 = tpu.memref_squeeze %dma_start3A_520 : memref<1x80xi32, #tpu.memory_space<vmem>> -> memref<80xi32, #tpu.memory_space<vmem>>
      %dma_start3A_522 = arith.constant 0 : i32
      %dma_start3A_523 = arith.constant 0 : i32
      %dma_start3A_524 = tpu.memref_slice %arg2[%dma_start3A_522, %dma_start3A_523] : memref<20000x64xf32, #tpu.memory_space<hbm>> -> memref<20000x64xf32, #tpu.memory_space<hbm>>
      tpu.enqueue_indirect_dma source(%dma_start3A_524 : memref<20000x64xf32, #tpu.memory_space<hbm>>) target(%arg11 : memref<80x64xf32, #tpu.memory_space<vmem>>) offsets(%dma_start3A_521 : memref<80xi32, #tpu.memory_space<vmem>>) semaphore(%arg19 : memref<!tpu.dma_semaphore, #tpu.memory_space<semaphore_mem>>)
      %add3A_525 = arith.constant 3 : i32
      %add3A_526 = arith.addi %add3A_417, %add3A_525 : i32
      %dma_wait3A_527 = arith.constant 0 : i32
      %dma_wait3A_528 = tpu.memref_slice %arg7[%add3A_526, %dma_wait3A_527] : memref<250x80xi32, #tpu.memory_space<vmem>> -> memref<1x80xi32, #tpu.memory_space<vmem>>
      %dma_wait3A_529 = tpu.memref_squeeze %dma_wait3A_528 : memref<1x80xi32, #tpu.memory_space<vmem>> -> memref<80xi32, #tpu.memory_space<vmem>>
      %dma_wait3A_530 = arith.constant 0 : i32
      %dma_wait3A_531 = arith.constant 0 : i32
      %dma_wait3A_532 = tpu.memref_slice %arg2[%dma_wait3A_530, %dma_wait3A_531] : memref<20000x64xf32, #tpu.memory_space<hbm>> -> memref<20000x64xf32, #tpu.memory_space<hbm>>
      tpu.wait_indirect_dma semaphore(%arg17 : memref<!tpu.dma_semaphore, #tpu.memory_space<semaphore_mem>>) src(%dma_wait3A_532 : memref<20000x64xf32, #tpu.memory_space<hbm>>) dst(%arg9 : memref<80x64xf32, #tpu.memory_space<vmem>>)
      %dma_start3A_533 = arith.constant 0 : i32
      %dma_start3A_534 = tpu.memref_slice %arg8[%add3A_526, %dma_start3A_533] : memref<250x80xi32, #tpu.memory_space<vmem>> -> memref<1x80xi32, #tpu.memory_space<vmem>>
      %dma_start3A_535 = tpu.memref_squeeze %dma_start3A_534 : memref<1x80xi32, #tpu.memory_space<vmem>> -> memref<80xi32, #tpu.memory_space<vmem>>
      %dma_start3A_536 = arith.constant 0 : i32
      %dma_start3A_537 = arith.constant 0 : i32
      %dma_start3A_538 = tpu.memref_slice %arg16[%dma_start3A_536, %dma_start3A_537] : memref<10000x64xf32, #tpu.memory_space<vmem_shared>> -> memref<10000x64xf32, #tpu.memory_space<vmem_shared>>
      tpu.enqueue_indirect_dma source(%arg9 : memref<80x64xf32, #tpu.memory_space<vmem>>) target(%dma_start3A_538 : memref<10000x64xf32, #tpu.memory_space<vmem_shared>>) offsets(%dma_start3A_535 : memref<80xi32, #tpu.memory_space<vmem>>) semaphore(%arg23 : memref<!tpu.dma_semaphore, #tpu.memory_space<semaphore_mem>>) {add = true}
      %convert_element_type3A_539 = arith.extui %eq3A_1 : i1 to i32
      %cond3A_540 = arith.constant 0 : i32
      %cond3A_541 = arith.cmpi ne, %convert_element_type3A_539, %cond3A_540 : i32
      scf.if %cond3A_541 {
        %dma_start3A_633 = arith.constant 0 : i32
        %dma_start3A_634 = tpu.memref_slice %arg8[%add3A_526, %dma_start3A_633] : memref<250x80xi32, #tpu.memory_space<vmem>> -> memref<1x80xi32, #tpu.memory_space<vmem>>
        %dma_start3A_635 = tpu.memref_squeeze %dma_start3A_634 : memref<1x80xi32, #tpu.memory_space<vmem>> -> memref<80xi32, #tpu.memory_space<vmem>>
        %dma_start3A_636 = arith.constant 0 : i32
        %dma_start3A_637 = arith.constant 0 : i32
        %dma_start3A_638 = tpu.memref_slice %arg31[%dma_start3A_636, %dma_start3A_637] : memref<10000x16xf32, #tpu.memory_space<vmem_shared>> -> memref<10000x16xf32, #tpu.memory_space<vmem_shared>>
        tpu.enqueue_indirect_dma source(%arg29 : memref<80x16xf32, #tpu.memory_space<vmem>>) target(%dma_start3A_638 : memref<10000x16xf32, #tpu.memory_space<vmem_shared>>) offsets(%dma_start3A_635 : memref<80xi32, #tpu.memory_space<vmem>>) semaphore(%arg32 : memref<!tpu.dma_semaphore, #tpu.memory_space<semaphore_mem>>) {add = true}
      } else {
      }
      %sub3A_542 = arith.constant 3 : i32
      %sub3A_543 = arith.subi %add3A_526, %sub3A_542 : i32
      %dma_wait3A_544 = arith.constant 0 : i32
      %dma_wait3A_545 = tpu.memref_slice %arg8[%sub3A_543, %dma_wait3A_544] : memref<250x80xi32, #tpu.memory_space<vmem>> -> memref<1x80xi32, #tpu.memory_space<vmem>>
      %dma_wait3A_546 = tpu.memref_squeeze %dma_wait3A_545 : memref<1x80xi32, #tpu.memory_space<vmem>> -> memref<80xi32, #tpu.memory_space<vmem>>
      %dma_wait3A_547 = arith.constant 0 : i32
      %dma_wait3A_548 = arith.constant 0 : i32
      %dma_wait3A_549 = tpu.memref_slice %arg16[%dma_wait3A_547, %dma_wait3A_548] : memref<10000x64xf32, #tpu.memory_space<vmem_shared>> -> memref<10000x64xf32, #tpu.memory_space<vmem_shared>>
      tpu.wait_indirect_dma semaphore(%arg26 : memref<!tpu.dma_semaphore, #tpu.memory_space<semaphore_mem>>) src(%arg12 : memref<80x64xf32, #tpu.memory_space<vmem>>) dst(%dma_wait3A_549 : memref<10000x64xf32, #tpu.memory_space<vmem_shared>>)
      %convert_element_type3A_550 = arith.extui %eq3A_1 : i1 to i32
      %cond3A_551 = arith.constant 0 : i32
      %cond3A_552 = arith.cmpi ne, %convert_element_type3A_550, %cond3A_551 : i32
      scf.if %cond3A_552 {
        %dma_wait3A_633 = arith.constant 0 : i32
        %dma_wait3A_634 = tpu.memref_slice %arg8[%sub3A_543, %dma_wait3A_633] : memref<250x80xi32, #tpu.memory_space<vmem>> -> memref<1x80xi32, #tpu.memory_space<vmem>>
        %dma_wait3A_635 = tpu.memref_squeeze %dma_wait3A_634 : memref<1x80xi32, #tpu.memory_space<vmem>> -> memref<80xi32, #tpu.memory_space<vmem>>
        %dma_wait3A_636 = arith.constant 0 : i32
        %dma_wait3A_637 = arith.constant 0 : i32
        %dma_wait3A_638 = tpu.memref_slice %arg31[%dma_wait3A_636, %dma_wait3A_637] : memref<10000x16xf32, #tpu.memory_space<vmem_shared>> -> memref<10000x16xf32, #tpu.memory_space<vmem_shared>>
        tpu.wait_indirect_dma semaphore(%arg35 : memref<!tpu.dma_semaphore, #tpu.memory_space<semaphore_mem>>) src(%arg29 : memref<80x16xf32, #tpu.memory_space<vmem>>) dst(%dma_wait3A_638 : memref<10000x16xf32, #tpu.memory_space<vmem_shared>>)
      } else {
      }
      %add3A_553 = arith.constant 3 : i32
      %add3A_554 = arith.addi %add3A_526, %add3A_553 : i32
      %dma_start3A_555 = arith.constant 0 : i32
      %dma_start3A_556 = tpu.memref_slice %arg7[%add3A_554, %dma_start3A_555] : memref<250x80xi32, #tpu.memory_space<vmem>> -> memref<1x80xi32, #tpu.memory_space<vmem>>
      %dma_start3A_557 = tpu.memref_squeeze %dma_start3A_556 : memref<1x80xi32, #tpu.memory_space<vmem>> -> memref<80xi32, #tpu.memory_space<vmem>>
      %dma_start3A_558 = arith.constant 0 : i32
      %dma_start3A_559 = arith.constant 0 : i32
      %dma_start3A_560 = tpu.memref_slice %arg2[%dma_start3A_558, %dma_start3A_559] : memref<20000x64xf32, #tpu.memory_space<hbm>> -> memref<20000x64xf32, #tpu.memory_space<hbm>>
      tpu.enqueue_indirect_dma source(%dma_start3A_560 : memref<20000x64xf32, #tpu.memory_space<hbm>>) target(%arg12 : memref<80x64xf32, #tpu.memory_space<vmem>>) offsets(%dma_start3A_557 : memref<80xi32, #tpu.memory_space<vmem>>) semaphore(%arg20 : memref<!tpu.dma_semaphore, #tpu.memory_space<semaphore_mem>>)
      %add3A_561 = arith.constant 4 : i32
      %add3A_562 = arith.addi %add3A_417, %add3A_561 : i32
      %dma_wait3A_563 = arith.constant 0 : i32
      %dma_wait3A_564 = tpu.memref_slice %arg7[%add3A_562, %dma_wait3A_563] : memref<250x80xi32, #tpu.memory_space<vmem>> -> memref<1x80xi32, #tpu.memory_space<vmem>>
      %dma_wait3A_565 = tpu.memref_squeeze %dma_wait3A_564 : memref<1x80xi32, #tpu.memory_space<vmem>> -> memref<80xi32, #tpu.memory_space<vmem>>
      %dma_wait3A_566 = arith.constant 0 : i32
      %dma_wait3A_567 = arith.constant 0 : i32
      %dma_wait3A_568 = tpu.memref_slice %arg2[%dma_wait3A_566, %dma_wait3A_567] : memref<20000x64xf32, #tpu.memory_space<hbm>> -> memref<20000x64xf32, #tpu.memory_space<hbm>>
      tpu.wait_indirect_dma semaphore(%arg18 : memref<!tpu.dma_semaphore, #tpu.memory_space<semaphore_mem>>) src(%dma_wait3A_568 : memref<20000x64xf32, #tpu.memory_space<hbm>>) dst(%arg10 : memref<80x64xf32, #tpu.memory_space<vmem>>)
      %dma_start3A_569 = arith.constant 0 : i32
      %dma_start3A_570 = tpu.memref_slice %arg8[%add3A_562, %dma_start3A_569] : memref<250x80xi32, #tpu.memory_space<vmem>> -> memref<1x80xi32, #tpu.memory_space<vmem>>
      %dma_start3A_571 = tpu.memref_squeeze %dma_start3A_570 : memref<1x80xi32, #tpu.memory_space<vmem>> -> memref<80xi32, #tpu.memory_space<vmem>>
      %dma_start3A_572 = arith.constant 0 : i32
      %dma_start3A_573 = arith.constant 0 : i32
      %dma_start3A_574 = tpu.memref_slice %arg16[%dma_start3A_572, %dma_start3A_573] : memref<10000x64xf32, #tpu.memory_space<vmem_shared>> -> memref<10000x64xf32, #tpu.memory_space<vmem_shared>>
      tpu.enqueue_indirect_dma source(%arg10 : memref<80x64xf32, #tpu.memory_space<vmem>>) target(%dma_start3A_574 : memref<10000x64xf32, #tpu.memory_space<vmem_shared>>) offsets(%dma_start3A_571 : memref<80xi32, #tpu.memory_space<vmem>>) semaphore(%arg24 : memref<!tpu.dma_semaphore, #tpu.memory_space<semaphore_mem>>) {add = true}
      %convert_element_type3A_575 = arith.extui %eq3A_1 : i1 to i32
      %cond3A_576 = arith.constant 0 : i32
      %cond3A_577 = arith.cmpi ne, %convert_element_type3A_575, %cond3A_576 : i32
      scf.if %cond3A_577 {
        %dma_start3A_633 = arith.constant 0 : i32
        %dma_start3A_634 = tpu.memref_slice %arg8[%add3A_562, %dma_start3A_633] : memref<250x80xi32, #tpu.memory_space<vmem>> -> memref<1x80xi32, #tpu.memory_space<vmem>>
        %dma_start3A_635 = tpu.memref_squeeze %dma_start3A_634 : memref<1x80xi32, #tpu.memory_space<vmem>> -> memref<80xi32, #tpu.memory_space<vmem>>
        %dma_start3A_636 = arith.constant 0 : i32
        %dma_start3A_637 = arith.constant 0 : i32
        %dma_start3A_638 = tpu.memref_slice %arg31[%dma_start3A_636, %dma_start3A_637] : memref<10000x16xf32, #tpu.memory_space<vmem_shared>> -> memref<10000x16xf32, #tpu.memory_space<vmem_shared>>
        tpu.enqueue_indirect_dma source(%arg29 : memref<80x16xf32, #tpu.memory_space<vmem>>) target(%dma_start3A_638 : memref<10000x16xf32, #tpu.memory_space<vmem_shared>>) offsets(%dma_start3A_635 : memref<80xi32, #tpu.memory_space<vmem>>) semaphore(%arg33 : memref<!tpu.dma_semaphore, #tpu.memory_space<semaphore_mem>>) {add = true}
      } else {
      }
      %sub3A_578 = arith.constant 3 : i32
      %sub3A_579 = arith.subi %add3A_562, %sub3A_578 : i32
      %dma_wait3A_580 = arith.constant 0 : i32
      %dma_wait3A_581 = tpu.memref_slice %arg8[%sub3A_579, %dma_wait3A_580] : memref<250x80xi32, #tpu.memory_space<vmem>> -> memref<1x80xi32, #tpu.memory_space<vmem>>
      %dma_wait3A_582 = tpu.memref_squeeze %dma_wait3A_581 : memref<1x80xi32, #tpu.memory_space<vmem>> -> memref<80xi32, #tpu.memory_space<vmem>>
      %dma_wait3A_583 = arith.constant 0 : i32
      %dma_wait3A_584 = arith.constant 0 : i32
      %dma_wait3A_585 = tpu.memref_slice %arg16[%dma_wait3A_583, %dma_wait3A_584] : memref<10000x64xf32, #tpu.memory_space<vmem_shared>> -> memref<10000x64xf32, #tpu.memory_space<vmem_shared>>
      tpu.wait_indirect_dma semaphore(%arg27 : memref<!tpu.dma_semaphore, #tpu.memory_space<semaphore_mem>>) src(%arg13 : memref<80x64xf32, #tpu.memory_space<vmem>>) dst(%dma_wait3A_585 : memref<10000x64xf32, #tpu.memory_space<vmem_shared>>)
      %convert_element_type3A_586 = arith.extui %eq3A_1 : i1 to i32
      %cond3A_587 = arith.constant 0 : i32
      %cond3A_588 = arith.cmpi ne, %convert_element_type3A_586, %cond3A_587 : i32
      scf.if %cond3A_588 {
        %dma_wait3A_633 = arith.constant 0 : i32
        %dma_wait3A_634 = tpu.memref_slice %arg8[%sub3A_579, %dma_wait3A_633] : memref<250x80xi32, #tpu.memory_space<vmem>> -> memref<1x80xi32, #tpu.memory_space<vmem>>
        %dma_wait3A_635 = tpu.memref_squeeze %dma_wait3A_634 : memref<1x80xi32, #tpu.memory_space<vmem>> -> memref<80xi32, #tpu.memory_space<vmem>>
        %dma_wait3A_636 = arith.constant 0 : i32
        %dma_wait3A_637 = arith.constant 0 : i32
        %dma_wait3A_638 = tpu.memref_slice %arg31[%dma_wait3A_636, %dma_wait3A_637] : memref<10000x16xf32, #tpu.memory_space<vmem_shared>> -> memref<10000x16xf32, #tpu.memory_space<vmem_shared>>
        tpu.wait_indirect_dma semaphore(%arg36 : memref<!tpu.dma_semaphore, #tpu.memory_space<semaphore_mem>>) src(%arg29 : memref<80x16xf32, #tpu.memory_space<vmem>>) dst(%dma_wait3A_638 : memref<10000x16xf32, #tpu.memory_space<vmem_shared>>)
      } else {
      }
      %add3A_589 = arith.constant 3 : i32
      %add3A_590 = arith.addi %add3A_562, %add3A_589 : i32
      %dma_start3A_591 = arith.constant 0 : i32
      %dma_start3A_592 = tpu.memref_slice %arg7[%add3A_590, %dma_start3A_591] : memref<250x80xi32, #tpu.memory_space<vmem>> -> memref<1x80xi32, #tpu.memory_space<vmem>>
      %dma_start3A_593 = tpu.memref_squeeze %dma_start3A_592 : memref<1x80xi32, #tpu.memory_space<vmem>> -> memref<80xi32, #tpu.memory_space<vmem>>
      %dma_start3A_594 = arith.constant 0 : i32
      %dma_start3A_595 = arith.constant 0 : i32
      %dma_start3A_596 = tpu.memref_slice %arg2[%dma_start3A_594, %dma_start3A_595] : memref<20000x64xf32, #tpu.memory_space<hbm>> -> memref<20000x64xf32, #tpu.memory_space<hbm>>
      tpu.enqueue_indirect_dma source(%dma_start3A_596 : memref<20000x64xf32, #tpu.memory_space<hbm>>) target(%arg13 : memref<80x64xf32, #tpu.memory_space<vmem>>) offsets(%dma_start3A_593 : memref<80xi32, #tpu.memory_space<vmem>>) semaphore(%arg21 : memref<!tpu.dma_semaphore, #tpu.memory_space<semaphore_mem>>)
      %add3A_597 = arith.constant 5 : i32
      %add3A_598 = arith.addi %add3A_417, %add3A_597 : i32
      %dma_wait3A_599 = arith.constant 0 : i32
      %dma_wait3A_600 = tpu.memref_slice %arg7[%add3A_598, %dma_wait3A_599] : memref<250x80xi32, #tpu.memory_space<vmem>> -> memref<1x80xi32, #tpu.memory_space<vmem>>
      %dma_wait3A_601 = tpu.memref_squeeze %dma_wait3A_600 : memref<1x80xi32, #tpu.memory_space<vmem>> -> memref<80xi32, #tpu.memory_space<vmem>>
      %dma_wait3A_602 = arith.constant 0 : i32
      %dma_wait3A_603 = arith.constant 0 : i32
      %dma_wait3A_604 = tpu.memref_slice %arg2[%dma_wait3A_602, %dma_wait3A_603] : memref<20000x64xf32, #tpu.memory_space<hbm>> -> memref<20000x64xf32, #tpu.memory_space<hbm>>
      tpu.wait_indirect_dma semaphore(%arg19 : memref<!tpu.dma_semaphore, #tpu.memory_space<semaphore_mem>>) src(%dma_wait3A_604 : memref<20000x64xf32, #tpu.memory_space<hbm>>) dst(%arg11 : memref<80x64xf32, #tpu.memory_space<vmem>>)
      %dma_start3A_605 = arith.constant 0 : i32
      %dma_start3A_606 = tpu.memref_slice %arg8[%add3A_598, %dma_start3A_605] : memref<250x80xi32, #tpu.memory_space<vmem>> -> memref<1x80xi32, #tpu.memory_space<vmem>>
      %dma_start3A_607 = tpu.memref_squeeze %dma_start3A_606 : memref<1x80xi32, #tpu.memory_space<vmem>> -> memref<80xi32, #tpu.memory_space<vmem>>
      %dma_start3A_608 = arith.constant 0 : i32
      %dma_start3A_609 = arith.constant 0 : i32
      %dma_start3A_610 = tpu.memref_slice %arg16[%dma_start3A_608, %dma_start3A_609] : memref<10000x64xf32, #tpu.memory_space<vmem_shared>> -> memref<10000x64xf32, #tpu.memory_space<vmem_shared>>
      tpu.enqueue_indirect_dma source(%arg11 : memref<80x64xf32, #tpu.memory_space<vmem>>) target(%dma_start3A_610 : memref<10000x64xf32, #tpu.memory_space<vmem_shared>>) offsets(%dma_start3A_607 : memref<80xi32, #tpu.memory_space<vmem>>) semaphore(%arg25 : memref<!tpu.dma_semaphore, #tpu.memory_space<semaphore_mem>>) {add = true}
      %convert_element_type3A_611 = arith.extui %eq3A_1 : i1 to i32
      %cond3A_612 = arith.constant 0 : i32
      %cond3A_613 = arith.cmpi ne, %convert_element_type3A_611, %cond3A_612 : i32
      scf.if %cond3A_613 {
        %dma_start3A_633 = arith.constant 0 : i32
        %dma_start3A_634 = tpu.memref_slice %arg8[%add3A_598, %dma_start3A_633] : memref<250x80xi32, #tpu.memory_space<vmem>> -> memref<1x80xi32, #tpu.memory_space<vmem>>
        %dma_start3A_635 = tpu.memref_squeeze %dma_start3A_634 : memref<1x80xi32, #tpu.memory_space<vmem>> -> memref<80xi32, #tpu.memory_space<vmem>>
        %dma_start3A_636 = arith.constant 0 : i32
        %dma_start3A_637 = arith.constant 0 : i32
        %dma_start3A_638 = tpu.memref_slice %arg31[%dma_start3A_636, %dma_start3A_637] : memref<10000x16xf32, #tpu.memory_space<vmem_shared>> -> memref<10000x16xf32, #tpu.memory_space<vmem_shared>>
        tpu.enqueue_indirect_dma source(%arg29 : memref<80x16xf32, #tpu.memory_space<vmem>>) target(%dma_start3A_638 : memref<10000x16xf32, #tpu.memory_space<vmem_shared>>) offsets(%dma_start3A_635 : memref<80xi32, #tpu.memory_space<vmem>>) semaphore(%arg34 : memref<!tpu.dma_semaphore, #tpu.memory_space<semaphore_mem>>) {add = true}
      } else {
      }
      %sub3A_614 = arith.constant 3 : i32
      %sub3A_615 = arith.subi %add3A_598, %sub3A_614 : i32
      %dma_wait3A_616 = arith.constant 0 : i32
      %dma_wait3A_617 = tpu.memref_slice %arg8[%sub3A_615, %dma_wait3A_616] : memref<250x80xi32, #tpu.memory_space<vmem>> -> memref<1x80xi32, #tpu.memory_space<vmem>>
      %dma_wait3A_618 = tpu.memref_squeeze %dma_wait3A_617 : memref<1x80xi32, #tpu.memory_space<vmem>> -> memref<80xi32, #tpu.memory_space<vmem>>
      %dma_wait3A_619 = arith.constant 0 : i32
      %dma_wait3A_620 = arith.constant 0 : i32
      %dma_wait3A_621 = tpu.memref_slice %arg16[%dma_wait3A_619, %dma_wait3A_620] : memref<10000x64xf32, #tpu.memory_space<vmem_shared>> -> memref<10000x64xf32, #tpu.memory_space<vmem_shared>>
      tpu.wait_indirect_dma semaphore(%arg28 : memref<!tpu.dma_semaphore, #tpu.memory_space<semaphore_mem>>) src(%arg14 : memref<80x64xf32, #tpu.memory_space<vmem>>) dst(%dma_wait3A_621 : memref<10000x64xf32, #tpu.memory_space<vmem_shared>>)
      %convert_element_type3A_622 = arith.extui %eq3A_1 : i1 to i32
      %cond3A_623 = arith.constant 0 : i32
      %cond3A_624 = arith.cmpi ne, %convert_element_type3A_622, %cond3A_623 : i32
      scf.if %cond3A_624 {
        %dma_wait3A_633 = arith.constant 0 : i32
        %dma_wait3A_634 = tpu.memref_slice %arg8[%sub3A_615, %dma_wait3A_633] : memref<250x80xi32, #tpu.memory_space<vmem>> -> memref<1x80xi32, #tpu.memory_space<vmem>>
        %dma_wait3A_635 = tpu.memref_squeeze %dma_wait3A_634 : memref<1x80xi32, #tpu.memory_space<vmem>> -> memref<80xi32, #tpu.memory_space<vmem>>
        %dma_wait3A_636 = arith.constant 0 : i32
        %dma_wait3A_637 = arith.constant 0 : i32
        %dma_wait3A_638 = tpu.memref_slice %arg31[%dma_wait3A_636, %dma_wait3A_637] : memref<10000x16xf32, #tpu.memory_space<vmem_shared>> -> memref<10000x16xf32, #tpu.memory_space<vmem_shared>>
        tpu.wait_indirect_dma semaphore(%arg37 : memref<!tpu.dma_semaphore, #tpu.memory_space<semaphore_mem>>) src(%arg29 : memref<80x16xf32, #tpu.memory_space<vmem>>) dst(%dma_wait3A_638 : memref<10000x16xf32, #tpu.memory_space<vmem_shared>>)
      } else {
      }
      %add3A_625 = arith.constant 3 : i32
      %add3A_626 = arith.addi %add3A_598, %add3A_625 : i32
      %dma_start3A_627 = arith.constant 0 : i32
      %dma_start3A_628 = tpu.memref_slice %arg7[%add3A_626, %dma_start3A_627] : memref<250x80xi32, #tpu.memory_space<vmem>> -> memref<1x80xi32, #tpu.memory_space<vmem>>
      %dma_start3A_629 = tpu.memref_squeeze %dma_start3A_628 : memref<1x80xi32, #tpu.memory_space<vmem>> -> memref<80xi32, #tpu.memory_space<vmem>>
      %dma_start3A_630 = arith.constant 0 : i32
      %dma_start3A_631 = arith.constant 0 : i32
      %dma_start3A_632 = tpu.memref_slice %arg2[%dma_start3A_630, %dma_start3A_631] : memref<20000x64xf32, #tpu.memory_space<hbm>> -> memref<20000x64xf32, #tpu.memory_space<hbm>>
      tpu.enqueue_indirect_dma source(%dma_start3A_632 : memref<20000x64xf32, #tpu.memory_space<hbm>>) target(%arg14 : memref<80x64xf32, #tpu.memory_space<vmem>>) offsets(%dma_start3A_629 : memref<80xi32, #tpu.memory_space<vmem>>) semaphore(%arg22 : memref<!tpu.dma_semaphore, #tpu.memory_space<semaphore_mem>>)
    }
    %scan3A_159 = arith.constant 40 : i32
    %dma_wait3A_160 = arith.constant 243 : i32
    %dma_wait3A_161 = arith.constant 0 : i32
    %dma_wait3A_162 = tpu.memref_slice %arg7[%dma_wait3A_160, %dma_wait3A_161] : memref<250x80xi32, #tpu.memory_space<vmem>> -> memref<1x80xi32, #tpu.memory_space<vmem>>
    %dma_wait3A_163 = tpu.memref_squeeze %dma_wait3A_162 : memref<1x80xi32, #tpu.memory_space<vmem>> -> memref<80xi32, #tpu.memory_space<vmem>>
    %dma_wait3A_164 = arith.constant 0 : i32
    %dma_wait3A_165 = arith.constant 0 : i32
    %dma_wait3A_166 = tpu.memref_slice %arg2[%dma_wait3A_164, %dma_wait3A_165] : memref<20000x64xf32, #tpu.memory_space<hbm>> -> memref<20000x64xf32, #tpu.memory_space<hbm>>
    tpu.wait_indirect_dma semaphore(%arg20 : memref<!tpu.dma_semaphore, #tpu.memory_space<semaphore_mem>>) src(%dma_wait3A_166 : memref<20000x64xf32, #tpu.memory_space<hbm>>) dst(%arg12 : memref<80x64xf32, #tpu.memory_space<vmem>>)
    %dma_start3A_167 = arith.constant 243 : i32
    %dma_start3A_168 = arith.constant 0 : i32
    %dma_start3A_169 = tpu.memref_slice %arg8[%dma_start3A_167, %dma_start3A_168] : memref<250x80xi32, #tpu.memory_space<vmem>> -> memref<1x80xi32, #tpu.memory_space<vmem>>
    %dma_start3A_170 = tpu.memref_squeeze %dma_start3A_169 : memref<1x80xi32, #tpu.memory_space<vmem>> -> memref<80xi32, #tpu.memory_space<vmem>>
    %dma_start3A_171 = arith.constant 0 : i32
    %dma_start3A_172 = arith.constant 0 : i32
    %dma_start3A_173 = tpu.memref_slice %arg16[%dma_start3A_171, %dma_start3A_172] : memref<10000x64xf32, #tpu.memory_space<vmem_shared>> -> memref<10000x64xf32, #tpu.memory_space<vmem_shared>>
    tpu.enqueue_indirect_dma source(%arg12 : memref<80x64xf32, #tpu.memory_space<vmem>>) target(%dma_start3A_173 : memref<10000x64xf32, #tpu.memory_space<vmem_shared>>) offsets(%dma_start3A_170 : memref<80xi32, #tpu.memory_space<vmem>>) semaphore(%arg26 : memref<!tpu.dma_semaphore, #tpu.memory_space<semaphore_mem>>) {add = true}
    %convert_element_type3A_174 = arith.extui %eq3A_1 : i1 to i32
    %cond3A_175 = arith.constant 0 : i32
    %cond3A_176 = arith.cmpi ne, %convert_element_type3A_174, %cond3A_175 : i32
    scf.if %cond3A_176 {
      %dma_start3A_413 = arith.constant 243 : i32
      %dma_start3A_414 = arith.constant 0 : i32
      %dma_start3A_415 = tpu.memref_slice %arg8[%dma_start3A_413, %dma_start3A_414] : memref<250x80xi32, #tpu.memory_space<vmem>> -> memref<1x80xi32, #tpu.memory_space<vmem>>
      %dma_start3A_416 = tpu.memref_squeeze %dma_start3A_415 : memref<1x80xi32, #tpu.memory_space<vmem>> -> memref<80xi32, #tpu.memory_space<vmem>>
      %dma_start3A_417 = arith.constant 0 : i32
      %dma_start3A_418 = arith.constant 0 : i32
      %dma_start3A_419 = tpu.memref_slice %arg31[%dma_start3A_417, %dma_start3A_418] : memref<10000x16xf32, #tpu.memory_space<vmem_shared>> -> memref<10000x16xf32, #tpu.memory_space<vmem_shared>>
      tpu.enqueue_indirect_dma source(%arg29 : memref<80x16xf32, #tpu.memory_space<vmem>>) target(%dma_start3A_419 : memref<10000x16xf32, #tpu.memory_space<vmem_shared>>) offsets(%dma_start3A_416 : memref<80xi32, #tpu.memory_space<vmem>>) semaphore(%arg35 : memref<!tpu.dma_semaphore, #tpu.memory_space<semaphore_mem>>) {add = true}
    } else {
    }
    %dma_wait3A_177 = arith.constant 240 : i32
    %dma_wait3A_178 = arith.constant 0 : i32
    %dma_wait3A_179 = tpu.memref_slice %arg8[%dma_wait3A_177, %dma_wait3A_178] : memref<250x80xi32, #tpu.memory_space<vmem>> -> memref<1x80xi32, #tpu.memory_space<vmem>>
    %dma_wait3A_180 = tpu.memref_squeeze %dma_wait3A_179 : memref<1x80xi32, #tpu.memory_space<vmem>> -> memref<80xi32, #tpu.memory_space<vmem>>
    %dma_wait3A_181 = arith.constant 0 : i32
    %dma_wait3A_182 = arith.constant 0 : i32
    %dma_wait3A_183 = tpu.memref_slice %arg16[%dma_wait3A_181, %dma_wait3A_182] : memref<10000x64xf32, #tpu.memory_space<vmem_shared>> -> memref<10000x64xf32, #tpu.memory_space<vmem_shared>>
    tpu.wait_indirect_dma semaphore(%arg23 : memref<!tpu.dma_semaphore, #tpu.memory_space<semaphore_mem>>) src(%arg9 : memref<80x64xf32, #tpu.memory_space<vmem>>) dst(%dma_wait3A_183 : memref<10000x64xf32, #tpu.memory_space<vmem_shared>>)
    %convert_element_type3A_184 = arith.extui %eq3A_1 : i1 to i32
    %cond3A_185 = arith.constant 0 : i32
    %cond3A_186 = arith.cmpi ne, %convert_element_type3A_184, %cond3A_185 : i32
    scf.if %cond3A_186 {
      %dma_wait3A_413 = arith.constant 240 : i32
      %dma_wait3A_414 = arith.constant 0 : i32
      %dma_wait3A_415 = tpu.memref_slice %arg8[%dma_wait3A_413, %dma_wait3A_414] : memref<250x80xi32, #tpu.memory_space<vmem>> -> memref<1x80xi32, #tpu.memory_space<vmem>>
      %dma_wait3A_416 = tpu.memref_squeeze %dma_wait3A_415 : memref<1x80xi32, #tpu.memory_space<vmem>> -> memref<80xi32, #tpu.memory_space<vmem>>
      %dma_wait3A_417 = arith.constant 0 : i32
      %dma_wait3A_418 = arith.constant 0 : i32
      %dma_wait3A_419 = tpu.memref_slice %arg31[%dma_wait3A_417, %dma_wait3A_418] : memref<10000x16xf32, #tpu.memory_space<vmem_shared>> -> memref<10000x16xf32, #tpu.memory_space<vmem_shared>>
      tpu.wait_indirect_dma semaphore(%arg32 : memref<!tpu.dma_semaphore, #tpu.memory_space<semaphore_mem>>) src(%arg29 : memref<80x16xf32, #tpu.memory_space<vmem>>) dst(%dma_wait3A_419 : memref<10000x16xf32, #tpu.memory_space<vmem_shared>>)
    } else {
    }
    %dma_start3A_187 = arith.constant 246 : i32
    %dma_start3A_188 = arith.constant 0 : i32
    %dma_start3A_189 = tpu.memref_slice %arg7[%dma_start3A_187, %dma_start3A_188] : memref<250x80xi32, #tpu.memory_space<vmem>> -> memref<1x80xi32, #tpu.memory_space<vmem>>
    %dma_start3A_190 = tpu.memref_squeeze %dma_start3A_189 : memref<1x80xi32, #tpu.memory_space<vmem>> -> memref<80xi32, #tpu.memory_space<vmem>>
    %dma_start3A_191 = arith.constant 0 : i32
    %dma_start3A_192 = arith.constant 0 : i32
    %dma_start3A_193 = tpu.memref_slice %arg2[%dma_start3A_191, %dma_start3A_192] : memref<20000x64xf32, #tpu.memory_space<hbm>> -> memref<20000x64xf32, #tpu.memory_space<hbm>>
    tpu.enqueue_indirect_dma source(%dma_start3A_193 : memref<20000x64xf32, #tpu.memory_space<hbm>>) target(%arg9 : memref<80x64xf32, #tpu.memory_space<vmem>>) offsets(%dma_start3A_190 : memref<80xi32, #tpu.memory_space<vmem>>) semaphore(%arg17 : memref<!tpu.dma_semaphore, #tpu.memory_space<semaphore_mem>>)
    %dma_wait3A_194 = arith.constant 244 : i32
    %dma_wait3A_195 = arith.constant 0 : i32
    %dma_wait3A_196 = tpu.memref_slice %arg7[%dma_wait3A_194, %dma_wait3A_195] : memref<250x80xi32, #tpu.memory_space<vmem>> -> memref<1x80xi32, #tpu.memory_space<vmem>>
    %dma_wait3A_197 = tpu.memref_squeeze %dma_wait3A_196 : memref<1x80xi32, #tpu.memory_space<vmem>> -> memref<80xi32, #tpu.memory_space<vmem>>
    %dma_wait3A_198 = arith.constant 0 : i32
    %dma_wait3A_199 = arith.constant 0 : i32
    %dma_wait3A_200 = tpu.memref_slice %arg2[%dma_wait3A_198, %dma_wait3A_199] : memref<20000x64xf32, #tpu.memory_space<hbm>> -> memref<20000x64xf32, #tpu.memory_space<hbm>>
    tpu.wait_indirect_dma semaphore(%arg21 : memref<!tpu.dma_semaphore, #tpu.memory_space<semaphore_mem>>) src(%dma_wait3A_200 : memref<20000x64xf32, #tpu.memory_space<hbm>>) dst(%arg13 : memref<80x64xf32, #tpu.memory_space<vmem>>)
    %dma_start3A_201 = arith.constant 244 : i32
    %dma_start3A_202 = arith.constant 0 : i32
    %dma_start3A_203 = tpu.memref_slice %arg8[%dma_start3A_201, %dma_start3A_202] : memref<250x80xi32, #tpu.memory_space<vmem>> -> memref<1x80xi32, #tpu.memory_space<vmem>>
    %dma_start3A_204 = tpu.memref_squeeze %dma_start3A_203 : memref<1x80xi32, #tpu.memory_space<vmem>> -> memref<80xi32, #tpu.memory_space<vmem>>
    %dma_start3A_205 = arith.constant 0 : i32
    %dma_start3A_206 = arith.constant 0 : i32
    %dma_start3A_207 = tpu.memref_slice %arg16[%dma_start3A_205, %dma_start3A_206] : memref<10000x64xf32, #tpu.memory_space<vmem_shared>> -> memref<10000x64xf32, #tpu.memory_space<vmem_shared>>
    tpu.enqueue_indirect_dma source(%arg13 : memref<80x64xf32, #tpu.memory_space<vmem>>) target(%dma_start3A_207 : memref<10000x64xf32, #tpu.memory_space<vmem_shared>>) offsets(%dma_start3A_204 : memref<80xi32, #tpu.memory_space<vmem>>) semaphore(%arg27 : memref<!tpu.dma_semaphore, #tpu.memory_space<semaphore_mem>>) {add = true}
    %convert_element_type3A_208 = arith.extui %eq3A_1 : i1 to i32
    %cond3A_209 = arith.constant 0 : i32
    %cond3A_210 = arith.cmpi ne, %convert_element_type3A_208, %cond3A_209 : i32
    scf.if %cond3A_210 {
      %dma_start3A_413 = arith.constant 244 : i32
      %dma_start3A_414 = arith.constant 0 : i32
      %dma_start3A_415 = tpu.memref_slice %arg8[%dma_start3A_413, %dma_start3A_414] : memref<250x80xi32, #tpu.memory_space<vmem>> -> memref<1x80xi32, #tpu.memory_space<vmem>>
      %dma_start3A_416 = tpu.memref_squeeze %dma_start3A_415 : memref<1x80xi32, #tpu.memory_space<vmem>> -> memref<80xi32, #tpu.memory_space<vmem>>
      %dma_start3A_417 = arith.constant 0 : i32
      %dma_start3A_418 = arith.constant 0 : i32
      %dma_start3A_419 = tpu.memref_slice %arg31[%dma_start3A_417, %dma_start3A_418] : memref<10000x16xf32, #tpu.memory_space<vmem_shared>> -> memref<10000x16xf32, #tpu.memory_space<vmem_shared>>
      tpu.enqueue_indirect_dma source(%arg29 : memref<80x16xf32, #tpu.memory_space<vmem>>) target(%dma_start3A_419 : memref<10000x16xf32, #tpu.memory_space<vmem_shared>>) offsets(%dma_start3A_416 : memref<80xi32, #tpu.memory_space<vmem>>) semaphore(%arg36 : memref<!tpu.dma_semaphore, #tpu.memory_space<semaphore_mem>>) {add = true}
    } else {
    }
    %dma_wait3A_211 = arith.constant 241 : i32
    %dma_wait3A_212 = arith.constant 0 : i32
    %dma_wait3A_213 = tpu.memref_slice %arg8[%dma_wait3A_211, %dma_wait3A_212] : memref<250x80xi32, #tpu.memory_space<vmem>> -> memref<1x80xi32, #tpu.memory_space<vmem>>
    %dma_wait3A_214 = tpu.memref_squeeze %dma_wait3A_213 : memref<1x80xi32, #tpu.memory_space<vmem>> -> memref<80xi32, #tpu.memory_space<vmem>>
    %dma_wait3A_215 = arith.constant 0 : i32
    %dma_wait3A_216 = arith.constant 0 : i32
    %dma_wait3A_217 = tpu.memref_slice %arg16[%dma_wait3A_215, %dma_wait3A_216] : memref<10000x64xf32, #tpu.memory_space<vmem_shared>> -> memref<10000x64xf32, #tpu.memory_space<vmem_shared>>
    tpu.wait_indirect_dma semaphore(%arg24 : memref<!tpu.dma_semaphore, #tpu.memory_space<semaphore_mem>>) src(%arg10 : memref<80x64xf32, #tpu.memory_space<vmem>>) dst(%dma_wait3A_217 : memref<10000x64xf32, #tpu.memory_space<vmem_shared>>)
    %convert_element_type3A_218 = arith.extui %eq3A_1 : i1 to i32
    %cond3A_219 = arith.constant 0 : i32
    %cond3A_220 = arith.cmpi ne, %convert_element_type3A_218, %cond3A_219 : i32
    scf.if %cond3A_220 {
      %dma_wait3A_413 = arith.constant 241 : i32
      %dma_wait3A_414 = arith.constant 0 : i32
      %dma_wait3A_415 = tpu.memref_slice %arg8[%dma_wait3A_413, %dma_wait3A_414] : memref<250x80xi32, #tpu.memory_space<vmem>> -> memref<1x80xi32, #tpu.memory_space<vmem>>
      %dma_wait3A_416 = tpu.memref_squeeze %dma_wait3A_415 : memref<1x80xi32, #tpu.memory_space<vmem>> -> memref<80xi32, #tpu.memory_space<vmem>>
      %dma_wait3A_417 = arith.constant 0 : i32
      %dma_wait3A_418 = arith.constant 0 : i32
      %dma_wait3A_419 = tpu.memref_slice %arg31[%dma_wait3A_417, %dma_wait3A_418] : memref<10000x16xf32, #tpu.memory_space<vmem_shared>> -> memref<10000x16xf32, #tpu.memory_space<vmem_shared>>
      tpu.wait_indirect_dma semaphore(%arg33 : memref<!tpu.dma_semaphore, #tpu.memory_space<semaphore_mem>>) src(%arg29 : memref<80x16xf32, #tpu.memory_space<vmem>>) dst(%dma_wait3A_419 : memref<10000x16xf32, #tpu.memory_space<vmem_shared>>)
    } else {
    }
    %dma_start3A_221 = arith.constant 247 : i32
    %dma_start3A_222 = arith.constant 0 : i32
    %dma_start3A_223 = tpu.memref_slice %arg7[%dma_start3A_221, %dma_start3A_222] : memref<250x80xi32, #tpu.memory_space<vmem>> -> memref<1x80xi32, #tpu.memory_space<vmem>>
    %dma_start3A_224 = tpu.memref_squeeze %dma_start3A_223 : memref<1x80xi32, #tpu.memory_space<vmem>> -> memref<80xi32, #tpu.memory_space<vmem>>
    %dma_start3A_225 = arith.constant 0 : i32
    %dma_start3A_226 = arith.constant 0 : i32
    %dma_start3A_227 = tpu.memref_slice %arg2[%dma_start3A_225, %dma_start3A_226] : memref<20000x64xf32, #tpu.memory_space<hbm>> -> memref<20000x64xf32, #tpu.memory_space<hbm>>
    tpu.enqueue_indirect_dma source(%dma_start3A_227 : memref<20000x64xf32, #tpu.memory_space<hbm>>) target(%arg10 : memref<80x64xf32, #tpu.memory_space<vmem>>) offsets(%dma_start3A_224 : memref<80xi32, #tpu.memory_space<vmem>>) semaphore(%arg18 : memref<!tpu.dma_semaphore, #tpu.memory_space<semaphore_mem>>)
    %dma_wait3A_228 = arith.constant 245 : i32
    %dma_wait3A_229 = arith.constant 0 : i32
    %dma_wait3A_230 = tpu.memref_slice %arg7[%dma_wait3A_228, %dma_wait3A_229] : memref<250x80xi32, #tpu.memory_space<vmem>> -> memref<1x80xi32, #tpu.memory_space<vmem>>
    %dma_wait3A_231 = tpu.memref_squeeze %dma_wait3A_230 : memref<1x80xi32, #tpu.memory_space<vmem>> -> memref<80xi32, #tpu.memory_space<vmem>>
    %dma_wait3A_232 = arith.constant 0 : i32
    %dma_wait3A_233 = arith.constant 0 : i32
    %dma_wait3A_234 = tpu.memref_slice %arg2[%dma_wait3A_232, %dma_wait3A_233] : memref<20000x64xf32, #tpu.memory_space<hbm>> -> memref<20000x64xf32, #tpu.memory_space<hbm>>
    tpu.wait_indirect_dma semaphore(%arg22 : memref<!tpu.dma_semaphore, #tpu.memory_space<semaphore_mem>>) src(%dma_wait3A_234 : memref<20000x64xf32, #tpu.memory_space<hbm>>) dst(%arg14 : memref<80x64xf32, #tpu.memory_space<vmem>>)
    %dma_start3A_235 = arith.constant 245 : i32
    %dma_start3A_236 = arith.constant 0 : i32
    %dma_start3A_237 = tpu.memref_slice %arg8[%dma_start3A_235, %dma_start3A_236] : memref<250x80xi32, #tpu.memory_space<vmem>> -> memref<1x80xi32, #tpu.memory_space<vmem>>
    %dma_start3A_238 = tpu.memref_squeeze %dma_start3A_237 : memref<1x80xi32, #tpu.memory_space<vmem>> -> memref<80xi32, #tpu.memory_space<vmem>>
    %dma_start3A_239 = arith.constant 0 : i32
    %dma_start3A_240 = arith.constant 0 : i32
    %dma_start3A_241 = tpu.memref_slice %arg16[%dma_start3A_239, %dma_start3A_240] : memref<10000x64xf32, #tpu.memory_space<vmem_shared>> -> memref<10000x64xf32, #tpu.memory_space<vmem_shared>>
    tpu.enqueue_indirect_dma source(%arg14 : memref<80x64xf32, #tpu.memory_space<vmem>>) target(%dma_start3A_241 : memref<10000x64xf32, #tpu.memory_space<vmem_shared>>) offsets(%dma_start3A_238 : memref<80xi32, #tpu.memory_space<vmem>>) semaphore(%arg28 : memref<!tpu.dma_semaphore, #tpu.memory_space<semaphore_mem>>) {add = true}
    %convert_element_type3A_242 = arith.extui %eq3A_1 : i1 to i32
    %cond3A_243 = arith.constant 0 : i32
    %cond3A_244 = arith.cmpi ne, %convert_element_type3A_242, %cond3A_243 : i32
    scf.if %cond3A_244 {
      %dma_start3A_413 = arith.constant 245 : i32
      %dma_start3A_414 = arith.constant 0 : i32
      %dma_start3A_415 = tpu.memref_slice %arg8[%dma_start3A_413, %dma_start3A_414] : memref<250x80xi32, #tpu.memory_space<vmem>> -> memref<1x80xi32, #tpu.memory_space<vmem>>
      %dma_start3A_416 = tpu.memref_squeeze %dma_start3A_415 : memref<1x80xi32, #tpu.memory_space<vmem>> -> memref<80xi32, #tpu.memory_space<vmem>>
      %dma_start3A_417 = arith.constant 0 : i32
      %dma_start3A_418 = arith.constant 0 : i32
      %dma_start3A_419 = tpu.memref_slice %arg31[%dma_start3A_417, %dma_start3A_418] : memref<10000x16xf32, #tpu.memory_space<vmem_shared>> -> memref<10000x16xf32, #tpu.memory_space<vmem_shared>>
      tpu.enqueue_indirect_dma source(%arg29 : memref<80x16xf32, #tpu.memory_space<vmem>>) target(%dma_start3A_419 : memref<10000x16xf32, #tpu.memory_space<vmem_shared>>) offsets(%dma_start3A_416 : memref<80xi32, #tpu.memory_space<vmem>>) semaphore(%arg37 : memref<!tpu.dma_semaphore, #tpu.memory_space<semaphore_mem>>) {add = true}
    } else {
    }
    %dma_wait3A_245 = arith.constant 242 : i32
    %dma_wait3A_246 = arith.constant 0 : i32
    %dma_wait3A_247 = tpu.memref_slice %arg8[%dma_wait3A_245, %dma_wait3A_246] : memref<250x80xi32, #tpu.memory_space<vmem>> -> memref<1x80xi32, #tpu.memory_space<vmem>>
    %dma_wait3A_248 = tpu.memref_squeeze %dma_wait3A_247 : memref<1x80xi32, #tpu.memory_space<vmem>> -> memref<80xi32, #tpu.memory_space<vmem>>
    %dma_wait3A_249 = arith.constant 0 : i32
    %dma_wait3A_250 = arith.constant 0 : i32
    %dma_wait3A_251 = tpu.memref_slice %arg16[%dma_wait3A_249, %dma_wait3A_250] : memref<10000x64xf32, #tpu.memory_space<vmem_shared>> -> memref<10000x64xf32, #tpu.memory_space<vmem_shared>>
    tpu.wait_indirect_dma semaphore(%arg25 : memref<!tpu.dma_semaphore, #tpu.memory_space<semaphore_mem>>) src(%arg11 : memref<80x64xf32, #tpu.memory_space<vmem>>) dst(%dma_wait3A_251 : memref<10000x64xf32, #tpu.memory_space<vmem_shared>>)
    %convert_element_type3A_252 = arith.extui %eq3A_1 : i1 to i32
    %cond3A_253 = arith.constant 0 : i32
    %cond3A_254 = arith.cmpi ne, %convert_element_type3A_252, %cond3A_253 : i32
    scf.if %cond3A_254 {
      %dma_wait3A_413 = arith.constant 242 : i32
      %dma_wait3A_414 = arith.constant 0 : i32
      %dma_wait3A_415 = tpu.memref_slice %arg8[%dma_wait3A_413, %dma_wait3A_414] : memref<250x80xi32, #tpu.memory_space<vmem>> -> memref<1x80xi32, #tpu.memory_space<vmem>>
      %dma_wait3A_416 = tpu.memref_squeeze %dma_wait3A_415 : memref<1x80xi32, #tpu.memory_space<vmem>> -> memref<80xi32, #tpu.memory_space<vmem>>
      %dma_wait3A_417 = arith.constant 0 : i32
      %dma_wait3A_418 = arith.constant 0 : i32
      %dma_wait3A_419 = tpu.memref_slice %arg31[%dma_wait3A_417, %dma_wait3A_418] : memref<10000x16xf32, #tpu.memory_space<vmem_shared>> -> memref<10000x16xf32, #tpu.memory_space<vmem_shared>>
      tpu.wait_indirect_dma semaphore(%arg34 : memref<!tpu.dma_semaphore, #tpu.memory_space<semaphore_mem>>) src(%arg29 : memref<80x16xf32, #tpu.memory_space<vmem>>) dst(%dma_wait3A_419 : memref<10000x16xf32, #tpu.memory_space<vmem_shared>>)
    } else {
    }
    %dma_start3A_255 = arith.constant 248 : i32
    %dma_start3A_256 = arith.constant 0 : i32
    %dma_start3A_257 = tpu.memref_slice %arg7[%dma_start3A_255, %dma_start3A_256] : memref<250x80xi32, #tpu.memory_space<vmem>> -> memref<1x80xi32, #tpu.memory_space<vmem>>
    %dma_start3A_258 = tpu.memref_squeeze %dma_start3A_257 : memref<1x80xi32, #tpu.memory_space<vmem>> -> memref<80xi32, #tpu.memory_space<vmem>>
    %dma_start3A_259 = arith.constant 0 : i32
    %dma_start3A_260 = arith.constant 0 : i32
    %dma_start3A_261 = tpu.memref_slice %arg2[%dma_start3A_259, %dma_start3A_260] : memref<20000x64xf32, #tpu.memory_space<hbm>> -> memref<20000x64xf32, #tpu.memory_space<hbm>>
    tpu.enqueue_indirect_dma source(%dma_start3A_261 : memref<20000x64xf32, #tpu.memory_space<hbm>>) target(%arg11 : memref<80x64xf32, #tpu.memory_space<vmem>>) offsets(%dma_start3A_258 : memref<80xi32, #tpu.memory_space<vmem>>) semaphore(%arg19 : memref<!tpu.dma_semaphore, #tpu.memory_space<semaphore_mem>>)
    %dma_wait3A_262 = arith.constant 246 : i32
    %dma_wait3A_263 = arith.constant 0 : i32
    %dma_wait3A_264 = tpu.memref_slice %arg7[%dma_wait3A_262, %dma_wait3A_263] : memref<250x80xi32, #tpu.memory_space<vmem>> -> memref<1x80xi32, #tpu.memory_space<vmem>>
    %dma_wait3A_265 = tpu.memref_squeeze %dma_wait3A_264 : memref<1x80xi32, #tpu.memory_space<vmem>> -> memref<80xi32, #tpu.memory_space<vmem>>
    %dma_wait3A_266 = arith.constant 0 : i32
    %dma_wait3A_267 = arith.constant 0 : i32
    %dma_wait3A_268 = tpu.memref_slice %arg2[%dma_wait3A_266, %dma_wait3A_267] : memref<20000x64xf32, #tpu.memory_space<hbm>> -> memref<20000x64xf32, #tpu.memory_space<hbm>>
    tpu.wait_indirect_dma semaphore(%arg17 : memref<!tpu.dma_semaphore, #tpu.memory_space<semaphore_mem>>) src(%dma_wait3A_268 : memref<20000x64xf32, #tpu.memory_space<hbm>>) dst(%arg9 : memref<80x64xf32, #tpu.memory_space<vmem>>)
    %dma_start3A_269 = arith.constant 246 : i32
    %dma_start3A_270 = arith.constant 0 : i32
    %dma_start3A_271 = tpu.memref_slice %arg8[%dma_start3A_269, %dma_start3A_270] : memref<250x80xi32, #tpu.memory_space<vmem>> -> memref<1x80xi32, #tpu.memory_space<vmem>>
    %dma_start3A_272 = tpu.memref_squeeze %dma_start3A_271 : memref<1x80xi32, #tpu.memory_space<vmem>> -> memref<80xi32, #tpu.memory_space<vmem>>
    %dma_start3A_273 = arith.constant 0 : i32
    %dma_start3A_274 = arith.constant 0 : i32
    %dma_start3A_275 = tpu.memref_slice %arg16[%dma_start3A_273, %dma_start3A_274] : memref<10000x64xf32, #tpu.memory_space<vmem_shared>> -> memref<10000x64xf32, #tpu.memory_space<vmem_shared>>
    tpu.enqueue_indirect_dma source(%arg9 : memref<80x64xf32, #tpu.memory_space<vmem>>) target(%dma_start3A_275 : memref<10000x64xf32, #tpu.memory_space<vmem_shared>>) offsets(%dma_start3A_272 : memref<80xi32, #tpu.memory_space<vmem>>) semaphore(%arg23 : memref<!tpu.dma_semaphore, #tpu.memory_space<semaphore_mem>>) {add = true}
    %convert_element_type3A_276 = arith.extui %eq3A_1 : i1 to i32
    %cond3A_277 = arith.constant 0 : i32
    %cond3A_278 = arith.cmpi ne, %convert_element_type3A_276, %cond3A_277 : i32
    scf.if %cond3A_278 {
      %dma_start3A_413 = arith.constant 246 : i32
      %dma_start3A_414 = arith.constant 0 : i32
      %dma_start3A_415 = tpu.memref_slice %arg8[%dma_start3A_413, %dma_start3A_414] : memref<250x80xi32, #tpu.memory_space<vmem>> -> memref<1x80xi32, #tpu.memory_space<vmem>>
      %dma_start3A_416 = tpu.memref_squeeze %dma_start3A_415 : memref<1x80xi32, #tpu.memory_space<vmem>> -> memref<80xi32, #tpu.memory_space<vmem>>
      %dma_start3A_417 = arith.constant 0 : i32
      %dma_start3A_418 = arith.constant 0 : i32
      %dma_start3A_419 = tpu.memref_slice %arg31[%dma_start3A_417, %dma_start3A_418] : memref<10000x16xf32, #tpu.memory_space<vmem_shared>> -> memref<10000x16xf32, #tpu.memory_space<vmem_shared>>
      tpu.enqueue_indirect_dma source(%arg29 : memref<80x16xf32, #tpu.memory_space<vmem>>) target(%dma_start3A_419 : memref<10000x16xf32, #tpu.memory_space<vmem_shared>>) offsets(%dma_start3A_416 : memref<80xi32, #tpu.memory_space<vmem>>) semaphore(%arg32 : memref<!tpu.dma_semaphore, #tpu.memory_space<semaphore_mem>>) {add = true}
    } else {
    }
    %dma_wait3A_279 = arith.constant 243 : i32
    %dma_wait3A_280 = arith.constant 0 : i32
    %dma_wait3A_281 = tpu.memref_slice %arg8[%dma_wait3A_279, %dma_wait3A_280] : memref<250x80xi32, #tpu.memory_space<vmem>> -> memref<1x80xi32, #tpu.memory_space<vmem>>
    %dma_wait3A_282 = tpu.memref_squeeze %dma_wait3A_281 : memref<1x80xi32, #tpu.memory_space<vmem>> -> memref<80xi32, #tpu.memory_space<vmem>>
    %dma_wait3A_283 = arith.constant 0 : i32
    %dma_wait3A_284 = arith.constant 0 : i32
    %dma_wait3A_285 = tpu.memref_slice %arg16[%dma_wait3A_283, %dma_wait3A_284] : memref<10000x64xf32, #tpu.memory_space<vmem_shared>> -> memref<10000x64xf32, #tpu.memory_space<vmem_shared>>
    tpu.wait_indirect_dma semaphore(%arg26 : memref<!tpu.dma_semaphore, #tpu.memory_space<semaphore_mem>>) src(%arg12 : memref<80x64xf32, #tpu.memory_space<vmem>>) dst(%dma_wait3A_285 : memref<10000x64xf32, #tpu.memory_space<vmem_shared>>)
    %convert_element_type3A_286 = arith.extui %eq3A_1 : i1 to i32
    %cond3A_287 = arith.constant 0 : i32
    %cond3A_288 = arith.cmpi ne, %convert_element_type3A_286, %cond3A_287 : i32
    scf.if %cond3A_288 {
      %dma_wait3A_413 = arith.constant 243 : i32
      %dma_wait3A_414 = arith.constant 0 : i32
      %dma_wait3A_415 = tpu.memref_slice %arg8[%dma_wait3A_413, %dma_wait3A_414] : memref<250x80xi32, #tpu.memory_space<vmem>> -> memref<1x80xi32, #tpu.memory_space<vmem>>
      %dma_wait3A_416 = tpu.memref_squeeze %dma_wait3A_415 : memref<1x80xi32, #tpu.memory_space<vmem>> -> memref<80xi32, #tpu.memory_space<vmem>>
      %dma_wait3A_417 = arith.constant 0 : i32
      %dma_wait3A_418 = arith.constant 0 : i32
      %dma_wait3A_419 = tpu.memref_slice %arg31[%dma_wait3A_417, %dma_wait3A_418] : memref<10000x16xf32, #tpu.memory_space<vmem_shared>> -> memref<10000x16xf32, #tpu.memory_space<vmem_shared>>
      tpu.wait_indirect_dma semaphore(%arg35 : memref<!tpu.dma_semaphore, #tpu.memory_space<semaphore_mem>>) src(%arg29 : memref<80x16xf32, #tpu.memory_space<vmem>>) dst(%dma_wait3A_419 : memref<10000x16xf32, #tpu.memory_space<vmem_shared>>)
    } else {
    }
    %dma_start3A_289 = arith.constant 249 : i32
    %dma_start3A_290 = arith.constant 0 : i32
    %dma_start3A_291 = tpu.memref_slice %arg7[%dma_start3A_289, %dma_start3A_290] : memref<250x80xi32, #tpu.memory_space<vmem>> -> memref<1x80xi32, #tpu.memory_space<vmem>>
    %dma_start3A_292 = tpu.memref_squeeze %dma_start3A_291 : memref<1x80xi32, #tpu.memory_space<vmem>> -> memref<80xi32, #tpu.memory_space<vmem>>
    %dma_start3A_293 = arith.constant 0 : i32
    %dma_start3A_294 = arith.constant 0 : i32
    %dma_start3A_295 = tpu.memref_slice %arg2[%dma_start3A_293, %dma_start3A_294] : memref<20000x64xf32, #tpu.memory_space<hbm>> -> memref<20000x64xf32, #tpu.memory_space<hbm>>
    tpu.enqueue_indirect_dma source(%dma_start3A_295 : memref<20000x64xf32, #tpu.memory_space<hbm>>) target(%arg12 : memref<80x64xf32, #tpu.memory_space<vmem>>) offsets(%dma_start3A_292 : memref<80xi32, #tpu.memory_space<vmem>>) semaphore(%arg20 : memref<!tpu.dma_semaphore, #tpu.memory_space<semaphore_mem>>)
    %dma_wait3A_296 = arith.constant 247 : i32
    %dma_wait3A_297 = arith.constant 0 : i32
    %dma_wait3A_298 = tpu.memref_slice %arg7[%dma_wait3A_296, %dma_wait3A_297] : memref<250x80xi32, #tpu.memory_space<vmem>> -> memref<1x80xi32, #tpu.memory_space<vmem>>
    %dma_wait3A_299 = tpu.memref_squeeze %dma_wait3A_298 : memref<1x80xi32, #tpu.memory_space<vmem>> -> memref<80xi32, #tpu.memory_space<vmem>>
    %dma_wait3A_300 = arith.constant 0 : i32
    %dma_wait3A_301 = arith.constant 0 : i32
    %dma_wait3A_302 = tpu.memref_slice %arg2[%dma_wait3A_300, %dma_wait3A_301] : memref<20000x64xf32, #tpu.memory_space<hbm>> -> memref<20000x64xf32, #tpu.memory_space<hbm>>
    tpu.wait_indirect_dma semaphore(%arg18 : memref<!tpu.dma_semaphore, #tpu.memory_space<semaphore_mem>>) src(%dma_wait3A_302 : memref<20000x64xf32, #tpu.memory_space<hbm>>) dst(%arg10 : memref<80x64xf32, #tpu.memory_space<vmem>>)
    %dma_start3A_303 = arith.constant 247 : i32
    %dma_start3A_304 = arith.constant 0 : i32
    %dma_start3A_305 = tpu.memref_slice %arg8[%dma_start3A_303, %dma_start3A_304] : memref<250x80xi32, #tpu.memory_space<vmem>> -> memref<1x80xi32, #tpu.memory_space<vmem>>
    %dma_start3A_306 = tpu.memref_squeeze %dma_start3A_305 : memref<1x80xi32, #tpu.memory_space<vmem>> -> memref<80xi32, #tpu.memory_space<vmem>>
    %dma_start3A_307 = arith.constant 0 : i32
    %dma_start3A_308 = arith.constant 0 : i32
    %dma_start3A_309 = tpu.memref_slice %arg16[%dma_start3A_307, %dma_start3A_308] : memref<10000x64xf32, #tpu.memory_space<vmem_shared>> -> memref<10000x64xf32, #tpu.memory_space<vmem_shared>>
    tpu.enqueue_indirect_dma source(%arg10 : memref<80x64xf32, #tpu.memory_space<vmem>>) target(%dma_start3A_309 : memref<10000x64xf32, #tpu.memory_space<vmem_shared>>) offsets(%dma_start3A_306 : memref<80xi32, #tpu.memory_space<vmem>>) semaphore(%arg24 : memref<!tpu.dma_semaphore, #tpu.memory_space<semaphore_mem>>) {add = true}
    %convert_element_type3A_310 = arith.extui %eq3A_1 : i1 to i32
    %cond3A_311 = arith.constant 0 : i32
    %cond3A_312 = arith.cmpi ne, %convert_element_type3A_310, %cond3A_311 : i32
    scf.if %cond3A_312 {
      %dma_start3A_413 = arith.constant 247 : i32
      %dma_start3A_414 = arith.constant 0 : i32
      %dma_start3A_415 = tpu.memref_slice %arg8[%dma_start3A_413, %dma_start3A_414] : memref<250x80xi32, #tpu.memory_space<vmem>> -> memref<1x80xi32, #tpu.memory_space<vmem>>
      %dma_start3A_416 = tpu.memref_squeeze %dma_start3A_415 : memref<1x80xi32, #tpu.memory_space<vmem>> -> memref<80xi32, #tpu.memory_space<vmem>>
      %dma_start3A_417 = arith.constant 0 : i32
      %dma_start3A_418 = arith.constant 0 : i32
      %dma_start3A_419 = tpu.memref_slice %arg31[%dma_start3A_417, %dma_start3A_418] : memref<10000x16xf32, #tpu.memory_space<vmem_shared>> -> memref<10000x16xf32, #tpu.memory_space<vmem_shared>>
      tpu.enqueue_indirect_dma source(%arg29 : memref<80x16xf32, #tpu.memory_space<vmem>>) target(%dma_start3A_419 : memref<10000x16xf32, #tpu.memory_space<vmem_shared>>) offsets(%dma_start3A_416 : memref<80xi32, #tpu.memory_space<vmem>>) semaphore(%arg33 : memref<!tpu.dma_semaphore, #tpu.memory_space<semaphore_mem>>) {add = true}
    } else {
    }
    %dma_wait3A_313 = arith.constant 248 : i32
    %dma_wait3A_314 = arith.constant 0 : i32
    %dma_wait3A_315 = tpu.memref_slice %arg7[%dma_wait3A_313, %dma_wait3A_314] : memref<250x80xi32, #tpu.memory_space<vmem>> -> memref<1x80xi32, #tpu.memory_space<vmem>>
    %dma_wait3A_316 = tpu.memref_squeeze %dma_wait3A_315 : memref<1x80xi32, #tpu.memory_space<vmem>> -> memref<80xi32, #tpu.memory_space<vmem>>
    %dma_wait3A_317 = arith.constant 0 : i32
    %dma_wait3A_318 = arith.constant 0 : i32
    %dma_wait3A_319 = tpu.memref_slice %arg2[%dma_wait3A_317, %dma_wait3A_318] : memref<20000x64xf32, #tpu.memory_space<hbm>> -> memref<20000x64xf32, #tpu.memory_space<hbm>>
    tpu.wait_indirect_dma semaphore(%arg19 : memref<!tpu.dma_semaphore, #tpu.memory_space<semaphore_mem>>) src(%dma_wait3A_319 : memref<20000x64xf32, #tpu.memory_space<hbm>>) dst(%arg11 : memref<80x64xf32, #tpu.memory_space<vmem>>)
    %dma_start3A_320 = arith.constant 248 : i32
    %dma_start3A_321 = arith.constant 0 : i32
    %dma_start3A_322 = tpu.memref_slice %arg8[%dma_start3A_320, %dma_start3A_321] : memref<250x80xi32, #tpu.memory_space<vmem>> -> memref<1x80xi32, #tpu.memory_space<vmem>>
    %dma_start3A_323 = tpu.memref_squeeze %dma_start3A_322 : memref<1x80xi32, #tpu.memory_space<vmem>> -> memref<80xi32, #tpu.memory_space<vmem>>
    %dma_start3A_324 = arith.constant 0 : i32
    %dma_start3A_325 = arith.constant 0 : i32
    %dma_start3A_326 = tpu.memref_slice %arg16[%dma_start3A_324, %dma_start3A_325] : memref<10000x64xf32, #tpu.memory_space<vmem_shared>> -> memref<10000x64xf32, #tpu.memory_space<vmem_shared>>
    tpu.enqueue_indirect_dma source(%arg11 : memref<80x64xf32, #tpu.memory_space<vmem>>) target(%dma_start3A_326 : memref<10000x64xf32, #tpu.memory_space<vmem_shared>>) offsets(%dma_start3A_323 : memref<80xi32, #tpu.memory_space<vmem>>) semaphore(%arg25 : memref<!tpu.dma_semaphore, #tpu.memory_space<semaphore_mem>>) {add = true}
    %convert_element_type3A_327 = arith.extui %eq3A_1 : i1 to i32
    %cond3A_328 = arith.constant 0 : i32
    %cond3A_329 = arith.cmpi ne, %convert_element_type3A_327, %cond3A_328 : i32
    scf.if %cond3A_329 {
      %dma_start3A_413 = arith.constant 248 : i32
      %dma_start3A_414 = arith.constant 0 : i32
      %dma_start3A_415 = tpu.memref_slice %arg8[%dma_start3A_413, %dma_start3A_414] : memref<250x80xi32, #tpu.memory_space<vmem>> -> memref<1x80xi32, #tpu.memory_space<vmem>>
      %dma_start3A_416 = tpu.memref_squeeze %dma_start3A_415 : memref<1x80xi32, #tpu.memory_space<vmem>> -> memref<80xi32, #tpu.memory_space<vmem>>
      %dma_start3A_417 = arith.constant 0 : i32
      %dma_start3A_418 = arith.constant 0 : i32
      %dma_start3A_419 = tpu.memref_slice %arg31[%dma_start3A_417, %dma_start3A_418] : memref<10000x16xf32, #tpu.memory_space<vmem_shared>> -> memref<10000x16xf32, #tpu.memory_space<vmem_shared>>
      tpu.enqueue_indirect_dma source(%arg29 : memref<80x16xf32, #tpu.memory_space<vmem>>) target(%dma_start3A_419 : memref<10000x16xf32, #tpu.memory_space<vmem_shared>>) offsets(%dma_start3A_416 : memref<80xi32, #tpu.memory_space<vmem>>) semaphore(%arg34 : memref<!tpu.dma_semaphore, #tpu.memory_space<semaphore_mem>>) {add = true}
    } else {
    }
    %dma_wait3A_330 = arith.constant 249 : i32
    %dma_wait3A_331 = arith.constant 0 : i32
    %dma_wait3A_332 = tpu.memref_slice %arg7[%dma_wait3A_330, %dma_wait3A_331] : memref<250x80xi32, #tpu.memory_space<vmem>> -> memref<1x80xi32, #tpu.memory_space<vmem>>
    %dma_wait3A_333 = tpu.memref_squeeze %dma_wait3A_332 : memref<1x80xi32, #tpu.memory_space<vmem>> -> memref<80xi32, #tpu.memory_space<vmem>>
    %dma_wait3A_334 = arith.constant 0 : i32
    %dma_wait3A_335 = arith.constant 0 : i32
    %dma_wait3A_336 = tpu.memref_slice %arg2[%dma_wait3A_334, %dma_wait3A_335] : memref<20000x64xf32, #tpu.memory_space<hbm>> -> memref<20000x64xf32, #tpu.memory_space<hbm>>
    tpu.wait_indirect_dma semaphore(%arg20 : memref<!tpu.dma_semaphore, #tpu.memory_space<semaphore_mem>>) src(%dma_wait3A_336 : memref<20000x64xf32, #tpu.memory_space<hbm>>) dst(%arg12 : memref<80x64xf32, #tpu.memory_space<vmem>>)
    %dma_start3A_337 = arith.constant 249 : i32
    %dma_start3A_338 = arith.constant 0 : i32
    %dma_start3A_339 = tpu.memref_slice %arg8[%dma_start3A_337, %dma_start3A_338] : memref<250x80xi32, #tpu.memory_space<vmem>> -> memref<1x80xi32, #tpu.memory_space<vmem>>
    %dma_start3A_340 = tpu.memref_squeeze %dma_start3A_339 : memref<1x80xi32, #tpu.memory_space<vmem>> -> memref<80xi32, #tpu.memory_space<vmem>>
    %dma_start3A_341 = arith.constant 0 : i32
    %dma_start3A_342 = arith.constant 0 : i32
    %dma_start3A_343 = tpu.memref_slice %arg16[%dma_start3A_341, %dma_start3A_342] : memref<10000x64xf32, #tpu.memory_space<vmem_shared>> -> memref<10000x64xf32, #tpu.memory_space<vmem_shared>>
    tpu.enqueue_indirect_dma source(%arg12 : memref<80x64xf32, #tpu.memory_space<vmem>>) target(%dma_start3A_343 : memref<10000x64xf32, #tpu.memory_space<vmem_shared>>) offsets(%dma_start3A_340 : memref<80xi32, #tpu.memory_space<vmem>>) semaphore(%arg26 : memref<!tpu.dma_semaphore, #tpu.memory_space<semaphore_mem>>) {add = true}
    %convert_element_type3A_344 = arith.extui %eq3A_1 : i1 to i32
    %cond3A_345 = arith.constant 0 : i32
    %cond3A_346 = arith.cmpi ne, %convert_element_type3A_344, %cond3A_345 : i32
    scf.if %cond3A_346 {
      %dma_start3A_413 = arith.constant 249 : i32
      %dma_start3A_414 = arith.constant 0 : i32
      %dma_start3A_415 = tpu.memref_slice %arg8[%dma_start3A_413, %dma_start3A_414] : memref<250x80xi32, #tpu.memory_space<vmem>> -> memref<1x80xi32, #tpu.memory_space<vmem>>
      %dma_start3A_416 = tpu.memref_squeeze %dma_start3A_415 : memref<1x80xi32, #tpu.memory_space<vmem>> -> memref<80xi32, #tpu.memory_space<vmem>>
      %dma_start3A_417 = arith.constant 0 : i32
      %dma_start3A_418 = arith.constant 0 : i32
      %dma_start3A_419 = tpu.memref_slice %arg31[%dma_start3A_417, %dma_start3A_418] : memref<10000x16xf32, #tpu.memory_space<vmem_shared>> -> memref<10000x16xf32, #tpu.memory_space<vmem_shared>>
      tpu.enqueue_indirect_dma source(%arg29 : memref<80x16xf32, #tpu.memory_space<vmem>>) target(%dma_start3A_419 : memref<10000x16xf32, #tpu.memory_space<vmem_shared>>) offsets(%dma_start3A_416 : memref<80xi32, #tpu.memory_space<vmem>>) semaphore(%arg35 : memref<!tpu.dma_semaphore, #tpu.memory_space<semaphore_mem>>) {add = true}
    } else {
    }
    %dma_wait3A_347 = arith.constant 244 : i32
    %dma_wait3A_348 = arith.constant 0 : i32
    %dma_wait3A_349 = tpu.memref_slice %arg8[%dma_wait3A_347, %dma_wait3A_348] : memref<250x80xi32, #tpu.memory_space<vmem>> -> memref<1x80xi32, #tpu.memory_space<vmem>>
    %dma_wait3A_350 = tpu.memref_squeeze %dma_wait3A_349 : memref<1x80xi32, #tpu.memory_space<vmem>> -> memref<80xi32, #tpu.memory_space<vmem>>
    %dma_wait3A_351 = arith.constant 0 : i32
    %dma_wait3A_352 = arith.constant 0 : i32
    %dma_wait3A_353 = tpu.memref_slice %arg16[%dma_wait3A_351, %dma_wait3A_352] : memref<10000x64xf32, #tpu.memory_space<vmem_shared>> -> memref<10000x64xf32, #tpu.memory_space<vmem_shared>>
    tpu.wait_indirect_dma semaphore(%arg27 : memref<!tpu.dma_semaphore, #tpu.memory_space<semaphore_mem>>) src(%arg13 : memref<80x64xf32, #tpu.memory_space<vmem>>) dst(%dma_wait3A_353 : memref<10000x64xf32, #tpu.memory_space<vmem_shared>>)
    %convert_element_type3A_354 = arith.extui %eq3A_1 : i1 to i32
    %cond3A_355 = arith.constant 0 : i32
    %cond3A_356 = arith.cmpi ne, %convert_element_type3A_354, %cond3A_355 : i32
    scf.if %cond3A_356 {
      %dma_wait3A_413 = arith.constant 244 : i32
      %dma_wait3A_414 = arith.constant 0 : i32
      %dma_wait3A_415 = tpu.memref_slice %arg8[%dma_wait3A_413, %dma_wait3A_414] : memref<250x80xi32, #tpu.memory_space<vmem>> -> memref<1x80xi32, #tpu.memory_space<vmem>>
      %dma_wait3A_416 = tpu.memref_squeeze %dma_wait3A_415 : memref<1x80xi32, #tpu.memory_space<vmem>> -> memref<80xi32, #tpu.memory_space<vmem>>
      %dma_wait3A_417 = arith.constant 0 : i32
      %dma_wait3A_418 = arith.constant 0 : i32
      %dma_wait3A_419 = tpu.memref_slice %arg31[%dma_wait3A_417, %dma_wait3A_418] : memref<10000x16xf32, #tpu.memory_space<vmem_shared>> -> memref<10000x16xf32, #tpu.memory_space<vmem_shared>>
      tpu.wait_indirect_dma semaphore(%arg36 : memref<!tpu.dma_semaphore, #tpu.memory_space<semaphore_mem>>) src(%arg29 : memref<80x16xf32, #tpu.memory_space<vmem>>) dst(%dma_wait3A_419 : memref<10000x16xf32, #tpu.memory_space<vmem_shared>>)
    } else {
    }
    %dma_wait3A_357 = arith.constant 245 : i32
    %dma_wait3A_358 = arith.constant 0 : i32
    %dma_wait3A_359 = tpu.memref_slice %arg8[%dma_wait3A_357, %dma_wait3A_358] : memref<250x80xi32, #tpu.memory_space<vmem>> -> memref<1x80xi32, #tpu.memory_space<vmem>>
    %dma_wait3A_360 = tpu.memref_squeeze %dma_wait3A_359 : memref<1x80xi32, #tpu.memory_space<vmem>> -> memref<80xi32, #tpu.memory_space<vmem>>
    %dma_wait3A_361 = arith.constant 0 : i32
    %dma_wait3A_362 = arith.constant 0 : i32
    %dma_wait3A_363 = tpu.memref_slice %arg16[%dma_wait3A_361, %dma_wait3A_362] : memref<10000x64xf32, #tpu.memory_space<vmem_shared>> -> memref<10000x64xf32, #tpu.memory_space<vmem_shared>>
    tpu.wait_indirect_dma semaphore(%arg28 : memref<!tpu.dma_semaphore, #tpu.memory_space<semaphore_mem>>) src(%arg14 : memref<80x64xf32, #tpu.memory_space<vmem>>) dst(%dma_wait3A_363 : memref<10000x64xf32, #tpu.memory_space<vmem_shared>>)
    %convert_element_type3A_364 = arith.extui %eq3A_1 : i1 to i32
    %cond3A_365 = arith.constant 0 : i32
    %cond3A_366 = arith.cmpi ne, %convert_element_type3A_364, %cond3A_365 : i32
    scf.if %cond3A_366 {
      %dma_wait3A_413 = arith.constant 245 : i32
      %dma_wait3A_414 = arith.constant 0 : i32
      %dma_wait3A_415 = tpu.memref_slice %arg8[%dma_wait3A_413, %dma_wait3A_414] : memref<250x80xi32, #tpu.memory_space<vmem>> -> memref<1x80xi32, #tpu.memory_space<vmem>>
      %dma_wait3A_416 = tpu.memref_squeeze %dma_wait3A_415 : memref<1x80xi32, #tpu.memory_space<vmem>> -> memref<80xi32, #tpu.memory_space<vmem>>
      %dma_wait3A_417 = arith.constant 0 : i32
      %dma_wait3A_418 = arith.constant 0 : i32
      %dma_wait3A_419 = tpu.memref_slice %arg31[%dma_wait3A_417, %dma_wait3A_418] : memref<10000x16xf32, #tpu.memory_space<vmem_shared>> -> memref<10000x16xf32, #tpu.memory_space<vmem_shared>>
      tpu.wait_indirect_dma semaphore(%arg37 : memref<!tpu.dma_semaphore, #tpu.memory_space<semaphore_mem>>) src(%arg29 : memref<80x16xf32, #tpu.memory_space<vmem>>) dst(%dma_wait3A_419 : memref<10000x16xf32, #tpu.memory_space<vmem_shared>>)
    } else {
    }
    %dma_wait3A_367 = arith.constant 246 : i32
    %dma_wait3A_368 = arith.constant 0 : i32
    %dma_wait3A_369 = tpu.memref_slice %arg8[%dma_wait3A_367, %dma_wait3A_368] : memref<250x80xi32, #tpu.memory_space<vmem>> -> memref<1x80xi32, #tpu.memory_space<vmem>>
    %dma_wait3A_370 = tpu.memref_squeeze %dma_wait3A_369 : memref<1x80xi32, #tpu.memory_space<vmem>> -> memref<80xi32, #tpu.memory_space<vmem>>
    %dma_wait3A_371 = arith.constant 0 : i32
    %dma_wait3A_372 = arith.constant 0 : i32
    %dma_wait3A_373 = tpu.memref_slice %arg16[%dma_wait3A_371, %dma_wait3A_372] : memref<10000x64xf32, #tpu.memory_space<vmem_shared>> -> memref<10000x64xf32, #tpu.memory_space<vmem_shared>>
    tpu.wait_indirect_dma semaphore(%arg23 : memref<!tpu.dma_semaphore, #tpu.memory_space<semaphore_mem>>) src(%arg9 : memref<80x64xf32, #tpu.memory_space<vmem>>) dst(%dma_wait3A_373 : memref<10000x64xf32, #tpu.memory_space<vmem_shared>>)
    %convert_element_type3A_374 = arith.extui %eq3A_1 : i1 to i32
    %cond3A_375 = arith.constant 0 : i32
    %cond3A_376 = arith.cmpi ne, %convert_element_type3A_374, %cond3A_375 : i32
    scf.if %cond3A_376 {
      %dma_wait3A_413 = arith.constant 246 : i32
      %dma_wait3A_414 = arith.constant 0 : i32
      %dma_wait3A_415 = tpu.memref_slice %arg8[%dma_wait3A_413, %dma_wait3A_414] : memref<250x80xi32, #tpu.memory_space<vmem>> -> memref<1x80xi32, #tpu.memory_space<vmem>>
      %dma_wait3A_416 = tpu.memref_squeeze %dma_wait3A_415 : memref<1x80xi32, #tpu.memory_space<vmem>> -> memref<80xi32, #tpu.memory_space<vmem>>
      %dma_wait3A_417 = arith.constant 0 : i32
      %dma_wait3A_418 = arith.constant 0 : i32
      %dma_wait3A_419 = tpu.memref_slice %arg31[%dma_wait3A_417, %dma_wait3A_418] : memref<10000x16xf32, #tpu.memory_space<vmem_shared>> -> memref<10000x16xf32, #tpu.memory_space<vmem_shared>>
      tpu.wait_indirect_dma semaphore(%arg32 : memref<!tpu.dma_semaphore, #tpu.memory_space<semaphore_mem>>) src(%arg29 : memref<80x16xf32, #tpu.memory_space<vmem>>) dst(%dma_wait3A_419 : memref<10000x16xf32, #tpu.memory_space<vmem_shared>>)
    } else {
    }
    %dma_wait3A_377 = arith.constant 247 : i32
    %dma_wait3A_378 = arith.constant 0 : i32
    %dma_wait3A_379 = tpu.memref_slice %arg8[%dma_wait3A_377, %dma_wait3A_378] : memref<250x80xi32, #tpu.memory_space<vmem>> -> memref<1x80xi32, #tpu.memory_space<vmem>>
    %dma_wait3A_380 = tpu.memref_squeeze %dma_wait3A_379 : memref<1x80xi32, #tpu.memory_space<vmem>> -> memref<80xi32, #tpu.memory_space<vmem>>
    %dma_wait3A_381 = arith.constant 0 : i32
    %dma_wait3A_382 = arith.constant 0 : i32
    %dma_wait3A_383 = tpu.memref_slice %arg16[%dma_wait3A_381, %dma_wait3A_382] : memref<10000x64xf32, #tpu.memory_space<vmem_shared>> -> memref<10000x64xf32, #tpu.memory_space<vmem_shared>>
    tpu.wait_indirect_dma semaphore(%arg24 : memref<!tpu.dma_semaphore, #tpu.memory_space<semaphore_mem>>) src(%arg10 : memref<80x64xf32, #tpu.memory_space<vmem>>) dst(%dma_wait3A_383 : memref<10000x64xf32, #tpu.memory_space<vmem_shared>>)
    %convert_element_type3A_384 = arith.extui %eq3A_1 : i1 to i32
    %cond3A_385 = arith.constant 0 : i32
    %cond3A_386 = arith.cmpi ne, %convert_element_type3A_384, %cond3A_385 : i32
    scf.if %cond3A_386 {
      %dma_wait3A_413 = arith.constant 247 : i32
      %dma_wait3A_414 = arith.constant 0 : i32
      %dma_wait3A_415 = tpu.memref_slice %arg8[%dma_wait3A_413, %dma_wait3A_414] : memref<250x80xi32, #tpu.memory_space<vmem>> -> memref<1x80xi32, #tpu.memory_space<vmem>>
      %dma_wait3A_416 = tpu.memref_squeeze %dma_wait3A_415 : memref<1x80xi32, #tpu.memory_space<vmem>> -> memref<80xi32, #tpu.memory_space<vmem>>
      %dma_wait3A_417 = arith.constant 0 : i32
      %dma_wait3A_418 = arith.constant 0 : i32
      %dma_wait3A_419 = tpu.memref_slice %arg31[%dma_wait3A_417, %dma_wait3A_418] : memref<10000x16xf32, #tpu.memory_space<vmem_shared>> -> memref<10000x16xf32, #tpu.memory_space<vmem_shared>>
      tpu.wait_indirect_dma semaphore(%arg33 : memref<!tpu.dma_semaphore, #tpu.memory_space<semaphore_mem>>) src(%arg29 : memref<80x16xf32, #tpu.memory_space<vmem>>) dst(%dma_wait3A_419 : memref<10000x16xf32, #tpu.memory_space<vmem_shared>>)
    } else {
    }
    %dma_wait3A_387 = arith.constant 248 : i32
    %dma_wait3A_388 = arith.constant 0 : i32
    %dma_wait3A_389 = tpu.memref_slice %arg8[%dma_wait3A_387, %dma_wait3A_388] : memref<250x80xi32, #tpu.memory_space<vmem>> -> memref<1x80xi32, #tpu.memory_space<vmem>>
    %dma_wait3A_390 = tpu.memref_squeeze %dma_wait3A_389 : memref<1x80xi32, #tpu.memory_space<vmem>> -> memref<80xi32, #tpu.memory_space<vmem>>
    %dma_wait3A_391 = arith.constant 0 : i32
    %dma_wait3A_392 = arith.constant 0 : i32
    %dma_wait3A_393 = tpu.memref_slice %arg16[%dma_wait3A_391, %dma_wait3A_392] : memref<10000x64xf32, #tpu.memory_space<vmem_shared>> -> memref<10000x64xf32, #tpu.memory_space<vmem_shared>>
    tpu.wait_indirect_dma semaphore(%arg25 : memref<!tpu.dma_semaphore, #tpu.memory_space<semaphore_mem>>) src(%arg11 : memref<80x64xf32, #tpu.memory_space<vmem>>) dst(%dma_wait3A_393 : memref<10000x64xf32, #tpu.memory_space<vmem_shared>>)
    %convert_element_type3A_394 = arith.extui %eq3A_1 : i1 to i32
    %cond3A_395 = arith.constant 0 : i32
    %cond3A_396 = arith.cmpi ne, %convert_element_type3A_394, %cond3A_395 : i32
    scf.if %cond3A_396 {
      %dma_wait3A_413 = arith.constant 248 : i32
      %dma_wait3A_414 = arith.constant 0 : i32
      %dma_wait3A_415 = tpu.memref_slice %arg8[%dma_wait3A_413, %dma_wait3A_414] : memref<250x80xi32, #tpu.memory_space<vmem>> -> memref<1x80xi32, #tpu.memory_space<vmem>>
      %dma_wait3A_416 = tpu.memref_squeeze %dma_wait3A_415 : memref<1x80xi32, #tpu.memory_space<vmem>> -> memref<80xi32, #tpu.memory_space<vmem>>
      %dma_wait3A_417 = arith.constant 0 : i32
      %dma_wait3A_418 = arith.constant 0 : i32
      %dma_wait3A_419 = tpu.memref_slice %arg31[%dma_wait3A_417, %dma_wait3A_418] : memref<10000x16xf32, #tpu.memory_space<vmem_shared>> -> memref<10000x16xf32, #tpu.memory_space<vmem_shared>>
      tpu.wait_indirect_dma semaphore(%arg34 : memref<!tpu.dma_semaphore, #tpu.memory_space<semaphore_mem>>) src(%arg29 : memref<80x16xf32, #tpu.memory_space<vmem>>) dst(%dma_wait3A_419 : memref<10000x16xf32, #tpu.memory_space<vmem_shared>>)
    } else {
    }
    %dma_wait3A_397 = arith.constant 249 : i32
    %dma_wait3A_398 = arith.constant 0 : i32
    %dma_wait3A_399 = tpu.memref_slice %arg8[%dma_wait3A_397, %dma_wait3A_398] : memref<250x80xi32, #tpu.memory_space<vmem>> -> memref<1x80xi32, #tpu.memory_space<vmem>>
    %dma_wait3A_400 = tpu.memref_squeeze %dma_wait3A_399 : memref<1x80xi32, #tpu.memory_space<vmem>> -> memref<80xi32, #tpu.memory_space<vmem>>
    %dma_wait3A_401 = arith.constant 0 : i32
    %dma_wait3A_402 = arith.constant 0 : i32
    %dma_wait3A_403 = tpu.memref_slice %arg16[%dma_wait3A_401, %dma_wait3A_402] : memref<10000x64xf32, #tpu.memory_space<vmem_shared>> -> memref<10000x64xf32, #tpu.memory_space<vmem_shared>>
    tpu.wait_indirect_dma semaphore(%arg26 : memref<!tpu.dma_semaphore, #tpu.memory_space<semaphore_mem>>) src(%arg12 : memref<80x64xf32, #tpu.memory_space<vmem>>) dst(%dma_wait3A_403 : memref<10000x64xf32, #tpu.memory_space<vmem_shared>>)
    %convert_element_type3A_404 = arith.extui %eq3A_1 : i1 to i32
    %cond3A_405 = arith.constant 0 : i32
    %cond3A_406 = arith.cmpi ne, %convert_element_type3A_404, %cond3A_405 : i32
    scf.if %cond3A_406 {
      %dma_wait3A_413 = arith.constant 249 : i32
      %dma_wait3A_414 = arith.constant 0 : i32
      %dma_wait3A_415 = tpu.memref_slice %arg8[%dma_wait3A_413, %dma_wait3A_414] : memref<250x80xi32, #tpu.memory_space<vmem>> -> memref<1x80xi32, #tpu.memory_space<vmem>>
      %dma_wait3A_416 = tpu.memref_squeeze %dma_wait3A_415 : memref<1x80xi32, #tpu.memory_space<vmem>> -> memref<80xi32, #tpu.memory_space<vmem>>
      %dma_wait3A_417 = arith.constant 0 : i32
      %dma_wait3A_418 = arith.constant 0 : i32
      %dma_wait3A_419 = tpu.memref_slice %arg31[%dma_wait3A_417, %dma_wait3A_418] : memref<10000x16xf32, #tpu.memory_space<vmem_shared>> -> memref<10000x16xf32, #tpu.memory_space<vmem_shared>>
      tpu.wait_indirect_dma semaphore(%arg35 : memref<!tpu.dma_semaphore, #tpu.memory_space<semaphore_mem>>) src(%arg29 : memref<80x16xf32, #tpu.memory_space<vmem>>) dst(%dma_wait3A_419 : memref<10000x16xf32, #tpu.memory_space<vmem_shared>>)
    } else {
    }
    %barrier3A_407 = arith.constant 0 : index
    tpu.barrier barrier_id(%barrier3A_407)
    %mul3A_408 = arith.constant 64 : i32
    %mul3A_409 = arith.muli %arg0, %mul3A_408 : i32
    "tpu.region"() ({
      %run_scoped3A = tpu.sem_alloc : memref<!tpu.dma_semaphore, #tpu.memory_space<semaphore_mem>>
      %dma_start3A_413 = tpu.memref_slice %arg5[%mul3A_0, %mul3A_409] : memref<10000x128xf32, #tpu.memory_space<hbm>> -> memref<625x64xf32, #tpu.memory_space<hbm>>
      %dma_start3A_414 = arith.constant 0 : i32
      %dma_start3A_415 = tpu.memref_slice %arg16[%mul3A_0, %dma_start3A_414] : memref<10000x64xf32, #tpu.memory_space<vmem_shared>> -> memref<625x64xf32, #tpu.memory_space<vmem_shared>>
      tpu.enqueue_dma source(%dma_start3A_415 : memref<625x64xf32, #tpu.memory_space<vmem_shared>>) target(%dma_start3A_413 : memref<625x64xf32, #tpu.memory_space<hbm>>) target_semaphore(%run_scoped3A : memref<!tpu.dma_semaphore, #tpu.memory_space<semaphore_mem>>)
      %dma_wait3A_416 = tpu.memref_slice %arg5[%mul3A_0, %mul3A_409] : memref<10000x128xf32, #tpu.memory_space<hbm>> -> memref<625x64xf32, #tpu.memory_space<hbm>>
      %dma_wait3A_417 = arith.constant 0 : i32
      %dma_wait3A_418 = tpu.memref_slice %arg16[%mul3A_0, %dma_wait3A_417] : memref<10000x64xf32, #tpu.memory_space<vmem_shared>> -> memref<625x64xf32, #tpu.memory_space<vmem_shared>>
      tpu.wait_dma2 semaphore(%run_scoped3A : memref<!tpu.dma_semaphore, #tpu.memory_space<semaphore_mem>>) src(%dma_wait3A_418 : memref<625x64xf32, #tpu.memory_space<vmem_shared>>) dst(%dma_wait3A_416 : memref<625x64xf32, #tpu.memory_space<hbm>>)
      tpu.yield
    }) : () -> ()
    %convert_element_type3A_410 = arith.extui %eq3A_1 : i1 to i32
    %cond3A_411 = arith.constant 0 : i32
    %cond3A_412 = arith.cmpi ne, %convert_element_type3A_410, %cond3A_411 : i32
    scf.if %cond3A_412 {
      "tpu.region"() ({
        %run_scoped3A = tpu.sem_alloc : memref<!tpu.dma_semaphore, #tpu.memory_space<semaphore_mem>>
        %dma_start3A_413 = arith.constant 0 : i32
        %dma_start3A_414 = tpu.memref_slice %arg6[%mul3A_0, %dma_start3A_413] : memref<10000x16xf32, #tpu.memory_space<hbm>> -> memref<625x16xf32, #tpu.memory_space<hbm>>
        %dma_start3A_415 = arith.constant 0 : i32
        %dma_start3A_416 = tpu.memref_slice %arg31[%mul3A_0, %dma_start3A_415] : memref<10000x16xf32, #tpu.memory_space<vmem_shared>> -> memref<625x16xf32, #tpu.memory_space<vmem_shared>>
        tpu.enqueue_dma source(%dma_start3A_416 : memref<625x16xf32, #tpu.memory_space<vmem_shared>>) target(%dma_start3A_414 : memref<625x16xf32, #tpu.memory_space<hbm>>) target_semaphore(%run_scoped3A : memref<!tpu.dma_semaphore, #tpu.memory_space<semaphore_mem>>)
        %dma_wait3A_417 = arith.constant 0 : i32
        %dma_wait3A_418 = tpu.memref_slice %arg6[%mul3A_0, %dma_wait3A_417] : memref<10000x16xf32, #tpu.memory_space<hbm>> -> memref<625x16xf32, #tpu.memory_space<hbm>>
        %dma_wait3A_419 = arith.constant 0 : i32
        %dma_wait3A_420 = tpu.memref_slice %arg31[%mul3A_0, %dma_wait3A_419] : memref<10000x16xf32, #tpu.memory_space<vmem_shared>> -> memref<625x16xf32, #tpu.memory_space<vmem_shared>>
        tpu.wait_dma2 semaphore(%run_scoped3A : memref<!tpu.dma_semaphore, #tpu.memory_space<semaphore_mem>>) src(%dma_wait3A_420 : memref<625x16xf32, #tpu.memory_space<vmem_shared>>) dst(%dma_wait3A_418 : memref<625x16xf32, #tpu.memory_space<hbm>>)
        tpu.yield
      }) : () -> ()
    } else {
    }
    return
  }
}

#map = affine_map<(d0, d1) -> (0, 0)>
#map1 = affine_map<(d0, d1) -> (0, 0, 0)>
module attributes {stable_mosaic.version = 14 : i64} {
  func.func @segsum(%arg0: i32, %arg1: i32, %arg2: memref<20000x64xf32, #tpu.memory_space<hbm>>, %arg3: memref<16x250x80xi32, #tpu.memory_space<hbm>>, %arg4: memref<16x250x80xi32, #tpu.memory_space<hbm>>, %arg5: memref<10000x128xf32, #tpu.memory_space<hbm>>, %arg6: memref<250x80xi32, #tpu.memory_space<vmem>>, %arg7: memref<250x80xi32, #tpu.memory_space<vmem>>, %arg8: memref<80x64xf32, #tpu.memory_space<vmem>>, %arg9: memref<80x64xf32, #tpu.memory_space<vmem>>, %arg10: memref<80x64xf32, #tpu.memory_space<vmem>>, %arg11: memref<80x64xf32, #tpu.memory_space<vmem>>, %arg12: memref<80x64xf32, #tpu.memory_space<vmem>>, %arg13: memref<80x64xf32, #tpu.memory_space<vmem>>, %arg14: memref<25x64xf32, #tpu.memory_space<vmem>>, %arg15: memref<10000x64xf32, #tpu.memory_space<vmem_shared>>, %arg16: memref<!tpu.dma_semaphore, #tpu.memory_space<semaphore_mem>>, %arg17: memref<!tpu.dma_semaphore, #tpu.memory_space<semaphore_mem>>, %arg18: memref<!tpu.dma_semaphore, #tpu.memory_space<semaphore_mem>>, %arg19: memref<!tpu.dma_semaphore, #tpu.memory_space<semaphore_mem>>, %arg20: memref<!tpu.dma_semaphore, #tpu.memory_space<semaphore_mem>>, %arg21: memref<!tpu.dma_semaphore, #tpu.memory_space<semaphore_mem>>, %arg22: memref<!tpu.dma_semaphore, #tpu.memory_space<semaphore_mem>>, %arg23: memref<!tpu.dma_semaphore, #tpu.memory_space<semaphore_mem>>, %arg24: memref<!tpu.dma_semaphore, #tpu.memory_space<semaphore_mem>>, %arg25: memref<!tpu.dma_semaphore, #tpu.memory_space<semaphore_mem>>, %arg26: memref<!tpu.dma_semaphore, #tpu.memory_space<semaphore_mem>>, %arg27: memref<!tpu.dma_semaphore, #tpu.memory_space<semaphore_mem>>) attributes {dimension_semantics = [#tpu.dimension_semantics<core_parallel>, #tpu.dimension_semantics<subcore_parallel>], iteration_bounds = array<i64: 2, 16>, scalar_prefetch = 0 : i64, scratch_operands = 22 : i64, tpu.core_type = #tpu.core_type<sc_vector_subcore>, window_params = [{transform_indices = #map}, {transform_indices = #map1}, {transform_indices = #map1}, {transform_indices = #map}]} {
    %mul3A = arith.constant 625 : i32
    %mul3A_0 = arith.muli %arg1, %mul3A : i32
    %eq3A = arith.constant 0 : i32
    %eq3A_1 = arith.cmpi eq, %arg0, %eq3A : i32
    %broadcast_in_dim3A = arith.constant 0.000000e+00 : f32
    %broadcast_in_dim3A_2 = vector.broadcast %broadcast_in_dim3A : f32 to vector<16xf32>
    %scan3A = arith.constant 0 : i32
    %scan3A_3 = arith.constant 0 : i32
    %scan3A_4 = arith.constant 25 : i32
    %scan3A_5 = arith.addi %scan3A_3, %scan3A_4 : i32
    %scan3A_6 = arith.constant 1 : i32
    scf.for %scan3A_347 = %scan3A_3 to %scan3A_5 step %scan3A_6  : i32 {
      %swap3A = arith.index_cast %scan3A_347 : i32 to index
      %swap3A_348 = arith.constant 0 : index
      %swap3A_349 = tpu.vector_load %arg14[%swap3A, %swap3A_348] {strides = array<i32>} : memref<25x64xf32, #tpu.memory_space<vmem>>, vector<1x16xf32>,
      %swap3A_350 = vector.shape_cast %swap3A_349 : vector<1x16xf32> to vector<16xf32>
      %swap3A_351 = vector.shape_cast %broadcast_in_dim3A_2 : vector<16xf32> to vector<1x16xf32>
      tpu.vector_store %arg14[%swap3A, %swap3A_348], %swap3A_351 {strides = array<i32>} : memref<25x64xf32, #tpu.memory_space<vmem>>, vector<1x16xf32>,
      %swap3A_352 = arith.index_cast %scan3A_347 : i32 to index
      %swap3A_353 = arith.constant 16 : index
      %swap3A_354 = tpu.vector_load %arg14[%swap3A_352, %swap3A_353] {strides = array<i32>} : memref<25x64xf32, #tpu.memory_space<vmem>>, vector<1x16xf32>,
      %swap3A_355 = vector.shape_cast %swap3A_354 : vector<1x16xf32> to vector<16xf32>
      %swap3A_356 = vector.shape_cast %broadcast_in_dim3A_2 : vector<16xf32> to vector<1x16xf32>
      tpu.vector_store %arg14[%swap3A_352, %swap3A_353], %swap3A_356 {strides = array<i32>} : memref<25x64xf32, #tpu.memory_space<vmem>>, vector<1x16xf32>,
      %swap3A_357 = arith.index_cast %scan3A_347 : i32 to index
      %swap3A_358 = arith.constant 32 : index
      %swap3A_359 = tpu.vector_load %arg14[%swap3A_357, %swap3A_358] {strides = array<i32>} : memref<25x64xf32, #tpu.memory_space<vmem>>, vector<1x16xf32>,
      %swap3A_360 = vector.shape_cast %swap3A_359 : vector<1x16xf32> to vector<16xf32>
      %swap3A_361 = vector.shape_cast %broadcast_in_dim3A_2 : vector<16xf32> to vector<1x16xf32>
      tpu.vector_store %arg14[%swap3A_357, %swap3A_358], %swap3A_361 {strides = array<i32>} : memref<25x64xf32, #tpu.memory_space<vmem>>, vector<1x16xf32>,
      %swap3A_362 = arith.index_cast %scan3A_347 : i32 to index
      %swap3A_363 = arith.constant 48 : index
      %swap3A_364 = tpu.vector_load %arg14[%swap3A_362, %swap3A_363] {strides = array<i32>} : memref<25x64xf32, #tpu.memory_space<vmem>>, vector<1x16xf32>,
      %swap3A_365 = vector.shape_cast %swap3A_364 : vector<1x16xf32> to vector<16xf32>
      %swap3A_366 = vector.shape_cast %broadcast_in_dim3A_2 : vector<16xf32> to vector<1x16xf32>
      tpu.vector_store %arg14[%swap3A_362, %swap3A_363], %swap3A_366 {strides = array<i32>} : memref<25x64xf32, #tpu.memory_space<vmem>>, vector<1x16xf32>,
    }
    %scan3A_7 = arith.constant 25 : i32
    %add3A = arith.constant 0 : i32
    %add3A_8 = arith.addi %mul3A_0, %add3A : i32
    "tpu.region"() ({
      %run_scoped3A = tpu.sem_alloc : memref<!tpu.dma_semaphore, #tpu.memory_space<semaphore_mem>>
      %dma_start3A_347 = arith.constant 0 : i32
      %dma_start3A_348 = tpu.memref_slice %arg15[%add3A_8, %dma_start3A_347] : memref<10000x64xf32, #tpu.memory_space<vmem_shared>> -> memref<25x64xf32, #tpu.memory_space<vmem_shared>>
      %dma_start3A_349 = arith.constant 0 : i32
      %dma_start3A_350 = tpu.memref_slice %arg15[%add3A_8, %dma_start3A_349] : memref<10000x64xf32, #tpu.memory_space<vmem_shared>> -> memref<25x64xf32, #tpu.memory_space<vmem_shared>>
      tpu.enqueue_dma source(%arg14 : memref<25x64xf32, #tpu.memory_space<vmem>>) target(%dma_start3A_350 : memref<25x64xf32, #tpu.memory_space<vmem_shared>>) target_semaphore(%run_scoped3A : memref<!tpu.dma_semaphore, #tpu.memory_space<semaphore_mem>>)
      %dma_wait3A_351 = arith.constant 0 : i32
      %dma_wait3A_352 = tpu.memref_slice %arg15[%add3A_8, %dma_wait3A_351] : memref<10000x64xf32, #tpu.memory_space<vmem_shared>> -> memref<25x64xf32, #tpu.memory_space<vmem_shared>>
      %dma_wait3A_353 = arith.constant 0 : i32
      %dma_wait3A_354 = tpu.memref_slice %arg15[%add3A_8, %dma_wait3A_353] : memref<10000x64xf32, #tpu.memory_space<vmem_shared>> -> memref<25x64xf32, #tpu.memory_space<vmem_shared>>
      tpu.wait_dma2 semaphore(%run_scoped3A : memref<!tpu.dma_semaphore, #tpu.memory_space<semaphore_mem>>) src(%arg14 : memref<25x64xf32, #tpu.memory_space<vmem>>) dst(%dma_wait3A_354 : memref<25x64xf32, #tpu.memory_space<vmem_shared>>)
      tpu.yield
    }) : () -> ()
    %add3A_9 = arith.constant 25 : i32
    %add3A_10 = arith.addi %mul3A_0, %add3A_9 : i32
    "tpu.region"() ({
      %run_scoped3A = tpu.sem_alloc : memref<!tpu.dma_semaphore, #tpu.memory_space<semaphore_mem>>
      %dma_start3A_347 = arith.constant 0 : i32
      %dma_start3A_348 = tpu.memref_slice %arg15[%add3A_10, %dma_start3A_347] : memref<10000x64xf32, #tpu.memory_space<vmem_shared>> -> memref<25x64xf32, #tpu.memory_space<vmem_shared>>
      %dma_start3A_349 = arith.constant 0 : i32
      %dma_start3A_350 = tpu.memref_slice %arg15[%add3A_10, %dma_start3A_349] : memref<10000x64xf32, #tpu.memory_space<vmem_shared>> -> memref<25x64xf32, #tpu.memory_space<vmem_shared>>
      tpu.enqueue_dma source(%arg14 : memref<25x64xf32, #tpu.memory_space<vmem>>) target(%dma_start3A_350 : memref<25x64xf32, #tpu.memory_space<vmem_shared>>) target_semaphore(%run_scoped3A : memref<!tpu.dma_semaphore, #tpu.memory_space<semaphore_mem>>)
      %dma_wait3A_351 = arith.constant 0 : i32
      %dma_wait3A_352 = tpu.memref_slice %arg15[%add3A_10, %dma_wait3A_351] : memref<10000x64xf32, #tpu.memory_space<vmem_shared>> -> memref<25x64xf32, #tpu.memory_space<vmem_shared>>
      %dma_wait3A_353 = arith.constant 0 : i32
      %dma_wait3A_354 = tpu.memref_slice %arg15[%add3A_10, %dma_wait3A_353] : memref<10000x64xf32, #tpu.memory_space<vmem_shared>> -> memref<25x64xf32, #tpu.memory_space<vmem_shared>>
      tpu.wait_dma2 semaphore(%run_scoped3A : memref<!tpu.dma_semaphore, #tpu.memory_space<semaphore_mem>>) src(%arg14 : memref<25x64xf32, #tpu.memory_space<vmem>>) dst(%dma_wait3A_354 : memref<25x64xf32, #tpu.memory_space<vmem_shared>>)
      tpu.yield
    }) : () -> ()
    %add3A_11 = arith.constant 50 : i32
    %add3A_12 = arith.addi %mul3A_0, %add3A_11 : i32
    "tpu.region"() ({
      %run_scoped3A = tpu.sem_alloc : memref<!tpu.dma_semaphore, #tpu.memory_space<semaphore_mem>>
      %dma_start3A_347 = arith.constant 0 : i32
      %dma_start3A_348 = tpu.memref_slice %arg15[%add3A_12, %dma_start3A_347] : memref<10000x64xf32, #tpu.memory_space<vmem_shared>> -> memref<25x64xf32, #tpu.memory_space<vmem_shared>>
      %dma_start3A_349 = arith.constant 0 : i32
      %dma_start3A_350 = tpu.memref_slice %arg15[%add3A_12, %dma_start3A_349] : memref<10000x64xf32, #tpu.memory_space<vmem_shared>> -> memref<25x64xf32, #tpu.memory_space<vmem_shared>>
      tpu.enqueue_dma source(%arg14 : memref<25x64xf32, #tpu.memory_space<vmem>>) target(%dma_start3A_350 : memref<25x64xf32, #tpu.memory_space<vmem_shared>>) target_semaphore(%run_scoped3A : memref<!tpu.dma_semaphore, #tpu.memory_space<semaphore_mem>>)
      %dma_wait3A_351 = arith.constant 0 : i32
      %dma_wait3A_352 = tpu.memref_slice %arg15[%add3A_12, %dma_wait3A_351] : memref<10000x64xf32, #tpu.memory_space<vmem_shared>> -> memref<25x64xf32, #tpu.memory_space<vmem_shared>>
      %dma_wait3A_353 = arith.constant 0 : i32
      %dma_wait3A_354 = tpu.memref_slice %arg15[%add3A_12, %dma_wait3A_353] : memref<10000x64xf32, #tpu.memory_space<vmem_shared>> -> memref<25x64xf32, #tpu.memory_space<vmem_shared>>
      tpu.wait_dma2 semaphore(%run_scoped3A : memref<!tpu.dma_semaphore, #tpu.memory_space<semaphore_mem>>) src(%arg14 : memref<25x64xf32, #tpu.memory_space<vmem>>) dst(%dma_wait3A_354 : memref<25x64xf32, #tpu.memory_space<vmem_shared>>)
      tpu.yield
    }) : () -> ()
    %add3A_13 = arith.constant 75 : i32
    %add3A_14 = arith.addi %mul3A_0, %add3A_13 : i32
    "tpu.region"() ({
      %run_scoped3A = tpu.sem_alloc : memref<!tpu.dma_semaphore, #tpu.memory_space<semaphore_mem>>
      %dma_start3A_347 = arith.constant 0 : i32
      %dma_start3A_348 = tpu.memref_slice %arg15[%add3A_14, %dma_start3A_347] : memref<10000x64xf32, #tpu.memory_space<vmem_shared>> -> memref<25x64xf32, #tpu.memory_space<vmem_shared>>
      %dma_start3A_349 = arith.constant 0 : i32
      %dma_start3A_350 = tpu.memref_slice %arg15[%add3A_14, %dma_start3A_349] : memref<10000x64xf32, #tpu.memory_space<vmem_shared>> -> memref<25x64xf32, #tpu.memory_space<vmem_shared>>
      tpu.enqueue_dma source(%arg14 : memref<25x64xf32, #tpu.memory_space<vmem>>) target(%dma_start3A_350 : memref<25x64xf32, #tpu.memory_space<vmem_shared>>) target_semaphore(%run_scoped3A : memref<!tpu.dma_semaphore, #tpu.memory_space<semaphore_mem>>)
      %dma_wait3A_351 = arith.constant 0 : i32
      %dma_wait3A_352 = tpu.memref_slice %arg15[%add3A_14, %dma_wait3A_351] : memref<10000x64xf32, #tpu.memory_space<vmem_shared>> -> memref<25x64xf32, #tpu.memory_space<vmem_shared>>
      %dma_wait3A_353 = arith.constant 0 : i32
      %dma_wait3A_354 = tpu.memref_slice %arg15[%add3A_14, %dma_wait3A_353] : memref<10000x64xf32, #tpu.memory_space<vmem_shared>> -> memref<25x64xf32, #tpu.memory_space<vmem_shared>>
      tpu.wait_dma2 semaphore(%run_scoped3A : memref<!tpu.dma_semaphore, #tpu.memory_space<semaphore_mem>>) src(%arg14 : memref<25x64xf32, #tpu.memory_space<vmem>>) dst(%dma_wait3A_354 : memref<25x64xf32, #tpu.memory_space<vmem_shared>>)
      tpu.yield
    }) : () -> ()
    %add3A_15 = arith.constant 100 : i32
    %add3A_16 = arith.addi %mul3A_0, %add3A_15 : i32
    "tpu.region"() ({
      %run_scoped3A = tpu.sem_alloc : memref<!tpu.dma_semaphore, #tpu.memory_space<semaphore_mem>>
      %dma_start3A_347 = arith.constant 0 : i32
      %dma_start3A_348 = tpu.memref_slice %arg15[%add3A_16, %dma_start3A_347] : memref<10000x64xf32, #tpu.memory_space<vmem_shared>> -> memref<25x64xf32, #tpu.memory_space<vmem_shared>>
      %dma_start3A_349 = arith.constant 0 : i32
      %dma_start3A_350 = tpu.memref_slice %arg15[%add3A_16, %dma_start3A_349] : memref<10000x64xf32, #tpu.memory_space<vmem_shared>> -> memref<25x64xf32, #tpu.memory_space<vmem_shared>>
      tpu.enqueue_dma source(%arg14 : memref<25x64xf32, #tpu.memory_space<vmem>>) target(%dma_start3A_350 : memref<25x64xf32, #tpu.memory_space<vmem_shared>>) target_semaphore(%run_scoped3A : memref<!tpu.dma_semaphore, #tpu.memory_space<semaphore_mem>>)
      %dma_wait3A_351 = arith.constant 0 : i32
      %dma_wait3A_352 = tpu.memref_slice %arg15[%add3A_16, %dma_wait3A_351] : memref<10000x64xf32, #tpu.memory_space<vmem_shared>> -> memref<25x64xf32, #tpu.memory_space<vmem_shared>>
      %dma_wait3A_353 = arith.constant 0 : i32
      %dma_wait3A_354 = tpu.memref_slice %arg15[%add3A_16, %dma_wait3A_353] : memref<10000x64xf32, #tpu.memory_space<vmem_shared>> -> memref<25x64xf32, #tpu.memory_space<vmem_shared>>
      tpu.wait_dma2 semaphore(%run_scoped3A : memref<!tpu.dma_semaphore, #tpu.memory_space<semaphore_mem>>) src(%arg14 : memref<25x64xf32, #tpu.memory_space<vmem>>) dst(%dma_wait3A_354 : memref<25x64xf32, #tpu.memory_space<vmem_shared>>)
      tpu.yield
    }) : () -> ()
    %add3A_17 = arith.constant 125 : i32
    %add3A_18 = arith.addi %mul3A_0, %add3A_17 : i32
    "tpu.region"() ({
      %run_scoped3A = tpu.sem_alloc : memref<!tpu.dma_semaphore, #tpu.memory_space<semaphore_mem>>
      %dma_start3A_347 = arith.constant 0 : i32
      %dma_start3A_348 = tpu.memref_slice %arg15[%add3A_18, %dma_start3A_347] : memref<10000x64xf32, #tpu.memory_space<vmem_shared>> -> memref<25x64xf32, #tpu.memory_space<vmem_shared>>
      %dma_start3A_349 = arith.constant 0 : i32
      %dma_start3A_350 = tpu.memref_slice %arg15[%add3A_18, %dma_start3A_349] : memref<10000x64xf32, #tpu.memory_space<vmem_shared>> -> memref<25x64xf32, #tpu.memory_space<vmem_shared>>
      tpu.enqueue_dma source(%arg14 : memref<25x64xf32, #tpu.memory_space<vmem>>) target(%dma_start3A_350 : memref<25x64xf32, #tpu.memory_space<vmem_shared>>) target_semaphore(%run_scoped3A : memref<!tpu.dma_semaphore, #tpu.memory_space<semaphore_mem>>)
      %dma_wait3A_351 = arith.constant 0 : i32
      %dma_wait3A_352 = tpu.memref_slice %arg15[%add3A_18, %dma_wait3A_351] : memref<10000x64xf32, #tpu.memory_space<vmem_shared>> -> memref<25x64xf32, #tpu.memory_space<vmem_shared>>
      %dma_wait3A_353 = arith.constant 0 : i32
      %dma_wait3A_354 = tpu.memref_slice %arg15[%add3A_18, %dma_wait3A_353] : memref<10000x64xf32, #tpu.memory_space<vmem_shared>> -> memref<25x64xf32, #tpu.memory_space<vmem_shared>>
      tpu.wait_dma2 semaphore(%run_scoped3A : memref<!tpu.dma_semaphore, #tpu.memory_space<semaphore_mem>>) src(%arg14 : memref<25x64xf32, #tpu.memory_space<vmem>>) dst(%dma_wait3A_354 : memref<25x64xf32, #tpu.memory_space<vmem_shared>>)
      tpu.yield
    }) : () -> ()
    %add3A_19 = arith.constant 150 : i32
    %add3A_20 = arith.addi %mul3A_0, %add3A_19 : i32
    "tpu.region"() ({
      %run_scoped3A = tpu.sem_alloc : memref<!tpu.dma_semaphore, #tpu.memory_space<semaphore_mem>>
      %dma_start3A_347 = arith.constant 0 : i32
      %dma_start3A_348 = tpu.memref_slice %arg15[%add3A_20, %dma_start3A_347] : memref<10000x64xf32, #tpu.memory_space<vmem_shared>> -> memref<25x64xf32, #tpu.memory_space<vmem_shared>>
      %dma_start3A_349 = arith.constant 0 : i32
      %dma_start3A_350 = tpu.memref_slice %arg15[%add3A_20, %dma_start3A_349] : memref<10000x64xf32, #tpu.memory_space<vmem_shared>> -> memref<25x64xf32, #tpu.memory_space<vmem_shared>>
      tpu.enqueue_dma source(%arg14 : memref<25x64xf32, #tpu.memory_space<vmem>>) target(%dma_start3A_350 : memref<25x64xf32, #tpu.memory_space<vmem_shared>>) target_semaphore(%run_scoped3A : memref<!tpu.dma_semaphore, #tpu.memory_space<semaphore_mem>>)
      %dma_wait3A_351 = arith.constant 0 : i32
      %dma_wait3A_352 = tpu.memref_slice %arg15[%add3A_20, %dma_wait3A_351] : memref<10000x64xf32, #tpu.memory_space<vmem_shared>> -> memref<25x64xf32, #tpu.memory_space<vmem_shared>>
      %dma_wait3A_353 = arith.constant 0 : i32
      %dma_wait3A_354 = tpu.memref_slice %arg15[%add3A_20, %dma_wait3A_353] : memref<10000x64xf32, #tpu.memory_space<vmem_shared>> -> memref<25x64xf32, #tpu.memory_space<vmem_shared>>
      tpu.wait_dma2 semaphore(%run_scoped3A : memref<!tpu.dma_semaphore, #tpu.memory_space<semaphore_mem>>) src(%arg14 : memref<25x64xf32, #tpu.memory_space<vmem>>) dst(%dma_wait3A_354 : memref<25x64xf32, #tpu.memory_space<vmem_shared>>)
      tpu.yield
    }) : () -> ()
    %add3A_21 = arith.constant 175 : i32
    %add3A_22 = arith.addi %mul3A_0, %add3A_21 : i32
    "tpu.region"() ({
      %run_scoped3A = tpu.sem_alloc : memref<!tpu.dma_semaphore, #tpu.memory_space<semaphore_mem>>
      %dma_start3A_347 = arith.constant 0 : i32
      %dma_start3A_348 = tpu.memref_slice %arg15[%add3A_22, %dma_start3A_347] : memref<10000x64xf32, #tpu.memory_space<vmem_shared>> -> memref<25x64xf32, #tpu.memory_space<vmem_shared>>
      %dma_start3A_349 = arith.constant 0 : i32
      %dma_start3A_350 = tpu.memref_slice %arg15[%add3A_22, %dma_start3A_349] : memref<10000x64xf32, #tpu.memory_space<vmem_shared>> -> memref<25x64xf32, #tpu.memory_space<vmem_shared>>
      tpu.enqueue_dma source(%arg14 : memref<25x64xf32, #tpu.memory_space<vmem>>) target(%dma_start3A_350 : memref<25x64xf32, #tpu.memory_space<vmem_shared>>) target_semaphore(%run_scoped3A : memref<!tpu.dma_semaphore, #tpu.memory_space<semaphore_mem>>)
      %dma_wait3A_351 = arith.constant 0 : i32
      %dma_wait3A_352 = tpu.memref_slice %arg15[%add3A_22, %dma_wait3A_351] : memref<10000x64xf32, #tpu.memory_space<vmem_shared>> -> memref<25x64xf32, #tpu.memory_space<vmem_shared>>
      %dma_wait3A_353 = arith.constant 0 : i32
      %dma_wait3A_354 = tpu.memref_slice %arg15[%add3A_22, %dma_wait3A_353] : memref<10000x64xf32, #tpu.memory_space<vmem_shared>> -> memref<25x64xf32, #tpu.memory_space<vmem_shared>>
      tpu.wait_dma2 semaphore(%run_scoped3A : memref<!tpu.dma_semaphore, #tpu.memory_space<semaphore_mem>>) src(%arg14 : memref<25x64xf32, #tpu.memory_space<vmem>>) dst(%dma_wait3A_354 : memref<25x64xf32, #tpu.memory_space<vmem_shared>>)
      tpu.yield
    }) : () -> ()
    %add3A_23 = arith.constant 200 : i32
    %add3A_24 = arith.addi %mul3A_0, %add3A_23 : i32
    "tpu.region"() ({
      %run_scoped3A = tpu.sem_alloc : memref<!tpu.dma_semaphore, #tpu.memory_space<semaphore_mem>>
      %dma_start3A_347 = arith.constant 0 : i32
      %dma_start3A_348 = tpu.memref_slice %arg15[%add3A_24, %dma_start3A_347] : memref<10000x64xf32, #tpu.memory_space<vmem_shared>> -> memref<25x64xf32, #tpu.memory_space<vmem_shared>>
      %dma_start3A_349 = arith.constant 0 : i32
      %dma_start3A_350 = tpu.memref_slice %arg15[%add3A_24, %dma_start3A_349] : memref<10000x64xf32, #tpu.memory_space<vmem_shared>> -> memref<25x64xf32, #tpu.memory_space<vmem_shared>>
      tpu.enqueue_dma source(%arg14 : memref<25x64xf32, #tpu.memory_space<vmem>>) target(%dma_start3A_350 : memref<25x64xf32, #tpu.memory_space<vmem_shared>>) target_semaphore(%run_scoped3A : memref<!tpu.dma_semaphore, #tpu.memory_space<semaphore_mem>>)
      %dma_wait3A_351 = arith.constant 0 : i32
      %dma_wait3A_352 = tpu.memref_slice %arg15[%add3A_24, %dma_wait3A_351] : memref<10000x64xf32, #tpu.memory_space<vmem_shared>> -> memref<25x64xf32, #tpu.memory_space<vmem_shared>>
      %dma_wait3A_353 = arith.constant 0 : i32
      %dma_wait3A_354 = tpu.memref_slice %arg15[%add3A_24, %dma_wait3A_353] : memref<10000x64xf32, #tpu.memory_space<vmem_shared>> -> memref<25x64xf32, #tpu.memory_space<vmem_shared>>
      tpu.wait_dma2 semaphore(%run_scoped3A : memref<!tpu.dma_semaphore, #tpu.memory_space<semaphore_mem>>) src(%arg14 : memref<25x64xf32, #tpu.memory_space<vmem>>) dst(%dma_wait3A_354 : memref<25x64xf32, #tpu.memory_space<vmem_shared>>)
      tpu.yield
    }) : () -> ()
    %add3A_25 = arith.constant 225 : i32
    %add3A_26 = arith.addi %mul3A_0, %add3A_25 : i32
    "tpu.region"() ({
      %run_scoped3A = tpu.sem_alloc : memref<!tpu.dma_semaphore, #tpu.memory_space<semaphore_mem>>
      %dma_start3A_347 = arith.constant 0 : i32
      %dma_start3A_348 = tpu.memref_slice %arg15[%add3A_26, %dma_start3A_347] : memref<10000x64xf32, #tpu.memory_space<vmem_shared>> -> memref<25x64xf32, #tpu.memory_space<vmem_shared>>
      %dma_start3A_349 = arith.constant 0 : i32
      %dma_start3A_350 = tpu.memref_slice %arg15[%add3A_26, %dma_start3A_349] : memref<10000x64xf32, #tpu.memory_space<vmem_shared>> -> memref<25x64xf32, #tpu.memory_space<vmem_shared>>
      tpu.enqueue_dma source(%arg14 : memref<25x64xf32, #tpu.memory_space<vmem>>) target(%dma_start3A_350 : memref<25x64xf32, #tpu.memory_space<vmem_shared>>) target_semaphore(%run_scoped3A : memref<!tpu.dma_semaphore, #tpu.memory_space<semaphore_mem>>)
      %dma_wait3A_351 = arith.constant 0 : i32
      %dma_wait3A_352 = tpu.memref_slice %arg15[%add3A_26, %dma_wait3A_351] : memref<10000x64xf32, #tpu.memory_space<vmem_shared>> -> memref<25x64xf32, #tpu.memory_space<vmem_shared>>
      %dma_wait3A_353 = arith.constant 0 : i32
      %dma_wait3A_354 = tpu.memref_slice %arg15[%add3A_26, %dma_wait3A_353] : memref<10000x64xf32, #tpu.memory_space<vmem_shared>> -> memref<25x64xf32, #tpu.memory_space<vmem_shared>>
      tpu.wait_dma2 semaphore(%run_scoped3A : memref<!tpu.dma_semaphore, #tpu.memory_space<semaphore_mem>>) src(%arg14 : memref<25x64xf32, #tpu.memory_space<vmem>>) dst(%dma_wait3A_354 : memref<25x64xf32, #tpu.memory_space<vmem_shared>>)
      tpu.yield
    }) : () -> ()
    %add3A_27 = arith.constant 250 : i32
    %add3A_28 = arith.addi %mul3A_0, %add3A_27 : i32
    "tpu.region"() ({
      %run_scoped3A = tpu.sem_alloc : memref<!tpu.dma_semaphore, #tpu.memory_space<semaphore_mem>>
      %dma_start3A_347 = arith.constant 0 : i32
      %dma_start3A_348 = tpu.memref_slice %arg15[%add3A_28, %dma_start3A_347] : memref<10000x64xf32, #tpu.memory_space<vmem_shared>> -> memref<25x64xf32, #tpu.memory_space<vmem_shared>>
      %dma_start3A_349 = arith.constant 0 : i32
      %dma_start3A_350 = tpu.memref_slice %arg15[%add3A_28, %dma_start3A_349] : memref<10000x64xf32, #tpu.memory_space<vmem_shared>> -> memref<25x64xf32, #tpu.memory_space<vmem_shared>>
      tpu.enqueue_dma source(%arg14 : memref<25x64xf32, #tpu.memory_space<vmem>>) target(%dma_start3A_350 : memref<25x64xf32, #tpu.memory_space<vmem_shared>>) target_semaphore(%run_scoped3A : memref<!tpu.dma_semaphore, #tpu.memory_space<semaphore_mem>>)
      %dma_wait3A_351 = arith.constant 0 : i32
      %dma_wait3A_352 = tpu.memref_slice %arg15[%add3A_28, %dma_wait3A_351] : memref<10000x64xf32, #tpu.memory_space<vmem_shared>> -> memref<25x64xf32, #tpu.memory_space<vmem_shared>>
      %dma_wait3A_353 = arith.constant 0 : i32
      %dma_wait3A_354 = tpu.memref_slice %arg15[%add3A_28, %dma_wait3A_353] : memref<10000x64xf32, #tpu.memory_space<vmem_shared>> -> memref<25x64xf32, #tpu.memory_space<vmem_shared>>
      tpu.wait_dma2 semaphore(%run_scoped3A : memref<!tpu.dma_semaphore, #tpu.memory_space<semaphore_mem>>) src(%arg14 : memref<25x64xf32, #tpu.memory_space<vmem>>) dst(%dma_wait3A_354 : memref<25x64xf32, #tpu.memory_space<vmem_shared>>)
      tpu.yield
    }) : () -> ()
    %add3A_29 = arith.constant 275 : i32
    %add3A_30 = arith.addi %mul3A_0, %add3A_29 : i32
    "tpu.region"() ({
      %run_scoped3A = tpu.sem_alloc : memref<!tpu.dma_semaphore, #tpu.memory_space<semaphore_mem>>
      %dma_start3A_347 = arith.constant 0 : i32
      %dma_start3A_348 = tpu.memref_slice %arg15[%add3A_30, %dma_start3A_347] : memref<10000x64xf32, #tpu.memory_space<vmem_shared>> -> memref<25x64xf32, #tpu.memory_space<vmem_shared>>
      %dma_start3A_349 = arith.constant 0 : i32
      %dma_start3A_350 = tpu.memref_slice %arg15[%add3A_30, %dma_start3A_349] : memref<10000x64xf32, #tpu.memory_space<vmem_shared>> -> memref<25x64xf32, #tpu.memory_space<vmem_shared>>
      tpu.enqueue_dma source(%arg14 : memref<25x64xf32, #tpu.memory_space<vmem>>) target(%dma_start3A_350 : memref<25x64xf32, #tpu.memory_space<vmem_shared>>) target_semaphore(%run_scoped3A : memref<!tpu.dma_semaphore, #tpu.memory_space<semaphore_mem>>)
      %dma_wait3A_351 = arith.constant 0 : i32
      %dma_wait3A_352 = tpu.memref_slice %arg15[%add3A_30, %dma_wait3A_351] : memref<10000x64xf32, #tpu.memory_space<vmem_shared>> -> memref<25x64xf32, #tpu.memory_space<vmem_shared>>
      %dma_wait3A_353 = arith.constant 0 : i32
      %dma_wait3A_354 = tpu.memref_slice %arg15[%add3A_30, %dma_wait3A_353] : memref<10000x64xf32, #tpu.memory_space<vmem_shared>> -> memref<25x64xf32, #tpu.memory_space<vmem_shared>>
      tpu.wait_dma2 semaphore(%run_scoped3A : memref<!tpu.dma_semaphore, #tpu.memory_space<semaphore_mem>>) src(%arg14 : memref<25x64xf32, #tpu.memory_space<vmem>>) dst(%dma_wait3A_354 : memref<25x64xf32, #tpu.memory_space<vmem_shared>>)
      tpu.yield
    }) : () -> ()
    %add3A_31 = arith.constant 300 : i32
    %add3A_32 = arith.addi %mul3A_0, %add3A_31 : i32
    "tpu.region"() ({
      %run_scoped3A = tpu.sem_alloc : memref<!tpu.dma_semaphore, #tpu.memory_space<semaphore_mem>>
      %dma_start3A_347 = arith.constant 0 : i32
      %dma_start3A_348 = tpu.memref_slice %arg15[%add3A_32, %dma_start3A_347] : memref<10000x64xf32, #tpu.memory_space<vmem_shared>> -> memref<25x64xf32, #tpu.memory_space<vmem_shared>>
      %dma_start3A_349 = arith.constant 0 : i32
      %dma_start3A_350 = tpu.memref_slice %arg15[%add3A_32, %dma_start3A_349] : memref<10000x64xf32, #tpu.memory_space<vmem_shared>> -> memref<25x64xf32, #tpu.memory_space<vmem_shared>>
      tpu.enqueue_dma source(%arg14 : memref<25x64xf32, #tpu.memory_space<vmem>>) target(%dma_start3A_350 : memref<25x64xf32, #tpu.memory_space<vmem_shared>>) target_semaphore(%run_scoped3A : memref<!tpu.dma_semaphore, #tpu.memory_space<semaphore_mem>>)
      %dma_wait3A_351 = arith.constant 0 : i32
      %dma_wait3A_352 = tpu.memref_slice %arg15[%add3A_32, %dma_wait3A_351] : memref<10000x64xf32, #tpu.memory_space<vmem_shared>> -> memref<25x64xf32, #tpu.memory_space<vmem_shared>>
      %dma_wait3A_353 = arith.constant 0 : i32
      %dma_wait3A_354 = tpu.memref_slice %arg15[%add3A_32, %dma_wait3A_353] : memref<10000x64xf32, #tpu.memory_space<vmem_shared>> -> memref<25x64xf32, #tpu.memory_space<vmem_shared>>
      tpu.wait_dma2 semaphore(%run_scoped3A : memref<!tpu.dma_semaphore, #tpu.memory_space<semaphore_mem>>) src(%arg14 : memref<25x64xf32, #tpu.memory_space<vmem>>) dst(%dma_wait3A_354 : memref<25x64xf32, #tpu.memory_space<vmem_shared>>)
      tpu.yield
    }) : () -> ()
    %add3A_33 = arith.constant 325 : i32
    %add3A_34 = arith.addi %mul3A_0, %add3A_33 : i32
    "tpu.region"() ({
      %run_scoped3A = tpu.sem_alloc : memref<!tpu.dma_semaphore, #tpu.memory_space<semaphore_mem>>
      %dma_start3A_347 = arith.constant 0 : i32
      %dma_start3A_348 = tpu.memref_slice %arg15[%add3A_34, %dma_start3A_347] : memref<10000x64xf32, #tpu.memory_space<vmem_shared>> -> memref<25x64xf32, #tpu.memory_space<vmem_shared>>
      %dma_start3A_349 = arith.constant 0 : i32
      %dma_start3A_350 = tpu.memref_slice %arg15[%add3A_34, %dma_start3A_349] : memref<10000x64xf32, #tpu.memory_space<vmem_shared>> -> memref<25x64xf32, #tpu.memory_space<vmem_shared>>
      tpu.enqueue_dma source(%arg14 : memref<25x64xf32, #tpu.memory_space<vmem>>) target(%dma_start3A_350 : memref<25x64xf32, #tpu.memory_space<vmem_shared>>) target_semaphore(%run_scoped3A : memref<!tpu.dma_semaphore, #tpu.memory_space<semaphore_mem>>)
      %dma_wait3A_351 = arith.constant 0 : i32
      %dma_wait3A_352 = tpu.memref_slice %arg15[%add3A_34, %dma_wait3A_351] : memref<10000x64xf32, #tpu.memory_space<vmem_shared>> -> memref<25x64xf32, #tpu.memory_space<vmem_shared>>
      %dma_wait3A_353 = arith.constant 0 : i32
      %dma_wait3A_354 = tpu.memref_slice %arg15[%add3A_34, %dma_wait3A_353] : memref<10000x64xf32, #tpu.memory_space<vmem_shared>> -> memref<25x64xf32, #tpu.memory_space<vmem_shared>>
      tpu.wait_dma2 semaphore(%run_scoped3A : memref<!tpu.dma_semaphore, #tpu.memory_space<semaphore_mem>>) src(%arg14 : memref<25x64xf32, #tpu.memory_space<vmem>>) dst(%dma_wait3A_354 : memref<25x64xf32, #tpu.memory_space<vmem_shared>>)
      tpu.yield
    }) : () -> ()
    %add3A_35 = arith.constant 350 : i32
    %add3A_36 = arith.addi %mul3A_0, %add3A_35 : i32
    "tpu.region"() ({
      %run_scoped3A = tpu.sem_alloc : memref<!tpu.dma_semaphore, #tpu.memory_space<semaphore_mem>>
      %dma_start3A_347 = arith.constant 0 : i32
      %dma_start3A_348 = tpu.memref_slice %arg15[%add3A_36, %dma_start3A_347] : memref<10000x64xf32, #tpu.memory_space<vmem_shared>> -> memref<25x64xf32, #tpu.memory_space<vmem_shared>>
      %dma_start3A_349 = arith.constant 0 : i32
      %dma_start3A_350 = tpu.memref_slice %arg15[%add3A_36, %dma_start3A_349] : memref<10000x64xf32, #tpu.memory_space<vmem_shared>> -> memref<25x64xf32, #tpu.memory_space<vmem_shared>>
      tpu.enqueue_dma source(%arg14 : memref<25x64xf32, #tpu.memory_space<vmem>>) target(%dma_start3A_350 : memref<25x64xf32, #tpu.memory_space<vmem_shared>>) target_semaphore(%run_scoped3A : memref<!tpu.dma_semaphore, #tpu.memory_space<semaphore_mem>>)
      %dma_wait3A_351 = arith.constant 0 : i32
      %dma_wait3A_352 = tpu.memref_slice %arg15[%add3A_36, %dma_wait3A_351] : memref<10000x64xf32, #tpu.memory_space<vmem_shared>> -> memref<25x64xf32, #tpu.memory_space<vmem_shared>>
      %dma_wait3A_353 = arith.constant 0 : i32
      %dma_wait3A_354 = tpu.memref_slice %arg15[%add3A_36, %dma_wait3A_353] : memref<10000x64xf32, #tpu.memory_space<vmem_shared>> -> memref<25x64xf32, #tpu.memory_space<vmem_shared>>
      tpu.wait_dma2 semaphore(%run_scoped3A : memref<!tpu.dma_semaphore, #tpu.memory_space<semaphore_mem>>) src(%arg14 : memref<25x64xf32, #tpu.memory_space<vmem>>) dst(%dma_wait3A_354 : memref<25x64xf32, #tpu.memory_space<vmem_shared>>)
      tpu.yield
    }) : () -> ()
    %add3A_37 = arith.constant 375 : i32
    %add3A_38 = arith.addi %mul3A_0, %add3A_37 : i32
    "tpu.region"() ({
      %run_scoped3A = tpu.sem_alloc : memref<!tpu.dma_semaphore, #tpu.memory_space<semaphore_mem>>
      %dma_start3A_347 = arith.constant 0 : i32
      %dma_start3A_348 = tpu.memref_slice %arg15[%add3A_38, %dma_start3A_347] : memref<10000x64xf32, #tpu.memory_space<vmem_shared>> -> memref<25x64xf32, #tpu.memory_space<vmem_shared>>
      %dma_start3A_349 = arith.constant 0 : i32
      %dma_start3A_350 = tpu.memref_slice %arg15[%add3A_38, %dma_start3A_349] : memref<10000x64xf32, #tpu.memory_space<vmem_shared>> -> memref<25x64xf32, #tpu.memory_space<vmem_shared>>
      tpu.enqueue_dma source(%arg14 : memref<25x64xf32, #tpu.memory_space<vmem>>) target(%dma_start3A_350 : memref<25x64xf32, #tpu.memory_space<vmem_shared>>) target_semaphore(%run_scoped3A : memref<!tpu.dma_semaphore, #tpu.memory_space<semaphore_mem>>)
      %dma_wait3A_351 = arith.constant 0 : i32
      %dma_wait3A_352 = tpu.memref_slice %arg15[%add3A_38, %dma_wait3A_351] : memref<10000x64xf32, #tpu.memory_space<vmem_shared>> -> memref<25x64xf32, #tpu.memory_space<vmem_shared>>
      %dma_wait3A_353 = arith.constant 0 : i32
      %dma_wait3A_354 = tpu.memref_slice %arg15[%add3A_38, %dma_wait3A_353] : memref<10000x64xf32, #tpu.memory_space<vmem_shared>> -> memref<25x64xf32, #tpu.memory_space<vmem_shared>>
      tpu.wait_dma2 semaphore(%run_scoped3A : memref<!tpu.dma_semaphore, #tpu.memory_space<semaphore_mem>>) src(%arg14 : memref<25x64xf32, #tpu.memory_space<vmem>>) dst(%dma_wait3A_354 : memref<25x64xf32, #tpu.memory_space<vmem_shared>>)
      tpu.yield
    }) : () -> ()
    %add3A_39 = arith.constant 400 : i32
    %add3A_40 = arith.addi %mul3A_0, %add3A_39 : i32
    "tpu.region"() ({
      %run_scoped3A = tpu.sem_alloc : memref<!tpu.dma_semaphore, #tpu.memory_space<semaphore_mem>>
      %dma_start3A_347 = arith.constant 0 : i32
      %dma_start3A_348 = tpu.memref_slice %arg15[%add3A_40, %dma_start3A_347] : memref<10000x64xf32, #tpu.memory_space<vmem_shared>> -> memref<25x64xf32, #tpu.memory_space<vmem_shared>>
      %dma_start3A_349 = arith.constant 0 : i32
      %dma_start3A_350 = tpu.memref_slice %arg15[%add3A_40, %dma_start3A_349] : memref<10000x64xf32, #tpu.memory_space<vmem_shared>> -> memref<25x64xf32, #tpu.memory_space<vmem_shared>>
      tpu.enqueue_dma source(%arg14 : memref<25x64xf32, #tpu.memory_space<vmem>>) target(%dma_start3A_350 : memref<25x64xf32, #tpu.memory_space<vmem_shared>>) target_semaphore(%run_scoped3A : memref<!tpu.dma_semaphore, #tpu.memory_space<semaphore_mem>>)
      %dma_wait3A_351 = arith.constant 0 : i32
      %dma_wait3A_352 = tpu.memref_slice %arg15[%add3A_40, %dma_wait3A_351] : memref<10000x64xf32, #tpu.memory_space<vmem_shared>> -> memref<25x64xf32, #tpu.memory_space<vmem_shared>>
      %dma_wait3A_353 = arith.constant 0 : i32
      %dma_wait3A_354 = tpu.memref_slice %arg15[%add3A_40, %dma_wait3A_353] : memref<10000x64xf32, #tpu.memory_space<vmem_shared>> -> memref<25x64xf32, #tpu.memory_space<vmem_shared>>
      tpu.wait_dma2 semaphore(%run_scoped3A : memref<!tpu.dma_semaphore, #tpu.memory_space<semaphore_mem>>) src(%arg14 : memref<25x64xf32, #tpu.memory_space<vmem>>) dst(%dma_wait3A_354 : memref<25x64xf32, #tpu.memory_space<vmem_shared>>)
      tpu.yield
    }) : () -> ()
    %add3A_41 = arith.constant 425 : i32
    %add3A_42 = arith.addi %mul3A_0, %add3A_41 : i32
    "tpu.region"() ({
      %run_scoped3A = tpu.sem_alloc : memref<!tpu.dma_semaphore, #tpu.memory_space<semaphore_mem>>
      %dma_start3A_347 = arith.constant 0 : i32
      %dma_start3A_348 = tpu.memref_slice %arg15[%add3A_42, %dma_start3A_347] : memref<10000x64xf32, #tpu.memory_space<vmem_shared>> -> memref<25x64xf32, #tpu.memory_space<vmem_shared>>
      %dma_start3A_349 = arith.constant 0 : i32
      %dma_start3A_350 = tpu.memref_slice %arg15[%add3A_42, %dma_start3A_349] : memref<10000x64xf32, #tpu.memory_space<vmem_shared>> -> memref<25x64xf32, #tpu.memory_space<vmem_shared>>
      tpu.enqueue_dma source(%arg14 : memref<25x64xf32, #tpu.memory_space<vmem>>) target(%dma_start3A_350 : memref<25x64xf32, #tpu.memory_space<vmem_shared>>) target_semaphore(%run_scoped3A : memref<!tpu.dma_semaphore, #tpu.memory_space<semaphore_mem>>)
      %dma_wait3A_351 = arith.constant 0 : i32
      %dma_wait3A_352 = tpu.memref_slice %arg15[%add3A_42, %dma_wait3A_351] : memref<10000x64xf32, #tpu.memory_space<vmem_shared>> -> memref<25x64xf32, #tpu.memory_space<vmem_shared>>
      %dma_wait3A_353 = arith.constant 0 : i32
      %dma_wait3A_354 = tpu.memref_slice %arg15[%add3A_42, %dma_wait3A_353] : memref<10000x64xf32, #tpu.memory_space<vmem_shared>> -> memref<25x64xf32, #tpu.memory_space<vmem_shared>>
      tpu.wait_dma2 semaphore(%run_scoped3A : memref<!tpu.dma_semaphore, #tpu.memory_space<semaphore_mem>>) src(%arg14 : memref<25x64xf32, #tpu.memory_space<vmem>>) dst(%dma_wait3A_354 : memref<25x64xf32, #tpu.memory_space<vmem_shared>>)
      tpu.yield
    }) : () -> ()
    %add3A_43 = arith.constant 450 : i32
    %add3A_44 = arith.addi %mul3A_0, %add3A_43 : i32
    "tpu.region"() ({
      %run_scoped3A = tpu.sem_alloc : memref<!tpu.dma_semaphore, #tpu.memory_space<semaphore_mem>>
      %dma_start3A_347 = arith.constant 0 : i32
      %dma_start3A_348 = tpu.memref_slice %arg15[%add3A_44, %dma_start3A_347] : memref<10000x64xf32, #tpu.memory_space<vmem_shared>> -> memref<25x64xf32, #tpu.memory_space<vmem_shared>>
      %dma_start3A_349 = arith.constant 0 : i32
      %dma_start3A_350 = tpu.memref_slice %arg15[%add3A_44, %dma_start3A_349] : memref<10000x64xf32, #tpu.memory_space<vmem_shared>> -> memref<25x64xf32, #tpu.memory_space<vmem_shared>>
      tpu.enqueue_dma source(%arg14 : memref<25x64xf32, #tpu.memory_space<vmem>>) target(%dma_start3A_350 : memref<25x64xf32, #tpu.memory_space<vmem_shared>>) target_semaphore(%run_scoped3A : memref<!tpu.dma_semaphore, #tpu.memory_space<semaphore_mem>>)
      %dma_wait3A_351 = arith.constant 0 : i32
      %dma_wait3A_352 = tpu.memref_slice %arg15[%add3A_44, %dma_wait3A_351] : memref<10000x64xf32, #tpu.memory_space<vmem_shared>> -> memref<25x64xf32, #tpu.memory_space<vmem_shared>>
      %dma_wait3A_353 = arith.constant 0 : i32
      %dma_wait3A_354 = tpu.memref_slice %arg15[%add3A_44, %dma_wait3A_353] : memref<10000x64xf32, #tpu.memory_space<vmem_shared>> -> memref<25x64xf32, #tpu.memory_space<vmem_shared>>
      tpu.wait_dma2 semaphore(%run_scoped3A : memref<!tpu.dma_semaphore, #tpu.memory_space<semaphore_mem>>) src(%arg14 : memref<25x64xf32, #tpu.memory_space<vmem>>) dst(%dma_wait3A_354 : memref<25x64xf32, #tpu.memory_space<vmem_shared>>)
      tpu.yield
    }) : () -> ()
    %add3A_45 = arith.constant 475 : i32
    %add3A_46 = arith.addi %mul3A_0, %add3A_45 : i32
    "tpu.region"() ({
      %run_scoped3A = tpu.sem_alloc : memref<!tpu.dma_semaphore, #tpu.memory_space<semaphore_mem>>
      %dma_start3A_347 = arith.constant 0 : i32
      %dma_start3A_348 = tpu.memref_slice %arg15[%add3A_46, %dma_start3A_347] : memref<10000x64xf32, #tpu.memory_space<vmem_shared>> -> memref<25x64xf32, #tpu.memory_space<vmem_shared>>
      %dma_start3A_349 = arith.constant 0 : i32
      %dma_start3A_350 = tpu.memref_slice %arg15[%add3A_46, %dma_start3A_349] : memref<10000x64xf32, #tpu.memory_space<vmem_shared>> -> memref<25x64xf32, #tpu.memory_space<vmem_shared>>
      tpu.enqueue_dma source(%arg14 : memref<25x64xf32, #tpu.memory_space<vmem>>) target(%dma_start3A_350 : memref<25x64xf32, #tpu.memory_space<vmem_shared>>) target_semaphore(%run_scoped3A : memref<!tpu.dma_semaphore, #tpu.memory_space<semaphore_mem>>)
      %dma_wait3A_351 = arith.constant 0 : i32
      %dma_wait3A_352 = tpu.memref_slice %arg15[%add3A_46, %dma_wait3A_351] : memref<10000x64xf32, #tpu.memory_space<vmem_shared>> -> memref<25x64xf32, #tpu.memory_space<vmem_shared>>
      %dma_wait3A_353 = arith.constant 0 : i32
      %dma_wait3A_354 = tpu.memref_slice %arg15[%add3A_46, %dma_wait3A_353] : memref<10000x64xf32, #tpu.memory_space<vmem_shared>> -> memref<25x64xf32, #tpu.memory_space<vmem_shared>>
      tpu.wait_dma2 semaphore(%run_scoped3A : memref<!tpu.dma_semaphore, #tpu.memory_space<semaphore_mem>>) src(%arg14 : memref<25x64xf32, #tpu.memory_space<vmem>>) dst(%dma_wait3A_354 : memref<25x64xf32, #tpu.memory_space<vmem_shared>>)
      tpu.yield
    }) : () -> ()
    %add3A_47 = arith.constant 500 : i32
    %add3A_48 = arith.addi %mul3A_0, %add3A_47 : i32
    "tpu.region"() ({
      %run_scoped3A = tpu.sem_alloc : memref<!tpu.dma_semaphore, #tpu.memory_space<semaphore_mem>>
      %dma_start3A_347 = arith.constant 0 : i32
      %dma_start3A_348 = tpu.memref_slice %arg15[%add3A_48, %dma_start3A_347] : memref<10000x64xf32, #tpu.memory_space<vmem_shared>> -> memref<25x64xf32, #tpu.memory_space<vmem_shared>>
      %dma_start3A_349 = arith.constant 0 : i32
      %dma_start3A_350 = tpu.memref_slice %arg15[%add3A_48, %dma_start3A_349] : memref<10000x64xf32, #tpu.memory_space<vmem_shared>> -> memref<25x64xf32, #tpu.memory_space<vmem_shared>>
      tpu.enqueue_dma source(%arg14 : memref<25x64xf32, #tpu.memory_space<vmem>>) target(%dma_start3A_350 : memref<25x64xf32, #tpu.memory_space<vmem_shared>>) target_semaphore(%run_scoped3A : memref<!tpu.dma_semaphore, #tpu.memory_space<semaphore_mem>>)
      %dma_wait3A_351 = arith.constant 0 : i32
      %dma_wait3A_352 = tpu.memref_slice %arg15[%add3A_48, %dma_wait3A_351] : memref<10000x64xf32, #tpu.memory_space<vmem_shared>> -> memref<25x64xf32, #tpu.memory_space<vmem_shared>>
      %dma_wait3A_353 = arith.constant 0 : i32
      %dma_wait3A_354 = tpu.memref_slice %arg15[%add3A_48, %dma_wait3A_353] : memref<10000x64xf32, #tpu.memory_space<vmem_shared>> -> memref<25x64xf32, #tpu.memory_space<vmem_shared>>
      tpu.wait_dma2 semaphore(%run_scoped3A : memref<!tpu.dma_semaphore, #tpu.memory_space<semaphore_mem>>) src(%arg14 : memref<25x64xf32, #tpu.memory_space<vmem>>) dst(%dma_wait3A_354 : memref<25x64xf32, #tpu.memory_space<vmem_shared>>)
      tpu.yield
    }) : () -> ()
    %add3A_49 = arith.constant 525 : i32
    %add3A_50 = arith.addi %mul3A_0, %add3A_49 : i32
    "tpu.region"() ({
      %run_scoped3A = tpu.sem_alloc : memref<!tpu.dma_semaphore, #tpu.memory_space<semaphore_mem>>
      %dma_start3A_347 = arith.constant 0 : i32
      %dma_start3A_348 = tpu.memref_slice %arg15[%add3A_50, %dma_start3A_347] : memref<10000x64xf32, #tpu.memory_space<vmem_shared>> -> memref<25x64xf32, #tpu.memory_space<vmem_shared>>
      %dma_start3A_349 = arith.constant 0 : i32
      %dma_start3A_350 = tpu.memref_slice %arg15[%add3A_50, %dma_start3A_349] : memref<10000x64xf32, #tpu.memory_space<vmem_shared>> -> memref<25x64xf32, #tpu.memory_space<vmem_shared>>
      tpu.enqueue_dma source(%arg14 : memref<25x64xf32, #tpu.memory_space<vmem>>) target(%dma_start3A_350 : memref<25x64xf32, #tpu.memory_space<vmem_shared>>) target_semaphore(%run_scoped3A : memref<!tpu.dma_semaphore, #tpu.memory_space<semaphore_mem>>)
      %dma_wait3A_351 = arith.constant 0 : i32
      %dma_wait3A_352 = tpu.memref_slice %arg15[%add3A_50, %dma_wait3A_351] : memref<10000x64xf32, #tpu.memory_space<vmem_shared>> -> memref<25x64xf32, #tpu.memory_space<vmem_shared>>
      %dma_wait3A_353 = arith.constant 0 : i32
      %dma_wait3A_354 = tpu.memref_slice %arg15[%add3A_50, %dma_wait3A_353] : memref<10000x64xf32, #tpu.memory_space<vmem_shared>> -> memref<25x64xf32, #tpu.memory_space<vmem_shared>>
      tpu.wait_dma2 semaphore(%run_scoped3A : memref<!tpu.dma_semaphore, #tpu.memory_space<semaphore_mem>>) src(%arg14 : memref<25x64xf32, #tpu.memory_space<vmem>>) dst(%dma_wait3A_354 : memref<25x64xf32, #tpu.memory_space<vmem_shared>>)
      tpu.yield
    }) : () -> ()
    %add3A_51 = arith.constant 550 : i32
    %add3A_52 = arith.addi %mul3A_0, %add3A_51 : i32
    "tpu.region"() ({
      %run_scoped3A = tpu.sem_alloc : memref<!tpu.dma_semaphore, #tpu.memory_space<semaphore_mem>>
      %dma_start3A_347 = arith.constant 0 : i32
      %dma_start3A_348 = tpu.memref_slice %arg15[%add3A_52, %dma_start3A_347] : memref<10000x64xf32, #tpu.memory_space<vmem_shared>> -> memref<25x64xf32, #tpu.memory_space<vmem_shared>>
      %dma_start3A_349 = arith.constant 0 : i32
      %dma_start3A_350 = tpu.memref_slice %arg15[%add3A_52, %dma_start3A_349] : memref<10000x64xf32, #tpu.memory_space<vmem_shared>> -> memref<25x64xf32, #tpu.memory_space<vmem_shared>>
      tpu.enqueue_dma source(%arg14 : memref<25x64xf32, #tpu.memory_space<vmem>>) target(%dma_start3A_350 : memref<25x64xf32, #tpu.memory_space<vmem_shared>>) target_semaphore(%run_scoped3A : memref<!tpu.dma_semaphore, #tpu.memory_space<semaphore_mem>>)
      %dma_wait3A_351 = arith.constant 0 : i32
      %dma_wait3A_352 = tpu.memref_slice %arg15[%add3A_52, %dma_wait3A_351] : memref<10000x64xf32, #tpu.memory_space<vmem_shared>> -> memref<25x64xf32, #tpu.memory_space<vmem_shared>>
      %dma_wait3A_353 = arith.constant 0 : i32
      %dma_wait3A_354 = tpu.memref_slice %arg15[%add3A_52, %dma_wait3A_353] : memref<10000x64xf32, #tpu.memory_space<vmem_shared>> -> memref<25x64xf32, #tpu.memory_space<vmem_shared>>
      tpu.wait_dma2 semaphore(%run_scoped3A : memref<!tpu.dma_semaphore, #tpu.memory_space<semaphore_mem>>) src(%arg14 : memref<25x64xf32, #tpu.memory_space<vmem>>) dst(%dma_wait3A_354 : memref<25x64xf32, #tpu.memory_space<vmem_shared>>)
      tpu.yield
    }) : () -> ()
    %add3A_53 = arith.constant 575 : i32
    %add3A_54 = arith.addi %mul3A_0, %add3A_53 : i32
    "tpu.region"() ({
      %run_scoped3A = tpu.sem_alloc : memref<!tpu.dma_semaphore, #tpu.memory_space<semaphore_mem>>
      %dma_start3A_347 = arith.constant 0 : i32
      %dma_start3A_348 = tpu.memref_slice %arg15[%add3A_54, %dma_start3A_347] : memref<10000x64xf32, #tpu.memory_space<vmem_shared>> -> memref<25x64xf32, #tpu.memory_space<vmem_shared>>
      %dma_start3A_349 = arith.constant 0 : i32
      %dma_start3A_350 = tpu.memref_slice %arg15[%add3A_54, %dma_start3A_349] : memref<10000x64xf32, #tpu.memory_space<vmem_shared>> -> memref<25x64xf32, #tpu.memory_space<vmem_shared>>
      tpu.enqueue_dma source(%arg14 : memref<25x64xf32, #tpu.memory_space<vmem>>) target(%dma_start3A_350 : memref<25x64xf32, #tpu.memory_space<vmem_shared>>) target_semaphore(%run_scoped3A : memref<!tpu.dma_semaphore, #tpu.memory_space<semaphore_mem>>)
      %dma_wait3A_351 = arith.constant 0 : i32
      %dma_wait3A_352 = tpu.memref_slice %arg15[%add3A_54, %dma_wait3A_351] : memref<10000x64xf32, #tpu.memory_space<vmem_shared>> -> memref<25x64xf32, #tpu.memory_space<vmem_shared>>
      %dma_wait3A_353 = arith.constant 0 : i32
      %dma_wait3A_354 = tpu.memref_slice %arg15[%add3A_54, %dma_wait3A_353] : memref<10000x64xf32, #tpu.memory_space<vmem_shared>> -> memref<25x64xf32, #tpu.memory_space<vmem_shared>>
      tpu.wait_dma2 semaphore(%run_scoped3A : memref<!tpu.dma_semaphore, #tpu.memory_space<semaphore_mem>>) src(%arg14 : memref<25x64xf32, #tpu.memory_space<vmem>>) dst(%dma_wait3A_354 : memref<25x64xf32, #tpu.memory_space<vmem_shared>>)
      tpu.yield
    }) : () -> ()
    %add3A_55 = arith.constant 600 : i32
    %add3A_56 = arith.addi %mul3A_0, %add3A_55 : i32
    "tpu.region"() ({
      %run_scoped3A = tpu.sem_alloc : memref<!tpu.dma_semaphore, #tpu.memory_space<semaphore_mem>>
      %dma_start3A_347 = arith.constant 0 : i32
      %dma_start3A_348 = tpu.memref_slice %arg15[%add3A_56, %dma_start3A_347] : memref<10000x64xf32, #tpu.memory_space<vmem_shared>> -> memref<25x64xf32, #tpu.memory_space<vmem_shared>>
      %dma_start3A_349 = arith.constant 0 : i32
      %dma_start3A_350 = tpu.memref_slice %arg15[%add3A_56, %dma_start3A_349] : memref<10000x64xf32, #tpu.memory_space<vmem_shared>> -> memref<25x64xf32, #tpu.memory_space<vmem_shared>>
      tpu.enqueue_dma source(%arg14 : memref<25x64xf32, #tpu.memory_space<vmem>>) target(%dma_start3A_350 : memref<25x64xf32, #tpu.memory_space<vmem_shared>>) target_semaphore(%run_scoped3A : memref<!tpu.dma_semaphore, #tpu.memory_space<semaphore_mem>>)
      %dma_wait3A_351 = arith.constant 0 : i32
      %dma_wait3A_352 = tpu.memref_slice %arg15[%add3A_56, %dma_wait3A_351] : memref<10000x64xf32, #tpu.memory_space<vmem_shared>> -> memref<25x64xf32, #tpu.memory_space<vmem_shared>>
      %dma_wait3A_353 = arith.constant 0 : i32
      %dma_wait3A_354 = tpu.memref_slice %arg15[%add3A_56, %dma_wait3A_353] : memref<10000x64xf32, #tpu.memory_space<vmem_shared>> -> memref<25x64xf32, #tpu.memory_space<vmem_shared>>
      tpu.wait_dma2 semaphore(%run_scoped3A : memref<!tpu.dma_semaphore, #tpu.memory_space<semaphore_mem>>) src(%arg14 : memref<25x64xf32, #tpu.memory_space<vmem>>) dst(%dma_wait3A_354 : memref<25x64xf32, #tpu.memory_space<vmem_shared>>)
      tpu.yield
    }) : () -> ()
    "tpu.region"() ({
      %run_scoped3A = tpu.sem_alloc : memref<!tpu.dma_semaphore, #tpu.memory_space<semaphore_mem>>
      %dma_start3A_347 = arith.constant 0 : i32
      %dma_start3A_348 = arith.constant 0 : i32
      %dma_start3A_349 = tpu.memref_slice %arg3[%arg1, %dma_start3A_347, %dma_start3A_348] : memref<16x250x80xi32, #tpu.memory_space<hbm>> -> memref<1x250x80xi32, #tpu.memory_space<hbm>>
      %dma_start3A_350 = tpu.memref_squeeze %dma_start3A_349 : memref<1x250x80xi32, #tpu.memory_space<hbm>> -> memref<250x80xi32, #tpu.memory_space<hbm>>
      %dma_start3A_351 = arith.constant 0 : i32
      %dma_start3A_352 = arith.constant 0 : i32
      %dma_start3A_353 = tpu.memref_slice %arg3[%arg1, %dma_start3A_351, %dma_start3A_352] : memref<16x250x80xi32, #tpu.memory_space<hbm>> -> memref<1x250x80xi32, #tpu.memory_space<hbm>>
      %dma_start3A_354 = tpu.memref_squeeze %dma_start3A_353 : memref<1x250x80xi32, #tpu.memory_space<hbm>> -> memref<250x80xi32, #tpu.memory_space<hbm>>
      tpu.enqueue_dma source(%dma_start3A_354 : memref<250x80xi32, #tpu.memory_space<hbm>>) target(%arg6 : memref<250x80xi32, #tpu.memory_space<vmem>>) target_semaphore(%run_scoped3A : memref<!tpu.dma_semaphore, #tpu.memory_space<semaphore_mem>>)
      %dma_wait3A_355 = arith.constant 0 : i32
      %dma_wait3A_356 = arith.constant 0 : i32
      %dma_wait3A_357 = tpu.memref_slice %arg3[%arg1, %dma_wait3A_355, %dma_wait3A_356] : memref<16x250x80xi32, #tpu.memory_space<hbm>> -> memref<1x250x80xi32, #tpu.memory_space<hbm>>
      %dma_wait3A_358 = tpu.memref_squeeze %dma_wait3A_357 : memref<1x250x80xi32, #tpu.memory_space<hbm>> -> memref<250x80xi32, #tpu.memory_space<hbm>>
      %dma_wait3A_359 = arith.constant 0 : i32
      %dma_wait3A_360 = arith.constant 0 : i32
      %dma_wait3A_361 = tpu.memref_slice %arg3[%arg1, %dma_wait3A_359, %dma_wait3A_360] : memref<16x250x80xi32, #tpu.memory_space<hbm>> -> memref<1x250x80xi32, #tpu.memory_space<hbm>>
      %dma_wait3A_362 = tpu.memref_squeeze %dma_wait3A_361 : memref<1x250x80xi32, #tpu.memory_space<hbm>> -> memref<250x80xi32, #tpu.memory_space<hbm>>
      tpu.wait_dma2 semaphore(%run_scoped3A : memref<!tpu.dma_semaphore, #tpu.memory_space<semaphore_mem>>) src(%dma_wait3A_362 : memref<250x80xi32, #tpu.memory_space<hbm>>) dst(%arg6 : memref<250x80xi32, #tpu.memory_space<vmem>>)
      tpu.yield
    }) : () -> ()
    "tpu.region"() ({
      %run_scoped3A = tpu.sem_alloc : memref<!tpu.dma_semaphore, #tpu.memory_space<semaphore_mem>>
      %dma_start3A_347 = arith.constant 0 : i32
      %dma_start3A_348 = arith.constant 0 : i32
      %dma_start3A_349 = tpu.memref_slice %arg4[%arg1, %dma_start3A_347, %dma_start3A_348] : memref<16x250x80xi32, #tpu.memory_space<hbm>> -> memref<1x250x80xi32, #tpu.memory_space<hbm>>
      %dma_start3A_350 = tpu.memref_squeeze %dma_start3A_349 : memref<1x250x80xi32, #tpu.memory_space<hbm>> -> memref<250x80xi32, #tpu.memory_space<hbm>>
      %dma_start3A_351 = arith.constant 0 : i32
      %dma_start3A_352 = arith.constant 0 : i32
      %dma_start3A_353 = tpu.memref_slice %arg4[%arg1, %dma_start3A_351, %dma_start3A_352] : memref<16x250x80xi32, #tpu.memory_space<hbm>> -> memref<1x250x80xi32, #tpu.memory_space<hbm>>
      %dma_start3A_354 = tpu.memref_squeeze %dma_start3A_353 : memref<1x250x80xi32, #tpu.memory_space<hbm>> -> memref<250x80xi32, #tpu.memory_space<hbm>>
      tpu.enqueue_dma source(%dma_start3A_354 : memref<250x80xi32, #tpu.memory_space<hbm>>) target(%arg7 : memref<250x80xi32, #tpu.memory_space<vmem>>) target_semaphore(%run_scoped3A : memref<!tpu.dma_semaphore, #tpu.memory_space<semaphore_mem>>)
      %dma_wait3A_355 = arith.constant 0 : i32
      %dma_wait3A_356 = arith.constant 0 : i32
      %dma_wait3A_357 = tpu.memref_slice %arg4[%arg1, %dma_wait3A_355, %dma_wait3A_356] : memref<16x250x80xi32, #tpu.memory_space<hbm>> -> memref<1x250x80xi32, #tpu.memory_space<hbm>>
      %dma_wait3A_358 = tpu.memref_squeeze %dma_wait3A_357 : memref<1x250x80xi32, #tpu.memory_space<hbm>> -> memref<250x80xi32, #tpu.memory_space<hbm>>
      %dma_wait3A_359 = arith.constant 0 : i32
      %dma_wait3A_360 = arith.constant 0 : i32
      %dma_wait3A_361 = tpu.memref_slice %arg4[%arg1, %dma_wait3A_359, %dma_wait3A_360] : memref<16x250x80xi32, #tpu.memory_space<hbm>> -> memref<1x250x80xi32, #tpu.memory_space<hbm>>
      %dma_wait3A_362 = tpu.memref_squeeze %dma_wait3A_361 : memref<1x250x80xi32, #tpu.memory_space<hbm>> -> memref<250x80xi32, #tpu.memory_space<hbm>>
      tpu.wait_dma2 semaphore(%run_scoped3A : memref<!tpu.dma_semaphore, #tpu.memory_space<semaphore_mem>>) src(%dma_wait3A_362 : memref<250x80xi32, #tpu.memory_space<hbm>>) dst(%arg7 : memref<250x80xi32, #tpu.memory_space<vmem>>)
      tpu.yield
    }) : () -> ()
    %eq3A_57 = arith.constant 1 : i32
    %eq3A_58 = arith.cmpi eq, %arg0, %eq3A_57 : i32
    %convert_element_type3A = arith.extui %eq3A_58 : i1 to i32
    %cond3A = arith.constant 0 : i32
    %cond3A_59 = arith.cmpi ne, %convert_element_type3A, %cond3A : i32
    scf.if %cond3A_59 {
      %scan3A_347 = arith.constant 0 : i32
      %scan3A_348 = arith.constant 0 : i32
      %scan3A_349 = arith.constant 250 : i32
      %scan3A_350 = arith.addi %scan3A_348, %scan3A_349 : i32
      %scan3A_351 = arith.constant 1 : i32
      scf.for %scan3A_353 = %scan3A_348 to %scan3A_350 step %scan3A_351  : i32 {
        %get3A = arith.index_cast %scan3A_353 : i32 to index
        %get3A_354 = arith.constant 0 : index
        %get3A_355 = tpu.vector_load %arg6[%get3A, %get3A_354] {strides = array<i32>} : memref<250x80xi32, #tpu.memory_space<vmem>>, vector<1x16xi32>,
        %get3A_356 = vector.shape_cast %get3A_355 : vector<1x16xi32> to vector<16xi32>
        %add3A_357 = arith.constant 1 : i32
        %add3A_358 = vector.broadcast %add3A_357 : i32 to vector<16xi32>
        %add3A_359 = arith.addi %get3A_356, %add3A_358 : vector<16xi32>
        %swap3A = arith.index_cast %scan3A_353 : i32 to index
        %swap3A_360 = arith.constant 0 : index
        %swap3A_361 = tpu.vector_load %arg6[%swap3A, %swap3A_360] {strides = array<i32>} : memref<250x80xi32, #tpu.memory_space<vmem>>, vector<1x16xi32>,
        %swap3A_362 = vector.shape_cast %swap3A_361 : vector<1x16xi32> to vector<16xi32>
        %swap3A_363 = vector.shape_cast %add3A_359 : vector<16xi32> to vector<1x16xi32>
        tpu.vector_store %arg6[%swap3A, %swap3A_360], %swap3A_363 {strides = array<i32>} : memref<250x80xi32, #tpu.memory_space<vmem>>, vector<1x16xi32>,
        %get3A_364 = arith.index_cast %scan3A_353 : i32 to index
        %get3A_365 = arith.constant 16 : index
        %get3A_366 = tpu.vector_load %arg6[%get3A_364, %get3A_365] {strides = array<i32>} : memref<250x80xi32, #tpu.memory_space<vmem>>, vector<1x16xi32>,
        %get3A_367 = vector.shape_cast %get3A_366 : vector<1x16xi32> to vector<16xi32>
        %add3A_368 = arith.constant 1 : i32
        %add3A_369 = vector.broadcast %add3A_368 : i32 to vector<16xi32>
        %add3A_370 = arith.addi %get3A_367, %add3A_369 : vector<16xi32>
        %swap3A_371 = arith.index_cast %scan3A_353 : i32 to index
        %swap3A_372 = arith.constant 16 : index
        %swap3A_373 = tpu.vector_load %arg6[%swap3A_371, %swap3A_372] {strides = array<i32>} : memref<250x80xi32, #tpu.memory_space<vmem>>, vector<1x16xi32>,
        %swap3A_374 = vector.shape_cast %swap3A_373 : vector<1x16xi32> to vector<16xi32>
        %swap3A_375 = vector.shape_cast %add3A_370 : vector<16xi32> to vector<1x16xi32>
        tpu.vector_store %arg6[%swap3A_371, %swap3A_372], %swap3A_375 {strides = array<i32>} : memref<250x80xi32, #tpu.memory_space<vmem>>, vector<1x16xi32>,
        %get3A_376 = arith.index_cast %scan3A_353 : i32 to index
        %get3A_377 = arith.constant 32 : index
        %get3A_378 = tpu.vector_load %arg6[%get3A_376, %get3A_377] {strides = array<i32>} : memref<250x80xi32, #tpu.memory_space<vmem>>, vector<1x16xi32>,
        %get3A_379 = vector.shape_cast %get3A_378 : vector<1x16xi32> to vector<16xi32>
        %add3A_380 = arith.constant 1 : i32
        %add3A_381 = vector.broadcast %add3A_380 : i32 to vector<16xi32>
        %add3A_382 = arith.addi %get3A_379, %add3A_381 : vector<16xi32>
        %swap3A_383 = arith.index_cast %scan3A_353 : i32 to index
        %swap3A_384 = arith.constant 32 : index
        %swap3A_385 = tpu.vector_load %arg6[%swap3A_383, %swap3A_384] {strides = array<i32>} : memref<250x80xi32, #tpu.memory_space<vmem>>, vector<1x16xi32>,
        %swap3A_386 = vector.shape_cast %swap3A_385 : vector<1x16xi32> to vector<16xi32>
        %swap3A_387 = vector.shape_cast %add3A_382 : vector<16xi32> to vector<1x16xi32>
        tpu.vector_store %arg6[%swap3A_383, %swap3A_384], %swap3A_387 {strides = array<i32>} : memref<250x80xi32, #tpu.memory_space<vmem>>, vector<1x16xi32>,
        %get3A_388 = arith.index_cast %scan3A_353 : i32 to index
        %get3A_389 = arith.constant 48 : index
        %get3A_390 = tpu.vector_load %arg6[%get3A_388, %get3A_389] {strides = array<i32>} : memref<250x80xi32, #tpu.memory_space<vmem>>, vector<1x16xi32>,
        %get3A_391 = vector.shape_cast %get3A_390 : vector<1x16xi32> to vector<16xi32>
        %add3A_392 = arith.constant 1 : i32
        %add3A_393 = vector.broadcast %add3A_392 : i32 to vector<16xi32>
        %add3A_394 = arith.addi %get3A_391, %add3A_393 : vector<16xi32>
        %swap3A_395 = arith.index_cast %scan3A_353 : i32 to index
        %swap3A_396 = arith.constant 48 : index
        %swap3A_397 = tpu.vector_load %arg6[%swap3A_395, %swap3A_396] {strides = array<i32>} : memref<250x80xi32, #tpu.memory_space<vmem>>, vector<1x16xi32>,
        %swap3A_398 = vector.shape_cast %swap3A_397 : vector<1x16xi32> to vector<16xi32>
        %swap3A_399 = vector.shape_cast %add3A_394 : vector<16xi32> to vector<1x16xi32>
        tpu.vector_store %arg6[%swap3A_395, %swap3A_396], %swap3A_399 {strides = array<i32>} : memref<250x80xi32, #tpu.memory_space<vmem>>, vector<1x16xi32>,
        %get3A_400 = arith.index_cast %scan3A_353 : i32 to index
        %get3A_401 = arith.constant 64 : index
        %get3A_402 = tpu.vector_load %arg6[%get3A_400, %get3A_401] {strides = array<i32>} : memref<250x80xi32, #tpu.memory_space<vmem>>, vector<1x16xi32>,
        %get3A_403 = vector.shape_cast %get3A_402 : vector<1x16xi32> to vector<16xi32>
        %add3A_404 = arith.constant 1 : i32
        %add3A_405 = vector.broadcast %add3A_404 : i32 to vector<16xi32>
        %add3A_406 = arith.addi %get3A_403, %add3A_405 : vector<16xi32>
        %swap3A_407 = arith.index_cast %scan3A_353 : i32 to index
        %swap3A_408 = arith.constant 64 : index
        %swap3A_409 = tpu.vector_load %arg6[%swap3A_407, %swap3A_408] {strides = array<i32>} : memref<250x80xi32, #tpu.memory_space<vmem>>, vector<1x16xi32>,
        %swap3A_410 = vector.shape_cast %swap3A_409 : vector<1x16xi32> to vector<16xi32>
        %swap3A_411 = vector.shape_cast %add3A_406 : vector<16xi32> to vector<1x16xi32>
        tpu.vector_store %arg6[%swap3A_407, %swap3A_408], %swap3A_411 {strides = array<i32>} : memref<250x80xi32, #tpu.memory_space<vmem>>, vector<1x16xi32>,
      }
      %scan3A_352 = arith.constant 250 : i32
    } else {
    }
    %barrier3A = arith.constant 0 : index
    tpu.barrier barrier_id(%barrier3A)
    %dma_start3A = arith.constant 0 : i32
    %dma_start3A_60 = arith.constant 0 : i32
    %dma_start3A_61 = tpu.memref_slice %arg6[%dma_start3A, %dma_start3A_60] : memref<250x80xi32, #tpu.memory_space<vmem>> -> memref<1x80xi32, #tpu.memory_space<vmem>>
    %dma_start3A_62 = tpu.memref_squeeze %dma_start3A_61 : memref<1x80xi32, #tpu.memory_space<vmem>> -> memref<80xi32, #tpu.memory_space<vmem>>
    %dma_start3A_63 = arith.constant 0 : i32
    %dma_start3A_64 = arith.constant 0 : i32
    %dma_start3A_65 = tpu.memref_slice %arg2[%dma_start3A_63, %dma_start3A_64] : memref<20000x64xf32, #tpu.memory_space<hbm>> -> memref<20000x64xf32, #tpu.memory_space<hbm>>
    tpu.enqueue_indirect_dma source(%dma_start3A_65 : memref<20000x64xf32, #tpu.memory_space<hbm>>) target(%arg8 : memref<80x64xf32, #tpu.memory_space<vmem>>) offsets(%dma_start3A_62 : memref<80xi32, #tpu.memory_space<vmem>>) semaphore(%arg16 : memref<!tpu.dma_semaphore, #tpu.memory_space<semaphore_mem>>)
    %dma_start3A_66 = arith.constant 1 : i32
    %dma_start3A_67 = arith.constant 0 : i32
    %dma_start3A_68 = tpu.memref_slice %arg6[%dma_start3A_66, %dma_start3A_67] : memref<250x80xi32, #tpu.memory_space<vmem>> -> memref<1x80xi32, #tpu.memory_space<vmem>>
    %dma_start3A_69 = tpu.memref_squeeze %dma_start3A_68 : memref<1x80xi32, #tpu.memory_space<vmem>> -> memref<80xi32, #tpu.memory_space<vmem>>
    %dma_start3A_70 = arith.constant 0 : i32
    %dma_start3A_71 = arith.constant 0 : i32
    %dma_start3A_72 = tpu.memref_slice %arg2[%dma_start3A_70, %dma_start3A_71] : memref<20000x64xf32, #tpu.memory_space<hbm>> -> memref<20000x64xf32, #tpu.memory_space<hbm>>
    tpu.enqueue_indirect_dma source(%dma_start3A_72 : memref<20000x64xf32, #tpu.memory_space<hbm>>) target(%arg9 : memref<80x64xf32, #tpu.memory_space<vmem>>) offsets(%dma_start3A_69 : memref<80xi32, #tpu.memory_space<vmem>>) semaphore(%arg17 : memref<!tpu.dma_semaphore, #tpu.memory_space<semaphore_mem>>)
    %dma_start3A_73 = arith.constant 2 : i32
    %dma_start3A_74 = arith.constant 0 : i32
    %dma_start3A_75 = tpu.memref_slice %arg6[%dma_start3A_73, %dma_start3A_74] : memref<250x80xi32, #tpu.memory_space<vmem>> -> memref<1x80xi32, #tpu.memory_space<vmem>>
    %dma_start3A_76 = tpu.memref_squeeze %dma_start3A_75 : memref<1x80xi32, #tpu.memory_space<vmem>> -> memref<80xi32, #tpu.memory_space<vmem>>
    %dma_start3A_77 = arith.constant 0 : i32
    %dma_start3A_78 = arith.constant 0 : i32
    %dma_start3A_79 = tpu.memref_slice %arg2[%dma_start3A_77, %dma_start3A_78] : memref<20000x64xf32, #tpu.memory_space<hbm>> -> memref<20000x64xf32, #tpu.memory_space<hbm>>
    tpu.enqueue_indirect_dma source(%dma_start3A_79 : memref<20000x64xf32, #tpu.memory_space<hbm>>) target(%arg10 : memref<80x64xf32, #tpu.memory_space<vmem>>) offsets(%dma_start3A_76 : memref<80xi32, #tpu.memory_space<vmem>>) semaphore(%arg18 : memref<!tpu.dma_semaphore, #tpu.memory_space<semaphore_mem>>)
    %dma_wait3A = arith.constant 0 : i32
    %dma_wait3A_80 = arith.constant 0 : i32
    %dma_wait3A_81 = tpu.memref_slice %arg6[%dma_wait3A, %dma_wait3A_80] : memref<250x80xi32, #tpu.memory_space<vmem>> -> memref<1x80xi32, #tpu.memory_space<vmem>>
    %dma_wait3A_82 = tpu.memref_squeeze %dma_wait3A_81 : memref<1x80xi32, #tpu.memory_space<vmem>> -> memref<80xi32, #tpu.memory_space<vmem>>
    %dma_wait3A_83 = arith.constant 0 : i32
    %dma_wait3A_84 = arith.constant 0 : i32
    %dma_wait3A_85 = tpu.memref_slice %arg2[%dma_wait3A_83, %dma_wait3A_84] : memref<20000x64xf32, #tpu.memory_space<hbm>> -> memref<20000x64xf32, #tpu.memory_space<hbm>>
    tpu.wait_indirect_dma semaphore(%arg16 : memref<!tpu.dma_semaphore, #tpu.memory_space<semaphore_mem>>) src(%dma_wait3A_85 : memref<20000x64xf32, #tpu.memory_space<hbm>>) dst(%arg8 : memref<80x64xf32, #tpu.memory_space<vmem>>)
    %dma_start3A_86 = arith.constant 0 : i32
    %dma_start3A_87 = arith.constant 0 : i32
    %dma_start3A_88 = tpu.memref_slice %arg7[%dma_start3A_86, %dma_start3A_87] : memref<250x80xi32, #tpu.memory_space<vmem>> -> memref<1x80xi32, #tpu.memory_space<vmem>>
    %dma_start3A_89 = tpu.memref_squeeze %dma_start3A_88 : memref<1x80xi32, #tpu.memory_space<vmem>> -> memref<80xi32, #tpu.memory_space<vmem>>
    %dma_start3A_90 = arith.constant 0 : i32
    %dma_start3A_91 = arith.constant 0 : i32
    %dma_start3A_92 = tpu.memref_slice %arg15[%dma_start3A_90, %dma_start3A_91] : memref<10000x64xf32, #tpu.memory_space<vmem_shared>> -> memref<10000x64xf32, #tpu.memory_space<vmem_shared>>
    tpu.enqueue_indirect_dma source(%arg8 : memref<80x64xf32, #tpu.memory_space<vmem>>) target(%dma_start3A_92 : memref<10000x64xf32, #tpu.memory_space<vmem_shared>>) offsets(%dma_start3A_89 : memref<80xi32, #tpu.memory_space<vmem>>) semaphore(%arg22 : memref<!tpu.dma_semaphore, #tpu.memory_space<semaphore_mem>>) {add = true}
    %dma_start3A_93 = arith.constant 3 : i32
    %dma_start3A_94 = arith.constant 0 : i32
    %dma_start3A_95 = tpu.memref_slice %arg6[%dma_start3A_93, %dma_start3A_94] : memref<250x80xi32, #tpu.memory_space<vmem>> -> memref<1x80xi32, #tpu.memory_space<vmem>>
    %dma_start3A_96 = tpu.memref_squeeze %dma_start3A_95 : memref<1x80xi32, #tpu.memory_space<vmem>> -> memref<80xi32, #tpu.memory_space<vmem>>
    %dma_start3A_97 = arith.constant 0 : i32
    %dma_start3A_98 = arith.constant 0 : i32
    %dma_start3A_99 = tpu.memref_slice %arg2[%dma_start3A_97, %dma_start3A_98] : memref<20000x64xf32, #tpu.memory_space<hbm>> -> memref<20000x64xf32, #tpu.memory_space<hbm>>
    tpu.enqueue_indirect_dma source(%dma_start3A_99 : memref<20000x64xf32, #tpu.memory_space<hbm>>) target(%arg11 : memref<80x64xf32, #tpu.memory_space<vmem>>) offsets(%dma_start3A_96 : memref<80xi32, #tpu.memory_space<vmem>>) semaphore(%arg19 : memref<!tpu.dma_semaphore, #tpu.memory_space<semaphore_mem>>)
    %dma_wait3A_100 = arith.constant 1 : i32
    %dma_wait3A_101 = arith.constant 0 : i32
    %dma_wait3A_102 = tpu.memref_slice %arg6[%dma_wait3A_100, %dma_wait3A_101] : memref<250x80xi32, #tpu.memory_space<vmem>> -> memref<1x80xi32, #tpu.memory_space<vmem>>
    %dma_wait3A_103 = tpu.memref_squeeze %dma_wait3A_102 : memref<1x80xi32, #tpu.memory_space<vmem>> -> memref<80xi32, #tpu.memory_space<vmem>>
    %dma_wait3A_104 = arith.constant 0 : i32
    %dma_wait3A_105 = arith.constant 0 : i32
    %dma_wait3A_106 = tpu.memref_slice %arg2[%dma_wait3A_104, %dma_wait3A_105] : memref<20000x64xf32, #tpu.memory_space<hbm>> -> memref<20000x64xf32, #tpu.memory_space<hbm>>
    tpu.wait_indirect_dma semaphore(%arg17 : memref<!tpu.dma_semaphore, #tpu.memory_space<semaphore_mem>>) src(%dma_wait3A_106 : memref<20000x64xf32, #tpu.memory_space<hbm>>) dst(%arg9 : memref<80x64xf32, #tpu.memory_space<vmem>>)
    %dma_start3A_107 = arith.constant 1 : i32
    %dma_start3A_108 = arith.constant 0 : i32
    %dma_start3A_109 = tpu.memref_slice %arg7[%dma_start3A_107, %dma_start3A_108] : memref<250x80xi32, #tpu.memory_space<vmem>> -> memref<1x80xi32, #tpu.memory_space<vmem>>
    %dma_start3A_110 = tpu.memref_squeeze %dma_start3A_109 : memref<1x80xi32, #tpu.memory_space<vmem>> -> memref<80xi32, #tpu.memory_space<vmem>>
    %dma_start3A_111 = arith.constant 0 : i32
    %dma_start3A_112 = arith.constant 0 : i32
    %dma_start3A_113 = tpu.memref_slice %arg15[%dma_start3A_111, %dma_start3A_112] : memref<10000x64xf32, #tpu.memory_space<vmem_shared>> -> memref<10000x64xf32, #tpu.memory_space<vmem_shared>>
    tpu.enqueue_indirect_dma source(%arg9 : memref<80x64xf32, #tpu.memory_space<vmem>>) target(%dma_start3A_113 : memref<10000x64xf32, #tpu.memory_space<vmem_shared>>) offsets(%dma_start3A_110 : memref<80xi32, #tpu.memory_space<vmem>>) semaphore(%arg23 : memref<!tpu.dma_semaphore, #tpu.memory_space<semaphore_mem>>) {add = true}
    %dma_start3A_114 = arith.constant 4 : i32
    %dma_start3A_115 = arith.constant 0 : i32
    %dma_start3A_116 = tpu.memref_slice %arg6[%dma_start3A_114, %dma_start3A_115] : memref<250x80xi32, #tpu.memory_space<vmem>> -> memref<1x80xi32, #tpu.memory_space<vmem>>
    %dma_start3A_117 = tpu.memref_squeeze %dma_start3A_116 : memref<1x80xi32, #tpu.memory_space<vmem>> -> memref<80xi32, #tpu.memory_space<vmem>>
    %dma_start3A_118 = arith.constant 0 : i32
    %dma_start3A_119 = arith.constant 0 : i32
    %dma_start3A_120 = tpu.memref_slice %arg2[%dma_start3A_118, %dma_start3A_119] : memref<20000x64xf32, #tpu.memory_space<hbm>> -> memref<20000x64xf32, #tpu.memory_space<hbm>>
    tpu.enqueue_indirect_dma source(%dma_start3A_120 : memref<20000x64xf32, #tpu.memory_space<hbm>>) target(%arg12 : memref<80x64xf32, #tpu.memory_space<vmem>>) offsets(%dma_start3A_117 : memref<80xi32, #tpu.memory_space<vmem>>) semaphore(%arg20 : memref<!tpu.dma_semaphore, #tpu.memory_space<semaphore_mem>>)
    %dma_wait3A_121 = arith.constant 2 : i32
    %dma_wait3A_122 = arith.constant 0 : i32
    %dma_wait3A_123 = tpu.memref_slice %arg6[%dma_wait3A_121, %dma_wait3A_122] : memref<250x80xi32, #tpu.memory_space<vmem>> -> memref<1x80xi32, #tpu.memory_space<vmem>>
    %dma_wait3A_124 = tpu.memref_squeeze %dma_wait3A_123 : memref<1x80xi32, #tpu.memory_space<vmem>> -> memref<80xi32, #tpu.memory_space<vmem>>
    %dma_wait3A_125 = arith.constant 0 : i32
    %dma_wait3A_126 = arith.constant 0 : i32
    %dma_wait3A_127 = tpu.memref_slice %arg2[%dma_wait3A_125, %dma_wait3A_126] : memref<20000x64xf32, #tpu.memory_space<hbm>> -> memref<20000x64xf32, #tpu.memory_space<hbm>>
    tpu.wait_indirect_dma semaphore(%arg18 : memref<!tpu.dma_semaphore, #tpu.memory_space<semaphore_mem>>) src(%dma_wait3A_127 : memref<20000x64xf32, #tpu.memory_space<hbm>>) dst(%arg10 : memref<80x64xf32, #tpu.memory_space<vmem>>)
    %dma_start3A_128 = arith.constant 2 : i32
    %dma_start3A_129 = arith.constant 0 : i32
    %dma_start3A_130 = tpu.memref_slice %arg7[%dma_start3A_128, %dma_start3A_129] : memref<250x80xi32, #tpu.memory_space<vmem>> -> memref<1x80xi32, #tpu.memory_space<vmem>>
    %dma_start3A_131 = tpu.memref_squeeze %dma_start3A_130 : memref<1x80xi32, #tpu.memory_space<vmem>> -> memref<80xi32, #tpu.memory_space<vmem>>
    %dma_start3A_132 = arith.constant 0 : i32
    %dma_start3A_133 = arith.constant 0 : i32
    %dma_start3A_134 = tpu.memref_slice %arg15[%dma_start3A_132, %dma_start3A_133] : memref<10000x64xf32, #tpu.memory_space<vmem_shared>> -> memref<10000x64xf32, #tpu.memory_space<vmem_shared>>
    tpu.enqueue_indirect_dma source(%arg10 : memref<80x64xf32, #tpu.memory_space<vmem>>) target(%dma_start3A_134 : memref<10000x64xf32, #tpu.memory_space<vmem_shared>>) offsets(%dma_start3A_131 : memref<80xi32, #tpu.memory_space<vmem>>) semaphore(%arg24 : memref<!tpu.dma_semaphore, #tpu.memory_space<semaphore_mem>>) {add = true}
    %dma_start3A_135 = arith.constant 5 : i32
    %dma_start3A_136 = arith.constant 0 : i32
    %dma_start3A_137 = tpu.memref_slice %arg6[%dma_start3A_135, %dma_start3A_136] : memref<250x80xi32, #tpu.memory_space<vmem>> -> memref<1x80xi32, #tpu.memory_space<vmem>>
    %dma_start3A_138 = tpu.memref_squeeze %dma_start3A_137 : memref<1x80xi32, #tpu.memory_space<vmem>> -> memref<80xi32, #tpu.memory_space<vmem>>
    %dma_start3A_139 = arith.constant 0 : i32
    %dma_start3A_140 = arith.constant 0 : i32
    %dma_start3A_141 = tpu.memref_slice %arg2[%dma_start3A_139, %dma_start3A_140] : memref<20000x64xf32, #tpu.memory_space<hbm>> -> memref<20000x64xf32, #tpu.memory_space<hbm>>
    tpu.enqueue_indirect_dma source(%dma_start3A_141 : memref<20000x64xf32, #tpu.memory_space<hbm>>) target(%arg13 : memref<80x64xf32, #tpu.memory_space<vmem>>) offsets(%dma_start3A_138 : memref<80xi32, #tpu.memory_space<vmem>>) semaphore(%arg21 : memref<!tpu.dma_semaphore, #tpu.memory_space<semaphore_mem>>)
    %scan3A_142 = arith.constant 0 : i32
    %scan3A_143 = arith.constant 0 : i32
    %scan3A_144 = arith.constant 40 : i32
    %scan3A_145 = arith.addi %scan3A_143, %scan3A_144 : i32
    %scan3A_146 = arith.constant 1 : i32
    scf.for %scan3A_347 = %scan3A_143 to %scan3A_145 step %scan3A_146  : i32 {
      %mul3A_348 = arith.constant 6 : i32
      %mul3A_349 = arith.muli %scan3A_347, %mul3A_348 : i32
      %add3A_350 = arith.constant 3 : i32
      %add3A_351 = arith.addi %add3A_350, %mul3A_349 : i32
      %add3A_352 = arith.constant 0 : i32
      %add3A_353 = arith.addi %add3A_351, %add3A_352 : i32
      %dma_wait3A_354 = arith.constant 0 : i32
      %dma_wait3A_355 = tpu.memref_slice %arg6[%add3A_353, %dma_wait3A_354] : memref<250x80xi32, #tpu.memory_space<vmem>> -> memref<1x80xi32, #tpu.memory_space<vmem>>
      %dma_wait3A_356 = tpu.memref_squeeze %dma_wait3A_355 : memref<1x80xi32, #tpu.memory_space<vmem>> -> memref<80xi32, #tpu.memory_space<vmem>>
      %dma_wait3A_357 = arith.constant 0 : i32
      %dma_wait3A_358 = arith.constant 0 : i32
      %dma_wait3A_359 = tpu.memref_slice %arg2[%dma_wait3A_357, %dma_wait3A_358] : memref<20000x64xf32, #tpu.memory_space<hbm>> -> memref<20000x64xf32, #tpu.memory_space<hbm>>
      tpu.wait_indirect_dma semaphore(%arg19 : memref<!tpu.dma_semaphore, #tpu.memory_space<semaphore_mem>>) src(%dma_wait3A_359 : memref<20000x64xf32, #tpu.memory_space<hbm>>) dst(%arg11 : memref<80x64xf32, #tpu.memory_space<vmem>>)
      %dma_start3A_360 = arith.constant 0 : i32
      %dma_start3A_361 = tpu.memref_slice %arg7[%add3A_353, %dma_start3A_360] : memref<250x80xi32, #tpu.memory_space<vmem>> -> memref<1x80xi32, #tpu.memory_space<vmem>>
      %dma_start3A_362 = tpu.memref_squeeze %dma_start3A_361 : memref<1x80xi32, #tpu.memory_space<vmem>> -> memref<80xi32, #tpu.memory_space<vmem>>
      %dma_start3A_363 = arith.constant 0 : i32
      %dma_start3A_364 = arith.constant 0 : i32
      %dma_start3A_365 = tpu.memref_slice %arg15[%dma_start3A_363, %dma_start3A_364] : memref<10000x64xf32, #tpu.memory_space<vmem_shared>> -> memref<10000x64xf32, #tpu.memory_space<vmem_shared>>
      tpu.enqueue_indirect_dma source(%arg11 : memref<80x64xf32, #tpu.memory_space<vmem>>) target(%dma_start3A_365 : memref<10000x64xf32, #tpu.memory_space<vmem_shared>>) offsets(%dma_start3A_362 : memref<80xi32, #tpu.memory_space<vmem>>) semaphore(%arg25 : memref<!tpu.dma_semaphore, #tpu.memory_space<semaphore_mem>>) {add = true}
      %sub3A = arith.constant 3 : i32
      %sub3A_366 = arith.subi %add3A_353, %sub3A : i32
      %dma_wait3A_367 = arith.constant 0 : i32
      %dma_wait3A_368 = tpu.memref_slice %arg7[%sub3A_366, %dma_wait3A_367] : memref<250x80xi32, #tpu.memory_space<vmem>> -> memref<1x80xi32, #tpu.memory_space<vmem>>
      %dma_wait3A_369 = tpu.memref_squeeze %dma_wait3A_368 : memref<1x80xi32, #tpu.memory_space<vmem>> -> memref<80xi32, #tpu.memory_space<vmem>>
      %dma_wait3A_370 = arith.constant 0 : i32
      %dma_wait3A_371 = arith.constant 0 : i32
      %dma_wait3A_372 = tpu.memref_slice %arg15[%dma_wait3A_370, %dma_wait3A_371] : memref<10000x64xf32, #tpu.memory_space<vmem_shared>> -> memref<10000x64xf32, #tpu.memory_space<vmem_shared>>
      tpu.wait_indirect_dma semaphore(%arg22 : memref<!tpu.dma_semaphore, #tpu.memory_space<semaphore_mem>>) src(%arg8 : memref<80x64xf32, #tpu.memory_space<vmem>>) dst(%dma_wait3A_372 : memref<10000x64xf32, #tpu.memory_space<vmem_shared>>)
      %add3A_373 = arith.constant 3 : i32
      %add3A_374 = arith.addi %add3A_353, %add3A_373 : i32
      %dma_start3A_375 = arith.constant 0 : i32
      %dma_start3A_376 = tpu.memref_slice %arg6[%add3A_374, %dma_start3A_375] : memref<250x80xi32, #tpu.memory_space<vmem>> -> memref<1x80xi32, #tpu.memory_space<vmem>>
      %dma_start3A_377 = tpu.memref_squeeze %dma_start3A_376 : memref<1x80xi32, #tpu.memory_space<vmem>> -> memref<80xi32, #tpu.memory_space<vmem>>
      %dma_start3A_378 = arith.constant 0 : i32
      %dma_start3A_379 = arith.constant 0 : i32
      %dma_start3A_380 = tpu.memref_slice %arg2[%dma_start3A_378, %dma_start3A_379] : memref<20000x64xf32, #tpu.memory_space<hbm>> -> memref<20000x64xf32, #tpu.memory_space<hbm>>
      tpu.enqueue_indirect_dma source(%dma_start3A_380 : memref<20000x64xf32, #tpu.memory_space<hbm>>) target(%arg8 : memref<80x64xf32, #tpu.memory_space<vmem>>) offsets(%dma_start3A_377 : memref<80xi32, #tpu.memory_space<vmem>>) semaphore(%arg16 : memref<!tpu.dma_semaphore, #tpu.memory_space<semaphore_mem>>)
      %add3A_381 = arith.constant 1 : i32
      %add3A_382 = arith.addi %add3A_351, %add3A_381 : i32
      %dma_wait3A_383 = arith.constant 0 : i32
      %dma_wait3A_384 = tpu.memref_slice %arg6[%add3A_382, %dma_wait3A_383] : memref<250x80xi32, #tpu.memory_space<vmem>> -> memref<1x80xi32, #tpu.memory_space<vmem>>
      %dma_wait3A_385 = tpu.memref_squeeze %dma_wait3A_384 : memref<1x80xi32, #tpu.memory_space<vmem>> -> memref<80xi32, #tpu.memory_space<vmem>>
      %dma_wait3A_386 = arith.constant 0 : i32
      %dma_wait3A_387 = arith.constant 0 : i32
      %dma_wait3A_388 = tpu.memref_slice %arg2[%dma_wait3A_386, %dma_wait3A_387] : memref<20000x64xf32, #tpu.memory_space<hbm>> -> memref<20000x64xf32, #tpu.memory_space<hbm>>
      tpu.wait_indirect_dma semaphore(%arg20 : memref<!tpu.dma_semaphore, #tpu.memory_space<semaphore_mem>>) src(%dma_wait3A_388 : memref<20000x64xf32, #tpu.memory_space<hbm>>) dst(%arg12 : memref<80x64xf32, #tpu.memory_space<vmem>>)
      %dma_start3A_389 = arith.constant 0 : i32
      %dma_start3A_390 = tpu.memref_slice %arg7[%add3A_382, %dma_start3A_389] : memref<250x80xi32, #tpu.memory_space<vmem>> -> memref<1x80xi32, #tpu.memory_space<vmem>>
      %dma_start3A_391 = tpu.memref_squeeze %dma_start3A_390 : memref<1x80xi32, #tpu.memory_space<vmem>> -> memref<80xi32, #tpu.memory_space<vmem>>
      %dma_start3A_392 = arith.constant 0 : i32
      %dma_start3A_393 = arith.constant 0 : i32
      %dma_start3A_394 = tpu.memref_slice %arg15[%dma_start3A_392, %dma_start3A_393] : memref<10000x64xf32, #tpu.memory_space<vmem_shared>> -> memref<10000x64xf32, #tpu.memory_space<vmem_shared>>
      tpu.enqueue_indirect_dma source(%arg12 : memref<80x64xf32, #tpu.memory_space<vmem>>) target(%dma_start3A_394 : memref<10000x64xf32, #tpu.memory_space<vmem_shared>>) offsets(%dma_start3A_391 : memref<80xi32, #tpu.memory_space<vmem>>) semaphore(%arg26 : memref<!tpu.dma_semaphore, #tpu.memory_space<semaphore_mem>>) {add = true}
      %sub3A_395 = arith.constant 3 : i32
      %sub3A_396 = arith.subi %add3A_382, %sub3A_395 : i32
      %dma_wait3A_397 = arith.constant 0 : i32
      %dma_wait3A_398 = tpu.memref_slice %arg7[%sub3A_396, %dma_wait3A_397] : memref<250x80xi32, #tpu.memory_space<vmem>> -> memref<1x80xi32, #tpu.memory_space<vmem>>
      %dma_wait3A_399 = tpu.memref_squeeze %dma_wait3A_398 : memref<1x80xi32, #tpu.memory_space<vmem>> -> memref<80xi32, #tpu.memory_space<vmem>>
      %dma_wait3A_400 = arith.constant 0 : i32
      %dma_wait3A_401 = arith.constant 0 : i32
      %dma_wait3A_402 = tpu.memref_slice %arg15[%dma_wait3A_400, %dma_wait3A_401] : memref<10000x64xf32, #tpu.memory_space<vmem_shared>> -> memref<10000x64xf32, #tpu.memory_space<vmem_shared>>
      tpu.wait_indirect_dma semaphore(%arg23 : memref<!tpu.dma_semaphore, #tpu.memory_space<semaphore_mem>>) src(%arg9 : memref<80x64xf32, #tpu.memory_space<vmem>>) dst(%dma_wait3A_402 : memref<10000x64xf32, #tpu.memory_space<vmem_shared>>)
      %add3A_403 = arith.constant 3 : i32
      %add3A_404 = arith.addi %add3A_382, %add3A_403 : i32
      %dma_start3A_405 = arith.constant 0 : i32
      %dma_start3A_406 = tpu.memref_slice %arg6[%add3A_404, %dma_start3A_405] : memref<250x80xi32, #tpu.memory_space<vmem>> -> memref<1x80xi32, #tpu.memory_space<vmem>>
      %dma_start3A_407 = tpu.memref_squeeze %dma_start3A_406 : memref<1x80xi32, #tpu.memory_space<vmem>> -> memref<80xi32, #tpu.memory_space<vmem>>
      %dma_start3A_408 = arith.constant 0 : i32
      %dma_start3A_409 = arith.constant 0 : i32
      %dma_start3A_410 = tpu.memref_slice %arg2[%dma_start3A_408, %dma_start3A_409] : memref<20000x64xf32, #tpu.memory_space<hbm>> -> memref<20000x64xf32, #tpu.memory_space<hbm>>
      tpu.enqueue_indirect_dma source(%dma_start3A_410 : memref<20000x64xf32, #tpu.memory_space<hbm>>) target(%arg9 : memref<80x64xf32, #tpu.memory_space<vmem>>) offsets(%dma_start3A_407 : memref<80xi32, #tpu.memory_space<vmem>>) semaphore(%arg17 : memref<!tpu.dma_semaphore, #tpu.memory_space<semaphore_mem>>)
      %add3A_411 = arith.constant 2 : i32
      %add3A_412 = arith.addi %add3A_351, %add3A_411 : i32
      %dma_wait3A_413 = arith.constant 0 : i32
      %dma_wait3A_414 = tpu.memref_slice %arg6[%add3A_412, %dma_wait3A_413] : memref<250x80xi32, #tpu.memory_space<vmem>> -> memref<1x80xi32, #tpu.memory_space<vmem>>
      %dma_wait3A_415 = tpu.memref_squeeze %dma_wait3A_414 : memref<1x80xi32, #tpu.memory_space<vmem>> -> memref<80xi32, #tpu.memory_space<vmem>>
      %dma_wait3A_416 = arith.constant 0 : i32
      %dma_wait3A_417 = arith.constant 0 : i32
      %dma_wait3A_418 = tpu.memref_slice %arg2[%dma_wait3A_416, %dma_wait3A_417] : memref<20000x64xf32, #tpu.memory_space<hbm>> -> memref<20000x64xf32, #tpu.memory_space<hbm>>
      tpu.wait_indirect_dma semaphore(%arg21 : memref<!tpu.dma_semaphore, #tpu.memory_space<semaphore_mem>>) src(%dma_wait3A_418 : memref<20000x64xf32, #tpu.memory_space<hbm>>) dst(%arg13 : memref<80x64xf32, #tpu.memory_space<vmem>>)
      %dma_start3A_419 = arith.constant 0 : i32
      %dma_start3A_420 = tpu.memref_slice %arg7[%add3A_412, %dma_start3A_419] : memref<250x80xi32, #tpu.memory_space<vmem>> -> memref<1x80xi32, #tpu.memory_space<vmem>>
      %dma_start3A_421 = tpu.memref_squeeze %dma_start3A_420 : memref<1x80xi32, #tpu.memory_space<vmem>> -> memref<80xi32, #tpu.memory_space<vmem>>
      %dma_start3A_422 = arith.constant 0 : i32
      %dma_start3A_423 = arith.constant 0 : i32
      %dma_start3A_424 = tpu.memref_slice %arg15[%dma_start3A_422, %dma_start3A_423] : memref<10000x64xf32, #tpu.memory_space<vmem_shared>> -> memref<10000x64xf32, #tpu.memory_space<vmem_shared>>
      tpu.enqueue_indirect_dma source(%arg13 : memref<80x64xf32, #tpu.memory_space<vmem>>) target(%dma_start3A_424 : memref<10000x64xf32, #tpu.memory_space<vmem_shared>>) offsets(%dma_start3A_421 : memref<80xi32, #tpu.memory_space<vmem>>) semaphore(%arg27 : memref<!tpu.dma_semaphore, #tpu.memory_space<semaphore_mem>>) {add = true}
      %sub3A_425 = arith.constant 3 : i32
      %sub3A_426 = arith.subi %add3A_412, %sub3A_425 : i32
      %dma_wait3A_427 = arith.constant 0 : i32
      %dma_wait3A_428 = tpu.memref_slice %arg7[%sub3A_426, %dma_wait3A_427] : memref<250x80xi32, #tpu.memory_space<vmem>> -> memref<1x80xi32, #tpu.memory_space<vmem>>
      %dma_wait3A_429 = tpu.memref_squeeze %dma_wait3A_428 : memref<1x80xi32, #tpu.memory_space<vmem>> -> memref<80xi32, #tpu.memory_space<vmem>>
      %dma_wait3A_430 = arith.constant 0 : i32
      %dma_wait3A_431 = arith.constant 0 : i32
      %dma_wait3A_432 = tpu.memref_slice %arg15[%dma_wait3A_430, %dma_wait3A_431] : memref<10000x64xf32, #tpu.memory_space<vmem_shared>> -> memref<10000x64xf32, #tpu.memory_space<vmem_shared>>
      tpu.wait_indirect_dma semaphore(%arg24 : memref<!tpu.dma_semaphore, #tpu.memory_space<semaphore_mem>>) src(%arg10 : memref<80x64xf32, #tpu.memory_space<vmem>>) dst(%dma_wait3A_432 : memref<10000x64xf32, #tpu.memory_space<vmem_shared>>)
      %add3A_433 = arith.constant 3 : i32
      %add3A_434 = arith.addi %add3A_412, %add3A_433 : i32
      %dma_start3A_435 = arith.constant 0 : i32
      %dma_start3A_436 = tpu.memref_slice %arg6[%add3A_434, %dma_start3A_435] : memref<250x80xi32, #tpu.memory_space<vmem>> -> memref<1x80xi32, #tpu.memory_space<vmem>>
      %dma_start3A_437 = tpu.memref_squeeze %dma_start3A_436 : memref<1x80xi32, #tpu.memory_space<vmem>> -> memref<80xi32, #tpu.memory_space<vmem>>
      %dma_start3A_438 = arith.constant 0 : i32
      %dma_start3A_439 = arith.constant 0 : i32
      %dma_start3A_440 = tpu.memref_slice %arg2[%dma_start3A_438, %dma_start3A_439] : memref<20000x64xf32, #tpu.memory_space<hbm>> -> memref<20000x64xf32, #tpu.memory_space<hbm>>
      tpu.enqueue_indirect_dma source(%dma_start3A_440 : memref<20000x64xf32, #tpu.memory_space<hbm>>) target(%arg10 : memref<80x64xf32, #tpu.memory_space<vmem>>) offsets(%dma_start3A_437 : memref<80xi32, #tpu.memory_space<vmem>>) semaphore(%arg18 : memref<!tpu.dma_semaphore, #tpu.memory_space<semaphore_mem>>)
      %add3A_441 = arith.constant 3 : i32
      %add3A_442 = arith.addi %add3A_351, %add3A_441 : i32
      %dma_wait3A_443 = arith.constant 0 : i32
      %dma_wait3A_444 = tpu.memref_slice %arg6[%add3A_442, %dma_wait3A_443] : memref<250x80xi32, #tpu.memory_space<vmem>> -> memref<1x80xi32, #tpu.memory_space<vmem>>
      %dma_wait3A_445 = tpu.memref_squeeze %dma_wait3A_444 : memref<1x80xi32, #tpu.memory_space<vmem>> -> memref<80xi32, #tpu.memory_space<vmem>>
      %dma_wait3A_446 = arith.constant 0 : i32
      %dma_wait3A_447 = arith.constant 0 : i32
      %dma_wait3A_448 = tpu.memref_slice %arg2[%dma_wait3A_446, %dma_wait3A_447] : memref<20000x64xf32, #tpu.memory_space<hbm>> -> memref<20000x64xf32, #tpu.memory_space<hbm>>
      tpu.wait_indirect_dma semaphore(%arg16 : memref<!tpu.dma_semaphore, #tpu.memory_space<semaphore_mem>>) src(%dma_wait3A_448 : memref<20000x64xf32, #tpu.memory_space<hbm>>) dst(%arg8 : memref<80x64xf32, #tpu.memory_space<vmem>>)
      %dma_start3A_449 = arith.constant 0 : i32
      %dma_start3A_450 = tpu.memref_slice %arg7[%add3A_442, %dma_start3A_449] : memref<250x80xi32, #tpu.memory_space<vmem>> -> memref<1x80xi32, #tpu.memory_space<vmem>>
      %dma_start3A_451 = tpu.memref_squeeze %dma_start3A_450 : memref<1x80xi32, #tpu.memory_space<vmem>> -> memref<80xi32, #tpu.memory_space<vmem>>
      %dma_start3A_452 = arith.constant 0 : i32
      %dma_start3A_453 = arith.constant 0 : i32
      %dma_start3A_454 = tpu.memref_slice %arg15[%dma_start3A_452, %dma_start3A_453] : memref<10000x64xf32, #tpu.memory_space<vmem_shared>> -> memref<10000x64xf32, #tpu.memory_space<vmem_shared>>
      tpu.enqueue_indirect_dma source(%arg8 : memref<80x64xf32, #tpu.memory_space<vmem>>) target(%dma_start3A_454 : memref<10000x64xf32, #tpu.memory_space<vmem_shared>>) offsets(%dma_start3A_451 : memref<80xi32, #tpu.memory_space<vmem>>) semaphore(%arg22 : memref<!tpu.dma_semaphore, #tpu.memory_space<semaphore_mem>>) {add = true}
      %sub3A_455 = arith.constant 3 : i32
      %sub3A_456 = arith.subi %add3A_442, %sub3A_455 : i32
      %dma_wait3A_457 = arith.constant 0 : i32
      %dma_wait3A_458 = tpu.memref_slice %arg7[%sub3A_456, %dma_wait3A_457] : memref<250x80xi32, #tpu.memory_space<vmem>> -> memref<1x80xi32, #tpu.memory_space<vmem>>
      %dma_wait3A_459 = tpu.memref_squeeze %dma_wait3A_458 : memref<1x80xi32, #tpu.memory_space<vmem>> -> memref<80xi32, #tpu.memory_space<vmem>>
      %dma_wait3A_460 = arith.constant 0 : i32
      %dma_wait3A_461 = arith.constant 0 : i32
      %dma_wait3A_462 = tpu.memref_slice %arg15[%dma_wait3A_460, %dma_wait3A_461] : memref<10000x64xf32, #tpu.memory_space<vmem_shared>> -> memref<10000x64xf32, #tpu.memory_space<vmem_shared>>
      tpu.wait_indirect_dma semaphore(%arg25 : memref<!tpu.dma_semaphore, #tpu.memory_space<semaphore_mem>>) src(%arg11 : memref<80x64xf32, #tpu.memory_space<vmem>>) dst(%dma_wait3A_462 : memref<10000x64xf32, #tpu.memory_space<vmem_shared>>)
      %add3A_463 = arith.constant 3 : i32
      %add3A_464 = arith.addi %add3A_442, %add3A_463 : i32
      %dma_start3A_465 = arith.constant 0 : i32
      %dma_start3A_466 = tpu.memref_slice %arg6[%add3A_464, %dma_start3A_465] : memref<250x80xi32, #tpu.memory_space<vmem>> -> memref<1x80xi32, #tpu.memory_space<vmem>>
      %dma_start3A_467 = tpu.memref_squeeze %dma_start3A_466 : memref<1x80xi32, #tpu.memory_space<vmem>> -> memref<80xi32, #tpu.memory_space<vmem>>
      %dma_start3A_468 = arith.constant 0 : i32
      %dma_start3A_469 = arith.constant 0 : i32
      %dma_start3A_470 = tpu.memref_slice %arg2[%dma_start3A_468, %dma_start3A_469] : memref<20000x64xf32, #tpu.memory_space<hbm>> -> memref<20000x64xf32, #tpu.memory_space<hbm>>
      tpu.enqueue_indirect_dma source(%dma_start3A_470 : memref<20000x64xf32, #tpu.memory_space<hbm>>) target(%arg11 : memref<80x64xf32, #tpu.memory_space<vmem>>) offsets(%dma_start3A_467 : memref<80xi32, #tpu.memory_space<vmem>>) semaphore(%arg19 : memref<!tpu.dma_semaphore, #tpu.memory_space<semaphore_mem>>)
      %add3A_471 = arith.constant 4 : i32
      %add3A_472 = arith.addi %add3A_351, %add3A_471 : i32
      %dma_wait3A_473 = arith.constant 0 : i32
      %dma_wait3A_474 = tpu.memref_slice %arg6[%add3A_472, %dma_wait3A_473] : memref<250x80xi32, #tpu.memory_space<vmem>> -> memref<1x80xi32, #tpu.memory_space<vmem>>
      %dma_wait3A_475 = tpu.memref_squeeze %dma_wait3A_474 : memref<1x80xi32, #tpu.memory_space<vmem>> -> memref<80xi32, #tpu.memory_space<vmem>>
      %dma_wait3A_476 = arith.constant 0 : i32
      %dma_wait3A_477 = arith.constant 0 : i32
      %dma_wait3A_478 = tpu.memref_slice %arg2[%dma_wait3A_476, %dma_wait3A_477] : memref<20000x64xf32, #tpu.memory_space<hbm>> -> memref<20000x64xf32, #tpu.memory_space<hbm>>
      tpu.wait_indirect_dma semaphore(%arg17 : memref<!tpu.dma_semaphore, #tpu.memory_space<semaphore_mem>>) src(%dma_wait3A_478 : memref<20000x64xf32, #tpu.memory_space<hbm>>) dst(%arg9 : memref<80x64xf32, #tpu.memory_space<vmem>>)
      %dma_start3A_479 = arith.constant 0 : i32
      %dma_start3A_480 = tpu.memref_slice %arg7[%add3A_472, %dma_start3A_479] : memref<250x80xi32, #tpu.memory_space<vmem>> -> memref<1x80xi32, #tpu.memory_space<vmem>>
      %dma_start3A_481 = tpu.memref_squeeze %dma_start3A_480 : memref<1x80xi32, #tpu.memory_space<vmem>> -> memref<80xi32, #tpu.memory_space<vmem>>
      %dma_start3A_482 = arith.constant 0 : i32
      %dma_start3A_483 = arith.constant 0 : i32
      %dma_start3A_484 = tpu.memref_slice %arg15[%dma_start3A_482, %dma_start3A_483] : memref<10000x64xf32, #tpu.memory_space<vmem_shared>> -> memref<10000x64xf32, #tpu.memory_space<vmem_shared>>
      tpu.enqueue_indirect_dma source(%arg9 : memref<80x64xf32, #tpu.memory_space<vmem>>) target(%dma_start3A_484 : memref<10000x64xf32, #tpu.memory_space<vmem_shared>>) offsets(%dma_start3A_481 : memref<80xi32, #tpu.memory_space<vmem>>) semaphore(%arg23 : memref<!tpu.dma_semaphore, #tpu.memory_space<semaphore_mem>>) {add = true}
      %sub3A_485 = arith.constant 3 : i32
      %sub3A_486 = arith.subi %add3A_472, %sub3A_485 : i32
      %dma_wait3A_487 = arith.constant 0 : i32
      %dma_wait3A_488 = tpu.memref_slice %arg7[%sub3A_486, %dma_wait3A_487] : memref<250x80xi32, #tpu.memory_space<vmem>> -> memref<1x80xi32, #tpu.memory_space<vmem>>
      %dma_wait3A_489 = tpu.memref_squeeze %dma_wait3A_488 : memref<1x80xi32, #tpu.memory_space<vmem>> -> memref<80xi32, #tpu.memory_space<vmem>>
      %dma_wait3A_490 = arith.constant 0 : i32
      %dma_wait3A_491 = arith.constant 0 : i32
      %dma_wait3A_492 = tpu.memref_slice %arg15[%dma_wait3A_490, %dma_wait3A_491] : memref<10000x64xf32, #tpu.memory_space<vmem_shared>> -> memref<10000x64xf32, #tpu.memory_space<vmem_shared>>
      tpu.wait_indirect_dma semaphore(%arg26 : memref<!tpu.dma_semaphore, #tpu.memory_space<semaphore_mem>>) src(%arg12 : memref<80x64xf32, #tpu.memory_space<vmem>>) dst(%dma_wait3A_492 : memref<10000x64xf32, #tpu.memory_space<vmem_shared>>)
      %add3A_493 = arith.constant 3 : i32
      %add3A_494 = arith.addi %add3A_472, %add3A_493 : i32
      %dma_start3A_495 = arith.constant 0 : i32
      %dma_start3A_496 = tpu.memref_slice %arg6[%add3A_494, %dma_start3A_495] : memref<250x80xi32, #tpu.memory_space<vmem>> -> memref<1x80xi32, #tpu.memory_space<vmem>>
      %dma_start3A_497 = tpu.memref_squeeze %dma_start3A_496 : memref<1x80xi32, #tpu.memory_space<vmem>> -> memref<80xi32, #tpu.memory_space<vmem>>
      %dma_start3A_498 = arith.constant 0 : i32
      %dma_start3A_499 = arith.constant 0 : i32
      %dma_start3A_500 = tpu.memref_slice %arg2[%dma_start3A_498, %dma_start3A_499] : memref<20000x64xf32, #tpu.memory_space<hbm>> -> memref<20000x64xf32, #tpu.memory_space<hbm>>
      tpu.enqueue_indirect_dma source(%dma_start3A_500 : memref<20000x64xf32, #tpu.memory_space<hbm>>) target(%arg12 : memref<80x64xf32, #tpu.memory_space<vmem>>) offsets(%dma_start3A_497 : memref<80xi32, #tpu.memory_space<vmem>>) semaphore(%arg20 : memref<!tpu.dma_semaphore, #tpu.memory_space<semaphore_mem>>)
      %add3A_501 = arith.constant 5 : i32
      %add3A_502 = arith.addi %add3A_351, %add3A_501 : i32
      %dma_wait3A_503 = arith.constant 0 : i32
      %dma_wait3A_504 = tpu.memref_slice %arg6[%add3A_502, %dma_wait3A_503] : memref<250x80xi32, #tpu.memory_space<vmem>> -> memref<1x80xi32, #tpu.memory_space<vmem>>
      %dma_wait3A_505 = tpu.memref_squeeze %dma_wait3A_504 : memref<1x80xi32, #tpu.memory_space<vmem>> -> memref<80xi32, #tpu.memory_space<vmem>>
      %dma_wait3A_506 = arith.constant 0 : i32
      %dma_wait3A_507 = arith.constant 0 : i32
      %dma_wait3A_508 = tpu.memref_slice %arg2[%dma_wait3A_506, %dma_wait3A_507] : memref<20000x64xf32, #tpu.memory_space<hbm>> -> memref<20000x64xf32, #tpu.memory_space<hbm>>
      tpu.wait_indirect_dma semaphore(%arg18 : memref<!tpu.dma_semaphore, #tpu.memory_space<semaphore_mem>>) src(%dma_wait3A_508 : memref<20000x64xf32, #tpu.memory_space<hbm>>) dst(%arg10 : memref<80x64xf32, #tpu.memory_space<vmem>>)
      %dma_start3A_509 = arith.constant 0 : i32
      %dma_start3A_510 = tpu.memref_slice %arg7[%add3A_502, %dma_start3A_509] : memref<250x80xi32, #tpu.memory_space<vmem>> -> memref<1x80xi32, #tpu.memory_space<vmem>>
      %dma_start3A_511 = tpu.memref_squeeze %dma_start3A_510 : memref<1x80xi32, #tpu.memory_space<vmem>> -> memref<80xi32, #tpu.memory_space<vmem>>
      %dma_start3A_512 = arith.constant 0 : i32
      %dma_start3A_513 = arith.constant 0 : i32
      %dma_start3A_514 = tpu.memref_slice %arg15[%dma_start3A_512, %dma_start3A_513] : memref<10000x64xf32, #tpu.memory_space<vmem_shared>> -> memref<10000x64xf32, #tpu.memory_space<vmem_shared>>
      tpu.enqueue_indirect_dma source(%arg10 : memref<80x64xf32, #tpu.memory_space<vmem>>) target(%dma_start3A_514 : memref<10000x64xf32, #tpu.memory_space<vmem_shared>>) offsets(%dma_start3A_511 : memref<80xi32, #tpu.memory_space<vmem>>) semaphore(%arg24 : memref<!tpu.dma_semaphore, #tpu.memory_space<semaphore_mem>>) {add = true}
      %sub3A_515 = arith.constant 3 : i32
      %sub3A_516 = arith.subi %add3A_502, %sub3A_515 : i32
      %dma_wait3A_517 = arith.constant 0 : i32
      %dma_wait3A_518 = tpu.memref_slice %arg7[%sub3A_516, %dma_wait3A_517] : memref<250x80xi32, #tpu.memory_space<vmem>> -> memref<1x80xi32, #tpu.memory_space<vmem>>
      %dma_wait3A_519 = tpu.memref_squeeze %dma_wait3A_518 : memref<1x80xi32, #tpu.memory_space<vmem>> -> memref<80xi32, #tpu.memory_space<vmem>>
      %dma_wait3A_520 = arith.constant 0 : i32
      %dma_wait3A_521 = arith.constant 0 : i32
      %dma_wait3A_522 = tpu.memref_slice %arg15[%dma_wait3A_520, %dma_wait3A_521] : memref<10000x64xf32, #tpu.memory_space<vmem_shared>> -> memref<10000x64xf32, #tpu.memory_space<vmem_shared>>
      tpu.wait_indirect_dma semaphore(%arg27 : memref<!tpu.dma_semaphore, #tpu.memory_space<semaphore_mem>>) src(%arg13 : memref<80x64xf32, #tpu.memory_space<vmem>>) dst(%dma_wait3A_522 : memref<10000x64xf32, #tpu.memory_space<vmem_shared>>)
      %add3A_523 = arith.constant 3 : i32
      %add3A_524 = arith.addi %add3A_502, %add3A_523 : i32
      %dma_start3A_525 = arith.constant 0 : i32
      %dma_start3A_526 = tpu.memref_slice %arg6[%add3A_524, %dma_start3A_525] : memref<250x80xi32, #tpu.memory_space<vmem>> -> memref<1x80xi32, #tpu.memory_space<vmem>>
      %dma_start3A_527 = tpu.memref_squeeze %dma_start3A_526 : memref<1x80xi32, #tpu.memory_space<vmem>> -> memref<80xi32, #tpu.memory_space<vmem>>
      %dma_start3A_528 = arith.constant 0 : i32
      %dma_start3A_529 = arith.constant 0 : i32
      %dma_start3A_530 = tpu.memref_slice %arg2[%dma_start3A_528, %dma_start3A_529] : memref<20000x64xf32, #tpu.memory_space<hbm>> -> memref<20000x64xf32, #tpu.memory_space<hbm>>
      tpu.enqueue_indirect_dma source(%dma_start3A_530 : memref<20000x64xf32, #tpu.memory_space<hbm>>) target(%arg13 : memref<80x64xf32, #tpu.memory_space<vmem>>) offsets(%dma_start3A_527 : memref<80xi32, #tpu.memory_space<vmem>>) semaphore(%arg21 : memref<!tpu.dma_semaphore, #tpu.memory_space<semaphore_mem>>)
    }
    %scan3A_147 = arith.constant 40 : i32
    %dma_wait3A_148 = arith.constant 243 : i32
    %dma_wait3A_149 = arith.constant 0 : i32
    %dma_wait3A_150 = tpu.memref_slice %arg6[%dma_wait3A_148, %dma_wait3A_149] : memref<250x80xi32, #tpu.memory_space<vmem>> -> memref<1x80xi32, #tpu.memory_space<vmem>>
    %dma_wait3A_151 = tpu.memref_squeeze %dma_wait3A_150 : memref<1x80xi32, #tpu.memory_space<vmem>> -> memref<80xi32, #tpu.memory_space<vmem>>
    %dma_wait3A_152 = arith.constant 0 : i32
    %dma_wait3A_153 = arith.constant 0 : i32
    %dma_wait3A_154 = tpu.memref_slice %arg2[%dma_wait3A_152, %dma_wait3A_153] : memref<20000x64xf32, #tpu.memory_space<hbm>> -> memref<20000x64xf32, #tpu.memory_space<hbm>>
    tpu.wait_indirect_dma semaphore(%arg19 : memref<!tpu.dma_semaphore, #tpu.memory_space<semaphore_mem>>) src(%dma_wait3A_154 : memref<20000x64xf32, #tpu.memory_space<hbm>>) dst(%arg11 : memref<80x64xf32, #tpu.memory_space<vmem>>)
    %dma_start3A_155 = arith.constant 243 : i32
    %dma_start3A_156 = arith.constant 0 : i32
    %dma_start3A_157 = tpu.memref_slice %arg7[%dma_start3A_155, %dma_start3A_156] : memref<250x80xi32, #tpu.memory_space<vmem>> -> memref<1x80xi32, #tpu.memory_space<vmem>>
    %dma_start3A_158 = tpu.memref_squeeze %dma_start3A_157 : memref<1x80xi32, #tpu.memory_space<vmem>> -> memref<80xi32, #tpu.memory_space<vmem>>
    %dma_start3A_159 = arith.constant 0 : i32
    %dma_start3A_160 = arith.constant 0 : i32
    %dma_start3A_161 = tpu.memref_slice %arg15[%dma_start3A_159, %dma_start3A_160] : memref<10000x64xf32, #tpu.memory_space<vmem_shared>> -> memref<10000x64xf32, #tpu.memory_space<vmem_shared>>
    tpu.enqueue_indirect_dma source(%arg11 : memref<80x64xf32, #tpu.memory_space<vmem>>) target(%dma_start3A_161 : memref<10000x64xf32, #tpu.memory_space<vmem_shared>>) offsets(%dma_start3A_158 : memref<80xi32, #tpu.memory_space<vmem>>) semaphore(%arg25 : memref<!tpu.dma_semaphore, #tpu.memory_space<semaphore_mem>>) {add = true}
    %dma_wait3A_162 = arith.constant 240 : i32
    %dma_wait3A_163 = arith.constant 0 : i32
    %dma_wait3A_164 = tpu.memref_slice %arg7[%dma_wait3A_162, %dma_wait3A_163] : memref<250x80xi32, #tpu.memory_space<vmem>> -> memref<1x80xi32, #tpu.memory_space<vmem>>
    %dma_wait3A_165 = tpu.memref_squeeze %dma_wait3A_164 : memref<1x80xi32, #tpu.memory_space<vmem>> -> memref<80xi32, #tpu.memory_space<vmem>>
    %dma_wait3A_166 = arith.constant 0 : i32
    %dma_wait3A_167 = arith.constant 0 : i32
    %dma_wait3A_168 = tpu.memref_slice %arg15[%dma_wait3A_166, %dma_wait3A_167] : memref<10000x64xf32, #tpu.memory_space<vmem_shared>> -> memref<10000x64xf32, #tpu.memory_space<vmem_shared>>
    tpu.wait_indirect_dma semaphore(%arg22 : memref<!tpu.dma_semaphore, #tpu.memory_space<semaphore_mem>>) src(%arg8 : memref<80x64xf32, #tpu.memory_space<vmem>>) dst(%dma_wait3A_168 : memref<10000x64xf32, #tpu.memory_space<vmem_shared>>)
    %dma_start3A_169 = arith.constant 246 : i32
    %dma_start3A_170 = arith.constant 0 : i32
    %dma_start3A_171 = tpu.memref_slice %arg6[%dma_start3A_169, %dma_start3A_170] : memref<250x80xi32, #tpu.memory_space<vmem>> -> memref<1x80xi32, #tpu.memory_space<vmem>>
    %dma_start3A_172 = tpu.memref_squeeze %dma_start3A_171 : memref<1x80xi32, #tpu.memory_space<vmem>> -> memref<80xi32, #tpu.memory_space<vmem>>
    %dma_start3A_173 = arith.constant 0 : i32
    %dma_start3A_174 = arith.constant 0 : i32
    %dma_start3A_175 = tpu.memref_slice %arg2[%dma_start3A_173, %dma_start3A_174] : memref<20000x64xf32, #tpu.memory_space<hbm>> -> memref<20000x64xf32, #tpu.memory_space<hbm>>
    tpu.enqueue_indirect_dma source(%dma_start3A_175 : memref<20000x64xf32, #tpu.memory_space<hbm>>) target(%arg8 : memref<80x64xf32, #tpu.memory_space<vmem>>) offsets(%dma_start3A_172 : memref<80xi32, #tpu.memory_space<vmem>>) semaphore(%arg16 : memref<!tpu.dma_semaphore, #tpu.memory_space<semaphore_mem>>)
    %dma_wait3A_176 = arith.constant 244 : i32
    %dma_wait3A_177 = arith.constant 0 : i32
    %dma_wait3A_178 = tpu.memref_slice %arg6[%dma_wait3A_176, %dma_wait3A_177] : memref<250x80xi32, #tpu.memory_space<vmem>> -> memref<1x80xi32, #tpu.memory_space<vmem>>
    %dma_wait3A_179 = tpu.memref_squeeze %dma_wait3A_178 : memref<1x80xi32, #tpu.memory_space<vmem>> -> memref<80xi32, #tpu.memory_space<vmem>>
    %dma_wait3A_180 = arith.constant 0 : i32
    %dma_wait3A_181 = arith.constant 0 : i32
    %dma_wait3A_182 = tpu.memref_slice %arg2[%dma_wait3A_180, %dma_wait3A_181] : memref<20000x64xf32, #tpu.memory_space<hbm>> -> memref<20000x64xf32, #tpu.memory_space<hbm>>
    tpu.wait_indirect_dma semaphore(%arg20 : memref<!tpu.dma_semaphore, #tpu.memory_space<semaphore_mem>>) src(%dma_wait3A_182 : memref<20000x64xf32, #tpu.memory_space<hbm>>) dst(%arg12 : memref<80x64xf32, #tpu.memory_space<vmem>>)
    %dma_start3A_183 = arith.constant 244 : i32
    %dma_start3A_184 = arith.constant 0 : i32
    %dma_start3A_185 = tpu.memref_slice %arg7[%dma_start3A_183, %dma_start3A_184] : memref<250x80xi32, #tpu.memory_space<vmem>> -> memref<1x80xi32, #tpu.memory_space<vmem>>
    %dma_start3A_186 = tpu.memref_squeeze %dma_start3A_185 : memref<1x80xi32, #tpu.memory_space<vmem>> -> memref<80xi32, #tpu.memory_space<vmem>>
    %dma_start3A_187 = arith.constant 0 : i32
    %dma_start3A_188 = arith.constant 0 : i32
    %dma_start3A_189 = tpu.memref_slice %arg15[%dma_start3A_187, %dma_start3A_188] : memref<10000x64xf32, #tpu.memory_space<vmem_shared>> -> memref<10000x64xf32, #tpu.memory_space<vmem_shared>>
    tpu.enqueue_indirect_dma source(%arg12 : memref<80x64xf32, #tpu.memory_space<vmem>>) target(%dma_start3A_189 : memref<10000x64xf32, #tpu.memory_space<vmem_shared>>) offsets(%dma_start3A_186 : memref<80xi32, #tpu.memory_space<vmem>>) semaphore(%arg26 : memref<!tpu.dma_semaphore, #tpu.memory_space<semaphore_mem>>) {add = true}
    %dma_wait3A_190 = arith.constant 241 : i32
    %dma_wait3A_191 = arith.constant 0 : i32
    %dma_wait3A_192 = tpu.memref_slice %arg7[%dma_wait3A_190, %dma_wait3A_191] : memref<250x80xi32, #tpu.memory_space<vmem>> -> memref<1x80xi32, #tpu.memory_space<vmem>>
    %dma_wait3A_193 = tpu.memref_squeeze %dma_wait3A_192 : memref<1x80xi32, #tpu.memory_space<vmem>> -> memref<80xi32, #tpu.memory_space<vmem>>
    %dma_wait3A_194 = arith.constant 0 : i32
    %dma_wait3A_195 = arith.constant 0 : i32
    %dma_wait3A_196 = tpu.memref_slice %arg15[%dma_wait3A_194, %dma_wait3A_195] : memref<10000x64xf32, #tpu.memory_space<vmem_shared>> -> memref<10000x64xf32, #tpu.memory_space<vmem_shared>>
    tpu.wait_indirect_dma semaphore(%arg23 : memref<!tpu.dma_semaphore, #tpu.memory_space<semaphore_mem>>) src(%arg9 : memref<80x64xf32, #tpu.memory_space<vmem>>) dst(%dma_wait3A_196 : memref<10000x64xf32, #tpu.memory_space<vmem_shared>>)
    %dma_start3A_197 = arith.constant 247 : i32
    %dma_start3A_198 = arith.constant 0 : i32
    %dma_start3A_199 = tpu.memref_slice %arg6[%dma_start3A_197, %dma_start3A_198] : memref<250x80xi32, #tpu.memory_space<vmem>> -> memref<1x80xi32, #tpu.memory_space<vmem>>
    %dma_start3A_200 = tpu.memref_squeeze %dma_start3A_199 : memref<1x80xi32, #tpu.memory_space<vmem>> -> memref<80xi32, #tpu.memory_space<vmem>>
    %dma_start3A_201 = arith.constant 0 : i32
    %dma_start3A_202 = arith.constant 0 : i32
    %dma_start3A_203 = tpu.memref_slice %arg2[%dma_start3A_201, %dma_start3A_202] : memref<20000x64xf32, #tpu.memory_space<hbm>> -> memref<20000x64xf32, #tpu.memory_space<hbm>>
    tpu.enqueue_indirect_dma source(%dma_start3A_203 : memref<20000x64xf32, #tpu.memory_space<hbm>>) target(%arg9 : memref<80x64xf32, #tpu.memory_space<vmem>>) offsets(%dma_start3A_200 : memref<80xi32, #tpu.memory_space<vmem>>) semaphore(%arg17 : memref<!tpu.dma_semaphore, #tpu.memory_space<semaphore_mem>>)
    %dma_wait3A_204 = arith.constant 245 : i32
    %dma_wait3A_205 = arith.constant 0 : i32
    %dma_wait3A_206 = tpu.memref_slice %arg6[%dma_wait3A_204, %dma_wait3A_205] : memref<250x80xi32, #tpu.memory_space<vmem>> -> memref<1x80xi32, #tpu.memory_space<vmem>>
    %dma_wait3A_207 = tpu.memref_squeeze %dma_wait3A_206 : memref<1x80xi32, #tpu.memory_space<vmem>> -> memref<80xi32, #tpu.memory_space<vmem>>
    %dma_wait3A_208 = arith.constant 0 : i32
    %dma_wait3A_209 = arith.constant 0 : i32
    %dma_wait3A_210 = tpu.memref_slice %arg2[%dma_wait3A_208, %dma_wait3A_209] : memref<20000x64xf32, #tpu.memory_space<hbm>> -> memref<20000x64xf32, #tpu.memory_space<hbm>>
    tpu.wait_indirect_dma semaphore(%arg21 : memref<!tpu.dma_semaphore, #tpu.memory_space<semaphore_mem>>) src(%dma_wait3A_210 : memref<20000x64xf32, #tpu.memory_space<hbm>>) dst(%arg13 : memref<80x64xf32, #tpu.memory_space<vmem>>)
    %dma_start3A_211 = arith.constant 245 : i32
    %dma_start3A_212 = arith.constant 0 : i32
    %dma_start3A_213 = tpu.memref_slice %arg7[%dma_start3A_211, %dma_start3A_212] : memref<250x80xi32, #tpu.memory_space<vmem>> -> memref<1x80xi32, #tpu.memory_space<vmem>>
    %dma_start3A_214 = tpu.memref_squeeze %dma_start3A_213 : memref<1x80xi32, #tpu.memory_space<vmem>> -> memref<80xi32, #tpu.memory_space<vmem>>
    %dma_start3A_215 = arith.constant 0 : i32
    %dma_start3A_216 = arith.constant 0 : i32
    %dma_start3A_217 = tpu.memref_slice %arg15[%dma_start3A_215, %dma_start3A_216] : memref<10000x64xf32, #tpu.memory_space<vmem_shared>> -> memref<10000x64xf32, #tpu.memory_space<vmem_shared>>
    tpu.enqueue_indirect_dma source(%arg13 : memref<80x64xf32, #tpu.memory_space<vmem>>) target(%dma_start3A_217 : memref<10000x64xf32, #tpu.memory_space<vmem_shared>>) offsets(%dma_start3A_214 : memref<80xi32, #tpu.memory_space<vmem>>) semaphore(%arg27 : memref<!tpu.dma_semaphore, #tpu.memory_space<semaphore_mem>>) {add = true}
    %dma_wait3A_218 = arith.constant 242 : i32
    %dma_wait3A_219 = arith.constant 0 : i32
    %dma_wait3A_220 = tpu.memref_slice %arg7[%dma_wait3A_218, %dma_wait3A_219] : memref<250x80xi32, #tpu.memory_space<vmem>> -> memref<1x80xi32, #tpu.memory_space<vmem>>
    %dma_wait3A_221 = tpu.memref_squeeze %dma_wait3A_220 : memref<1x80xi32, #tpu.memory_space<vmem>> -> memref<80xi32, #tpu.memory_space<vmem>>
    %dma_wait3A_222 = arith.constant 0 : i32
    %dma_wait3A_223 = arith.constant 0 : i32
    %dma_wait3A_224 = tpu.memref_slice %arg15[%dma_wait3A_222, %dma_wait3A_223] : memref<10000x64xf32, #tpu.memory_space<vmem_shared>> -> memref<10000x64xf32, #tpu.memory_space<vmem_shared>>
    tpu.wait_indirect_dma semaphore(%arg24 : memref<!tpu.dma_semaphore, #tpu.memory_space<semaphore_mem>>) src(%arg10 : memref<80x64xf32, #tpu.memory_space<vmem>>) dst(%dma_wait3A_224 : memref<10000x64xf32, #tpu.memory_space<vmem_shared>>)
    %dma_start3A_225 = arith.constant 248 : i32
    %dma_start3A_226 = arith.constant 0 : i32
    %dma_start3A_227 = tpu.memref_slice %arg6[%dma_start3A_225, %dma_start3A_226] : memref<250x80xi32, #tpu.memory_space<vmem>> -> memref<1x80xi32, #tpu.memory_space<vmem>>
    %dma_start3A_228 = tpu.memref_squeeze %dma_start3A_227 : memref<1x80xi32, #tpu.memory_space<vmem>> -> memref<80xi32, #tpu.memory_space<vmem>>
    %dma_start3A_229 = arith.constant 0 : i32
    %dma_start3A_230 = arith.constant 0 : i32
    %dma_start3A_231 = tpu.memref_slice %arg2[%dma_start3A_229, %dma_start3A_230] : memref<20000x64xf32, #tpu.memory_space<hbm>> -> memref<20000x64xf32, #tpu.memory_space<hbm>>
    tpu.enqueue_indirect_dma source(%dma_start3A_231 : memref<20000x64xf32, #tpu.memory_space<hbm>>) target(%arg10 : memref<80x64xf32, #tpu.memory_space<vmem>>) offsets(%dma_start3A_228 : memref<80xi32, #tpu.memory_space<vmem>>) semaphore(%arg18 : memref<!tpu.dma_semaphore, #tpu.memory_space<semaphore_mem>>)
    %dma_wait3A_232 = arith.constant 246 : i32
    %dma_wait3A_233 = arith.constant 0 : i32
    %dma_wait3A_234 = tpu.memref_slice %arg6[%dma_wait3A_232, %dma_wait3A_233] : memref<250x80xi32, #tpu.memory_space<vmem>> -> memref<1x80xi32, #tpu.memory_space<vmem>>
    %dma_wait3A_235 = tpu.memref_squeeze %dma_wait3A_234 : memref<1x80xi32, #tpu.memory_space<vmem>> -> memref<80xi32, #tpu.memory_space<vmem>>
    %dma_wait3A_236 = arith.constant 0 : i32
    %dma_wait3A_237 = arith.constant 0 : i32
    %dma_wait3A_238 = tpu.memref_slice %arg2[%dma_wait3A_236, %dma_wait3A_237] : memref<20000x64xf32, #tpu.memory_space<hbm>> -> memref<20000x64xf32, #tpu.memory_space<hbm>>
    tpu.wait_indirect_dma semaphore(%arg16 : memref<!tpu.dma_semaphore, #tpu.memory_space<semaphore_mem>>) src(%dma_wait3A_238 : memref<20000x64xf32, #tpu.memory_space<hbm>>) dst(%arg8 : memref<80x64xf32, #tpu.memory_space<vmem>>)
    %dma_start3A_239 = arith.constant 246 : i32
    %dma_start3A_240 = arith.constant 0 : i32
    %dma_start3A_241 = tpu.memref_slice %arg7[%dma_start3A_239, %dma_start3A_240] : memref<250x80xi32, #tpu.memory_space<vmem>> -> memref<1x80xi32, #tpu.memory_space<vmem>>
    %dma_start3A_242 = tpu.memref_squeeze %dma_start3A_241 : memref<1x80xi32, #tpu.memory_space<vmem>> -> memref<80xi32, #tpu.memory_space<vmem>>
    %dma_start3A_243 = arith.constant 0 : i32
    %dma_start3A_244 = arith.constant 0 : i32
    %dma_start3A_245 = tpu.memref_slice %arg15[%dma_start3A_243, %dma_start3A_244] : memref<10000x64xf32, #tpu.memory_space<vmem_shared>> -> memref<10000x64xf32, #tpu.memory_space<vmem_shared>>
    tpu.enqueue_indirect_dma source(%arg8 : memref<80x64xf32, #tpu.memory_space<vmem>>) target(%dma_start3A_245 : memref<10000x64xf32, #tpu.memory_space<vmem_shared>>) offsets(%dma_start3A_242 : memref<80xi32, #tpu.memory_space<vmem>>) semaphore(%arg22 : memref<!tpu.dma_semaphore, #tpu.memory_space<semaphore_mem>>) {add = true}
    %dma_wait3A_246 = arith.constant 243 : i32
    %dma_wait3A_247 = arith.constant 0 : i32
    %dma_wait3A_248 = tpu.memref_slice %arg7[%dma_wait3A_246, %dma_wait3A_247] : memref<250x80xi32, #tpu.memory_space<vmem>> -> memref<1x80xi32, #tpu.memory_space<vmem>>
    %dma_wait3A_249 = tpu.memref_squeeze %dma_wait3A_248 : memref<1x80xi32, #tpu.memory_space<vmem>> -> memref<80xi32, #tpu.memory_space<vmem>>
    %dma_wait3A_250 = arith.constant 0 : i32
    %dma_wait3A_251 = arith.constant 0 : i32
    %dma_wait3A_252 = tpu.memref_slice %arg15[%dma_wait3A_250, %dma_wait3A_251] : memref<10000x64xf32, #tpu.memory_space<vmem_shared>> -> memref<10000x64xf32, #tpu.memory_space<vmem_shared>>
    tpu.wait_indirect_dma semaphore(%arg25 : memref<!tpu.dma_semaphore, #tpu.memory_space<semaphore_mem>>) src(%arg11 : memref<80x64xf32, #tpu.memory_space<vmem>>) dst(%dma_wait3A_252 : memref<10000x64xf32, #tpu.memory_space<vmem_shared>>)
    %dma_start3A_253 = arith.constant 249 : i32
    %dma_start3A_254 = arith.constant 0 : i32
    %dma_start3A_255 = tpu.memref_slice %arg6[%dma_start3A_253, %dma_start3A_254] : memref<250x80xi32, #tpu.memory_space<vmem>> -> memref<1x80xi32, #tpu.memory_space<vmem>>
    %dma_start3A_256 = tpu.memref_squeeze %dma_start3A_255 : memref<1x80xi32, #tpu.memory_space<vmem>> -> memref<80xi32, #tpu.memory_space<vmem>>
    %dma_start3A_257 = arith.constant 0 : i32
    %dma_start3A_258 = arith.constant 0 : i32
    %dma_start3A_259 = tpu.memref_slice %arg2[%dma_start3A_257, %dma_start3A_258] : memref<20000x64xf32, #tpu.memory_space<hbm>> -> memref<20000x64xf32, #tpu.memory_space<hbm>>
    tpu.enqueue_indirect_dma source(%dma_start3A_259 : memref<20000x64xf32, #tpu.memory_space<hbm>>) target(%arg11 : memref<80x64xf32, #tpu.memory_space<vmem>>) offsets(%dma_start3A_256 : memref<80xi32, #tpu.memory_space<vmem>>) semaphore(%arg19 : memref<!tpu.dma_semaphore, #tpu.memory_space<semaphore_mem>>)
    %dma_wait3A_260 = arith.constant 247 : i32
    %dma_wait3A_261 = arith.constant 0 : i32
    %dma_wait3A_262 = tpu.memref_slice %arg6[%dma_wait3A_260, %dma_wait3A_261] : memref<250x80xi32, #tpu.memory_space<vmem>> -> memref<1x80xi32, #tpu.memory_space<vmem>>
    %dma_wait3A_263 = tpu.memref_squeeze %dma_wait3A_262 : memref<1x80xi32, #tpu.memory_space<vmem>> -> memref<80xi32, #tpu.memory_space<vmem>>
    %dma_wait3A_264 = arith.constant 0 : i32
    %dma_wait3A_265 = arith.constant 0 : i32
    %dma_wait3A_266 = tpu.memref_slice %arg2[%dma_wait3A_264, %dma_wait3A_265] : memref<20000x64xf32, #tpu.memory_space<hbm>> -> memref<20000x64xf32, #tpu.memory_space<hbm>>
    tpu.wait_indirect_dma semaphore(%arg17 : memref<!tpu.dma_semaphore, #tpu.memory_space<semaphore_mem>>) src(%dma_wait3A_266 : memref<20000x64xf32, #tpu.memory_space<hbm>>) dst(%arg9 : memref<80x64xf32, #tpu.memory_space<vmem>>)
    %dma_start3A_267 = arith.constant 247 : i32
    %dma_start3A_268 = arith.constant 0 : i32
    %dma_start3A_269 = tpu.memref_slice %arg7[%dma_start3A_267, %dma_start3A_268] : memref<250x80xi32, #tpu.memory_space<vmem>> -> memref<1x80xi32, #tpu.memory_space<vmem>>
    %dma_start3A_270 = tpu.memref_squeeze %dma_start3A_269 : memref<1x80xi32, #tpu.memory_space<vmem>> -> memref<80xi32, #tpu.memory_space<vmem>>
    %dma_start3A_271 = arith.constant 0 : i32
    %dma_start3A_272 = arith.constant 0 : i32
    %dma_start3A_273 = tpu.memref_slice %arg15[%dma_start3A_271, %dma_start3A_272] : memref<10000x64xf32, #tpu.memory_space<vmem_shared>> -> memref<10000x64xf32, #tpu.memory_space<vmem_shared>>
    tpu.enqueue_indirect_dma source(%arg9 : memref<80x64xf32, #tpu.memory_space<vmem>>) target(%dma_start3A_273 : memref<10000x64xf32, #tpu.memory_space<vmem_shared>>) offsets(%dma_start3A_270 : memref<80xi32, #tpu.memory_space<vmem>>) semaphore(%arg23 : memref<!tpu.dma_semaphore, #tpu.memory_space<semaphore_mem>>) {add = true}
    %dma_wait3A_274 = arith.constant 248 : i32
    %dma_wait3A_275 = arith.constant 0 : i32
    %dma_wait3A_276 = tpu.memref_slice %arg6[%dma_wait3A_274, %dma_wait3A_275] : memref<250x80xi32, #tpu.memory_space<vmem>> -> memref<1x80xi32, #tpu.memory_space<vmem>>
    %dma_wait3A_277 = tpu.memref_squeeze %dma_wait3A_276 : memref<1x80xi32, #tpu.memory_space<vmem>> -> memref<80xi32, #tpu.memory_space<vmem>>
    %dma_wait3A_278 = arith.constant 0 : i32
    %dma_wait3A_279 = arith.constant 0 : i32
    %dma_wait3A_280 = tpu.memref_slice %arg2[%dma_wait3A_278, %dma_wait3A_279] : memref<20000x64xf32, #tpu.memory_space<hbm>> -> memref<20000x64xf32, #tpu.memory_space<hbm>>
    tpu.wait_indirect_dma semaphore(%arg18 : memref<!tpu.dma_semaphore, #tpu.memory_space<semaphore_mem>>) src(%dma_wait3A_280 : memref<20000x64xf32, #tpu.memory_space<hbm>>) dst(%arg10 : memref<80x64xf32, #tpu.memory_space<vmem>>)
    %dma_start3A_281 = arith.constant 248 : i32
    %dma_start3A_282 = arith.constant 0 : i32
    %dma_start3A_283 = tpu.memref_slice %arg7[%dma_start3A_281, %dma_start3A_282] : memref<250x80xi32, #tpu.memory_space<vmem>> -> memref<1x80xi32, #tpu.memory_space<vmem>>
    %dma_start3A_284 = tpu.memref_squeeze %dma_start3A_283 : memref<1x80xi32, #tpu.memory_space<vmem>> -> memref<80xi32, #tpu.memory_space<vmem>>
    %dma_start3A_285 = arith.constant 0 : i32
    %dma_start3A_286 = arith.constant 0 : i32
    %dma_start3A_287 = tpu.memref_slice %arg15[%dma_start3A_285, %dma_start3A_286] : memref<10000x64xf32, #tpu.memory_space<vmem_shared>> -> memref<10000x64xf32, #tpu.memory_space<vmem_shared>>
    tpu.enqueue_indirect_dma source(%arg10 : memref<80x64xf32, #tpu.memory_space<vmem>>) target(%dma_start3A_287 : memref<10000x64xf32, #tpu.memory_space<vmem_shared>>) offsets(%dma_start3A_284 : memref<80xi32, #tpu.memory_space<vmem>>) semaphore(%arg24 : memref<!tpu.dma_semaphore, #tpu.memory_space<semaphore_mem>>) {add = true}
    %dma_wait3A_288 = arith.constant 249 : i32
    %dma_wait3A_289 = arith.constant 0 : i32
    %dma_wait3A_290 = tpu.memref_slice %arg6[%dma_wait3A_288, %dma_wait3A_289] : memref<250x80xi32, #tpu.memory_space<vmem>> -> memref<1x80xi32, #tpu.memory_space<vmem>>
    %dma_wait3A_291 = tpu.memref_squeeze %dma_wait3A_290 : memref<1x80xi32, #tpu.memory_space<vmem>> -> memref<80xi32, #tpu.memory_space<vmem>>
    %dma_wait3A_292 = arith.constant 0 : i32
    %dma_wait3A_293 = arith.constant 0 : i32
    %dma_wait3A_294 = tpu.memref_slice %arg2[%dma_wait3A_292, %dma_wait3A_293] : memref<20000x64xf32, #tpu.memory_space<hbm>> -> memref<20000x64xf32, #tpu.memory_space<hbm>>
    tpu.wait_indirect_dma semaphore(%arg19 : memref<!tpu.dma_semaphore, #tpu.memory_space<semaphore_mem>>) src(%dma_wait3A_294 : memref<20000x64xf32, #tpu.memory_space<hbm>>) dst(%arg11 : memref<80x64xf32, #tpu.memory_space<vmem>>)
    %dma_start3A_295 = arith.constant 249 : i32
    %dma_start3A_296 = arith.constant 0 : i32
    %dma_start3A_297 = tpu.memref_slice %arg7[%dma_start3A_295, %dma_start3A_296] : memref<250x80xi32, #tpu.memory_space<vmem>> -> memref<1x80xi32, #tpu.memory_space<vmem>>
    %dma_start3A_298 = tpu.memref_squeeze %dma_start3A_297 : memref<1x80xi32, #tpu.memory_space<vmem>> -> memref<80xi32, #tpu.memory_space<vmem>>
    %dma_start3A_299 = arith.constant 0 : i32
    %dma_start3A_300 = arith.constant 0 : i32
    %dma_start3A_301 = tpu.memref_slice %arg15[%dma_start3A_299, %dma_start3A_300] : memref<10000x64xf32, #tpu.memory_space<vmem_shared>> -> memref<10000x64xf32, #tpu.memory_space<vmem_shared>>
    tpu.enqueue_indirect_dma source(%arg11 : memref<80x64xf32, #tpu.memory_space<vmem>>) target(%dma_start3A_301 : memref<10000x64xf32, #tpu.memory_space<vmem_shared>>) offsets(%dma_start3A_298 : memref<80xi32, #tpu.memory_space<vmem>>) semaphore(%arg25 : memref<!tpu.dma_semaphore, #tpu.memory_space<semaphore_mem>>) {add = true}
    %dma_wait3A_302 = arith.constant 244 : i32
    %dma_wait3A_303 = arith.constant 0 : i32
    %dma_wait3A_304 = tpu.memref_slice %arg7[%dma_wait3A_302, %dma_wait3A_303] : memref<250x80xi32, #tpu.memory_space<vmem>> -> memref<1x80xi32, #tpu.memory_space<vmem>>
    %dma_wait3A_305 = tpu.memref_squeeze %dma_wait3A_304 : memref<1x80xi32, #tpu.memory_space<vmem>> -> memref<80xi32, #tpu.memory_space<vmem>>
    %dma_wait3A_306 = arith.constant 0 : i32
    %dma_wait3A_307 = arith.constant 0 : i32
    %dma_wait3A_308 = tpu.memref_slice %arg15[%dma_wait3A_306, %dma_wait3A_307] : memref<10000x64xf32, #tpu.memory_space<vmem_shared>> -> memref<10000x64xf32, #tpu.memory_space<vmem_shared>>
    tpu.wait_indirect_dma semaphore(%arg26 : memref<!tpu.dma_semaphore, #tpu.memory_space<semaphore_mem>>) src(%arg12 : memref<80x64xf32, #tpu.memory_space<vmem>>) dst(%dma_wait3A_308 : memref<10000x64xf32, #tpu.memory_space<vmem_shared>>)
    %dma_wait3A_309 = arith.constant 245 : i32
    %dma_wait3A_310 = arith.constant 0 : i32
    %dma_wait3A_311 = tpu.memref_slice %arg7[%dma_wait3A_309, %dma_wait3A_310] : memref<250x80xi32, #tpu.memory_space<vmem>> -> memref<1x80xi32, #tpu.memory_space<vmem>>
    %dma_wait3A_312 = tpu.memref_squeeze %dma_wait3A_311 : memref<1x80xi32, #tpu.memory_space<vmem>> -> memref<80xi32, #tpu.memory_space<vmem>>
    %dma_wait3A_313 = arith.constant 0 : i32
    %dma_wait3A_314 = arith.constant 0 : i32
    %dma_wait3A_315 = tpu.memref_slice %arg15[%dma_wait3A_313, %dma_wait3A_314] : memref<10000x64xf32, #tpu.memory_space<vmem_shared>> -> memref<10000x64xf32, #tpu.memory_space<vmem_shared>>
    tpu.wait_indirect_dma semaphore(%arg27 : memref<!tpu.dma_semaphore, #tpu.memory_space<semaphore_mem>>) src(%arg13 : memref<80x64xf32, #tpu.memory_space<vmem>>) dst(%dma_wait3A_315 : memref<10000x64xf32, #tpu.memory_space<vmem_shared>>)
    %dma_wait3A_316 = arith.constant 246 : i32
    %dma_wait3A_317 = arith.constant 0 : i32
    %dma_wait3A_318 = tpu.memref_slice %arg7[%dma_wait3A_316, %dma_wait3A_317] : memref<250x80xi32, #tpu.memory_space<vmem>> -> memref<1x80xi32, #tpu.memory_space<vmem>>
    %dma_wait3A_319 = tpu.memref_squeeze %dma_wait3A_318 : memref<1x80xi32, #tpu.memory_space<vmem>> -> memref<80xi32, #tpu.memory_space<vmem>>
    %dma_wait3A_320 = arith.constant 0 : i32
    %dma_wait3A_321 = arith.constant 0 : i32
    %dma_wait3A_322 = tpu.memref_slice %arg15[%dma_wait3A_320, %dma_wait3A_321] : memref<10000x64xf32, #tpu.memory_space<vmem_shared>> -> memref<10000x64xf32, #tpu.memory_space<vmem_shared>>
    tpu.wait_indirect_dma semaphore(%arg22 : memref<!tpu.dma_semaphore, #tpu.memory_space<semaphore_mem>>) src(%arg8 : memref<80x64xf32, #tpu.memory_space<vmem>>) dst(%dma_wait3A_322 : memref<10000x64xf32, #tpu.memory_space<vmem_shared>>)
    %dma_wait3A_323 = arith.constant 247 : i32
    %dma_wait3A_324 = arith.constant 0 : i32
    %dma_wait3A_325 = tpu.memref_slice %arg7[%dma_wait3A_323, %dma_wait3A_324] : memref<250x80xi32, #tpu.memory_space<vmem>> -> memref<1x80xi32, #tpu.memory_space<vmem>>
    %dma_wait3A_326 = tpu.memref_squeeze %dma_wait3A_325 : memref<1x80xi32, #tpu.memory_space<vmem>> -> memref<80xi32, #tpu.memory_space<vmem>>
    %dma_wait3A_327 = arith.constant 0 : i32
    %dma_wait3A_328 = arith.constant 0 : i32
    %dma_wait3A_329 = tpu.memref_slice %arg15[%dma_wait3A_327, %dma_wait3A_328] : memref<10000x64xf32, #tpu.memory_space<vmem_shared>> -> memref<10000x64xf32, #tpu.memory_space<vmem_shared>>
    tpu.wait_indirect_dma semaphore(%arg23 : memref<!tpu.dma_semaphore, #tpu.memory_space<semaphore_mem>>) src(%arg9 : memref<80x64xf32, #tpu.memory_space<vmem>>) dst(%dma_wait3A_329 : memref<10000x64xf32, #tpu.memory_space<vmem_shared>>)
    %dma_wait3A_330 = arith.constant 248 : i32
    %dma_wait3A_331 = arith.constant 0 : i32
    %dma_wait3A_332 = tpu.memref_slice %arg7[%dma_wait3A_330, %dma_wait3A_331] : memref<250x80xi32, #tpu.memory_space<vmem>> -> memref<1x80xi32, #tpu.memory_space<vmem>>
    %dma_wait3A_333 = tpu.memref_squeeze %dma_wait3A_332 : memref<1x80xi32, #tpu.memory_space<vmem>> -> memref<80xi32, #tpu.memory_space<vmem>>
    %dma_wait3A_334 = arith.constant 0 : i32
    %dma_wait3A_335 = arith.constant 0 : i32
    %dma_wait3A_336 = tpu.memref_slice %arg15[%dma_wait3A_334, %dma_wait3A_335] : memref<10000x64xf32, #tpu.memory_space<vmem_shared>> -> memref<10000x64xf32, #tpu.memory_space<vmem_shared>>
    tpu.wait_indirect_dma semaphore(%arg24 : memref<!tpu.dma_semaphore, #tpu.memory_space<semaphore_mem>>) src(%arg10 : memref<80x64xf32, #tpu.memory_space<vmem>>) dst(%dma_wait3A_336 : memref<10000x64xf32, #tpu.memory_space<vmem_shared>>)
    %dma_wait3A_337 = arith.constant 249 : i32
    %dma_wait3A_338 = arith.constant 0 : i32
    %dma_wait3A_339 = tpu.memref_slice %arg7[%dma_wait3A_337, %dma_wait3A_338] : memref<250x80xi32, #tpu.memory_space<vmem>> -> memref<1x80xi32, #tpu.memory_space<vmem>>
    %dma_wait3A_340 = tpu.memref_squeeze %dma_wait3A_339 : memref<1x80xi32, #tpu.memory_space<vmem>> -> memref<80xi32, #tpu.memory_space<vmem>>
    %dma_wait3A_341 = arith.constant 0 : i32
    %dma_wait3A_342 = arith.constant 0 : i32
    %dma_wait3A_343 = tpu.memref_slice %arg15[%dma_wait3A_341, %dma_wait3A_342] : memref<10000x64xf32, #tpu.memory_space<vmem_shared>> -> memref<10000x64xf32, #tpu.memory_space<vmem_shared>>
    tpu.wait_indirect_dma semaphore(%arg25 : memref<!tpu.dma_semaphore, #tpu.memory_space<semaphore_mem>>) src(%arg11 : memref<80x64xf32, #tpu.memory_space<vmem>>) dst(%dma_wait3A_343 : memref<10000x64xf32, #tpu.memory_space<vmem_shared>>)
    %barrier3A_344 = arith.constant 0 : index
    tpu.barrier barrier_id(%barrier3A_344)
    %mul3A_345 = arith.constant 64 : i32
    %mul3A_346 = arith.muli %arg0, %mul3A_345 : i32
    "tpu.region"() ({
      %run_scoped3A = tpu.sem_alloc : memref<!tpu.dma_semaphore, #tpu.memory_space<semaphore_mem>>
      %dma_start3A_347 = tpu.memref_slice %arg5[%mul3A_0, %mul3A_346] : memref<10000x128xf32, #tpu.memory_space<hbm>> -> memref<625x64xf32, #tpu.memory_space<hbm>>
      %dma_start3A_348 = arith.constant 0 : i32
      %dma_start3A_349 = tpu.memref_slice %arg15[%mul3A_0, %dma_start3A_348] : memref<10000x64xf32, #tpu.memory_space<vmem_shared>> -> memref<625x64xf32, #tpu.memory_space<vmem_shared>>
      tpu.enqueue_dma source(%dma_start3A_349 : memref<625x64xf32, #tpu.memory_space<vmem_shared>>) target(%dma_start3A_347 : memref<625x64xf32, #tpu.memory_space<hbm>>) target_semaphore(%run_scoped3A : memref<!tpu.dma_semaphore, #tpu.memory_space<semaphore_mem>>)
      %dma_wait3A_350 = tpu.memref_slice %arg5[%mul3A_0, %mul3A_346] : memref<10000x128xf32, #tpu.memory_space<hbm>> -> memref<625x64xf32, #tpu.memory_space<hbm>>
      %dma_wait3A_351 = arith.constant 0 : i32
      %dma_wait3A_352 = tpu.memref_slice %arg15[%mul3A_0, %dma_wait3A_351] : memref<10000x64xf32, #tpu.memory_space<vmem_shared>> -> memref<625x64xf32, #tpu.memory_space<vmem_shared>>
      tpu.wait_dma2 semaphore(%run_scoped3A : memref<!tpu.dma_semaphore, #tpu.memory_space<semaphore_mem>>) src(%dma_wait3A_352 : memref<625x64xf32, #tpu.memory_space<vmem_shared>>) dst(%dma_wait3A_350 : memref<625x64xf32, #tpu.memory_space<hbm>>)
      tpu.yield
    }) : () -> ()
    return
  }
}

module attributes {stable_mosaic.version = 14 : i64} {
  func.func @_tc_pre_body(%arg0: i32, %arg1: memref<1000x128xf32, #tpu.memory_space<vmem>>, %arg2: memref<128x128xf32, #tpu.memory_space<vmem>>, %arg3: memref<128x128xf32, #tpu.memory_space<vmem>>, %arg4: memref<1x128xf32, #tpu.memory_space<vmem>>, %arg5: memref<1000x128xf32, #tpu.memory_space<vmem>>, %arg6: memref<1000x128xf32, #tpu.memory_space<vmem>>) attributes {dimension_semantics = [#tpu.dimension_semantics<arbitrary>], iteration_bounds = array<i64: 10>, scalar_prefetch = 0 : i64, scratch_operands = 0 : i64, tpu.core_type = #tpu.core_type<tc>, window_params = [{transform_indices = @transform_0, window_bounds = array<i64: 1000, 128>}, {pipeline_mode = #tpu.pipeline_mode<synchronous>, transform_indices = @transform_1, window_bounds = array<i64: 128, 128>}, {pipeline_mode = #tpu.pipeline_mode<synchronous>, transform_indices = @transform_2, window_bounds = array<i64: 128, 128>}, {pipeline_mode = #tpu.pipeline_mode<synchronous>, transform_indices = @transform_3, window_bounds = array<i64: 1, 128>}, {transform_indices = @transform_4, window_bounds = array<i64: 1000, 128>}, {transform_indices = @transform_5, window_bounds = array<i64: 1000, 128>}]} {
    %get3A = arith.constant 0 : index
    %get3A_0 = arith.constant 0 : index
    %get3A_1 = vector.load %arg1[%get3A, %get3A_0] : memref<1000x128xf32, #tpu.memory_space<vmem>>, vector<1000x128xf32>
    %get3A_2 = arith.constant 0 : index
    %get3A_3 = arith.constant 0 : index
    %get3A_4 = vector.load %arg2[%get3A_2, %get3A_3] : memref<128x128xf32, #tpu.memory_space<vmem>>, vector<128x128xf32>
    %dot_general3A = arith.constant dense<0.000000e+00> : vector<1000x128xf32>
    %dot_general3A_5 = tpu.matmul %get3A_1, %get3A_4, %dot_general3A {dimension_numbers = #tpu.dot_dimension_numbers<[1], [1], [0], [0], [0, 0, 1, 0], [], []>, transpose_lhs_hint = false} : vector<1000x128xf32>, vector<128x128xf32>, vector<1000x128xf32> -> vector<1000x128xf32>
    %swap3A = arith.constant 0 : index
    %swap3A_6 = arith.constant 0 : index
    %swap3A_7 = vector.load %arg5[%swap3A, %swap3A_6] : memref<1000x128xf32, #tpu.memory_space<vmem>>, vector<1000x128xf32>
    tpu.vector_store %arg5[%swap3A, %swap3A_6], %dot_general3A_5 {strides = array<i32>} : memref<1000x128xf32, #tpu.memory_space<vmem>>, vector<1000x128xf32>,
    %get3A_8 = arith.constant 0 : index
    %get3A_9 = arith.constant 0 : index
    %get3A_10 = vector.load %arg3[%get3A_8, %get3A_9] : memref<128x128xf32, #tpu.memory_space<vmem>>, vector<128x128xf32>
    %dot_general3A_11 = arith.constant dense<0.000000e+00> : vector<1000x128xf32>
    %dot_general3A_12 = tpu.matmul %get3A_1, %get3A_10, %dot_general3A_11 {dimension_numbers = #tpu.dot_dimension_numbers<[1], [1], [0], [0], [0, 0, 1, 0], [], []>, transpose_lhs_hint = false} : vector<1000x128xf32>, vector<128x128xf32>, vector<1000x128xf32> -> vector<1000x128xf32>
    %get3A_13 = arith.constant 0 : index
    %get3A_14 = arith.constant 0 : index
    %get3A_15 = vector.load %arg4[%get3A_13, %get3A_14] : memref<1x128xf32, #tpu.memory_space<vmem>>, vector<1x128xf32>
    %add3A = vector.broadcast %get3A_15 : vector<1x128xf32> to vector<1000x128xf32>
    %add3A_16 = arith.addf %dot_general3A_12, %add3A : vector<1000x128xf32>
    %swap3A_17 = arith.constant 0 : index
    %swap3A_18 = arith.constant 0 : index
    %swap3A_19 = vector.load %arg6[%swap3A_17, %swap3A_18] : memref<1000x128xf32, #tpu.memory_space<vmem>>, vector<1000x128xf32>
    tpu.vector_store %arg6[%swap3A_17, %swap3A_18], %add3A_16 {strides = array<i32>} : memref<1000x128xf32, #tpu.memory_space<vmem>>, vector<1000x128xf32>,
    return
  }
  func.func @transform_0(%arg0: i32) -> (i32, i32) {
    %c0_i32 = arith.constant 0 : i32
    %c0_i32_0 = arith.constant 0 : i32
    return %arg0, %c0_i32 : i32, i32
  }
  func.func @transform_1(%arg0: i32) -> (i32, i32) {
    %c0_i32 = arith.constant 0 : i32
    %c0_i32_0 = arith.constant 0 : i32
    %c0_i32_1 = arith.constant 0 : i32
    return %c0_i32, %c0_i32_0 : i32, i32
  }
  func.func @transform_2(%arg0: i32) -> (i32, i32) {
    %c0_i32 = arith.constant 0 : i32
    %c0_i32_0 = arith.constant 0 : i32
    %c0_i32_1 = arith.constant 0 : i32
    return %c0_i32, %c0_i32_0 : i32, i32
  }
  func.func @transform_3(%arg0: i32) -> (i32, i32) {
    %c0_i32 = arith.constant 0 : i32
    %c0_i32_0 = arith.constant 0 : i32
    %c0_i32_1 = arith.constant 0 : i32
    return %c0_i32, %c0_i32_0 : i32, i32
  }
  func.func @transform_4(%arg0: i32) -> (i32, i32) {
    %c0_i32 = arith.constant 0 : i32
    %c0_i32_0 = arith.constant 0 : i32
    return %arg0, %c0_i32 : i32, i32
  }
  func.func @transform_5(%arg0: i32) -> (i32, i32) {
    %c0_i32 = arith.constant 0 : i32
    %c0_i32_0 = arith.constant 0 : i32
    return %arg0, %c0_i32 : i32, i32
  }
}

module attributes {stable_mosaic.version = 14 : i64} {
  func.func @_tc_mid_body(%arg0: i32, %arg1: memref<1000x128xf32, #tpu.memory_space<vmem>>, %arg2: memref<1000x16xf32, #tpu.memory_space<vmem>>, %arg3: memref<1000x128xf32, #tpu.memory_space<vmem>>, %arg4: memref<128x128xf32, #tpu.memory_space<vmem>>, %arg5: memref<128x128xf32, #tpu.memory_space<vmem>>, %arg6: memref<1x128xf32, #tpu.memory_space<vmem>>, %arg7: memref<1000x128xf32, #tpu.memory_space<vmem>>, %arg8: memref<1000x128xf32, #tpu.memory_space<vmem>>, %arg9: memref<1000x8xf32, #tpu.memory_space<vmem>>) attributes {dimension_semantics = [#tpu.dimension_semantics<arbitrary>], iteration_bounds = array<i64: 10>, scalar_prefetch = 0 : i64, scratch_operands = 0 : i64, tpu.core_type = #tpu.core_type<tc>, window_params = [{transform_indices = @transform_0, window_bounds = array<i64: 1000, 128>}, {transform_indices = @transform_1, window_bounds = array<i64: 1000, 16>}, {transform_indices = @transform_2, window_bounds = array<i64: 1000, 128>}, {pipeline_mode = #tpu.pipeline_mode<synchronous>, transform_indices = @transform_3, window_bounds = array<i64: 128, 128>}, {pipeline_mode = #tpu.pipeline_mode<synchronous>, transform_indices = @transform_4, window_bounds = array<i64: 128, 128>}, {pipeline_mode = #tpu.pipeline_mode<synchronous>, transform_indices = @transform_5, window_bounds = array<i64: 1, 128>}, {transform_indices = @transform_6, window_bounds = array<i64: 1000, 128>}, {transform_indices = @transform_7, window_bounds = array<i64: 1000, 128>}, {transform_indices = @transform_8, window_bounds = array<i64: 1000, 8>}]} {
    %get3A = arith.constant 0 : index
    %get3A_0 = arith.constant 0 : index
    %get3A_1 = vector.load %arg2[%get3A, %get3A_0] : memref<1000x16xf32, #tpu.memory_space<vmem>>, vector<1000x16xf32>
    %slice3A = vector.extract_strided_slice %get3A_1 {offsets = [0, 0], sizes = [1000, 1], strides = [1, 1]} : vector<1000x16xf32> to vector<1000x1xf32>
    %max3A = arith.constant 1.000000e+00 : f32
    %max3A_2 = vector.broadcast %max3A : f32 to vector<1000x1xf32>
    %max3A_3 = arith.maximumf %slice3A, %max3A_2 : vector<1000x1xf32>
    %div3A = arith.constant 1.000000e+00 : f32
    %div3A_4 = vector.broadcast %div3A : f32 to vector<1000x1xf32>
    %div3A_5 = arith.divf %div3A_4, %max3A_3 : vector<1000x1xf32>
    %get3A_6 = arith.constant 0 : index
    %get3A_7 = arith.constant 0 : index
    %get3A_8 = vector.load %arg1[%get3A_6, %get3A_7] : memref<1000x128xf32, #tpu.memory_space<vmem>>, vector<1000x128xf32>
    %mul3A = vector.broadcast %div3A_5 : vector<1000x1xf32> to vector<1000x128xf32>
    %mul3A_9 = arith.mulf %get3A_8, %mul3A : vector<1000x128xf32>
    %get3A_10 = arith.constant 0 : index
    %get3A_11 = arith.constant 0 : index
    %get3A_12 = vector.load %arg3[%get3A_10, %get3A_11] : memref<1000x128xf32, #tpu.memory_space<vmem>>, vector<1000x128xf32>
    %add3A = arith.addf %mul3A_9, %get3A_12 : vector<1000x128xf32>
    %max3A_13 = arith.constant 0.000000e+00 : f32
    %max3A_14 = vector.broadcast %max3A_13 : f32 to vector<1000x128xf32>
    %max3A_15 = arith.maximumf %add3A, %max3A_14 : vector<1000x128xf32>
    %get3A_16 = arith.constant 0 : index
    %get3A_17 = arith.constant 0 : index
    %get3A_18 = vector.load %arg4[%get3A_16, %get3A_17] : memref<128x128xf32, #tpu.memory_space<vmem>>, vector<128x128xf32>
    %dot_general3A = arith.constant dense<0.000000e+00> : vector<1000x128xf32>
    %dot_general3A_19 = tpu.matmul %max3A_15, %get3A_18, %dot_general3A {dimension_numbers = #tpu.dot_dimension_numbers<[1], [1], [0], [0], [0, 0, 1, 0], [], []>, transpose_lhs_hint = false} : vector<1000x128xf32>, vector<128x128xf32>, vector<1000x128xf32> -> vector<1000x128xf32>
    %swap3A = arith.constant 0 : index
    %swap3A_20 = arith.constant 0 : index
    %swap3A_21 = vector.load %arg7[%swap3A, %swap3A_20] : memref<1000x128xf32, #tpu.memory_space<vmem>>, vector<1000x128xf32>
    tpu.vector_store %arg7[%swap3A, %swap3A_20], %dot_general3A_19 {strides = array<i32>} : memref<1000x128xf32, #tpu.memory_space<vmem>>, vector<1000x128xf32>,
    %get3A_22 = arith.constant 0 : index
    %get3A_23 = arith.constant 0 : index
    %get3A_24 = vector.load %arg5[%get3A_22, %get3A_23] : memref<128x128xf32, #tpu.memory_space<vmem>>, vector<128x128xf32>
    %dot_general3A_25 = arith.constant dense<0.000000e+00> : vector<1000x128xf32>
    %dot_general3A_26 = tpu.matmul %max3A_15, %get3A_24, %dot_general3A_25 {dimension_numbers = #tpu.dot_dimension_numbers<[1], [1], [0], [0], [0, 0, 1, 0], [], []>, transpose_lhs_hint = false} : vector<1000x128xf32>, vector<128x128xf32>, vector<1000x128xf32> -> vector<1000x128xf32>
    %get3A_27 = arith.constant 0 : index
    %get3A_28 = arith.constant 0 : index
    %get3A_29 = vector.load %arg6[%get3A_27, %get3A_28] : memref<1x128xf32, #tpu.memory_space<vmem>>, vector<1x128xf32>
    %add3A_30 = vector.broadcast %get3A_29 : vector<1x128xf32> to vector<1000x128xf32>
    %add3A_31 = arith.addf %dot_general3A_26, %add3A_30 : vector<1000x128xf32>
    %swap3A_32 = arith.constant 0 : index
    %swap3A_33 = arith.constant 0 : index
    %swap3A_34 = vector.load %arg8[%swap3A_32, %swap3A_33] : memref<1000x128xf32, #tpu.memory_space<vmem>>, vector<1000x128xf32>
    tpu.vector_store %arg8[%swap3A_32, %swap3A_33], %add3A_31 {strides = array<i32>} : memref<1000x128xf32, #tpu.memory_space<vmem>>, vector<1000x128xf32>,
    %broadcast_in_dim3A = vector.shape_cast %div3A_5 : vector<1000x1xf32> to vector<1000x1xf32>
    %broadcast_in_dim3A_35 = vector.broadcast %broadcast_in_dim3A : vector<1000x1xf32> to vector<1000x8xf32>
    %swap3A_36 = arith.constant 0 : index
    %swap3A_37 = arith.constant 0 : index
    %swap3A_38 = vector.load %arg9[%swap3A_36, %swap3A_37] : memref<1000x8xf32, #tpu.memory_space<vmem>>, vector<1000x8xf32>
    tpu.vector_store %arg9[%swap3A_36, %swap3A_37], %broadcast_in_dim3A_35 {strides = array<i32>} : memref<1000x8xf32, #tpu.memory_space<vmem>>, vector<1000x8xf32>,
    return
  }
  func.func @transform_0(%arg0: i32) -> (i32, i32) {
    %c0_i32 = arith.constant 0 : i32
    %c0_i32_0 = arith.constant 0 : i32
    return %arg0, %c0_i32 : i32, i32
  }
  func.func @transform_1(%arg0: i32) -> (i32, i32) {
    %c0_i32 = arith.constant 0 : i32
    %c0_i32_0 = arith.constant 0 : i32
    return %arg0, %c0_i32 : i32, i32
  }
  func.func @transform_2(%arg0: i32) -> (i32, i32) {
    %c0_i32 = arith.constant 0 : i32
    %c0_i32_0 = arith.constant 0 : i32
    return %arg0, %c0_i32 : i32, i32
  }
  func.func @transform_3(%arg0: i32) -> (i32, i32) {
    %c0_i32 = arith.constant 0 : i32
    %c0_i32_0 = arith.constant 0 : i32
    %c0_i32_1 = arith.constant 0 : i32
    return %c0_i32, %c0_i32_0 : i32, i32
  }
  func.func @transform_4(%arg0: i32) -> (i32, i32) {
    %c0_i32 = arith.constant 0 : i32
    %c0_i32_0 = arith.constant 0 : i32
    %c0_i32_1 = arith.constant 0 : i32
    return %c0_i32, %c0_i32_0 : i32, i32
  }
  func.func @transform_5(%arg0: i32) -> (i32, i32) {
    %c0_i32 = arith.constant 0 : i32
    %c0_i32_0 = arith.constant 0 : i32
    %c0_i32_1 = arith.constant 0 : i32
    return %c0_i32, %c0_i32_0 : i32, i32
  }
  func.func @transform_6(%arg0: i32) -> (i32, i32) {
    %c0_i32 = arith.constant 0 : i32
    %c0_i32_0 = arith.constant 0 : i32
    return %arg0, %c0_i32 : i32, i32
  }
  func.func @transform_7(%arg0: i32) -> (i32, i32) {
    %c0_i32 = arith.constant 0 : i32
    %c0_i32_0 = arith.constant 0 : i32
    return %arg0, %c0_i32 : i32, i32
  }
  func.func @transform_8(%arg0: i32) -> (i32, i32) {
    %c0_i32 = arith.constant 0 : i32
    %c0_i32_0 = arith.constant 0 : i32
    return %arg0, %c0_i32 : i32, i32
  }
}

module attributes {stable_mosaic.version = 14 : i64} {
  func.func @_tc_head_body(%arg0: i32, %arg1: memref<10000x128xf32, #tpu.memory_space<vmem>>, %arg2: memref<10000x128xf32, #tpu.memory_space<vmem>>, %arg3: memref<10000x8xf32, #tpu.memory_space<vmem>>, %arg4: memref<1x10000xi32, #tpu.memory_space<vmem>>, %arg5: memref<64x1xi32, #tpu.memory_space<vmem>>, %arg6: memref<64x128xf32, #tpu.memory_space<vmem>>, %arg7: memref<1x64xf32, #tpu.memory_space<vmem>>, %arg8: memref<1x64xf32, #tpu.memory_space<vmem>>, %arg9: memref<64x1xf32, #tpu.memory_space<vmem>>, %arg10: memref<64x1xf32, #tpu.memory_space<vmem>>) attributes {dimension_semantics = [#tpu.dimension_semantics<arbitrary>], iteration_bounds = array<i64: 1>, scalar_prefetch = 0 : i64, scratch_operands = 0 : i64, tpu.core_type = #tpu.core_type<tc>, window_params = [{pipeline_mode = #tpu.pipeline_mode<synchronous>, transform_indices = @transform_0, window_bounds = array<i64: 10000, 128>}, {pipeline_mode = #tpu.pipeline_mode<synchronous>, transform_indices = @transform_1, window_bounds = array<i64: 10000, 128>}, {pipeline_mode = #tpu.pipeline_mode<synchronous>, transform_indices = @transform_2, window_bounds = array<i64: 10000, 8>}, {pipeline_mode = #tpu.pipeline_mode<synchronous>, transform_indices = @transform_3, window_bounds = array<i64: 1, 10000>}, {pipeline_mode = #tpu.pipeline_mode<synchronous>, transform_indices = @transform_4, window_bounds = array<i64: 64, 1>}, {pipeline_mode = #tpu.pipeline_mode<synchronous>, transform_indices = @transform_5, window_bounds = array<i64: 64, 128>}, {pipeline_mode = #tpu.pipeline_mode<synchronous>, transform_indices = @transform_6, window_bounds = array<i64: 1, 64>}, {pipeline_mode = #tpu.pipeline_mode<synchronous>, transform_indices = @transform_7, window_bounds = array<i64: 1, 64>}, {pipeline_mode = #tpu.pipeline_mode<synchronous>, transform_indices = @transform_8, window_bounds = array<i64: 64, 1>}, {pipeline_mode = #tpu.pipeline_mode<synchronous>, transform_indices = @transform_9, window_bounds = array<i64: 64, 1>}]} {
    %get3A = arith.constant 0 : index
    %get3A_0 = arith.constant 0 : index
    %get3A_1 = vector.load %arg1[%get3A, %get3A_0] : memref<10000x128xf32, #tpu.memory_space<vmem>>, vector<10000x128xf32>
    %get3A_2 = arith.constant 0 : index
    %get3A_3 = arith.constant 0 : index
    %get3A_4 = vector.load %arg3[%get3A_2, %get3A_3] : memref<10000x8xf32, #tpu.memory_space<vmem>>, vector<10000x8xf32>
    %slice3A = vector.extract_strided_slice %get3A_4 {offsets = [0, 0], sizes = [10000, 1], strides = [1, 1]} : vector<10000x8xf32> to vector<10000x1xf32>
    %mul3A = vector.broadcast %slice3A : vector<10000x1xf32> to vector<10000x128xf32>
    %mul3A_5 = arith.mulf %get3A_1, %mul3A : vector<10000x128xf32>
    %get3A_6 = arith.constant 0 : index
    %get3A_7 = arith.constant 0 : index
    %get3A_8 = vector.load %arg2[%get3A_6, %get3A_7] : memref<10000x128xf32, #tpu.memory_space<vmem>>, vector<10000x128xf32>
    %add3A = arith.addf %mul3A_5, %get3A_8 : vector<10000x128xf32>
    %max3A = arith.constant 0.000000e+00 : f32
    %max3A_9 = vector.broadcast %max3A : f32 to vector<10000x128xf32>
    %max3A_10 = arith.maximumf %add3A, %max3A_9 : vector<10000x128xf32>
    %get3A_11 = arith.constant 0 : index
    %get3A_12 = arith.constant 0 : index
    %get3A_13 = vector.load %arg4[%get3A_11, %get3A_12] : memref<1x10000xi32, #tpu.memory_space<vmem>>, vector<1x10000xi32>
    %iota3A = tpu.iota {dimensions = array<i32: 0>} : vector<64x1xi32>
    %lt3A = vector.broadcast %get3A_13 : vector<1x10000xi32> to vector<64x10000xi32>
    %lt3A_14 = vector.broadcast %iota3A : vector<64x1xi32> to vector<64x10000xi32>
    %lt3A_15 = arith.cmpi slt, %lt3A, %lt3A_14 : vector<64x10000xi32>
    %convert_element_type3A = arith.extui %lt3A_15 : vector<64x10000xi1> to vector<64x10000xi32>
    %reduce_sum3A = arith.constant dense<0> : vector<64xi32>
    %reduce_sum3A_16 = vector.multi_reduction <add>, %convert_element_type3A, %reduce_sum3A [1] : vector<64x10000xi32> to vector<64xi32>
    %broadcast_in_dim3A = vector.shape_cast %reduce_sum3A_16 : vector<64xi32> to vector<64x1xi32>
    %get3A_17 = arith.constant 0 : index
    %get3A_18 = arith.constant 0 : index
    %get3A_19 = vector.load %arg5[%get3A_17, %get3A_18] : memref<64x1xi32, #tpu.memory_space<vmem>>, vector<64x1xi32>
    %add3A_20 = arith.addi %broadcast_in_dim3A, %get3A_19 : vector<64x1xi32>
    %iota3A_21 = tpu.iota {dimensions = array<i32: 1>} : vector<1x10000xi32>
    %eq3A = vector.broadcast %add3A_20 : vector<64x1xi32> to vector<64x10000xi32>
    %eq3A_22 = vector.broadcast %iota3A_21 : vector<1x10000xi32> to vector<64x10000xi32>
    %eq3A_23 = arith.cmpi eq, %eq3A, %eq3A_22 : vector<64x10000xi32>
    %convert_element_type3A_24 = arith.extui %eq3A_23 : vector<64x10000xi1> to vector<64x10000xi32>
    %convert_element_type3A_25 = arith.sitofp %convert_element_type3A_24 : vector<64x10000xi32> to vector<64x10000xf32>
    %dot_general3A = arith.constant dense<0.000000e+00> : vector<64x128xf32>
    %dot_general3A_26 = tpu.matmul %convert_element_type3A_25, %max3A_10, %dot_general3A {dimension_numbers = #tpu.dot_dimension_numbers<[1], [0], [0], [1], [0, 0, 1, 1], [], []>, transpose_lhs_hint = false} : vector<64x10000xf32>, vector<10000x128xf32>, vector<64x128xf32> -> vector<64x128xf32>
    %get3A_27 = arith.constant 0 : index
    %get3A_28 = arith.constant 0 : index
    %get3A_29 = vector.load %arg6[%get3A_27, %get3A_28] : memref<64x128xf32, #tpu.memory_space<vmem>>, vector<64x128xf32>
    %dot_general3A_30 = arith.constant dense<0.000000e+00> : vector<64x64xf32>
    %dot_general3A_31 = tpu.matmul %dot_general3A_26, %get3A_29, %dot_general3A_30 {dimension_numbers = #tpu.dot_dimension_numbers<[1], [1], [0], [0], [0, 0, 1, 0], [], []>, transpose_lhs_hint = false} : vector<64x128xf32>, vector<64x128xf32>, vector<64x64xf32> -> vector<64x64xf32>
    %get3A_32 = arith.constant 0 : index
    %get3A_33 = arith.constant 0 : index
    %get3A_34 = vector.load %arg7[%get3A_32, %get3A_33] : memref<1x64xf32, #tpu.memory_space<vmem>>, vector<1x64xf32>
    %add3A_35 = vector.broadcast %get3A_34 : vector<1x64xf32> to vector<64x64xf32>
    %add3A_36 = arith.addf %dot_general3A_31, %add3A_35 : vector<64x64xf32>
    %max3A_37 = arith.constant 0.000000e+00 : f32
    %max3A_38 = vector.broadcast %max3A_37 : f32 to vector<64x64xf32>
    %max3A_39 = arith.maximumf %add3A_36, %max3A_38 : vector<64x64xf32>
    %get3A_40 = arith.constant 0 : index
    %get3A_41 = arith.constant 0 : index
    %get3A_42 = vector.load %arg8[%get3A_40, %get3A_41] : memref<1x64xf32, #tpu.memory_space<vmem>>, vector<1x64xf32>
    %mul3A_43 = vector.broadcast %get3A_42 : vector<1x64xf32> to vector<64x64xf32>
    %mul3A_44 = arith.mulf %max3A_39, %mul3A_43 : vector<64x64xf32>
    %reduce_sum3A_45 = arith.constant dense<0.000000e+00> : vector<64xf32>
    %reduce_sum3A_46 = vector.multi_reduction <add>, %mul3A_44, %reduce_sum3A_45 [1] : vector<64x64xf32> to vector<64xf32>
    %broadcast_in_dim3A_47 = vector.shape_cast %reduce_sum3A_46 : vector<64xf32> to vector<64x1xf32>
    %get3A_48 = arith.constant 0 : index
    %get3A_49 = arith.constant 0 : index
    %get3A_50 = vector.load %arg9[%get3A_48, %get3A_49] : memref<64x1xf32, #tpu.memory_space<vmem>>, vector<64x1xf32>
    %add3A_51 = arith.addf %broadcast_in_dim3A_47, %get3A_50 : vector<64x1xf32>
    %swap3A = arith.constant 0 : index
    %swap3A_52 = arith.constant 0 : index
    %swap3A_53 = vector.load %arg10[%swap3A, %swap3A_52] : memref<64x1xf32, #tpu.memory_space<vmem>>, vector<64x1xf32>
    tpu.vector_store %arg10[%swap3A, %swap3A_52], %add3A_51 {strides = array<i32>} : memref<64x1xf32, #tpu.memory_space<vmem>>, vector<64x1xf32>,
    return
  }
  func.func @transform_0(%arg0: i32) -> (i32, i32) {
    %c0_i32 = arith.constant 0 : i32
    %c0_i32_0 = arith.constant 0 : i32
    %c0_i32_1 = arith.constant 0 : i32
    return %c0_i32, %c0_i32_0 : i32, i32
  }
  func.func @transform_1(%arg0: i32) -> (i32, i32) {
    %c0_i32 = arith.constant 0 : i32
    %c0_i32_0 = arith.constant 0 : i32
    %c0_i32_1 = arith.constant 0 : i32
    return %c0_i32, %c0_i32_0 : i32, i32
  }
  func.func @transform_2(%arg0: i32) -> (i32, i32) {
    %c0_i32 = arith.constant 0 : i32
    %c0_i32_0 = arith.constant 0 : i32
    %c0_i32_1 = arith.constant 0 : i32
    return %c0_i32, %c0_i32_0 : i32, i32
  }
  func.func @transform_3(%arg0: i32) -> (i32, i32) {
    %c0_i32 = arith.constant 0 : i32
    %c0_i32_0 = arith.constant 0 : i32
    %c0_i32_1 = arith.constant 0 : i32
    return %c0_i32, %c0_i32_0 : i32, i32
  }
  func.func @transform_4(%arg0: i32) -> (i32, i32) {
    %c0_i32 = arith.constant 0 : i32
    %c0_i32_0 = arith.constant 0 : i32
    %c0_i32_1 = arith.constant 0 : i32
    return %c0_i32, %c0_i32_0 : i32, i32
  }
  func.func @transform_5(%arg0: i32) -> (i32, i32) {
    %c0_i32 = arith.constant 0 : i32
    %c0_i32_0 = arith.constant 0 : i32
    %c0_i32_1 = arith.constant 0 : i32
    return %c0_i32, %c0_i32_0 : i32, i32
  }
  func.func @transform_6(%arg0: i32) -> (i32, i32) {
    %c0_i32 = arith.constant 0 : i32
    %c0_i32_0 = arith.constant 0 : i32
    %c0_i32_1 = arith.constant 0 : i32
    return %c0_i32, %c0_i32_0 : i32, i32
  }
  func.func @transform_7(%arg0: i32) -> (i32, i32) {
    %c0_i32 = arith.constant 0 : i32
    %c0_i32_0 = arith.constant 0 : i32
    %c0_i32_1 = arith.constant 0 : i32
    return %c0_i32, %c0_i32_0 : i32, i32
  }
  func.func @transform_8(%arg0: i32) -> (i32, i32) {
    %c0_i32 = arith.constant 0 : i32
    %c0_i32_0 = arith.constant 0 : i32
    %c0_i32_1 = arith.constant 0 : i32
    return %c0_i32, %c0_i32_0 : i32, i32
  }
  func.func @transform_9(%arg0: i32) -> (i32, i32) {
    %c0_i32 = arith.constant 0 : i32
    %c0_i32_0 = arith.constant 0 : i32
    %c0_i32_1 = arith.constant 0 : i32
    return %c0_i32, %c0_i32_0 : i32, i32
  }
}

</mosaic_0001>

<sc_bundles>
// kernel: segsum.3.cloned.1.call-start
scs
__scs_entry_jumppad:
0x0: {  	(pc) =	sbr.rel $0x88, $3  }
0x1: {  	(tag) =	ssettag $0x0;
	lr =	simm.s32 $0x1  }
0x2: {  	[smem:$0x3F93] =	sst lr;
	_ =	strace $0xD0000000  }
0x3: {  	_ = 	snop  }
0x4: {  	_ = 	snop  }
0x5: {  	_ = 	snop  }
0x6: {  	_ = 	snop  }
0x7: {  	_ = 	snop  }
__scs_overlays_trampoline_lowered:
0x8: {  	[smem:$0x3FA2] =	sst s0  }
0x9: {  	[smem:$0x3FA3] =	sst s1  }
0xa: {  	[smem:$0x3FA4] =	sst s2  }
0xb: {  	[smem:$0x3FA5] =	sst s3  }
0xc: {  	[smem:$0x3FA6] =	sst s4  }
0xd: {  	[smem:$0x3FA7] =	sst s5  }
0xe: {  	[smem:$0x3FA8] =	sst s6  }
0xf: {  	[smem:$0x3FA9] =	sst s7  }
0x10: {  	[smem:$0x3FAA] =	sst s8  }
0x11: {  	[smem:$0x3FAB] =	sst s9;
	s0 =	simm.s32 @!p0 $0x0  }
0x12: {  	s1 =	sld [smem:$0x3F91];
	s0 =	simm.s32 @p0 $0x1  }
0x13: {  	[smem:$0x3FAC] =	sst s0;
	s0 =	simm.s32 @!p1 $0x0  }
0x14: {  	s2 =	sld [smem:$0x3F90];
	s0 =	simm.s32 @p1 $0x1  }
0x15: {  	[smem:$0x3FAD] =	sst s0;
	s0 =	simm.s32 @!p2 $0x0  }
0x16: {  	s3 =	sld [smem:$0x3FDB];
	s0 =	simm.s32 @p2 $0x1  }
0x17: {  	s4 =	simm.s32 $0x1BF5;
	[smem:$0x3FAF] =	sst s0  }
0x18: {  	s0 =	sld [smem:$0x3F92];
	_ =	swait.ge [sflag:s4], $0x0  }
0x19: {  	s7 =	sld [smem:$0x3F93]  }
0x1a: {  	s8 =	sadd.s32 $0xFFFFE003, lr  }
0x1b: {  	s9 =	sadd.s32 $0xFFFFFEF7, lr;
	s5 =	simm.s32 $0xFFFFFFFF;
	p2 =	slt.u32 s8, $0xFFFFF086  }
0x1c: {  	p1 =	slt.u32 s9, $0xF7A;
	s5 =	simm.s32 @!p2 $0x0  }
0x1d: {  	s5 =	simm.s32 @p1 $0x1;
	p0 =	seq.s32 s7, s2  }
0x1e: {  	s7 =	smul.u32 @!p0 $0xF7A, s2;
	p2 =	seq.s32 @!p0 s5, $0x0  }
0x1f: {  	s9 =	smul.u32 $0xF7A, s1;
	s8 =	simm.s32 @!p0 $0x1BF5;
	p2 =	por !p2, p0  }
0x20: {  	[sflag:s8] =	ssyncset.s32 @!p0 $0xFFFFF086;
	s6 =	sadd.s32 @!p0 s3, s7;
	s7 =	simm.s32 @!p0 $0x108  }
0x21: {  	s3 =	sadd.s32 s3, s9;
	s6 =	sadd.s32 @!p0 $0x88, s6;
	s7 =	simm.s32 @p2 $0x1082  }
0x22: {  	[simem:s7], [sflag:s8] =	dma.local @!p0 [hbm:s6], $0xF7A  }
0x23: {  	s9 =	sor.u32 $0xD0000000, s2;
	s6 =	simm.s32 $0x108;
	_ =	swait.ge @!p0 [sflag:s8], $0x0  }
0x24: {  	s3 =	sadd.s32 $0x88, s3;
	s6 =	simm.s32 @!p1 $0x1082;
	[sflag:s4] =	ssyncset.s32 $0xFFFFF086  }
0x25: {  	[simem:s6], [sflag:s4] =	dma.local [hbm:s3], $0xF7A  }
0x26: {  	[smem:$0x3F93] =	sst s1;
	(tag) =	ssettag s2;
	_ =	strace s9  }
0x27: {  	s1 =	sld [smem:$0x3FA3]  }
0x28: {  	s2 =	sld [smem:$0x3FA4]  }
0x29: {  	s4 =	sld [smem:$0x3FA6]  }
0x2a: {  	p0 =	seq.s32 s5, $0x0;
	s5 =	sld [smem:$0x3FA7]  }
0x2b: {  	s6 =	sld [smem:$0x3FA8]  }
0x2c: {  	s7 =	sld [smem:$0x3FA9]  }
0x2d: {  	s3 =	simm.s32 $0x108;
	s8 =	sld [smem:$0x3FAA]  }
0x2e: {  	s3 =	simm.s32 @!p0 $0x1082;
	s9 =	sld [smem:$0x3FAB]  }
0x2f: {  	lr =	sadd.s32 s0, s3;
	s0 =	sld [smem:$0x3FA2]  }
0x30: {  	s3 =	sld [smem:$0x3FA5]  }
0x31: {  	[smem:$0x3FAE] =	sst s10  }
0x32: {  	s10 =	sld [smem:$0x3FAC];
	_ =	sdelay $0x3  }
0x33: {  	p0 =	seq.s32 s10, $0x1;
	s10 =	sld [smem:$0x3FAE];
	_ =	sdelay $0x3  }
0x34: {  	[smem:$0x3FAE] =	sst s10  }
0x35: {  	s10 =	sld [smem:$0x3FAD];
	_ =	sdelay $0x3  }
0x36: {  	p1 =	seq.s32 s10, $0x1;
	s10 =	sld [smem:$0x3FAE];
	_ =	sdelay $0x3  }
0x37: {  	[smem:$0x3FAE] =	sst s10  }
0x38: {  	s10 =	sld [smem:$0x3FAF]  }
0x39: {  	_ = 	snop;
	(pc) =	sbr.ind lr, $3  }
0x3a: {  	_ = 	snop  }
0x3b: {  	_ = 	snop  }
0x3c: {  	p2 =	seq.s32 s10, $0x1;
	s10 =	sld [smem:$0x3FAE]  }
0x3d: {  	_ =	shalt  }
0x3e: {  	_ =	shalt  }
0x3f: {  	_ =	shalt  }
0x40: {  	_ =	shalt  }
0x41: {  	_ =	shalt  }
0x42: {  	_ =	shalt  }
0x43: {  	_ =	shalt  }
0x44: {  	_ =	shalt  }
0x45: {  	_ =	shalt  }
0x46: {  	_ =	shalt  }
0x47: {  	_ =	shalt  }
0x48: {  	_ =	shalt  }
0x49: {  	_ =	shalt  }
0x4a: {  	_ =	shalt  }
0x4b: {  	_ =	shalt  }
0x4c: {  	_ =	shalt  }
0x4d: {  	_ =	shalt  }
0x4e: {  	_ =	shalt  }
0x4f: {  	_ =	shalt  }
0x50: {  	_ =	shalt  }
0x51: {  	_ =	shalt  }
0x52: {  	_ =	shalt  }
0x53: {  	_ =	shalt  }
0x54: {  	_ =	shalt  }
0x55: {  	_ =	shalt  }
0x56: {  	_ =	shalt  }
0x57: {  	_ =	shalt  }
0x58: {  	_ =	shalt  }
0x59: {  	_ =	shalt  }
0x5a: {  	_ =	shalt  }
0x5b: {  	_ =	shalt  }
0x5c: {  	_ =	shalt  }
0x5d: {  	_ =	shalt  }
0x5e: {  	_ =	shalt  }
0x5f: {  	_ =	shalt  }
0x60: {  	_ =	shalt  }
0x61: {  	_ =	shalt  }
0x62: {  	_ =	shalt  }
0x63: {  	_ =	shalt  }
0x64: {  	_ =	shalt  }
0x65: {  	_ =	shalt  }
0x66: {  	_ =	shalt  }
0x67: {  	_ =	shalt  }
0x68: {  	_ =	shalt  }
0x69: {  	_ =	shalt  }
0x6a: {  	_ =	shalt  }
0x6b: {  	_ =	shalt  }
0x6c: {  	_ =	shalt  }
0x6d: {  	_ =	shalt  }
0x6e: {  	_ =	shalt  }
0x6f: {  	_ =	shalt  }
0x70: {  	_ =	shalt  }
0x71: {  	_ =	shalt  }
0x72: {  	_ =	shalt  }
0x73: {  	_ =	shalt  }
0x74: {  	_ =	shalt  }
0x75: {  	_ =	shalt  }
0x76: {  	_ =	shalt  }
0x77: {  	_ =	shalt  }
0x78: {  	_ =	shalt  }
0x79: {  	_ =	shalt  }
0x7a: {  	_ =	shalt  }
0x7b: {  	_ =	shalt  }
0x7c: {  	_ =	shalt  }
0x7d: {  	_ =	shalt  }
0x7e: {  	_ =	shalt  }
0x7f: {  	_ =	shalt  }
0x80: {  	_ =	shalt  }
0x81: {  	_ =	shalt  }
0x82: {  	_ =	shalt  }
0x83: {  	_ =	shalt  }
0x84: {  	_ =	shalt  }
0x85: {  	_ =	shalt  }
0x86: {  	_ =	shalt  }
0x87: {  	_ =	shalt  }
.Lfunc_end0:
.L_simem_size_0:
called_computation.1_lowered:
.L_overlay_start_0:
0x88: {  	s2 =	sld [smem:$0x3FD9]  }
0x89: {  	s3 =	sld [smem:$0x3FFE];
	_ =	sdelay $0x1  }
0x8a: {  	s1 =	srdreg.scid  }
0x8b: {  	s0 =	sand.u32 $0x1, s1  }
0x8c: {  	s16 =	sshll.u32 s0, $0xA;
	s2 =	sadd.s32 s3, s2  }
0x8d: {  	s2 =	sadd.s32 s2, s16  }
0x8e: {  	[smem:$0x3FBA] =	sst s2  }
0x8f: {  	_ = 	snop  }
0x90: {  	(tm) =	ssettm $0x1  }
0x91: {  	s17 =	sld [smem:$0x3FFB];
	_ =	sdelay $0x3  }
0x92: {  	_ =	strace s17  }
0x93: {  	s2 =	sld [smem:$0x3FFC];
	_ =	sdelay $0x3  }
0x94: {  	_ =	strace s2  }
0x95: {  	s2 =	sld [smem:$0x3FFD];
	_ =	sdelay $0x3  }
0x96: {  	_ =	strace s2  }
0x97: {  	_ =	strace $0x8FFFFFFF  }
0x98: {  	s18 =	sld [smem:$0x3FDB];
	_ =	sdelay $0x1  }
0x99: {  	s19 =	simm.s32 $_scs_section_size  }
0x9a: {  	s4 =	simm.s32 $_size__tile_overlayer_lowered;
	s5 =	simm.s32 $_tile_overlayer_lowered  }
0x9b: {  	s22 =	simm.s32 $0x1BFF;
	s21 =	sshll.u32 s5, $0x1;
	s2 =	sadd.s32 s19, s18  }
0x9c: {  	s6 =	simm.s32 $0x0;
	s20 =	sshll.u32 s4, $0x1;
	s4 =	sadd.s32 s21, s2  }
0x9d: {  	[timem:s6], [sflag:s22] =	dma.local [hbm:s4], s20  }
0x9e: {  	_ =	swait.ge [sflag:s22], s20  }
0x9f: {  	s3 =	ssub.s32 $0x0, s20;
	[sflag:s22] =	ssyncset.done $0x0  }
0xa0: {  	[sflag:s22] =	ssyncadd.s32 s3;
	_ =	sdelay $0x1  }
0xa1: {  	s23 =	simm.s32 $0x1B8B  }
0xa2: {  	_ =	swait.ge [sflag:s23], $0x1  }
0xa3: {  	[sflag:s23] =	ssyncset.done $0x0  }
0xa4: {  	s25 =	simm.s32 $0x1B8E;
	s24 =	sld [smem:$0x3FFE];
	[sflag:s23] =	ssyncadd.s32 $0xFFFFFFFF  }
0xa5: {  	s26 =	simm.s32 $execute0_lowered;
	[smem:$0x3FD2] =	sst s25  }
0xa6: {  	s4 =	sshll.u32 s26, $0x1;
	_ =	strace $0x80000049;
	[dreg:$0x1] =	wrdreg $0xFFFFFFFF  }
0xa7: {  	s28 =	simm.s32 $_size_execute0_lowered;
	s2 =	sadd.s32 s2, s4;
	[dreg:$0x0] =	wrdreg $0x0  }
0xa8: {  	s4 =	sshll.u32 s28, $0x1;
	[dreg:$0x2] =	wrdreg s2  }
0xa9: {  	[dreg:$0x3] =	wrdreg s4  }
0xaa: {  	[dreg:$0x4] =	wrdreg $0xC0  }
0xab: {  	_ =	task [dreg:s6], $0x5FFFF  }
0xac: {  	[dreg:$0x1] =	wrdreg $0xFFFFFFFF  }
0xad: {  	[dreg:$0x0] =	wrdreg $0x60  }
0xae: {  	[dreg:$0x2] =	wrdreg s24  }
0xaf: {  	[dreg:$0x3] =	wrdreg $0x11A800  }
0xb0: {  	[dreg:$0x4] =	wrdreg $0x9  }
0xb1: {  	_ =	task.clear_ibuf [dreg:s6], $0x5FFFF;
	_ =	strace $0x90000049  }
0xb2: {  	s29 =	simm.s32 $0x9;
	_ =	strace $0x8000004B  }
0xb3: {  	_ =	swait.ge [sflag:s29], $0x1  }
0xb4: {  	[sflag:s29] =	ssyncadd.s32 $0xFFFFFFFF  }
0xb5: {  	_ =	strace $0x9000004B  }
0xb6: {  	_ =	sfence  }
0xb7: {  	s30 =	sld [smem:$0x0];
	_ =	sdelay $0x2  }
0xb8: {  	s31 =	sshll.u32 s1, $0xD;
	s1 =	sshrl.u32 s1, $0x2  }
0xb9: {  	s3 =	sand.u32 $0x4000, s31;
	s1 =	sadd.s32 s1, s30  }
0xba: {  	s0 =	sor.u32 s3, s0;
	s1 =	sshll.u32 s1, $0x11  }
0xbb: {  	s0 =	sor.u32 s1, s0  }
0xbc: {  	s0 =	sadd.s32 $0x8F2B, s0  }
0xbd: {  	[sflag:s0] =	ssyncadd.remote.s32 $0x1  }
0xbe: {  	_ =	sfence.sel $0xFFFF  }
0xbf: {  	[dreg:$0x0] =	wrdreg $0xFFFFFFFF;
	(pc) =	sbr.abs _section_cstart, $3  }
0xc0: {  	[dreg:$0x1] =	wrdreg $0xFFFFFFFF  }
0xc1: {  	_ =	task.clear_ibuf [dreg:s6], $0x2FFFF;
	_ =	strace $0x9FFFFFFF  }
0xc2: {  	(tm) =	ssettm $0x7FFFFFFF  }
0xc3: {  	_ =	shalt  }
tec
execute0_lowered:
.L_overlay_start_1:
0x0: {  	(tag) =	ssettag $0x1  }
0x1: {  	s0 =	rddreg [dreg:$0x0]  }
0x2: {  	s2 =	rddreg [dreg:$0x1];
	s8 =	stileid.u32  }
0x3: {  	s3 =	simm.s32 $0x0;
	s4 =	srdreg.scid;
	s1 =	smul.u32 $0x9C4, s8  }
0x4: {  	[smem:$0x7FF] =	sst s3;
	s6 =	sand.u32 $0x1, s4;
	s5 =	smul.u32 $0x13880, s8  }
0x5: {  	s4 =	sadd.s32 $0x16600, s0;
	s8 =	smul.u32 $0x27100, s8;
	_ =	strace $0x8000004A  }
0x6: {  	s7 =	sshll.u32 s6, $0x6;
	s25 =	ssub.s32 $0x2, s6;
	s1 =	sadd.s32 s1, s0  }
0x7: {  	s5 =	sor.u32 s7, s5;
	s9 =	sshrl.u32 s25, $0x1;
	s8 =	sshrl.u32 s8, $0x2  }
0x8: {  	s5 =	sshrl.u32 s5, $0x3;
	s7 =	ssub.s32 s25, s9;
	s21 =	sadd.s32 $0xC800, s1  }
0x9: {  	s1 =	sadd.s32 $0x2A00, s1;
	s0 =	sadd.s32 s5, s0;
	[dreg:$0x13] =	wrdreg s21  }
0xa: {  	s5 =	sadd.s32 s8, s2;
	[dreg:$0x14] =	wrdreg s1;
	s22 =	smax.u32 s7, $0x1  }
0xb: {  	s8 =	sadd.s32 $0x640, s5;
	[dreg:$0x16] =	wrdreg s22  }
0xc: {  	s26 =	sadd.s32 $0xC80, s5;
	[dreg:$0x3] =	wrdreg s8  }
0xd: {  	s30 =	sadd.s32 $0x12C0, s5;
	[dreg:$0x4] =	wrdreg s26  }
0xe: {  	s31 =	sadd.s32 $0x1900, s5;
	[dreg:$0x5] =	wrdreg s30  }
0xf: {  	s9 =	sadd.s32 $0x1F40, s5;
	[dreg:$0x6] =	wrdreg s31  }
0x10: {  	s10 =	sadd.s32 $0x2580, s5;
	[dreg:$0x7] =	wrdreg s9  }
0x11: {  	s11 =	sadd.s32 $0x2BC0, s5;
	[dreg:$0x8] =	wrdreg s10  }
0x12: {  	s12 =	sadd.s32 $0x3200, s5;
	[dreg:$0x9] =	wrdreg s11  }
0x13: {  	s13 =	sadd.s32 $0x3840, s5;
	[dreg:$0xa] =	wrdreg s12  }
0x14: {  	s14 =	sadd.s32 $0x3E80, s5;
	[dreg:$0xb] =	wrdreg s13  }
0x15: {  	s15 =	sadd.s32 $0x44C0, s5;
	[dreg:$0xc] =	wrdreg s14  }
0x16: {  	s16 =	sadd.s32 $0x4B00, s5;
	[dreg:$0xd] =	wrdreg s15  }
0x17: {  	s17 =	sadd.s32 $0x5140, s5;
	[dreg:$0xe] =	wrdreg s16  }
0x18: {  	s28 =	simm.s32 $0xB;
	s18 =	sadd.s32 $0x5780, s5;
	[dreg:$0xf] =	wrdreg s17  }
0x19: {  	s29 =	simm.s32 $0xC;
	s19 =	sadd.s32 $0x5DC0, s5;
	[dreg:$0x10] =	wrdreg s18  }
0x1a: {  	p0 =	seq.s32 s6, $0x0;
	s20 =	sadd.s32 $0x6400, s5;
	[dreg:$0x11] =	wrdreg s19  }
0x1b: {  	s7 =	simm.s32 $0x11440;
	s0 =	sadd.s32 $0x3D800, s0;
	[dreg:$0x12] =	wrdreg s20  }
0x1c: {  	s21 =	simm.s32 $0x7;
	s23 =	sadd.s32 $0x6A40, s5;
	[dreg:$0x15] =	wrdreg s0  }
0x1d: {  	s24 =	sadd.s32 $0x7080, s5;
	s25 =	sadd.s32 $0x76C0, s5;
	[dreg:$0x17] =	wrdreg s23  }
0x1e: {  	s1 =	sadd.s32 $0x8FC0, s5;
	s6 =	sadd.s32 $0x9600, s5;
	[dreg:$0x18] =	wrdreg s24  }
0x1f: {  	s22 =	simm.s32 $0x5;
	[dreg:$0x19] =	wrdreg s25;
	s26 =	sadd.s32 $0x7D00, s5  }
0x20: {  	s30 =	sadd.s32 $0x8340, s5;
	s31 =	sadd.s32 $0x8980, s5;
	s8 =	simm.s32 $0xD  }
0x21: {  	s10 =	simm.s32 $0x50;
	s11 =	simm.s32 $0x9C40;
	s12 =	simm.s32 $0xB040  }
0x22: {  	s13 =	simm.s32 $0xC440;
	s14 =	simm.s32 $0x1;
	s15 =	simm.s32 $0xD840  }
0x23: {  	s16 =	simm.s32 $0x2;
	s17 =	simm.s32 $0xEC40;
	s18 =	simm.s32 $0x3  }
0x24: {  	s19 =	simm.s32 $0x10040;
	s20 =	simm.s32 $0x4;
	[dreg:$0x1a] =	wrdreg s26  }
0x25: {  	s23 =	simm.s32 $0x8;
	s24 =	simm.s32 $0x6;
	[dreg:$0x1b] =	wrdreg s30  }
0x26: {  	v0 =	vimm.f32 $0.0e+00;
	s25 =	simm.s32 $0x9;
	[dreg:$0x1c] =	wrdreg s31;
	s26 =	simm.s32 $0xA  }
.LBB2_1:
0x27: {  	s30 =	simm.s32 $0x100;
	s9 =	simm.s32 $0x0  }
.LBB2_2:
0x28: {  	p1 =	sne.s32 s30, $0x1800;
	[tilespmem:s9+$0x11470] =	vst v0;
	s31 =	smov.u32 s30;
	s30 =	sadd.s32 $0x100, s30  }
.Ltmp0:
0x29: {  	[tilespmem:s9+$0x11460] =	vst v0;
	(pc) =	sbr.rel @p1 .LBB2_2-.Ltmp0, $3  }
0x2a: {  	[tilespmem:s9+$0x11440] =	vst v0  }
0x2b: {  	[tilespmem:s9+$0x11450] =	vst v0;
	_ =	sdelay $0x1  }
0x2c: {  	s9 =	sshra.s32 s31, $0x2  }
0x2d: {  	[tilespmem:s9+$0x11470] =	vst v0  }
0x2e: {  	[tilespmem:s9+$0x11460] =	vst v0  }
0x2f: {  	[tilespmem:s9+$0x11440] =	vst v0  }
0x30: {  	[tilespmem:s9+$0x11450] =	vst v0  }
0x31: {  	[spmem:s5] =	stream.linear.scatter [tilespmem:s7], [sflag:$0xD], $0x640, $0x38;
	[tilespmem:$0x1B6C0] =	vst v63  }
0x32: {  	_ =	swait.ge [sflag:s8], $0x640  }
0x33: {  	[sflag:s8] =	ssyncset.done $0x0  }
0x34: {  	s0 =	rddreg [dreg:$0x3];
	[sflag:s8] =	ssyncadd.s32 $0xFFFFF9C0  }
0x35: {  	[spmem:s0] =	stream.linear.scatter [tilespmem:s7], [sflag:$0xD], $0x640, $0x38;
	[tilespmem:$0x1B6C0] =	vst v63  }
0x36: {  	_ =	swait.ge [sflag:s8], $0x640  }
0x37: {  	[sflag:s8] =	ssyncset.done $0x0  }
0x38: {  	s30 =	rddreg [dreg:$0x4];
	[sflag:s8] =	ssyncadd.s32 $0xFFFFF9C0  }
0x39: {  	[spmem:s30] =	stream.linear.scatter [tilespmem:s7], [sflag:$0xD], $0x640, $0x38;
	[tilespmem:$0x1B6C0] =	vst v63  }
0x3a: {  	_ =	swait.ge [sflag:s8], $0x640  }
0x3b: {  	[sflag:s8] =	ssyncset.done $0x0  }
0x3c: {  	s31 =	rddreg [dreg:$0x5];
	[sflag:s8] =	ssyncadd.s32 $0xFFFFF9C0  }
0x3d: {  	[spmem:s31] =	stream.linear.scatter [tilespmem:s7], [sflag:$0xD], $0x640, $0x38;
	[tilespmem:$0x1B6C0] =	vst v63  }
0x3e: {  	_ =	swait.ge [sflag:s8], $0x640  }
0x3f: {  	[sflag:s8] =	ssyncset.done $0x0  }
0x40: {  	s9 =	rddreg [dreg:$0x6];
	[sflag:s8] =	ssyncadd.s32 $0xFFFFF9C0  }
0x41: {  	[spmem:s9] =	stream.linear.scatter [tilespmem:s7], [sflag:$0xD], $0x640, $0x38;
	[tilespmem:$0x1B6C0] =	vst v63  }
0x42: {  	_ =	swait.ge [sflag:s8], $0x640  }
0x43: {  	[sflag:s8] =	ssyncset.done $0x0  }
0x44: {  	s30 =	rddreg [dreg:$0x7];
	[sflag:s8] =	ssyncadd.s32 $0xFFFFF9C0  }
0x45: {  	[spmem:s30] =	stream.linear.scatter [tilespmem:s7], [sflag:$0xD], $0x640, $0x38;
	[tilespmem:$0x1B6C0] =	vst v63  }
0x46: {  	_ =	swait.ge [sflag:s8], $0x640  }
0x47: {  	[sflag:s8] =	ssyncset.done $0x0  }
0x48: {  	s31 =	rddreg [dreg:$0x8];
	[sflag:s8] =	ssyncadd.s32 $0xFFFFF9C0  }
0x49: {  	[spmem:s31] =	stream.linear.scatter [tilespmem:s7], [sflag:$0xD], $0x640, $0x38;
	[tilespmem:$0x1B6C0] =	vst v63  }
0x4a: {  	_ =	swait.ge [sflag:s8], $0x640  }
0x4b: {  	[sflag:s8] =	ssyncset.done $0x0  }
0x4c: {  	s9 =	rddreg [dreg:$0x9];
	[sflag:s8] =	ssyncadd.s32 $0xFFFFF9C0  }
0x4d: {  	[spmem:s9] =	stream.linear.scatter [tilespmem:s7], [sflag:$0xD], $0x640, $0x38;
	[tilespmem:$0x1B6C0] =	vst v63  }
0x4e: {  	_ =	swait.ge [sflag:s8], $0x640  }
0x4f: {  	[sflag:s8] =	ssyncset.done $0x0  }
0x50: {  	s30 =	rddreg [dreg:$0xa];
	[sflag:s8] =	ssyncadd.s32 $0xFFFFF9C0  }
0x51: {  	[spmem:s30] =	stream.linear.scatter [tilespmem:s7], [sflag:$0xD], $0x640, $0x38;
	[tilespmem:$0x1B6C0] =	vst v63  }
0x52: {  	_ =	swait.ge [sflag:s8], $0x640  }
0x53: {  	[sflag:s8] =	ssyncset.done $0x0  }
0x54: {  	s31 =	rddreg [dreg:$0xb];
	[sflag:s8] =	ssyncadd.s32 $0xFFFFF9C0  }
0x55: {  	[spmem:s31] =	stream.linear.scatter [tilespmem:s7], [sflag:$0xD], $0x640, $0x38;
	[tilespmem:$0x1B6C0] =	vst v63  }
0x56: {  	_ =	swait.ge [sflag:s8], $0x640  }
0x57: {  	[sflag:s8] =	ssyncset.done $0x0  }
0x58: {  	s9 =	rddreg [dreg:$0xc];
	[sflag:s8] =	ssyncadd.s32 $0xFFFFF9C0  }
0x59: {  	[spmem:s9] =	stream.linear.scatter [tilespmem:s7], [sflag:$0xD], $0x640, $0x38;
	[tilespmem:$0x1B6C0] =	vst v63  }
0x5a: {  	_ =	swait.ge [sflag:s8], $0x640  }
0x5b: {  	[sflag:s8] =	ssyncset.done $0x0  }
0x5c: {  	s30 =	rddreg [dreg:$0xd];
	[sflag:s8] =	ssyncadd.s32 $0xFFFFF9C0  }
0x5d: {  	[spmem:s30] =	stream.linear.scatter [tilespmem:s7], [sflag:$0xD], $0x640, $0x38;
	[tilespmem:$0x1B6C0] =	vst v63  }
0x5e: {  	_ =	swait.ge [sflag:s8], $0x640  }
0x5f: {  	[sflag:s8] =	ssyncset.done $0x0  }
0x60: {  	s31 =	rddreg [dreg:$0xe];
	[sflag:s8] =	ssyncadd.s32 $0xFFFFF9C0  }
0x61: {  	[spmem:s31] =	stream.linear.scatter [tilespmem:s7], [sflag:$0xD], $0x640, $0x38;
	[tilespmem:$0x1B6C0] =	vst v63  }
0x62: {  	_ =	swait.ge [sflag:s8], $0x640  }
0x63: {  	[sflag:s8] =	ssyncset.done $0x0  }
0x64: {  	s9 =	rddreg [dreg:$0xf];
	[sflag:s8] =	ssyncadd.s32 $0xFFFFF9C0  }
0x65: {  	[spmem:s9] =	stream.linear.scatter [tilespmem:s7], [sflag:$0xD], $0x640, $0x38;
	[tilespmem:$0x1B6C0] =	vst v63  }
0x66: {  	_ =	swait.ge [sflag:s8], $0x640  }
0x67: {  	[sflag:s8] =	ssyncset.done $0x0  }
0x68: {  	s30 =	rddreg [dreg:$0x10];
	[sflag:s8] =	ssyncadd.s32 $0xFFFFF9C0  }
0x69: {  	[spmem:s30] =	stream.linear.scatter [tilespmem:s7], [sflag:$0xD], $0x640, $0x38;
	[tilespmem:$0x1B6C0] =	vst v63  }
0x6a: {  	_ =	swait.ge [sflag:s8], $0x640  }
0x6b: {  	[sflag:s8] =	ssyncset.done $0x0  }
0x6c: {  	s31 =	rddreg [dreg:$0x11];
	[sflag:s8] =	ssyncadd.s32 $0xFFFFF9C0  }
0x6d: {  	[spmem:s31] =	stream.linear.scatter [tilespmem:s7], [sflag:$0xD], $0x640, $0x38;
	[tilespmem:$0x1B6C0] =	vst v63  }
0x6e: {  	_ =	swait.ge [sflag:s8], $0x640  }
0x6f: {  	[sflag:s8] =	ssyncset.done $0x0  }
0x70: {  	s9 =	rddreg [dreg:$0x12];
	[sflag:s8] =	ssyncadd.s32 $0xFFFFF9C0  }
0x71: {  	[spmem:s9] =	stream.linear.scatter [tilespmem:s7], [sflag:$0xD], $0x640, $0x38;
	[tilespmem:$0x1B6C0] =	vst v63  }
0x72: {  	_ =	swait.ge [sflag:s8], $0x640  }
0x73: {  	[sflag:s8] =	ssyncset.done $0x0  }
0x74: {  	s30 =	rddreg [dreg:$0x17];
	[sflag:s8] =	ssyncadd.s32 $0xFFFFF9C0  }
0x75: {  	[spmem:s30] =	stream.linear.scatter [tilespmem:s7], [sflag:$0xD], $0x640, $0x38;
	[tilespmem:$0x1B6C0] =	vst v63  }
0x76: {  	_ =	swait.ge [sflag:s8], $0x640  }
0x77: {  	[sflag:s8] =	ssyncset.done $0x0  }
0x78: {  	s31 =	rddreg [dreg:$0x18];
	[sflag:s8] =	ssyncadd.s32 $0xFFFFF9C0  }
0x79: {  	[spmem:s31] =	stream.linear.scatter [tilespmem:s7], [sflag:$0xD], $0x640, $0x38;
	[tilespmem:$0x1B6C0] =	vst v63  }
0x7a: {  	_ =	swait.ge [sflag:s8], $0x640  }
0x7b: {  	[sflag:s8] =	ssyncset.done $0x0  }
0x7c: {  	s9 =	rddreg [dreg:$0x19];
	[sflag:s8] =	ssyncadd.s32 $0xFFFFF9C0  }
0x7d: {  	[spmem:s9] =	stream.linear.scatter [tilespmem:s7], [sflag:$0xD], $0x640, $0x38;
	[tilespmem:$0x1B6C0] =	vst v63  }
0x7e: {  	_ =	swait.ge [sflag:s8], $0x640  }
0x7f: {  	[sflag:s8] =	ssyncset.done $0x0  }
0x80: {  	s30 =	rddreg [dreg:$0x1a];
	[sflag:s8] =	ssyncadd.s32 $0xFFFFF9C0  }
0x81: {  	[spmem:s30] =	stream.linear.scatter [tilespmem:s7], [sflag:$0xD], $0x640, $0x38;
	[tilespmem:$0x1B6C0] =	vst v63  }
0x82: {  	_ =	swait.ge [sflag:s8], $0x640  }
0x83: {  	[sflag:s8] =	ssyncset.done $0x0  }
0x84: {  	s31 =	rddreg [dreg:$0x1b];
	[sflag:s8] =	ssyncadd.s32 $0xFFFFF9C0  }
0x85: {  	[spmem:s31] =	stream.linear.scatter [tilespmem:s7], [sflag:$0xD], $0x640, $0x38;
	[tilespmem:$0x1B6C0] =	vst v63  }
0x86: {  	_ =	swait.ge [sflag:s8], $0x640  }
0x87: {  	[sflag:s8] =	ssyncset.done $0x0  }
0x88: {  	s9 =	rddreg [dreg:$0x1c];
	[sflag:s8] =	ssyncadd.s32 $0xFFFFF9C0  }
0x89: {  	[spmem:s9] =	stream.linear.scatter [tilespmem:s7], [sflag:$0xD], $0x640, $0x38;
	[tilespmem:$0x1B6C0] =	vst v63  }
0x8a: {  	_ =	swait.ge [sflag:s8], $0x640  }
0x8b: {  	[sflag:s8] =	ssyncset.done $0x0  }
0x8c: {  	[sflag:s8] =	ssyncadd.s32 $0xFFFFF9C0  }
0x8d: {  	[spmem:s1] =	stream.linear.scatter [tilespmem:s7], [sflag:$0xD], $0x640, $0x38;
	[tilespmem:$0x1B6C0] =	vst v63  }
0x8e: {  	_ =	swait.ge [sflag:s8], $0x640  }
0x8f: {  	[sflag:s8] =	ssyncset.done $0x0  }
0x90: {  	[sflag:s8] =	ssyncadd.s32 $0xFFFFF9C0  }
0x91: {  	[spmem:s6] =	stream.linear.scatter [tilespmem:s7], [sflag:$0xD], $0x640, $0x38;
	[tilespmem:$0x1B6C0] =	vst v63  }
0x92: {  	_ =	swait.ge [sflag:s8], $0x640  }
0x93: {  	[sflag:s8] =	ssyncset.done $0x0  }
0x94: {  	s9 =	simm.s32 $0x0;
	s30 =	rddreg [dreg:$0x13];
	[sflag:s8] =	ssyncadd.s32 $0xFFFFF9C0  }
0x95: {  	[tilespmem:s9], [sflag:$0xD] =	stream.linear.gather [hbm4b:s30+s9], $0x4E20, $0x38;
	[tilespmem:$0x1B6C0] =	vst v63  }
0x96: {  	_ =	swait.ge [sflag:s8], $0x4E20  }
0x97: {  	s30 =	simm.s32 $0x4E20;
	[sflag:s8] =	ssyncset.done $0x0  }
.Ltmp1:
0x98: {  	s31 =	rddreg [dreg:$0x14];
	[sflag:s8] =	ssyncadd.s32 $0xFFFFB1E0;
	(pc) =	sbr.rel @p0 .LBB2_7-.Ltmp1, $4  }
0x99: {  	[tilespmem:s30], [sflag:$0xD] =	stream.linear.gather [hbm4b:s31+s9], $0x4E20, $0x38;
	[tilespmem:$0x1B6C0] =	vst v63  }
0x9a: {  	_ =	swait.ge [sflag:s8], $0x4E20  }
0x9b: {  	[sflag:s8] =	ssyncset.done $0x0  }
0x9c: {  	[sflag:s8] =	ssyncadd.s32 $0xFFFFB1E0  }
0x9d: {  	s30 =	simm.s32 $0x0  }
0x9e: {  	v4 =	vld [tilespmem:s30+$0x0]  }
0x9f: {  	v3 =	vld [tilespmem:s30+$0x10]  }
0xa0: {  	v2 =	vld [tilespmem:s30+$0x20]  }
0xa1: {  	s31 =	simm.s32 $0x140;
	v1 =	vld [tilespmem:s30+$0x30]  }
.LBB2_5:
0xa2: {  	p1 =	sne.s32 s31, $0x13740;
	v5 =	vld [tilespmem:s30+$0x40]  }
0xa3: {  	v4 =	vadd.s32 $0x1, v4  }
.Ltmp2:
0xa4: {  	s0 =	sshra.s32 s31, $0x2;
	[tilespmem:s30+$0x0] =	vst v4;
	v3 =	vadd.s32 $0x1, v3;
	(pc) =	sbr.rel @p1 .LBB2_5-.Ltmp2, $4  }
0xa5: {  	v4 =	vld [tilespmem:s0+$0x0];
	[tilespmem:s30+$0x10] =	vst v3;
	v2 =	vadd.s32 $0x1, v2  }
0xa6: {  	v3 =	vld [tilespmem:s0+$0x10];
	[tilespmem:s30+$0x20] =	vst v2;
	v1 =	vadd.s32 $0x1, v1  }
0xa7: {  	v2 =	vld [tilespmem:s0+$0x20];
	[tilespmem:s30+$0x30] =	vst v1;
	v5 =	vadd.s32 $0x1, v5  }
0xa8: {  	s31 =	sadd.s32 $0x140, s31;
	v1 =	vld [tilespmem:s0+$0x30];
	[tilespmem:s30+$0x40] =	vst v5;
	s30 =	smov.u32 s0  }
0xa9: {  	v5 =	vld [tilespmem:s30+$0x40]  }
0xaa: {  	v4 =	vadd.s32 $0x1, v4  }
0xab: {  	[tilespmem:s30+$0x0] =	vst v4;
	v3 =	vadd.s32 $0x1, v3  }
0xac: {  	[tilespmem:s30+$0x10] =	vst v3;
	v2 =	vadd.s32 $0x1, v2  }
0xad: {  	[tilespmem:s30+$0x20] =	vst v2;
	v1 =	vadd.s32 $0x1, v1  }
0xae: {  	[tilespmem:s30+$0x30] =	vst v1;
	v1 =	vadd.s32 $0x1, v5  }
0xaf: {  	[tilespmem:s30+$0x40] =	vst v1  }
.LBB2_7:
0xb0: {  	[bflag:$0x0] =	sbarrier.arrive $0xFFFF  }
0xb1: {  	[tilespmem:s11], [sflag:$0x1] =	stream.indirect.gather [hbm4b:s4+s10], $0x40, s9, s10, $0xb8;
	[tilespmem:$0x1B6C0] =	vst v63  }
0xb2: {  	_ = 	snop  }
0xb3: {  	[tilespmem:s12], [sflag:$0x2] =	stream.indirect.gather [hbm4b:s4+s10], $0x40, s10, s10, $0xb8;
	[tilespmem:$0x1B6C0] =	vst v63  }
0xb4: {  	s0 =	simm.s32 $0xA0  }
0xb5: {  	[tilespmem:s13], [sflag:$0x3] =	stream.indirect.gather [hbm4b:s4+s10], $0x40, s0, s10, $0xb8;
	[tilespmem:$0x1B6C0] =	vst v63  }
0xb6: {  	_ =	swait.ge [sflag:s14], $0x1400  }
0xb7: {  	[sflag:s14] =	ssyncset.done $0x0  }
0xb8: {  	s31 =	simm.s32 $0x4E20;
	[sflag:s14] =	ssyncadd.s32 $0xFFFFEC00  }
0xb9: {  	[spmem:s2] =	stream.indirect.scatter.add.f32 [tilespmem:s11], [sflag:$0x7], $0x40, s31, s10, $0xb8;
	[tilespmem:$0x1B6C0] =	vst v63  }
0xba: {  	s9 =	simm.s32 $0xF0  }
0xbb: {  	[tilespmem:s15], [sflag:$0x4] =	stream.indirect.gather [hbm4b:s4+s10], $0x40, s9, s10, $0xb8;
	[tilespmem:$0x1B6C0] =	vst v63  }
0xbc: {  	_ =	swait.ge [sflag:s16], $0x1400  }
0xbd: {  	[sflag:s16] =	ssyncset.done $0x0  }
0xbe: {  	s31 =	simm.s32 $0x4E70;
	[sflag:s16] =	ssyncadd.s32 $0xFFFFEC00  }
0xbf: {  	[spmem:s2] =	stream.indirect.scatter.add.f32 [tilespmem:s12], [sflag:$0x8], $0x40, s31, s10, $0xb8;
	[tilespmem:$0x1B6C0] =	vst v63  }
0xc0: {  	s9 =	simm.s32 $0x140  }
0xc1: {  	[tilespmem:s17], [sflag:$0x5] =	stream.indirect.gather [hbm4b:s4+s10], $0x40, s9, s10, $0xb8;
	[tilespmem:$0x1B6C0] =	vst v63  }
0xc2: {  	_ =	swait.ge [sflag:s18], $0x1400  }
0xc3: {  	[sflag:s18] =	ssyncset.done $0x0  }
0xc4: {  	s31 =	simm.s32 $0x4EC0;
	[sflag:s18] =	ssyncadd.s32 $0xFFFFEC00  }
0xc5: {  	[spmem:s2] =	stream.indirect.scatter.add.f32 [tilespmem:s13], [sflag:$0x9], $0x40, s31, s10, $0xb8;
	[tilespmem:$0x1B6C0] =	vst v63  }
0xc6: {  	s9 =	simm.s32 $0x190  }
0xc7: {  	[tilespmem:s19], [sflag:$0x6] =	stream.indirect.gather [hbm4b:s4+s10], $0x40, s9, s10, $0xb8;
	[tilespmem:$0x1B6C0] =	vst v63  }
0xc8: {  	_ =	swait.ge [sflag:s20], $0x1400  }
0xc9: {  	[sflag:s20] =	ssyncset.done $0x0  }
0xca: {  	s31 =	simm.s32 $0x4F10;
	[sflag:s20] =	ssyncadd.s32 $0xFFFFEC00  }
0xcb: {  	[spmem:s2] =	stream.indirect.scatter.add.f32 [tilespmem:s15], [sflag:$0xA], $0x40, s31, s10, $0xb8;
	[tilespmem:$0x1B6C0] =	vst v63  }
0xcc: {  	_ =	swait.ge [sflag:s21], $0x1400  }
0xcd: {  	[sflag:s21] =	ssyncset.done $0x0  }
0xce: {  	s9 =	simm.s32 $0x1E0;
	[sflag:s21] =	ssyncadd.s32 $0xFFFFEC00  }
0xcf: {  	[tilespmem:s11], [sflag:$0x1] =	stream.indirect.gather [hbm4b:s4+s10], $0x40, s9, s10, $0xb8;
	[tilespmem:$0x1B6C0] =	vst v63  }
0xd0: {  	_ =	swait.ge [sflag:s22], $0x1400  }
0xd1: {  	[sflag:s22] =	ssyncset.done $0x0  }
0xd2: {  	s31 =	simm.s32 $0x4F60;
	[sflag:s22] =	ssyncadd.s32 $0xFFFFEC00  }
0xd3: {  	[spmem:s2] =	stream.indirect.scatter.add.f32 [tilespmem:s17], [sflag:$0xB], $0x40, s31, s10, $0xb8;
	[tilespmem:$0x1B6C0] =	vst v63  }
0xd4: {  	_ =	swait.ge [sflag:s23], $0x1400  }
0xd5: {  	[sflag:s23] =	ssyncset.done $0x0  }
0xd6: {  	s9 =	simm.s32 $0x230;
	[sflag:s23] =	ssyncadd.s32 $0xFFFFEC00  }
0xd7: {  	[tilespmem:s12], [sflag:$0x2] =	stream.indirect.gather [hbm4b:s4+s10], $0x40, s9, s10, $0xb8;
	[tilespmem:$0x1B6C0] =	vst v63  }
0xd8: {  	_ =	swait.ge [sflag:s24], $0x1400  }
0xd9: {  	[sflag:s24] =	ssyncset.done $0x0  }
0xda: {  	s31 =	simm.s32 $0x4FB0;
	[sflag:s24] =	ssyncadd.s32 $0xFFFFEC00  }
0xdb: {  	[spmem:s2] =	stream.indirect.scatter.add.f32 [tilespmem:s19], [sflag:$0xC], $0x40, s31, s10, $0xb8;
	[tilespmem:$0x1B6C0] =	vst v63  }
0xdc: {  	_ =	swait.ge [sflag:s25], $0x1400  }
0xdd: {  	[sflag:s25] =	ssyncset.done $0x0  }
0xde: {  	s9 =	simm.s32 $0x280;
	[sflag:s25] =	ssyncadd.s32 $0xFFFFEC00  }
0xdf: {  	[tilespmem:s13], [sflag:$0x3] =	stream.indirect.gather [hbm4b:s4+s10], $0x40, s9, s10, $0xb8;
	[tilespmem:$0x1B6C0] =	vst v63  }
0xe0: {  	_ =	swait.ge [sflag:s14], $0x1400  }
0xe1: {  	[sflag:s14] =	ssyncset.done $0x0  }
0xe2: {  	s31 =	simm.s32 $0x5000;
	[sflag:s14] =	ssyncadd.s32 $0xFFFFEC00  }
0xe3: {  	[spmem:s2] =	stream.indirect.scatter.add.f32 [tilespmem:s11], [sflag:$0x7], $0x40, s31, s10, $0xb8;
	[tilespmem:$0x1B6C0] =	vst v63  }
0xe4: {  	_ =	swait.ge [sflag:s26], $0x1400  }
0xe5: {  	[sflag:s26] =	ssyncset.done $0x0  }
0xe6: {  	s9 =	simm.s32 $0x2D0;
	[sflag:s26] =	ssyncadd.s32 $0xFFFFEC00  }
0xe7: {  	[tilespmem:s15], [sflag:$0x4] =	stream.indirect.gather [hbm4b:s4+s10], $0x40, s9, s10, $0xb8;
	[tilespmem:$0x1B6C0] =	vst v63  }
0xe8: {  	_ =	swait.ge [sflag:s16], $0x1400  }
0xe9: {  	[sflag:s16] =	ssyncset.done $0x0  }
0xea: {  	s31 =	simm.s32 $0x5050;
	[sflag:s16] =	ssyncadd.s32 $0xFFFFEC00  }
0xeb: {  	[spmem:s2] =	stream.indirect.scatter.add.f32 [tilespmem:s12], [sflag:$0x8], $0x40, s31, s10, $0xb8;
	[tilespmem:$0x1B6C0] =	vst v63  }
0xec: {  	_ =	swait.ge [sflag:s28], $0x1400  }
0xed: {  	[sflag:s28] =	ssyncset.done $0x0  }
0xee: {  	s9 =	simm.s32 $0x320;
	[sflag:s28] =	ssyncadd.s32 $0xFFFFEC00  }
0xef: {  	[tilespmem:s17], [sflag:$0x5] =	stream.indirect.gather [hbm4b:s4+s10], $0x40, s9, s10, $0xb8;
	[tilespmem:$0x1B6C0] =	vst v63  }
0xf0: {  	_ =	swait.ge [sflag:s18], $0x1400  }
0xf1: {  	[sflag:s18] =	ssyncset.done $0x0  }
0xf2: {  	s31 =	simm.s32 $0x50A0;
	[sflag:s18] =	ssyncadd.s32 $0xFFFFEC00  }
0xf3: {  	[spmem:s2] =	stream.indirect.scatter.add.f32 [tilespmem:s13], [sflag:$0x9], $0x40, s31, s10, $0xb8;
	[tilespmem:$0x1B6C0] =	vst v63  }
0xf4: {  	_ =	swait.ge [sflag:s29], $0x1400  }
0xf5: {  	[sflag:s29] =	ssyncset.done $0x0  }
0xf6: {  	s30 =	simm.s32 $0x370;
	s9 =	simm.s32 $0x780;
	[sflag:s29] =	ssyncadd.s32 $0xFFFFEC00  }
.LBB2_8:
0xf7: {  	[tilespmem:s19], [sflag:$0x6] =	stream.indirect.gather [hbm4b:s4+s10], $0x40, s30, s10, $0xb8;
	[tilespmem:$0x1B6C0] =	vst v63  }
0xf8: {  	s0 =	smov.u32 s9  }
0xf9: {  	p1 =	sne.s32 s9, $0x12480;
	s9 =	sadd.s32 $0x780, s9;
	_ =	swait.ge [sflag:s20], $0x1400  }
0xfa: {  	s30 =	sshra.s32 s0, $0x2;
	[sflag:s20] =	ssyncset.done $0x0  }
0xfb: {  	s0 =	sadd.s32 $0x4F10, s30;
	[sflag:s20] =	ssyncadd.s32 $0xFFFFEC00  }
0xfc: {  	[spmem:s2] =	stream.indirect.scatter.add.f32 [tilespmem:s15], [sflag:$0xA], $0x40, s0, s10, $0xb8;
	[tilespmem:$0x1B6C0] =	vst v63  }
0xfd: {  	_ =	swait.ge [sflag:s21], $0x1400  }
0xfe: {  	[sflag:s21] =	ssyncset.done $0x0  }
0xff: {  	s0 =	sadd.s32 $0x1E0, s30;
	[sflag:s21] =	ssyncadd.s32 $0xFFFFEC00  }
0x100: {  	[tilespmem:s11], [sflag:$0x1] =	stream.indirect.gather [hbm4b:s4+s10], $0x40, s0, s10, $0xb8;
	[tilespmem:$0x1B6C0] =	vst v63  }
0x101: {  	_ =	swait.ge [sflag:s22], $0x1400  }
0x102: {  	[sflag:s22] =	ssyncset.done $0x0  }
0x103: {  	s0 =	sadd.s32 $0x4F60, s30;
	[sflag:s22] =	ssyncadd.s32 $0xFFFFEC00  }
0x104: {  	[spmem:s2] =	stream.indirect.scatter.add.f32 [tilespmem:s17], [sflag:$0xB], $0x40, s0, s10, $0xb8;
	[tilespmem:$0x1B6C0] =	vst v63  }
0x105: {  	_ =	swait.ge [sflag:s23], $0x1400  }
0x106: {  	[sflag:s23] =	ssyncset.done $0x0  }
0x107: {  	s0 =	sadd.s32 $0x230, s30;
	[sflag:s23] =	ssyncadd.s32 $0xFFFFEC00  }
0x108: {  	[tilespmem:s12], [sflag:$0x2] =	stream.indirect.gather [hbm4b:s4+s10], $0x40, s0, s10, $0xb8;
	[tilespmem:$0x1B6C0] =	vst v63  }
0x109: {  	_ =	swait.ge [sflag:s24], $0x1400  }
0x10a: {  	[sflag:s24] =	ssyncset.done $0x0  }
0x10b: {  	s0 =	sadd.s32 $0x4FB0, s30;
	[sflag:s24] =	ssyncadd.s32 $0xFFFFEC00  }
0x10c: {  	[spmem:s2] =	stream.indirect.scatter.add.f32 [tilespmem:s19], [sflag:$0xC], $0x40, s0, s10, $0xb8;
	[tilespmem:$0x1B6C0] =	vst v63  }
0x10d: {  	_ =	swait.ge [sflag:s25], $0x1400  }
0x10e: {  	[sflag:s25] =	ssyncset.done $0x0  }
0x10f: {  	s0 =	sadd.s32 $0x280, s30;
	[sflag:s25] =	ssyncadd.s32 $0xFFFFEC00  }
0x110: {  	[tilespmem:s13], [sflag:$0x3] =	stream.indirect.gather [hbm4b:s4+s10], $0x40, s0, s10, $0xb8;
	[tilespmem:$0x1B6C0] =	vst v63  }
0x111: {  	_ =	swait.ge [sflag:s14], $0x1400  }
0x112: {  	[sflag:s14] =	ssyncset.done $0x0  }
0x113: {  	s0 =	sadd.s32 $0x5000, s30;
	[sflag:s14] =	ssyncadd.s32 $0xFFFFEC00  }
0x114: {  	[spmem:s2] =	stream.indirect.scatter.add.f32 [tilespmem:s11], [sflag:$0x7], $0x40, s0, s10, $0xb8;
	[tilespmem:$0x1B6C0] =	vst v63  }
0x115: {  	_ =	swait.ge [sflag:s26], $0x1400  }
0x116: {  	[sflag:s26] =	ssyncset.done $0x0  }
0x117: {  	s0 =	sadd.s32 $0x2D0, s30;
	[sflag:s26] =	ssyncadd.s32 $0xFFFFEC00  }
0x118: {  	[tilespmem:s15], [sflag:$0x4] =	stream.indirect.gather [hbm4b:s4+s10], $0x40, s0, s10, $0xb8;
	[tilespmem:$0x1B6C0] =	vst v63  }
0x119: {  	_ =	swait.ge [sflag:s16], $0x1400  }
0x11a: {  	[sflag:s16] =	ssyncset.done $0x0  }
0x11b: {  	s0 =	sadd.s32 $0x5050, s30;
	[sflag:s16] =	ssyncadd.s32 $0xFFFFEC00  }
0x11c: {  	[spmem:s2] =	stream.indirect.scatter.add.f32 [tilespmem:s12], [sflag:$0x8], $0x40, s0, s10, $0xb8;
	[tilespmem:$0x1B6C0] =	vst v63  }
0x11d: {  	_ =	swait.ge [sflag:s28], $0x1400  }
0x11e: {  	[sflag:s28] =	ssyncset.done $0x0  }
0x11f: {  	s0 =	sadd.s32 $0x320, s30;
	[sflag:s28] =	ssyncadd.s32 $0xFFFFEC00  }
0x120: {  	[tilespmem:s17], [sflag:$0x5] =	stream.indirect.gather [hbm4b:s4+s10], $0x40, s0, s10, $0xb8;
	[tilespmem:$0x1B6C0] =	vst v63  }
0x121: {  	_ =	swait.ge [sflag:s18], $0x1400  }
0x122: {  	[sflag:s18] =	ssyncset.done $0x0  }
.Ltmp3:
0x123: {  	s0 =	sadd.s32 $0x50A0, s30;
	[sflag:s18] =	ssyncadd.s32 $0xFFFFEC00;
	(pc) =	sbr.rel @p1 .LBB2_8-.Ltmp3, $4  }
0x124: {  	[spmem:s2] =	stream.indirect.scatter.add.f32 [tilespmem:s13], [sflag:$0x9], $0x40, s0, s10, $0xb8;
	[tilespmem:$0x1B6C0] =	vst v63  }
0x125: {  	_ =	swait.ge [sflag:s29], $0x1400  }
0x126: {  	[sflag:s29] =	ssyncset.done $0x0  }
0x127: {  	s30 =	sadd.s32 $0x370, s30;
	[sflag:s29] =	ssyncadd.s32 $0xFFFFEC00  }
0x128: {  	[tilespmem:s19], [sflag:$0x6] =	stream.indirect.gather [hbm4b:s4+s10], $0x40, s30, s10, $0xb8;
	[tilespmem:$0x1B6C0] =	vst v63  }
0x129: {  	_ =	swait.ge [sflag:s20], $0x1400  }
0x12a: {  	[sflag:s20] =	ssyncset.done $0x0  }
0x12b: {  	s0 =	simm.s32 $0x9A10;
	[sflag:s20] =	ssyncadd.s32 $0xFFFFEC00  }
0x12c: {  	[spmem:s2] =	stream.indirect.scatter.add.f32 [tilespmem:s15], [sflag:$0xA], $0x40, s0, s10, $0xb8;
	[tilespmem:$0x1B6C0] =	vst v63  }
0x12d: {  	_ =	swait.ge [sflag:s21], $0x1400  }
0x12e: {  	[sflag:s21] =	ssyncset.done $0x0  }
0x12f: {  	s9 =	simm.s32 $0x4CE0;
	[sflag:s21] =	ssyncadd.s32 $0xFFFFEC00  }
0x130: {  	[tilespmem:s11], [sflag:$0x1] =	stream.indirect.gather [hbm4b:s4+s10], $0x40, s9, s10, $0xb8;
	[tilespmem:$0x1B6C0] =	vst v63  }
0x131: {  	_ =	swait.ge [sflag:s22], $0x1400  }
0x132: {  	[sflag:s22] =	ssyncset.done $0x0  }
0x133: {  	s30 =	simm.s32 $0x9A60;
	[sflag:s22] =	ssyncadd.s32 $0xFFFFEC00  }
0x134: {  	[spmem:s2] =	stream.indirect.scatter.add.f32 [tilespmem:s17], [sflag:$0xB], $0x40, s30, s10, $0xb8;
	[tilespmem:$0x1B6C0] =	vst v63  }
0x135: {  	_ =	swait.ge [sflag:s23], $0x1400  }
0x136: {  	[sflag:s23] =	ssyncset.done $0x0  }
0x137: {  	s31 =	simm.s32 $0x4D30;
	[sflag:s23] =	ssyncadd.s32 $0xFFFFEC00  }
0x138: {  	[tilespmem:s12], [sflag:$0x2] =	stream.indirect.gather [hbm4b:s4+s10], $0x40, s31, s10, $0xb8;
	[tilespmem:$0x1B6C0] =	vst v63  }
0x139: {  	_ =	swait.ge [sflag:s24], $0x1400  }
0x13a: {  	[sflag:s24] =	ssyncset.done $0x0  }
0x13b: {  	s9 =	simm.s32 $0x9AB0;
	[sflag:s24] =	ssyncadd.s32 $0xFFFFEC00  }
0x13c: {  	[spmem:s2] =	stream.indirect.scatter.add.f32 [tilespmem:s19], [sflag:$0xC], $0x40, s9, s10, $0xb8;
	[tilespmem:$0x1B6C0] =	vst v63  }
0x13d: {  	_ =	swait.ge [sflag:s25], $0x1400  }
0x13e: {  	[sflag:s25] =	ssyncset.done $0x0  }
0x13f: {  	s30 =	simm.s32 $0x4D80;
	[sflag:s25] =	ssyncadd.s32 $0xFFFFEC00  }
0x140: {  	[tilespmem:s13], [sflag:$0x3] =	stream.indirect.gather [hbm4b:s4+s10], $0x40, s30, s10, $0xb8;
	[tilespmem:$0x1B6C0] =	vst v63  }
0x141: {  	_ =	swait.ge [sflag:s14], $0x1400  }
0x142: {  	[sflag:s14] =	ssyncset.done $0x0  }
0x143: {  	s31 =	simm.s32 $0x9B00;
	[sflag:s14] =	ssyncadd.s32 $0xFFFFEC00  }
0x144: {  	[spmem:s2] =	stream.indirect.scatter.add.f32 [tilespmem:s11], [sflag:$0x7], $0x40, s31, s10, $0xb8;
	[tilespmem:$0x1B6C0] =	vst v63  }
0x145: {  	_ =	swait.ge [sflag:s26], $0x1400  }
0x146: {  	[sflag:s26] =	ssyncset.done $0x0  }
0x147: {  	s9 =	simm.s32 $0x4DD0;
	[sflag:s26] =	ssyncadd.s32 $0xFFFFEC00  }
0x148: {  	[tilespmem:s15], [sflag:$0x4] =	stream.indirect.gather [hbm4b:s4+s10], $0x40, s9, s10, $0xb8;
	[tilespmem:$0x1B6C0] =	vst v63  }
0x149: {  	_ =	swait.ge [sflag:s16], $0x1400  }
0x14a: {  	[sflag:s16] =	ssyncset.done $0x0  }
0x14b: {  	s30 =	simm.s32 $0x9B50;
	[sflag:s16] =	ssyncadd.s32 $0xFFFFEC00  }
0x14c: {  	[spmem:s2] =	stream.indirect.scatter.add.f32 [tilespmem:s12], [sflag:$0x8], $0x40, s30, s10, $0xb8;
	[tilespmem:$0x1B6C0] =	vst v63  }
0x14d: {  	_ =	swait.ge [sflag:s18], $0x1400  }
0x14e: {  	[sflag:s18] =	ssyncset.done $0x0  }
0x14f: {  	s31 =	simm.s32 $0x9BA0;
	[sflag:s18] =	ssyncadd.s32 $0xFFFFEC00  }
0x150: {  	[spmem:s2] =	stream.indirect.scatter.add.f32 [tilespmem:s13], [sflag:$0x9], $0x40, s31, s10, $0xb8;
	[tilespmem:$0x1B6C0] =	vst v63  }
0x151: {  	_ =	swait.ge [sflag:s20], $0x1400  }
0x152: {  	[sflag:s20] =	ssyncset.done $0x0  }
0x153: {  	s9 =	simm.s32 $0x9BF0;
	[sflag:s20] =	ssyncadd.s32 $0xFFFFEC00  }
0x154: {  	[spmem:s2] =	stream.indirect.scatter.add.f32 [tilespmem:s15], [sflag:$0xA], $0x40, s9, s10, $0xb8;
	[tilespmem:$0x1B6C0] =	vst v63  }
0x155: {  	_ =	swait.ge [sflag:s28], $0x1400  }
0x156: {  	[sflag:s28] =	ssyncset.done $0x0  }
0x157: {  	[sflag:s28] =	ssyncadd.s32 $0xFFFFEC00  }
0x158: {  	_ =	swait.ge [sflag:s29], $0x1400  }
0x159: {  	[sflag:s29] =	ssyncset.done $0x0  }
0x15a: {  	[sflag:s29] =	ssyncadd.s32 $0xFFFFEC00  }
0x15b: {  	_ =	swait.ge [sflag:s21], $0x1400  }
0x15c: {  	[sflag:s21] =	ssyncset.done $0x0  }
0x15d: {  	[sflag:s21] =	ssyncadd.s32 $0xFFFFEC00  }
0x15e: {  	_ =	swait.ge [sflag:s23], $0x1400  }
0x15f: {  	[sflag:s23] =	ssyncset.done $0x0  }
0x160: {  	[sflag:s23] =	ssyncadd.s32 $0xFFFFEC00  }
0x161: {  	_ =	swait.ge [sflag:s25], $0x1400  }
0x162: {  	[sflag:s25] =	ssyncset.done $0x0  }
0x163: {  	[sflag:s25] =	ssyncadd.s32 $0xFFFFEC00  }
0x164: {  	_ =	swait.ge [sflag:s26], $0x1400  }
0x165: {  	s30 =	stileid.u32;
	[sflag:s26] =	ssyncset.done $0x0  }
0x166: {  	s0 =	sshll.u32 s30, $0x6;
	[sflag:s26] =	ssyncadd.s32 $0xFFFFEC00  }
0x167: {  	s0 =	sor.u32 $0x1C0D, s0;
	[bflag:$0x0] =	sbarrier.arrive $0xFFFF  }
0x168: {  	s31 =	simm.s32 $0x10;
	s9 =	sshrl.u32 s5, $0x3;
	s30 =	rddreg [dreg:$0x15]  }
0x169: {  	[hbm:s30@s31], [sflag:s0] =	dma.strided [spmem:s9@s23], $0x1388, s14, $0x8   }
0x16a: {  	_ =	swait.ge [sflag:s8], $0x1388  }
0x16b: {  	s3 =	sadd.s32 $0x1, s3;
	s31 =	rddreg [dreg:$0x16]  }
0x16c: {  	p1 =	sne.s32 s3, s31  }
.Ltmp4:
0x16d: {  	_ = 	snop;
	(pc) =	sbr.rel @p1 .LBB2_1-.Ltmp4, $3  }
0x16e: {  	_ =	sdelay $0x1  }
0x16f: {  	[sflag:s8] =	ssyncset.done $0x0  }
0x170: {  	[sflag:s8] =	ssyncadd.s32 $0xFFFFEC78  }
0x171: {  	_ =	sfence.sel $0x180000  }
0x172: {  	[bflag:$0x0] =	sbarrier.arrive $0xFFFF  }
0x173: {  	_ =	strace $0x9000004A  }
0x174: {  	s0 =	stileid.u32;
	[bflag:$0x2] =	sbarrier.arrive $0xFFFF  }
0x175: {  	p0 =	sne.s32 s0, $0x0;
	s0 =	rddreg [dreg:$0x2]  }
0x176: {  	s0 =	sadd.s32 @!p0 $0x100000, s0  }
0x177: {  	[sflag:s0] =	ssyncadd.tile.s32 @!p0 $0x1;
	_ =	shalt  }
.Lfunc_end2:
_tile_overlayer_lowered:
.L_overlay_start_2:
0x178: {  	(tag) =	ssettag $0x2  }
0x179: {  	s0 =	rddreg [dreg:$0x0];
	s2 =	stileid.u32  }
0x17a: {  	s1 =	rddreg [dreg:$0x1];
	p0 =	sne.s32 s2, $0x0  }
0x17b: {  	s3 =	rddreg [dreg:$0x2];
	[bflag:$0x3] =	sbarrier.arrive $0xFFFF;
	s2 =	simm.s32 @!p0 $0x1C0D  }
0x17c: {  	[timem:s3], [sflag:s2] =	dma.local @!p0 [hbm:s0], s1  }
0x17d: {  	s0 =	simm.s32 @!p0 $0xD  }
0x17e: {  	_ =	swait.ge @!p0 [sflag:s0], s1  }
0x17f: {  	s1 =	ssub.s32 @!p0 $0x0, s1;
	[sflag:s0] =	ssyncset.done @!p0 $0x0  }
0x180: {  	[sflag:s0] =	ssyncadd.s32 @!p0 s1  }
0x181: {  	[bflag:$0x3] =	sbarrier.arrive $0xFFFF  }
0x182: {  	_ =	shalt  }

// kernel: segsum_deg.3.cloned.1.call-start
scs
__scs_entry_jumppad:
0x0: {  	(pc) =	sbr.rel $0x88, $3  }
0x1: {  	(tag) =	ssettag $0x0;
	lr =	simm.s32 $0x1  }
0x2: {  	[smem:$0x3F93] =	sst lr;
	_ =	strace $0xD0000000  }
0x3: {  	_ = 	snop  }
0x4: {  	_ = 	snop  }
0x5: {  	_ = 	snop  }
0x6: {  	_ = 	snop  }
0x7: {  	_ = 	snop  }
__scs_overlays_trampoline_lowered:
0x8: {  	[smem:$0x3FA2] =	sst s0  }
0x9: {  	[smem:$0x3FA3] =	sst s1  }
0xa: {  	[smem:$0x3FA4] =	sst s2  }
0xb: {  	[smem:$0x3FA5] =	sst s3  }
0xc: {  	[smem:$0x3FA6] =	sst s4  }
0xd: {  	[smem:$0x3FA7] =	sst s5  }
0xe: {  	[smem:$0x3FA8] =	sst s6  }
0xf: {  	[smem:$0x3FA9] =	sst s7  }
0x10: {  	[smem:$0x3FAA] =	sst s8  }
0x11: {  	[smem:$0x3FAB] =	sst s9;
	s0 =	simm.s32 @!p0 $0x0  }
0x12: {  	s1 =	sld [smem:$0x3F91];
	s0 =	simm.s32 @p0 $0x1  }
0x13: {  	[smem:$0x3FAC] =	sst s0;
	s0 =	simm.s32 @!p1 $0x0  }
0x14: {  	s2 =	sld [smem:$0x3F90];
	s0 =	simm.s32 @p1 $0x1  }
0x15: {  	[smem:$0x3FAD] =	sst s0;
	s0 =	simm.s32 @!p2 $0x0  }
0x16: {  	s3 =	sld [smem:$0x3FDB];
	s0 =	simm.s32 @p2 $0x1  }
0x17: {  	s4 =	simm.s32 $0x1BF5;
	[smem:$0x3FAF] =	sst s0  }
0x18: {  	s0 =	sld [smem:$0x3F92];
	_ =	swait.ge [sflag:s4], $0x0  }
0x19: {  	s7 =	sld [smem:$0x3F93]  }
0x1a: {  	s8 =	sadd.s32 $0xFFFFE003, lr  }
0x1b: {  	s9 =	sadd.s32 $0xFFFFFEF7, lr;
	s5 =	simm.s32 $0xFFFFFFFF;
	p2 =	slt.u32 s8, $0xFFFFF086  }
0x1c: {  	p1 =	slt.u32 s9, $0xF7A;
	s5 =	simm.s32 @!p2 $0x0  }
0x1d: {  	s5 =	simm.s32 @p1 $0x1;
	p0 =	seq.s32 s7, s2  }
0x1e: {  	s7 =	smul.u32 @!p0 $0xF7A, s2;
	p2 =	seq.s32 @!p0 s5, $0x0  }
0x1f: {  	s9 =	smul.u32 $0xF7A, s1;
	s8 =	simm.s32 @!p0 $0x1BF5;
	p2 =	por !p2, p0  }
0x20: {  	[sflag:s8] =	ssyncset.s32 @!p0 $0xFFFFF086;
	s6 =	sadd.s32 @!p0 s3, s7;
	s7 =	simm.s32 @!p0 $0x108  }
0x21: {  	s3 =	sadd.s32 s3, s9;
	s6 =	sadd.s32 @!p0 $0x88, s6;
	s7 =	simm.s32 @p2 $0x1082  }
0x22: {  	[simem:s7], [sflag:s8] =	dma.local @!p0 [hbm:s6], $0xF7A  }
0x23: {  	s9 =	sor.u32 $0xD0000000, s2;
	s6 =	simm.s32 $0x108;
	_ =	swait.ge @!p0 [sflag:s8], $0x0  }
0x24: {  	s3 =	sadd.s32 $0x88, s3;
	s6 =	simm.s32 @!p1 $0x1082;
	[sflag:s4] =	ssyncset.s32 $0xFFFFF086  }
0x25: {  	[simem:s6], [sflag:s4] =	dma.local [hbm:s3], $0xF7A  }
0x26: {  	[smem:$0x3F93] =	sst s1;
	(tag) =	ssettag s2;
	_ =	strace s9  }
0x27: {  	s1 =	sld [smem:$0x3FA3]  }
0x28: {  	s2 =	sld [smem:$0x3FA4]  }
0x29: {  	s4 =	sld [smem:$0x3FA6]  }
0x2a: {  	p0 =	seq.s32 s5, $0x0;
	s5 =	sld [smem:$0x3FA7]  }
0x2b: {  	s6 =	sld [smem:$0x3FA8]  }
0x2c: {  	s7 =	sld [smem:$0x3FA9]  }
0x2d: {  	s3 =	simm.s32 $0x108;
	s8 =	sld [smem:$0x3FAA]  }
0x2e: {  	s3 =	simm.s32 @!p0 $0x1082;
	s9 =	sld [smem:$0x3FAB]  }
0x2f: {  	lr =	sadd.s32 s0, s3;
	s0 =	sld [smem:$0x3FA2]  }
0x30: {  	s3 =	sld [smem:$0x3FA5]  }
0x31: {  	[smem:$0x3FAE] =	sst s10  }
0x32: {  	s10 =	sld [smem:$0x3FAC];
	_ =	sdelay $0x3  }
0x33: {  	p0 =	seq.s32 s10, $0x1;
	s10 =	sld [smem:$0x3FAE];
	_ =	sdelay $0x3  }
0x34: {  	[smem:$0x3FAE] =	sst s10  }
0x35: {  	s10 =	sld [smem:$0x3FAD];
	_ =	sdelay $0x3  }
0x36: {  	p1 =	seq.s32 s10, $0x1;
	s10 =	sld [smem:$0x3FAE];
	_ =	sdelay $0x3  }
0x37: {  	[smem:$0x3FAE] =	sst s10  }
0x38: {  	s10 =	sld [smem:$0x3FAF]  }
0x39: {  	_ = 	snop;
	(pc) =	sbr.ind lr, $3  }
0x3a: {  	_ = 	snop  }
0x3b: {  	_ = 	snop  }
0x3c: {  	p2 =	seq.s32 s10, $0x1;
	s10 =	sld [smem:$0x3FAE]  }
0x3d: {  	_ =	shalt  }
0x3e: {  	_ =	shalt  }
0x3f: {  	_ =	shalt  }
0x40: {  	_ =	shalt  }
0x41: {  	_ =	shalt  }
0x42: {  	_ =	shalt  }
0x43: {  	_ =	shalt  }
0x44: {  	_ =	shalt  }
0x45: {  	_ =	shalt  }
0x46: {  	_ =	shalt  }
0x47: {  	_ =	shalt  }
0x48: {  	_ =	shalt  }
0x49: {  	_ =	shalt  }
0x4a: {  	_ =	shalt  }
0x4b: {  	_ =	shalt  }
0x4c: {  	_ =	shalt  }
0x4d: {  	_ =	shalt  }
0x4e: {  	_ =	shalt  }
0x4f: {  	_ =	shalt  }
0x50: {  	_ =	shalt  }
0x51: {  	_ =	shalt  }
0x52: {  	_ =	shalt  }
0x53: {  	_ =	shalt  }
0x54: {  	_ =	shalt  }
0x55: {  	_ =	shalt  }
0x56: {  	_ =	shalt  }
0x57: {  	_ =	shalt  }
0x58: {  	_ =	shalt  }
0x59: {  	_ =	shalt  }
0x5a: {  	_ =	shalt  }
0x5b: {  	_ =	shalt  }
0x5c: {  	_ =	shalt  }
0x5d: {  	_ =	shalt  }
0x5e: {  	_ =	shalt  }
0x5f: {  	_ =	shalt  }
0x60: {  	_ =	shalt  }
0x61: {  	_ =	shalt  }
0x62: {  	_ =	shalt  }
0x63: {  	_ =	shalt  }
0x64: {  	_ =	shalt  }
0x65: {  	_ =	shalt  }
0x66: {  	_ =	shalt  }
0x67: {  	_ =	shalt  }
0x68: {  	_ =	shalt  }
0x69: {  	_ =	shalt  }
0x6a: {  	_ =	shalt  }
0x6b: {  	_ =	shalt  }
0x6c: {  	_ =	shalt  }
0x6d: {  	_ =	shalt  }
0x6e: {  	_ =	shalt  }
0x6f: {  	_ =	shalt  }
0x70: {  	_ =	shalt  }
0x71: {  	_ =	shalt  }
0x72: {  	_ =	shalt  }
0x73: {  	_ =	shalt  }
0x74: {  	_ =	shalt  }
0x75: {  	_ =	shalt  }
0x76: {  	_ =	shalt  }
0x77: {  	_ =	shalt  }
0x78: {  	_ =	shalt  }
0x79: {  	_ =	shalt  }
0x7a: {  	_ =	shalt  }
0x7b: {  	_ =	shalt  }
0x7c: {  	_ =	shalt  }
0x7d: {  	_ =	shalt  }
0x7e: {  	_ =	shalt  }
0x7f: {  	_ =	shalt  }
0x80: {  	_ =	shalt  }
0x81: {  	_ =	shalt  }
0x82: {  	_ =	shalt  }
0x83: {  	_ =	shalt  }
0x84: {  	_ =	shalt  }
0x85: {  	_ =	shalt  }
0x86: {  	_ =	shalt  }
0x87: {  	_ =	shalt  }
.Lfunc_end0:
.L_simem_size_0:
called_computation_lowered:
.L_overlay_start_0:
0x88: {  	s2 =	sld [smem:$0x3FD9]  }
0x89: {  	s3 =	sld [smem:$0x3FFE];
	_ =	sdelay $0x1  }
0x8a: {  	s1 =	srdreg.scid  }
0x8b: {  	s0 =	sand.u32 $0x1, s1  }
0x8c: {  	s16 =	sshll.u32 s0, $0xA;
	s2 =	sadd.s32 s3, s2  }
0x8d: {  	s2 =	sadd.s32 s2, s16  }
0x8e: {  	[smem:$0x3FBA] =	sst s2  }
0x8f: {  	_ = 	snop  }
0x90: {  	(tm) =	ssettm $0x1  }
0x91: {  	s17 =	sld [smem:$0x3FFB];
	_ =	sdelay $0x3  }
0x92: {  	_ =	strace s17  }
0x93: {  	s2 =	sld [smem:$0x3FFC];
	_ =	sdelay $0x3  }
0x94: {  	_ =	strace s2  }
0x95: {  	s2 =	sld [smem:$0x3FFD];
	_ =	sdelay $0x3  }
0x96: {  	_ =	strace s2  }
0x97: {  	_ =	strace $0x8FFFFFFF  }
0x98: {  	s18 =	sld [smem:$0x3FDB];
	_ =	sdelay $0x1  }
0x99: {  	s19 =	simm.s32 $_scs_section_size  }
0x9a: {  	s4 =	simm.s32 $_size__tile_overlayer_lowered;
	s5 =	simm.s32 $_tile_overlayer_lowered  }
0x9b: {  	s22 =	simm.s32 $0x1BFF;
	s21 =	sshll.u32 s5, $0x1;
	s2 =	sadd.s32 s19, s18  }
0x9c: {  	s6 =	simm.s32 $0x0;
	s20 =	sshll.u32 s4, $0x1;
	s4 =	sadd.s32 s21, s2  }
0x9d: {  	[timem:s6], [sflag:s22] =	dma.local [hbm:s4], s20  }
0x9e: {  	_ =	swait.ge [sflag:s22], s20  }
0x9f: {  	s3 =	ssub.s32 $0x0, s20;
	[sflag:s22] =	ssyncset.done $0x0  }
0xa0: {  	[sflag:s22] =	ssyncadd.s32 s3;
	_ =	sdelay $0x1  }
0xa1: {  	s23 =	simm.s32 $0x1B8B  }
0xa2: {  	_ =	swait.ge [sflag:s23], $0x1  }
0xa3: {  	[sflag:s23] =	ssyncset.done $0x0  }
0xa4: {  	s25 =	simm.s32 $0x1B8E;
	s24 =	sld [smem:$0x3FFE];
	[sflag:s23] =	ssyncadd.s32 $0xFFFFFFFF  }
0xa5: {  	s26 =	simm.s32 $execute0_lowered;
	[smem:$0x3FD2] =	sst s25  }
0xa6: {  	s4 =	sshll.u32 s26, $0x1;
	_ =	strace $0x80000046;
	[dreg:$0x1] =	wrdreg $0xFFFFFFFF  }
0xa7: {  	s28 =	simm.s32 $_size_execute0_lowered;
	s2 =	sadd.s32 s2, s4;
	[dreg:$0x0] =	wrdreg $0x0  }
0xa8: {  	s4 =	sshll.u32 s28, $0x1;
	[dreg:$0x2] =	wrdreg s2  }
0xa9: {  	[dreg:$0x3] =	wrdreg s4  }
0xaa: {  	[dreg:$0x4] =	wrdreg $0xC0  }
0xab: {  	_ =	task [dreg:s6], $0x5FFFF  }
0xac: {  	[dreg:$0x1] =	wrdreg $0xFFFFFFFF  }
0xad: {  	[dreg:$0x0] =	wrdreg $0x60  }
0xae: {  	[dreg:$0x2] =	wrdreg s24  }
0xaf: {  	[dreg:$0x3] =	wrdreg $0x11A800  }
0xb0: {  	[dreg:$0x4] =	wrdreg $0x1BD500  }
0xb1: {  	[dreg:$0x5] =	wrdreg $0x9  }
0xb2: {  	_ =	task.clear_ibuf [dreg:s6], $0x6FFFF;
	_ =	strace $0x90000046  }
0xb3: {  	s29 =	simm.s32 $0x9;
	_ =	strace $0x80000048  }
0xb4: {  	_ =	swait.ge [sflag:s29], $0x1  }
0xb5: {  	[sflag:s29] =	ssyncadd.s32 $0xFFFFFFFF  }
0xb6: {  	_ =	strace $0x90000048  }
0xb7: {  	_ =	sfence  }
0xb8: {  	s30 =	sld [smem:$0x0];
	_ =	sdelay $0x2  }
0xb9: {  	s31 =	sshll.u32 s1, $0xD;
	s1 =	sshrl.u32 s1, $0x2  }
0xba: {  	s3 =	sand.u32 $0x4000, s31;
	s1 =	sadd.s32 s1, s30  }
0xbb: {  	s0 =	sor.u32 s3, s0;
	s1 =	sshll.u32 s1, $0x11  }
0xbc: {  	s0 =	sor.u32 s1, s0  }
0xbd: {  	s0 =	sadd.s32 $0x8F2B, s0  }
0xbe: {  	[sflag:s0] =	ssyncadd.remote.s32 $0x1  }
0xbf: {  	_ =	sfence.sel $0xFFFF  }
0xc0: {  	[dreg:$0x0] =	wrdreg $0xFFFFFFFF;
	(pc) =	sbr.abs _section_cstart, $3  }
0xc1: {  	[dreg:$0x1] =	wrdreg $0xFFFFFFFF  }
0xc2: {  	_ =	task.clear_ibuf [dreg:s6], $0x2FFFF;
	_ =	strace $0x9FFFFFFF  }
0xc3: {  	(tm) =	ssettm $0x7FFFFFFF  }
tec
execute0_lowered:
.L_overlay_start_1:
0x0: {  	(tag) =	ssettag $0x1  }
0x1: {  	s4 =	rddreg [dreg:$0x0];
	s7 =	stileid.u32  }
0x2: {  	s2 =	rddreg [dreg:$0x1];
	s18 =	smul.u32 $0x13880, s7  }
0x3: {  	s3 =	rddreg [dreg:$0x2];
	s6 =	smul.u32 $0x9C4, s7  }
0x4: {  	s0 =	srdreg.scid;
	s20 =	smul.u32 $0x2710, s7  }
0x5: {  	s1 =	simm.s32 $0x0;
	s15 =	sand.u32 $0x1, s0;
	s21 =	smul.u32 $0x27100, s7  }
0x6: {  	[smem:$0x7FF] =	sst s1;
	s5 =	sadd.s32 $0x16600, s4;
	s14 =	smul.u32 $0x271, s7  }
0x7: {  	s19 =	sshll.u32 s15, $0x6;
	_ =	strace $0x80000047;
	s9 =	ssub.s32 $0x2, s15  }
0x8: {  	p0 =	seq.s32 s15, $0x0;
	p1 =	sne.s32 s15, $0x0;
	s0 =	sor.u32 s19, s18  }
0x9: {  	[smem:$0x7FA] =	sst s20;
	s6 =	sadd.s32 s6, s4;
	s8 =	sshrl.u32 s20, $0x3  }
0xa: {  	s22 =	sshrl.u32 s9, $0x1;
	s10 =	sshrl.u32 s21, $0x2;
	s13 =	sadd.s32 $0x96, s14  }
0xb: {  	s15 =	sadd.s32 $0xAF, s14;
	s29 =	sadd.s32 $0x1C2, s14;
	s1 =	sshrl.u32 s0, $0x3  }
0xc: {  	[smem:$0x7DD] =	sst s6;
	s0 =	sadd.s32 s8, s4;
	s23 =	ssub.s32 s9, s22  }
0xd: {  	s24 =	sadd.s32 s10, s2;
	s8 =	sadd.s32 $0x19, s14;
	[smem:$0x7F8] =	sst s0  }
0xe: {  	s9 =	sadd.s32 $0x32, s14;
	s10 =	sadd.s32 $0x4B, s14;
	[smem:$0x7FB] =	sst s23  }
0xf: {  	s17 =	sshll.u32 s13, $0x6;
	s1 =	sadd.s32 s1, s4;
	[dreg:$0x4] =	wrdreg s24  }
0x10: {  	s18 =	sshll.u32 s15, $0x6;
	s4 =	sadd.s32 s17, s2;
	[smem:$0x7F6] =	sst s1  }
0x11: {  	s11 =	sshll.u32 s8, $0x6;
	s6 =	sadd.s32 s18, s2;
	[dreg:$0xa] =	wrdreg s4  }
0x12: {  	s26 =	sshll.u32 s9, $0x6;
	s25 =	sadd.s32 s11, s2;
	[dreg:$0xb] =	wrdreg s6  }
0x13: {  	s12 =	sshll.u32 s10, $0x6;
	s28 =	sadd.s32 s26, s2;
	[dreg:$0x5] =	wrdreg s25  }
0x14: {  	s30 =	sadd.s32 s12, s2;
	s11 =	sadd.s32 $0x64, s14;
	[dreg:$0x6] =	wrdreg s28  }
0x15: {  	s12 =	sadd.s32 $0x7D, s14;
	[dreg:$0x7] =	wrdreg s30;
	s16 =	sshll.u32 s11, $0x6  }
0x16: {  	s0 =	sshll.u32 s12, $0x6;
	s31 =	sadd.s32 s16, s2;
	s16 =	sadd.s32 $0xC8, s14  }
0x17: {  	s1 =	sadd.s32 s0, s2;
	[dreg:$0x8] =	wrdreg s31;
	s19 =	sshll.u32 s16, $0x6  }
0x18: {  	s17 =	sadd.s32 $0xE1, s14;
	[dreg:$0x9] =	wrdreg s1;
	s18 =	sadd.s32 s19, s2  }
0x19: {  	s6 =	sshll.u32 s29, $0x6;
	s19 =	sshll.u32 s17, $0x6;
	[dreg:$0xc] =	wrdreg s18  }
0x1a: {  	s20 =	sadd.s32 s19, s2;
	s18 =	sadd.s32 $0xFA, s14;
	s19 =	sadd.s32 $0x113, s14  }
0x1b: {  	[dreg:$0xd] =	wrdreg s20;
	s21 =	sshll.u32 s18, $0x6;
	s22 =	sshll.u32 s19, $0x6  }
0x1c: {  	s20 =	sadd.s32 $0x12C, s14;
	s21 =	sadd.s32 s21, s2;
	s23 =	sadd.s32 s22, s2  }
0x1d: {  	s24 =	sshll.u32 s20, $0x6;
	s22 =	sadd.s32 $0x15E, s14;
	[dreg:$0xe] =	wrdreg s21  }
0x1e: {  	[dreg:$0xf] =	wrdreg s23;
	s25 =	sadd.s32 s24, s2;
	s21 =	sadd.s32 $0x145, s14  }
0x1f: {  	s23 =	sadd.s32 $0x177, s14;
	[dreg:$0x10] =	wrdreg s25;
	s24 =	sshll.u32 s21, $0x6  }
0x20: {  	s25 =	sshll.u32 s22, $0x6;
	s30 =	sshll.u32 s23, $0x6;
	s26 =	sadd.s32 s24, s2  }
0x21: {  	s28 =	sadd.s32 s25, s2;
	s31 =	sadd.s32 s30, s2;
	[dreg:$0x11] =	wrdreg s26  }
0x22: {  	s24 =	sadd.s32 $0x190, s14;
	s25 =	sadd.s32 $0x1A9, s14;
	[dreg:$0x12] =	wrdreg s28  }
0x23: {  	[dreg:$0x13] =	wrdreg s31;
	s26 =	sshll.u32 s24, $0x6;
	s28 =	sshll.u32 s25, $0x6  }
0x24: {  	s1 =	sadd.s32 s26, s2;
	s4 =	sadd.s32 s28, s2;
	s28 =	sadd.s32 s6, s2  }
0x25: {  	s26 =	sadd.s32 $0x1DB, s14;
	s6 =	sadd.s32 $0x20D, s14;
	[dreg:$0x14] =	wrdreg s1  }
0x26: {  	[dreg:$0x16] =	wrdreg s28;
	s28 =	sadd.s32 $0x1F4, s14;
	s30 =	sshll.u32 s26, $0x6  }
0x27: {  	[dreg:$0x15] =	wrdreg s4;
	s31 =	sshll.u32 s28, $0x6;
	s30 =	sadd.s32 s30, s2  }
0x28: {  	s4 =	sshll.u32 s6, $0x6;
	[dreg:$0x17] =	wrdreg s30;
	s1 =	sadd.s32 s31, s2  }
0x29: {  	s31 =	sadd.s32 s4, s2;
	s30 =	sadd.s32 $0x226, s14;
	[dreg:$0x18] =	wrdreg s1  }
0x2a: {  	[dreg:$0x19] =	wrdreg s31;
	s31 =	sadd.s32 $0x23F, s14;
	s1 =	sshll.u32 s30, $0x6  }
0x2b: {  	s0 =	sadd.s32 s1, s2;
	s1 =	sshll.u32 s31, $0x6  }
0x2c: {  	s4 =	smul.u32 $0x9C40, s7;
	[dreg:$0x1a] =	wrdreg s0;
	s0 =	sadd.s32 s1, s2  }
0x2d: {  	s14 =	sadd.s32 $0x258, s14;
	[dreg:$0x1b] =	wrdreg s0  }
0x2e: {  	s7 =	sshll.u32 s14, $0x6;
	s0 =	sshrl.u32 s4, $0x2;
	s4 =	sld [smem:$0x7DD]  }
0x2f: {  	s1 =	sadd.s32 s7, s2  }
0x30: {  	s13 =	sshll.u32 s13, $0x4;
	[dreg:$0x1c] =	wrdreg s1;
	s0 =	sadd.s32 s0, s3  }
0x31: {  	s11 =	sshll.u32 s11, $0x4;
	[dreg:$0x1f] =	wrdreg s0;
	s7 =	sadd.s32 $0xC800, s4  }
0x32: {  	[dreg:$0x1d] =	wrdreg s7;
	s7 =	sadd.s32 $0x2A00, s4;
	s4 =	sshll.u32 s8, $0x4  }
0x33: {  	s8 =	sshll.u32 s10, $0x4;
	[dreg:$0x1e] =	wrdreg s7;
	s0 =	sadd.s32 s4, s3  }
0x34: {  	s12 =	sshll.u32 s12, $0x4;
	s10 =	sadd.s32 s8, s3;
	[smem:$0x7DE] =	sst s0  }
0x35: {  	s7 =	sshll.u32 s9, $0x4;
	s8 =	sadd.s32 s13, s3;
	[smem:$0x7E0] =	sst s10  }
0x36: {  	s21 =	sshll.u32 s21, $0x4;
	s9 =	sadd.s32 s7, s3;
	[smem:$0x7E3] =	sst s8  }
0x37: {  	s22 =	sshll.u32 s22, $0x4;
	s0 =	sadd.s32 s11, s3;
	[smem:$0x7DF] =	sst s9  }
0x38: {  	s7 =	sadd.s32 s12, s3;
	s10 =	sshll.u32 s16, $0x4;
	[smem:$0x7E1] =	sst s0  }
0x39: {  	s11 =	sshll.u32 s17, $0x4;
	s16 =	sshll.u32 s19, $0x4;
	[smem:$0x7E2] =	sst s7  }
0x3a: {  	s9 =	sshll.u32 s15, $0x4;
	s12 =	sadd.s32 s10, s3;
	s15 =	sshll.u32 s18, $0x4  }
0x3b: {  	s18 =	sadd.s32 s16, s3;
	s16 =	sshll.u32 s28, $0x4;
	s28 =	sld [smem:$0x7F8]  }
0x3c: {  	s7 =	sadd.s32 s22, s3;
	s22 =	sshll.u32 s31, $0x4;
	s31 =	sld [smem:$0x7FB]  }
0x3d: {  	s4 =	simm.s32 $0x0;
	s13 =	sadd.s32 s11, s3;
	[smem:$0x7E5] =	sst s12  }
0x3e: {  	s17 =	sshll.u32 s20, $0x4;
	s20 =	smov.u32 s2;
	[smem:$0x7E6] =	sst s13  }
0x3f: {  	s2 =	sshll.u32 s23, $0x4;
	s19 =	sadd.s32 s17, s3;
	[smem:$0x7E8] =	sst s18  }
0x40: {  	s23 =	sshll.u32 s14, $0x4;
	s14 =	simm.s32 $0x50;
	[smem:$0x7E9] =	sst s19  }
0x41: {  	s8 =	sadd.s32 s2, s3;
	s10 =	sshll.u32 s25, $0x4;
	[smem:$0x7EB] =	sst s7  }
0x42: {  	s11 =	sshll.u32 s29, $0x4;
	s25 =	sadd.s32 s23, s3;
	[smem:$0x7EC] =	sst s8  }
0x43: {  	s17 =	sshll.u32 s6, $0x4;
	s0 =	sadd.s32 s9, s3;
	[smem:$0x7F5] =	sst s25  }
0x44: {  	s6 =	simm.s32 $0x13;
	s12 =	sadd.s32 s10, s3;
	[smem:$0x7E4] =	sst s0  }
0x45: {  	s2 =	simm.s32 $0x2;
	s13 =	sadd.s32 s11, s3;
	[smem:$0x7EE] =	sst s12  }
0x46: {  	s29 =	simm.s32 $0x6;
	s18 =	sadd.s32 s16, s3;
	[smem:$0x7EF] =	sst s13  }
0x47: {  	s9 =	sshll.u32 s24, $0x4;
	s19 =	sadd.s32 s17, s3;
	[smem:$0x7F1] =	sst s18  }
0x48: {  	s24 =	sadd.s32 s22, s3;
	s7 =	simm.s32 $0x4E20;
	[smem:$0x7F2] =	sst s19  }
0x49: {  	s11 =	simm.s32 $0x9C40;
	s16 =	simm.s32 $0xD840;
	[smem:$0x7F4] =	sst s24  }
0x4a: {  	s0 =	sadd.s32 s15, s3;
	s15 =	sshll.u32 s26, $0x4;
	s26 =	sld [smem:$0x7F6]  }
0x4b: {  	s10 =	simm.s32 $0x10040;
	s8 =	simm.s32 $0x4;
	[smem:$0x7E7] =	sst s0  }
0x4c: {  	s0 =	sadd.s32 s21, s3;
	s21 =	sshll.u32 s30, $0x4;
	s30 =	sld [smem:$0x7FA]  }
0x4d: {  	s25 =	simm.s32 $0x4;
	s1 =	smax.u32 s31, $0x1;
	[smem:$0x7EA] =	sst s0  }
0x4e: {  	s22 =	simm.s32 $0x5;
	s0 =	sadd.s32 s9, s3;
	[smem:$0x7FC] =	sst s1  }
0x4f: {  	s19 =	simm.s32 $0xC440;
	[smem:$0x7ED] =	sst s0;
	s0 =	sadd.s32 s15, s3  }
0x50: {  	s13 =	simm.s32 $0x1;
	[smem:$0x7F0] =	sst s0;
	s0 =	sadd.s32 s21, s3  }
0x51: {  	s18 =	simm.s32 $0xEC40;
	[smem:$0x7F3] =	sst s0;
	s0 =	sadd.s32 $0x69A00, s26  }
0x52: {  	s12 =	simm.s32 $0x6;
	[smem:$0x7F7] =	sst s0;
	s0 =	sadd.s32 $0x64A00, s28  }
0x53: {  	s24 =	simm.s32 $0x2;
	[smem:$0x7F9] =	sst s0;
	s0 =	sadd.s32 s30, s3  }
0x54: {  	s9 =	simm.s32 $0x5;
	s15 =	simm.s32 $0xB040;
	s0 =	sshrl.u32 @!p1 s0, $0x3  }
0x55: {  	v0 =	vimm.f32 $0.0e+00;
	v1 =	vimm.f32 $1.000000000e+00;
	s21 =	simm.s32 $0x3;
	s26 =	simm.s32 $0x3;
	[smem:$0x7FD] =	sst s0  }
.LBB2_1:
0x56: {  	[smem:$0x7DC] =	sst s4;
	s1 =	simm.s32 $0x100;
	s0 =	simm.s32 $0x0  }
.LBB2_2:
0x57: {  	p2 =	sne.s32 s1, $0x1800;
	[tilespmem:s0+$0x11470] =	vst v0;
	s4 =	smov.u32 s1;
	s1 =	sadd.s32 $0x100, s1  }
.Ltmp0:
0x58: {  	[tilespmem:s0+$0x11460] =	vst v0;
	(pc) =	sbr.rel @p2 .LBB2_2-.Ltmp0, $3  }
0x59: {  	[tilespmem:s0+$0x11440] =	vst v0  }
0x5a: {  	[tilespmem:s0+$0x11450] =	vst v0;
	_ =	sdelay $0x1  }
0x5b: {  	s0 =	sshra.s32 s4, $0x2  }
0x5c: {  	[tilespmem:s0+$0x11470] =	vst v0  }
0x5d: {  	[tilespmem:s0+$0x11460] =	vst v0  }
0x5e: {  	[tilespmem:s0+$0x11440] =	vst v0  }
0x5f: {  	[tilespmem:s0+$0x11450] =	vst v0;
	s23 =	rddreg [dreg:$0x4];
	s1 =	simm.s32 $0x11440  }
0x60: {  	[spmem:s23] =	stream.linear.scatter [tilespmem:s1], [sflag:$0x13], $0x640, $0x38;
	[tilespmem:$0x1E460] =	vst v63  }
0x61: {  	_ =	swait.ge [sflag:s6], $0x640  }
0x62: {  	[sflag:s6] =	ssyncset.done $0x0  }
0x63: {  	s28 =	rddreg [dreg:$0x5];
	[sflag:s6] =	ssyncadd.s32 $0xFFFFF9C0  }
0x64: {  	[spmem:s28] =	stream.linear.scatter [tilespmem:s1], [sflag:$0x13], $0x640, $0x38;
	[tilespmem:$0x1E460] =	vst v63  }
0x65: {  	_ =	swait.ge [sflag:s6], $0x640  }
0x66: {  	[sflag:s6] =	ssyncset.done $0x0  }
0x67: {  	s30 =	rddreg [dreg:$0x6];
	[sflag:s6] =	ssyncadd.s32 $0xFFFFF9C0  }
0x68: {  	[spmem:s30] =	stream.linear.scatter [tilespmem:s1], [sflag:$0x13], $0x640, $0x38;
	[tilespmem:$0x1E460] =	vst v63  }
0x69: {  	_ =	swait.ge [sflag:s6], $0x640  }
0x6a: {  	[sflag:s6] =	ssyncset.done $0x0  }
0x6b: {  	s31 =	rddreg [dreg:$0x7];
	[sflag:s6] =	ssyncadd.s32 $0xFFFFF9C0  }
0x6c: {  	[spmem:s31] =	stream.linear.scatter [tilespmem:s1], [sflag:$0x13], $0x640, $0x38;
	[tilespmem:$0x1E460] =	vst v63  }
0x6d: {  	_ =	swait.ge [sflag:s6], $0x640  }
0x6e: {  	[sflag:s6] =	ssyncset.done $0x0  }
0x6f: {  	s4 =	rddreg [dreg:$0x8];
	[sflag:s6] =	ssyncadd.s32 $0xFFFFF9C0  }
0x70: {  	[spmem:s4] =	stream.linear.scatter [tilespmem:s1], [sflag:$0x13], $0x640, $0x38;
	[tilespmem:$0x1E460] =	vst v63  }
0x71: {  	_ =	swait.ge [sflag:s6], $0x640  }
0x72: {  	[sflag:s6] =	ssyncset.done $0x0  }
0x73: {  	s17 =	rddreg [dreg:$0x9];
	[sflag:s6] =	ssyncadd.s32 $0xFFFFF9C0  }
0x74: {  	[spmem:s17] =	stream.linear.scatter [tilespmem:s1], [sflag:$0x13], $0x640, $0x38;
	[tilespmem:$0x1E460] =	vst v63  }
0x75: {  	_ =	swait.ge [sflag:s6], $0x640  }
0x76: {  	[sflag:s6] =	ssyncset.done $0x0  }
0x77: {  	s23 =	rddreg [dreg:$0xa];
	[sflag:s6] =	ssyncadd.s32 $0xFFFFF9C0  }
0x78: {  	[spmem:s23] =	stream.linear.scatter [tilespmem:s1], [sflag:$0x13], $0x640, $0x38;
	[tilespmem:$0x1E460] =	vst v63  }
0x79: {  	_ =	swait.ge [sflag:s6], $0x640  }
0x7a: {  	[sflag:s6] =	ssyncset.done $0x0  }
0x7b: {  	s28 =	rddreg [dreg:$0xb];
	[sflag:s6] =	ssyncadd.s32 $0xFFFFF9C0  }
0x7c: {  	[spmem:s28] =	stream.linear.scatter [tilespmem:s1], [sflag:$0x13], $0x640, $0x38;
	[tilespmem:$0x1E460] =	vst v63  }
0x7d: {  	_ =	swait.ge [sflag:s6], $0x640  }
0x7e: {  	[sflag:s6] =	ssyncset.done $0x0  }
0x7f: {  	s30 =	rddreg [dreg:$0xc];
	[sflag:s6] =	ssyncadd.s32 $0xFFFFF9C0  }
0x80: {  	[spmem:s30] =	stream.linear.scatter [tilespmem:s1], [sflag:$0x13], $0x640, $0x38;
	[tilespmem:$0x1E460] =	vst v63  }
0x81: {  	_ =	swait.ge [sflag:s6], $0x640  }
0x82: {  	[sflag:s6] =	ssyncset.done $0x0  }
0x83: {  	s31 =	rddreg [dreg:$0xd];
	[sflag:s6] =	ssyncadd.s32 $0xFFFFF9C0  }
0x84: {  	[spmem:s31] =	stream.linear.scatter [tilespmem:s1], [sflag:$0x13], $0x640, $0x38;
	[tilespmem:$0x1E460] =	vst v63  }
0x85: {  	_ =	swait.ge [sflag:s6], $0x640  }
0x86: {  	[sflag:s6] =	ssyncset.done $0x0  }
0x87: {  	s4 =	rddreg [dreg:$0xe];
	[sflag:s6] =	ssyncadd.s32 $0xFFFFF9C0  }
0x88: {  	[spmem:s4] =	stream.linear.scatter [tilespmem:s1], [sflag:$0x13], $0x640, $0x38;
	[tilespmem:$0x1E460] =	vst v63  }
0x89: {  	_ =	swait.ge [sflag:s6], $0x640  }
0x8a: {  	[sflag:s6] =	ssyncset.done $0x0  }
0x8b: {  	s17 =	rddreg [dreg:$0xf];
	[sflag:s6] =	ssyncadd.s32 $0xFFFFF9C0  }
0x8c: {  	[spmem:s17] =	stream.linear.scatter [tilespmem:s1], [sflag:$0x13], $0x640, $0x38;
	[tilespmem:$0x1E460] =	vst v63  }
0x8d: {  	_ =	swait.ge [sflag:s6], $0x640  }
0x8e: {  	[sflag:s6] =	ssyncset.done $0x0  }
0x8f: {  	s23 =	rddreg [dreg:$0x10];
	[sflag:s6] =	ssyncadd.s32 $0xFFFFF9C0  }
0x90: {  	[spmem:s23] =	stream.linear.scatter [tilespmem:s1], [sflag:$0x13], $0x640, $0x38;
	[tilespmem:$0x1E460] =	vst v63  }
0x91: {  	_ =	swait.ge [sflag:s6], $0x640  }
0x92: {  	[sflag:s6] =	ssyncset.done $0x0  }
0x93: {  	s28 =	rddreg [dreg:$0x11];
	[sflag:s6] =	ssyncadd.s32 $0xFFFFF9C0  }
0x94: {  	[spmem:s28] =	stream.linear.scatter [tilespmem:s1], [sflag:$0x13], $0x640, $0x38;
	[tilespmem:$0x1E460] =	vst v63  }
0x95: {  	_ =	swait.ge [sflag:s6], $0x640  }
0x96: {  	[sflag:s6] =	ssyncset.done $0x0  }
0x97: {  	s30 =	rddreg [dreg:$0x12];
	[sflag:s6] =	ssyncadd.s32 $0xFFFFF9C0  }
0x98: {  	[spmem:s30] =	stream.linear.scatter [tilespmem:s1], [sflag:$0x13], $0x640, $0x38;
	[tilespmem:$0x1E460] =	vst v63  }
0x99: {  	_ =	swait.ge [sflag:s6], $0x640  }
0x9a: {  	[sflag:s6] =	ssyncset.done $0x0  }
0x9b: {  	s31 =	rddreg [dreg:$0x13];
	[sflag:s6] =	ssyncadd.s32 $0xFFFFF9C0  }
0x9c: {  	[spmem:s31] =	stream.linear.scatter [tilespmem:s1], [sflag:$0x13], $0x640, $0x38;
	[tilespmem:$0x1E460] =	vst v63  }
0x9d: {  	_ =	swait.ge [sflag:s6], $0x640  }
0x9e: {  	[sflag:s6] =	ssyncset.done $0x0  }
0x9f: {  	s4 =	rddreg [dreg:$0x14];
	[sflag:s6] =	ssyncadd.s32 $0xFFFFF9C0  }
0xa0: {  	[spmem:s4] =	stream.linear.scatter [tilespmem:s1], [sflag:$0x13], $0x640, $0x38;
	[tilespmem:$0x1E460] =	vst v63  }
0xa1: {  	_ =	swait.ge [sflag:s6], $0x640  }
0xa2: {  	[sflag:s6] =	ssyncset.done $0x0  }
0xa3: {  	s17 =	rddreg [dreg:$0x15];
	[sflag:s6] =	ssyncadd.s32 $0xFFFFF9C0  }
0xa4: {  	[spmem:s17] =	stream.linear.scatter [tilespmem:s1], [sflag:$0x13], $0x640, $0x38;
	[tilespmem:$0x1E460] =	vst v63  }
0xa5: {  	_ =	swait.ge [sflag:s6], $0x640  }
0xa6: {  	[sflag:s6] =	ssyncset.done $0x0  }
0xa7: {  	s23 =	rddreg [dreg:$0x16];
	[sflag:s6] =	ssyncadd.s32 $0xFFFFF9C0  }
0xa8: {  	[spmem:s23] =	stream.linear.scatter [tilespmem:s1], [sflag:$0x13], $0x640, $0x38;
	[tilespmem:$0x1E460] =	vst v63  }
0xa9: {  	_ =	swait.ge [sflag:s6], $0x640  }
0xaa: {  	[sflag:s6] =	ssyncset.done $0x0  }
0xab: {  	s28 =	rddreg [dreg:$0x17];
	[sflag:s6] =	ssyncadd.s32 $0xFFFFF9C0  }
0xac: {  	[spmem:s28] =	stream.linear.scatter [tilespmem:s1], [sflag:$0x13], $0x640, $0x38;
	[tilespmem:$0x1E460] =	vst v63  }
0xad: {  	_ =	swait.ge [sflag:s6], $0x640  }
0xae: {  	[sflag:s6] =	ssyncset.done $0x0  }
0xaf: {  	s30 =	rddreg [dreg:$0x18];
	[sflag:s6] =	ssyncadd.s32 $0xFFFFF9C0  }
0xb0: {  	[spmem:s30] =	stream.linear.scatter [tilespmem:s1], [sflag:$0x13], $0x640, $0x38;
	[tilespmem:$0x1E460] =	vst v63  }
0xb1: {  	_ =	swait.ge [sflag:s6], $0x640  }
0xb2: {  	[sflag:s6] =	ssyncset.done $0x0  }
0xb3: {  	s31 =	rddreg [dreg:$0x19];
	[sflag:s6] =	ssyncadd.s32 $0xFFFFF9C0  }
0xb4: {  	[spmem:s31] =	stream.linear.scatter [tilespmem:s1], [sflag:$0x13], $0x640, $0x38;
	[tilespmem:$0x1E460] =	vst v63  }
0xb5: {  	_ =	swait.ge [sflag:s6], $0x640  }
0xb6: {  	[sflag:s6] =	ssyncset.done $0x0  }
0xb7: {  	s4 =	rddreg [dreg:$0x1a];
	[sflag:s6] =	ssyncadd.s32 $0xFFFFF9C0  }
0xb8: {  	[spmem:s4] =	stream.linear.scatter [tilespmem:s1], [sflag:$0x13], $0x640, $0x38;
	[tilespmem:$0x1E460] =	vst v63  }
0xb9: {  	_ =	swait.ge [sflag:s6], $0x640  }
0xba: {  	[sflag:s6] =	ssyncset.done $0x0  }
0xbb: {  	s17 =	rddreg [dreg:$0x1b];
	[sflag:s6] =	ssyncadd.s32 $0xFFFFF9C0  }
0xbc: {  	[spmem:s17] =	stream.linear.scatter [tilespmem:s1], [sflag:$0x13], $0x640, $0x38;
	[tilespmem:$0x1E460] =	vst v63  }
0xbd: {  	_ =	swait.ge [sflag:s6], $0x640  }
0xbe: {  	[sflag:s6] =	ssyncset.done $0x0  }
0xbf: {  	s23 =	rddreg [dreg:$0x1c];
	[sflag:s6] =	ssyncadd.s32 $0xFFFFF9C0  }
0xc0: {  	[spmem:s23] =	stream.linear.scatter [tilespmem:s1], [sflag:$0x13], $0x640, $0x38;
	[tilespmem:$0x1E460] =	vst v63  }
0xc1: {  	_ =	swait.ge [sflag:s6], $0x640  }
0xc2: {  	[sflag:s6] =	ssyncset.done $0x0  }
0xc3: {  	s28 =	simm.s32 $0x0;
	s30 =	rddreg [dreg:$0x1d];
	[sflag:s6] =	ssyncadd.s32 $0xFFFFF9C0  }
0xc4: {  	[tilespmem:s28], [sflag:$0x13] =	stream.linear.gather [hbm4b:s30+s28], $0x4E20, $0x38;
	[tilespmem:$0x1E460] =	vst v63  }
0xc5: {  	_ =	swait.ge [sflag:s6], $0x4E20  }
0xc6: {  	[sflag:s6] =	ssyncset.done $0x0  }
.Ltmp1:
0xc7: {  	s31 =	rddreg [dreg:$0x1e];
	[sflag:s6] =	ssyncadd.s32 $0xFFFFB1E0;
	(pc) =	sbr.rel @!p0 .LBB2_4-.Ltmp1, $4  }
0xc8: {  	[tilespmem:s7], [sflag:$0x13] =	stream.linear.gather [hbm4b:s31+s28], $0x4E20, $0x38;
	[tilespmem:$0x1E460] =	vst v63  }
0xc9: {  	_ =	swait.ge [sflag:s6], $0x4E20  }
0xca: {  	[sflag:s6] =	ssyncset.done $0x0  }
0xcb: {  	[sflag:s6] =	ssyncadd.s32 $0xFFFFB1E0  }
0xcc: {  	s0 =	simm.s32 $0x40;
	s1 =	simm.s32 $0x0  }
.LBB2_8:
0xcd: {  	p2 =	sne.s32 s0, $0x13C0;
	[tilespmem:s1+$0x1B6C0] =	vst v1;
	s1 =	smov.u32 s0;
	s0 =	sadd.s32 $0x40, s0  }
.Ltmp2:
0xce: {  	(pc) =	sbr.rel @p2 .LBB2_8-.Ltmp2, $2  }
0xcf: {  	_ =	sdelay $0x2  }
0xd0: {  	s1 =	sshra.s32 s1, $0x2  }
0xd1: {  	[tilespmem:s1+$0x1B6C0] =	vst v1  }
0xd2: {  	[tilespmem:$0x1BBC0] =	vst v0  }
0xd3: {  	[tilespmem:$0x1BBD0] =	vst v0  }
0xd4: {  	[tilespmem:$0x1BBE0] =	vst v0  }
0xd5: {  	[tilespmem:$0x1BBF0] =	vst v0  }
0xd6: {  	[tilespmem:$0x1BC00] =	vst v0  }
0xd7: {  	[tilespmem:$0x1BC10] =	vst v0  }
0xd8: {  	[tilespmem:$0x1BC20] =	vst v0  }
0xd9: {  	[tilespmem:$0x1BC30] =	vst v0  }
0xda: {  	[tilespmem:$0x1BC40] =	vst v0  }
0xdb: {  	[tilespmem:$0x1BC50] =	vst v0  }
0xdc: {  	[tilespmem:$0x1BC60] =	vst v0  }
0xdd: {  	[tilespmem:$0x1BC70] =	vst v0  }
0xde: {  	[tilespmem:$0x1BC80] =	vst v0  }
0xdf: {  	[tilespmem:$0x1BC90] =	vst v0  }
0xe0: {  	[tilespmem:$0x1BCA0] =	vst v0  }
0xe1: {  	[tilespmem:$0x1BCB0] =	vst v0  }
0xe2: {  	[tilespmem:$0x1BCC0] =	vst v0  }
0xe3: {  	[tilespmem:$0x1BCD0] =	vst v0  }
0xe4: {  	[tilespmem:$0x1BCE0] =	vst v0  }
0xe5: {  	[tilespmem:$0x1BCF0] =	vst v0  }
0xe6: {  	[tilespmem:$0x1BD00] =	vst v0  }
0xe7: {  	[tilespmem:$0x1BD10] =	vst v0  }
0xe8: {  	[tilespmem:$0x1BD20] =	vst v0  }
0xe9: {  	[tilespmem:$0x1BD30] =	vst v0  }
0xea: {  	s0 =	rddreg [dreg:$0x1f];
	s1 =	simm.s32 $0x1BBC0;
	[tilespmem:$0x1BD40] =	vst v0  }
0xeb: {  	[spmem:s0] =	stream.linear.scatter [tilespmem:s1], [sflag:$0x13], $0x190, $0x38;
	[tilespmem:$0x1E460] =	vst v63  }
0xec: {  	_ =	swait.ge [sflag:s6], $0x190  }
0xed: {  	s17 =	sld [smem:$0x7DE]  }
0xee: {  	[sflag:s6] =	ssyncset.done $0x0  }
0xef: {  	[sflag:s6] =	ssyncadd.s32 $0xFFFFFE70  }
0xf0: {  	[spmem:s17] =	stream.linear.scatter [tilespmem:s1], [sflag:$0x13], $0x190, $0x38;
	[tilespmem:$0x1E460] =	vst v63  }
0xf1: {  	_ =	swait.ge [sflag:s6], $0x190  }
0xf2: {  	s23 =	sld [smem:$0x7DF]  }
0xf3: {  	[sflag:s6] =	ssyncset.done $0x0  }
0xf4: {  	[sflag:s6] =	ssyncadd.s32 $0xFFFFFE70  }
0xf5: {  	[spmem:s23] =	stream.linear.scatter [tilespmem:s1], [sflag:$0x13], $0x190, $0x38;
	[tilespmem:$0x1E460] =	vst v63  }
0xf6: {  	_ =	swait.ge [sflag:s6], $0x190  }
0xf7: {  	s28 =	sld [smem:$0x7E0]  }
0xf8: {  	[sflag:s6] =	ssyncset.done $0x0  }
0xf9: {  	[sflag:s6] =	ssyncadd.s32 $0xFFFFFE70  }
0xfa: {  	[spmem:s28] =	stream.linear.scatter [tilespmem:s1], [sflag:$0x13], $0x190, $0x38;
	[tilespmem:$0x1E460] =	vst v63  }
0xfb: {  	_ =	swait.ge [sflag:s6], $0x190  }
0xfc: {  	s30 =	sld [smem:$0x7E1]  }
0xfd: {  	[sflag:s6] =	ssyncset.done $0x0  }
0xfe: {  	[sflag:s6] =	ssyncadd.s32 $0xFFFFFE70  }
0xff: {  	[spmem:s30] =	stream.linear.scatter [tilespmem:s1], [sflag:$0x13], $0x190, $0x38;
	[tilespmem:$0x1E460] =	vst v63  }
0x100: {  	_ =	swait.ge [sflag:s6], $0x190  }
0x101: {  	s31 =	sld [smem:$0x7E2]  }
0x102: {  	[sflag:s6] =	ssyncset.done $0x0  }
0x103: {  	[sflag:s6] =	ssyncadd.s32 $0xFFFFFE70  }
0x104: {  	[spmem:s31] =	stream.linear.scatter [tilespmem:s1], [sflag:$0x13], $0x190, $0x38;
	[tilespmem:$0x1E460] =	vst v63  }
0x105: {  	_ =	swait.ge [sflag:s6], $0x190  }
0x106: {  	s4 =	sld [smem:$0x7E3]  }
0x107: {  	[sflag:s6] =	ssyncset.done $0x0  }
0x108: {  	[sflag:s6] =	ssyncadd.s32 $0xFFFFFE70  }
0x109: {  	[spmem:s4] =	stream.linear.scatter [tilespmem:s1], [sflag:$0x13], $0x190, $0x38;
	[tilespmem:$0x1E460] =	vst v63  }
0x10a: {  	_ =	swait.ge [sflag:s6], $0x190  }
0x10b: {  	s17 =	sld [smem:$0x7E4]  }
0x10c: {  	[sflag:s6] =	ssyncset.done $0x0  }
0x10d: {  	[sflag:s6] =	ssyncadd.s32 $0xFFFFFE70  }
0x10e: {  	[spmem:s17] =	stream.linear.scatter [tilespmem:s1], [sflag:$0x13], $0x190, $0x38;
	[tilespmem:$0x1E460] =	vst v63  }
0x10f: {  	_ =	swait.ge [sflag:s6], $0x190  }
0x110: {  	s23 =	sld [smem:$0x7E5]  }
0x111: {  	[sflag:s6] =	ssyncset.done $0x0  }
0x112: {  	[sflag:s6] =	ssyncadd.s32 $0xFFFFFE70  }
0x113: {  	[spmem:s23] =	stream.linear.scatter [tilespmem:s1], [sflag:$0x13], $0x190, $0x38;
	[tilespmem:$0x1E460] =	vst v63  }
0x114: {  	_ =	swait.ge [sflag:s6], $0x190  }
0x115: {  	s28 =	sld [smem:$0x7E6]  }
0x116: {  	[sflag:s6] =	ssyncset.done $0x0  }
0x117: {  	[sflag:s6] =	ssyncadd.s32 $0xFFFFFE70  }
0x118: {  	[spmem:s28] =	stream.linear.scatter [tilespmem:s1], [sflag:$0x13], $0x190, $0x38;
	[tilespmem:$0x1E460] =	vst v63  }
0x119: {  	_ =	swait.ge [sflag:s6], $0x190  }
0x11a: {  	s30 =	sld [smem:$0x7E7]  }
0x11b: {  	[sflag:s6] =	ssyncset.done $0x0  }
0x11c: {  	[sflag:s6] =	ssyncadd.s32 $0xFFFFFE70  }
0x11d: {  	[spmem:s30] =	stream.linear.scatter [tilespmem:s1], [sflag:$0x13], $0x190, $0x38;
	[tilespmem:$0x1E460] =	vst v63  }
0x11e: {  	_ =	swait.ge [sflag:s6], $0x190  }
0x11f: {  	s31 =	sld [smem:$0x7E8]  }
0x120: {  	[sflag:s6] =	ssyncset.done $0x0  }
0x121: {  	[sflag:s6] =	ssyncadd.s32 $0xFFFFFE70  }
0x122: {  	[spmem:s31] =	stream.linear.scatter [tilespmem:s1], [sflag:$0x13], $0x190, $0x38;
	[tilespmem:$0x1E460] =	vst v63  }
0x123: {  	_ =	swait.ge [sflag:s6], $0x190  }
0x124: {  	s4 =	sld [smem:$0x7E9]  }
0x125: {  	[sflag:s6] =	ssyncset.done $0x0  }
0x126: {  	[sflag:s6] =	ssyncadd.s32 $0xFFFFFE70  }
0x127: {  	[spmem:s4] =	stream.linear.scatter [tilespmem:s1], [sflag:$0x13], $0x190, $0x38;
	[tilespmem:$0x1E460] =	vst v63  }
0x128: {  	_ =	swait.ge [sflag:s6], $0x190  }
0x129: {  	s17 =	sld [smem:$0x7EA]  }
0x12a: {  	[sflag:s6] =	ssyncset.done $0x0  }
0x12b: {  	[sflag:s6] =	ssyncadd.s32 $0xFFFFFE70  }
0x12c: {  	[spmem:s17] =	stream.linear.scatter [tilespmem:s1], [sflag:$0x13], $0x190, $0x38;
	[tilespmem:$0x1E460] =	vst v63  }
0x12d: {  	_ =	swait.ge [sflag:s6], $0x190  }
0x12e: {  	s23 =	sld [smem:$0x7EB]  }
0x12f: {  	[sflag:s6] =	ssyncset.done $0x0  }
0x130: {  	[sflag:s6] =	ssyncadd.s32 $0xFFFFFE70  }
0x131: {  	[spmem:s23] =	stream.linear.scatter [tilespmem:s1], [sflag:$0x13], $0x190, $0x38;
	[tilespmem:$0x1E460] =	vst v63  }
0x132: {  	_ =	swait.ge [sflag:s6], $0x190  }
0x133: {  	s28 =	sld [smem:$0x7EC]  }
0x134: {  	[sflag:s6] =	ssyncset.done $0x0  }
0x135: {  	[sflag:s6] =	ssyncadd.s32 $0xFFFFFE70  }
0x136: {  	[spmem:s28] =	stream.linear.scatter [tilespmem:s1], [sflag:$0x13], $0x190, $0x38;
	[tilespmem:$0x1E460] =	vst v63  }
0x137: {  	_ =	swait.ge [sflag:s6], $0x190  }
0x138: {  	s30 =	sld [smem:$0x7ED]  }
0x139: {  	[sflag:s6] =	ssyncset.done $0x0  }
0x13a: {  	[sflag:s6] =	ssyncadd.s32 $0xFFFFFE70  }
0x13b: {  	[spmem:s30] =	stream.linear.scatter [tilespmem:s1], [sflag:$0x13], $0x190, $0x38;
	[tilespmem:$0x1E460] =	vst v63  }
0x13c: {  	_ =	swait.ge [sflag:s6], $0x190  }
0x13d: {  	s31 =	sld [smem:$0x7EE]  }
0x13e: {  	[sflag:s6] =	ssyncset.done $0x0  }
0x13f: {  	[sflag:s6] =	ssyncadd.s32 $0xFFFFFE70  }
0x140: {  	[spmem:s31] =	stream.linear.scatter [tilespmem:s1], [sflag:$0x13], $0x190, $0x38;
	[tilespmem:$0x1E460] =	vst v63  }
0x141: {  	_ =	swait.ge [sflag:s6], $0x190  }
0x142: {  	s4 =	sld [smem:$0x7EF]  }
0x143: {  	[sflag:s6] =	ssyncset.done $0x0  }
0x144: {  	[sflag:s6] =	ssyncadd.s32 $0xFFFFFE70  }
0x145: {  	[spmem:s4] =	stream.linear.scatter [tilespmem:s1], [sflag:$0x13], $0x190, $0x38;
	[tilespmem:$0x1E460] =	vst v63  }
0x146: {  	_ =	swait.ge [sflag:s6], $0x190  }
0x147: {  	s17 =	sld [smem:$0x7F0]  }
0x148: {  	[sflag:s6] =	ssyncset.done $0x0  }
0x149: {  	[sflag:s6] =	ssyncadd.s32 $0xFFFFFE70  }
0x14a: {  	[spmem:s17] =	stream.linear.scatter [tilespmem:s1], [sflag:$0x13], $0x190, $0x38;
	[tilespmem:$0x1E460] =	vst v63  }
0x14b: {  	_ =	swait.ge [sflag:s6], $0x190  }
0x14c: {  	s23 =	sld [smem:$0x7F1]  }
0x14d: {  	[sflag:s6] =	ssyncset.done $0x0  }
0x14e: {  	[sflag:s6] =	ssyncadd.s32 $0xFFFFFE70  }
0x14f: {  	[spmem:s23] =	stream.linear.scatter [tilespmem:s1], [sflag:$0x13], $0x190, $0x38;
	[tilespmem:$0x1E460] =	vst v63  }
0x150: {  	_ =	swait.ge [sflag:s6], $0x190  }
0x151: {  	s28 =	sld [smem:$0x7F2]  }
0x152: {  	[sflag:s6] =	ssyncset.done $0x0  }
0x153: {  	[sflag:s6] =	ssyncadd.s32 $0xFFFFFE70  }
0x154: {  	[spmem:s28] =	stream.linear.scatter [tilespmem:s1], [sflag:$0x13], $0x190, $0x38;
	[tilespmem:$0x1E460] =	vst v63  }
0x155: {  	_ =	swait.ge [sflag:s6], $0x190  }
0x156: {  	s30 =	sld [smem:$0x7F3]  }
0x157: {  	[sflag:s6] =	ssyncset.done $0x0  }
0x158: {  	[sflag:s6] =	ssyncadd.s32 $0xFFFFFE70  }
0x159: {  	[spmem:s30] =	stream.linear.scatter [tilespmem:s1], [sflag:$0x13], $0x190, $0x38;
	[tilespmem:$0x1E460] =	vst v63  }
0x15a: {  	_ =	swait.ge [sflag:s6], $0x190  }
0x15b: {  	s31 =	sld [smem:$0x7F4]  }
0x15c: {  	[sflag:s6] =	ssyncset.done $0x0  }
0x15d: {  	[sflag:s6] =	ssyncadd.s32 $0xFFFFFE70  }
0x15e: {  	[spmem:s31] =	stream.linear.scatter [tilespmem:s1], [sflag:$0x13], $0x190, $0x38;
	[tilespmem:$0x1E460] =	vst v63  }
0x15f: {  	_ =	swait.ge [sflag:s6], $0x190  }
0x160: {  	s4 =	sld [smem:$0x7F5]  }
0x161: {  	[sflag:s6] =	ssyncset.done $0x0  }
0x162: {  	[sflag:s6] =	ssyncadd.s32 $0xFFFFFE70  }
0x163: {  	[spmem:s4] =	stream.linear.scatter [tilespmem:s1], [sflag:$0x13], $0x190, $0x38;
	[tilespmem:$0x1E460] =	vst v63  }
0x164: {  	_ =	swait.ge [sflag:s6], $0x190  }
0x165: {  	[sflag:s6] =	ssyncset.done $0x0  }
0x166: {  	[sflag:s6] =	ssyncadd.s32 $0xFFFFFE70  }
0x167: {  	s17 =	simm.s32 $0x0;
	[bflag:$0x0] =	sbarrier.arrive $0xFFFF  }
0x168: {  	[tilespmem:s11], [sflag:$0x1] =	stream.indirect.gather [hbm4b:s5+s14], $0x40, s17, s14, $0xb8;
	[tilespmem:$0x1E460] =	vst v63  }
0x169: {  	_ = 	snop  }
0x16a: {  	[tilespmem:s15], [sflag:$0x2] =	stream.indirect.gather [hbm4b:s5+s14], $0x40, s14, s14, $0xb8;
	[tilespmem:$0x1E460] =	vst v63  }
0x16b: {  	s23 =	simm.s32 $0xA0  }
0x16c: {  	[tilespmem:s19], [sflag:$0x3] =	stream.indirect.gather [hbm4b:s5+s14], $0x40, s23, s14, $0xb8;
	[tilespmem:$0x1E460] =	vst v63  }
0x16d: {  	_ =	swait.ge [sflag:s13], $0x1400  }
0x16e: {  	[sflag:s13] =	ssyncset.done $0x0  }
0x16f: {  	[sflag:s13] =	ssyncadd.s32 $0xFFFFEC00  }
0x170: {  	[spmem:s20] =	stream.indirect.scatter.add.f32 [tilespmem:s11], [sflag:$0x7], $0x40, s7, s14, $0xb8;
	[tilespmem:$0x1E460] =	vst v63  }
0x171: {  	s28 =	simm.s32 $0x1B6C0  }
0x172: {  	[spmem:s3] =	stream.indirect.scatter.add.f32 [tilespmem:s28], [sflag:$0xD], $0x10, s7, s14, $0xb8;
	[tilespmem:$0x1E460] =	vst v63  }
0x173: {  	s30 =	simm.s32 $0xF0  }
0x174: {  	[tilespmem:s16], [sflag:$0x4] =	stream.indirect.gather [hbm4b:s5+s14], $0x40, s30, s14, $0xb8;
	[tilespmem:$0x1E460] =	vst v63  }
0x175: {  	_ =	swait.ge [sflag:s2], $0x1400  }
.Ltmp3:
0x176: {  	[sflag:s2] =	ssyncset.done $0x0;
	(pc) =	sbr.rel .LBB2_10-.Ltmp3, $4  }
0x177: {  	s31 =	simm.s32 $0x4E70;
	[sflag:s2] =	ssyncadd.s32 $0xFFFFEC00  }
0x178: {  	[spmem:s20] =	stream.indirect.scatter.add.f32 [tilespmem:s15], [sflag:$0x8], $0x40, s31, s14, $0xb8;
	[tilespmem:$0x1E460] =	vst v63  }
0x179: {  	_ = 	snop  }
0x17a: {  	[spmem:s3] =	stream.indirect.scatter.add.f32 [tilespmem:s28], [sflag:$0xE], $0x10, s31, s14, $0xb8;
	[tilespmem:$0x1E460] =	vst v63  }
.LBB2_4:
0x17b: {  	s0 =	simm.s32 $0x0  }
0x17c: {  	v5 =	vld [tilespmem:s0+$0x0]  }
0x17d: {  	v4 =	vld [tilespmem:s0+$0x10]  }
0x17e: {  	v3 =	vld [tilespmem:s0+$0x20]  }
0x17f: {  	s1 =	simm.s32 $0x140;
	v2 =	vld [tilespmem:s0+$0x30]  }
.LBB2_5:
0x180: {  	p2 =	seq.s32 s1, $0x13740;
	v6 =	vld [tilespmem:s0+$0x40]  }
0x181: {  	v5 =	vadd.s32 $0x1, v5  }
.Ltmp4:
0x182: {  	s4 =	sshra.s32 s1, $0x2;
	[tilespmem:s0+$0x0] =	vst v5;
	v4 =	vadd.s32 $0x1, v4;
	(pc) =	sbr.rel @!p2 .LBB2_5-.Ltmp4, $4  }
0x183: {  	v5 =	vld [tilespmem:s4+$0x0];
	[tilespmem:s0+$0x10] =	vst v4;
	v3 =	vadd.s32 $0x1, v3  }
0x184: {  	v4 =	vld [tilespmem:s4+$0x10];
	[tilespmem:s0+$0x20] =	vst v3;
	v2 =	vadd.s32 $0x1, v2  }
0x185: {  	v3 =	vld [tilespmem:s4+$0x20];
	[tilespmem:s0+$0x30] =	vst v2;
	v6 =	vadd.s32 $0x1, v6  }
0x186: {  	s1 =	sadd.s32 $0x140, s1;
	v2 =	vld [tilespmem:s4+$0x30];
	[tilespmem:s0+$0x40] =	vst v6;
	s0 =	smov.u32 s4  }
0x187: {  	v6 =	vld [tilespmem:s0+$0x40]  }
0x188: {  	v5 =	vadd.s32 $0x1, v5  }
0x189: {  	[tilespmem:s0+$0x0] =	vst v5;
	v4 =	vadd.s32 $0x1, v4  }
0x18a: {  	[tilespmem:s0+$0x10] =	vst v4;
	v3 =	vadd.s32 $0x1, v3  }
0x18b: {  	[tilespmem:s0+$0x20] =	vst v3;
	v2 =	vadd.s32 $0x1, v2  }
0x18c: {  	[tilespmem:s0+$0x30] =	vst v2;
	v2 =	vadd.s32 $0x1, v6  }
0x18d: {  	[tilespmem:s0+$0x40] =	vst v2  }
0x18e: {  	s23 =	simm.s32 $0x0;
	[bflag:$0x0] =	sbarrier.arrive $0xFFFF  }
0x18f: {  	[tilespmem:s11], [sflag:$0x1] =	stream.indirect.gather [hbm4b:s5+s14], $0x40, s23, s14, $0xb8;
	[tilespmem:$0x1E460] =	vst v63  }
0x190: {  	_ = 	snop  }
0x191: {  	[tilespmem:s15], [sflag:$0x2] =	stream.indirect.gather [hbm4b:s5+s14], $0x40, s14, s14, $0xb8;
	[tilespmem:$0x1E460] =	vst v63  }
0x192: {  	s28 =	simm.s32 $0xA0  }
0x193: {  	[tilespmem:s19], [sflag:$0x3] =	stream.indirect.gather [hbm4b:s5+s14], $0x40, s28, s14, $0xb8;
	[tilespmem:$0x1E460] =	vst v63  }
0x194: {  	_ =	swait.ge [sflag:s13], $0x1400  }
0x195: {  	[sflag:s13] =	ssyncset.done $0x0  }
0x196: {  	[sflag:s13] =	ssyncadd.s32 $0xFFFFEC00  }
0x197: {  	[spmem:s20] =	stream.indirect.scatter.add.f32 [tilespmem:s11], [sflag:$0x7], $0x40, s7, s14, $0xb8;
	[tilespmem:$0x1E460] =	vst v63  }
0x198: {  	s30 =	simm.s32 $0xF0  }
0x199: {  	[tilespmem:s16], [sflag:$0x4] =	stream.indirect.gather [hbm4b:s5+s14], $0x40, s30, s14, $0xb8;
	[tilespmem:$0x1E460] =	vst v63  }
0x19a: {  	_ =	swait.ge [sflag:s2], $0x1400  }
0x19b: {  	[sflag:s2] =	ssyncset.done $0x0  }
0x19c: {  	s31 =	simm.s32 $0x4E70;
	[sflag:s2] =	ssyncadd.s32 $0xFFFFEC00  }
0x19d: {  	[spmem:s20] =	stream.indirect.scatter.add.f32 [tilespmem:s15], [sflag:$0x8], $0x40, s31, s14, $0xb8;
	[tilespmem:$0x1E460] =	vst v63  }
.LBB2_10:
0x19e: {  	s0 =	simm.s32 $0x140  }
0x19f: {  	[tilespmem:s18], [sflag:$0x5] =	stream.indirect.gather [hbm4b:s5+s14], $0x40, s0, s14, $0xb8;
	[tilespmem:$0x1E460] =	vst v63  }
0x1a0: {  	_ =	swait.ge [sflag:s21], $0x1400  }
0x1a1: {  	[sflag:s21] =	ssyncset.done $0x0  }
0x1a2: {  	s6 =	simm.s32 $0x4EC0;
	[sflag:s21] =	ssyncadd.s32 $0xFFFFEC00  }
0x1a3: {  	[spmem:s20] =	stream.indirect.scatter.add.f32 [tilespmem:s19], [sflag:$0x9], $0x40, s6, s14, $0xb8;
	[tilespmem:$0x1E460] =	vst v63  }
0x1a4: {  	s30 =	simm.s32 @!p1 $0x50;
	s4 =	simm.s32 @!p1 $0x1B6C0;
	s0 =	simm.s32 @!p1 $0x4EC0  }
0x1a5: {  	[spmem:s3] =	stream.indirect.scatter.add.f32 @!p1 [tilespmem:s4], [sflag:$0xF], $0x10, s0, s30, $0xb8;
	[tilespmem:$0x1E460] =	vst v63  }
0x1a6: {  	s7 =	simm.s32 $0x190  }
0x1a7: {  	[tilespmem:s10], [sflag:$0x6] =	stream.indirect.gather [hbm4b:s5+s14], $0x40, s7, s14, $0xb8;
	[tilespmem:$0x1E460] =	vst v63  }
0x1a8: {  	_ =	swait.ge [sflag:s8], $0x1400  }
0x1a9: {  	[sflag:s8] =	ssyncset.done $0x0  }
0x1aa: {  	s1 =	simm.s32 @p1 $0x7;
	s0 =	simm.s32 $0x4F10;
	[sflag:s8] =	ssyncadd.s32 $0xFFFFEC00  }
0x1ab: {  	[spmem:s20] =	stream.indirect.scatter.add.f32 [tilespmem:s16], [sflag:$0xA], $0x40, s0, s14, $0xb8;
	[tilespmem:$0x1E460] =	vst v63  }
0x1ac: {  	_ =	swait.ge @p1 [sflag:s1], $0x1400  }
0x1ad: {  	[sflag:s1] =	ssyncset.done @p1 $0x0  }
0x1ae: {  	[sflag:s1] =	ssyncadd.s32 @p1 $0xFFFFEC00;
	s1 =	simm.s32 @!p1 $0x7  }
0x1af: {  	[spmem:s3] =	stream.indirect.scatter.add.f32 @!p1 [tilespmem:s4], [sflag:$0x10], $0x10, s0, s30, $0xb8;
	[tilespmem:$0x1E460] =	vst v63  }
0x1b0: {  	_ =	swait.ge @!p1 [sflag:s1], $0x1400  }
0x1b1: {  	[sflag:s1] =	ssyncset.done @!p1 $0x0  }
0x1b2: {  	s0 =	simm.s32 @!p1 $0xD;
	[sflag:s1] =	ssyncadd.s32 @!p1 $0xFFFFEC00  }
0x1b3: {  	_ =	swait.ge @!p1 [sflag:s0], $0x500  }
0x1b4: {  	[sflag:s0] =	ssyncset.done @!p1 $0x0  }
0x1b5: {  	s8 =	simm.s32 $0x1E0;
	[sflag:s0] =	ssyncadd.s32 @!p1 $0xFFFFFB00  }
0x1b6: {  	[tilespmem:s11], [sflag:$0x1] =	stream.indirect.gather [hbm4b:s5+s14], $0x40, s8, s14, $0xb8;
	[tilespmem:$0x1E460] =	vst v63  }
0x1b7: {  	_ =	swait.ge [sflag:s9], $0x1400  }
0x1b8: {  	[sflag:s9] =	ssyncset.done $0x0  }
0x1b9: {  	s6 =	simm.s32 $0x4F60;
	s0 =	simm.s32 @p1 $0x8;
	[sflag:s9] =	ssyncadd.s32 $0xFFFFEC00  }
0x1ba: {  	[spmem:s20] =	stream.indirect.scatter.add.f32 [tilespmem:s18], [sflag:$0xB], $0x40, s6, s14, $0xb8;
	[tilespmem:$0x1E460] =	vst v63  }
0x1bb: {  	_ =	swait.ge @p1 [sflag:s0], $0x1400  }
0x1bc: {  	[sflag:s0] =	ssyncset.done @p1 $0x0  }
0x1bd: {  	[sflag:s0] =	ssyncadd.s32 @p1 $0xFFFFEC00;
	s0 =	simm.s32 @!p1 $0x8  }
0x1be: {  	[spmem:s3] =	stream.indirect.scatter.add.f32 @!p1 [tilespmem:s4], [sflag:$0x11], $0x10, s6, s30, $0xb8;
	[tilespmem:$0x1E460] =	vst v63  }
0x1bf: {  	_ =	swait.ge @!p1 [sflag:s0], $0x1400  }
0x1c0: {  	[sflag:s0] =	ssyncset.done @!p1 $0x0  }
0x1c1: {  	[sflag:s0] =	ssyncadd.s32 @!p1 $0xFFFFEC00;
	s0 =	simm.s32 @!p1 $0xE  }
0x1c2: {  	_ =	swait.ge @!p1 [sflag:s0], $0x500  }
0x1c3: {  	[sflag:s0] =	ssyncset.done @!p1 $0x0  }
0x1c4: {  	s17 =	simm.s32 $0x230;
	[sflag:s0] =	ssyncadd.s32 @!p1 $0xFFFFFB00  }
0x1c5: {  	[tilespmem:s15], [sflag:$0x2] =	stream.indirect.gather [hbm4b:s5+s14], $0x40, s17, s14, $0xb8;
	[tilespmem:$0x1E460] =	vst v63  }
0x1c6: {  	_ =	swait.ge [sflag:s12], $0x1400  }
0x1c7: {  	[sflag:s12] =	ssyncset.done $0x0  }
0x1c8: {  	s6 =	simm.s32 $0x4FB0;
	s0 =	simm.s32 @p1 $0x9;
	[sflag:s12] =	ssyncadd.s32 $0xFFFFEC00  }
0x1c9: {  	[spmem:s20] =	stream.indirect.scatter.add.f32 [tilespmem:s10], [sflag:$0xC], $0x40, s6, s14, $0xb8;
	[tilespmem:$0x1E460] =	vst v63  }
0x1ca: {  	_ =	swait.ge @p1 [sflag:s0], $0x1400  }
0x1cb: {  	[sflag:s0] =	ssyncset.done @p1 $0x0  }
0x1cc: {  	s12 =	simm.s32 @!p1 $0x9;
	[sflag:s0] =	ssyncadd.s32 @p1 $0xFFFFEC00  }
0x1cd: {  	[spmem:s3] =	stream.indirect.scatter.add.f32 @!p1 [tilespmem:s4], [sflag:$0x12], $0x10, s6, s30, $0xb8;
	[tilespmem:$0x1E460] =	vst v63  }
0x1ce: {  	_ =	swait.ge @!p1 [sflag:s12], $0x1400  }
0x1cf: {  	[sflag:s12] =	ssyncset.done @!p1 $0x0  }
0x1d0: {  	s6 =	simm.s32 @!p1 $0xF;
	[sflag:s12] =	ssyncadd.s32 @!p1 $0xFFFFEC00  }
0x1d1: {  	_ =	swait.ge @!p1 [sflag:s6], $0x500  }
0x1d2: {  	[sflag:s6] =	ssyncset.done @!p1 $0x0  }
0x1d3: {  	s23 =	simm.s32 $0x280;
	[sflag:s6] =	ssyncadd.s32 @!p1 $0xFFFFFB00  }
0x1d4: {  	[tilespmem:s19], [sflag:$0x3] =	stream.indirect.gather [hbm4b:s5+s14], $0x40, s23, s14, $0xb8;
	[tilespmem:$0x1E460] =	vst v63  }
0x1d5: {  	_ =	swait.ge [sflag:s13], $0x1400  }
0x1d6: {  	[sflag:s13] =	ssyncset.done $0x0  }
0x1d7: {  	s10 =	simm.s32 $0x5000;
	[sflag:s13] =	ssyncadd.s32 $0xFFFFEC00;
	s13 =	simm.s32 @p1 $0xA  }
0x1d8: {  	[spmem:s20] =	stream.indirect.scatter.add.f32 [tilespmem:s11], [sflag:$0x7], $0x40, s10, s14, $0xb8;
	[tilespmem:$0x1E460] =	vst v63  }
0x1d9: {  	_ =	swait.ge @p1 [sflag:s13], $0x1400  }
0x1da: {  	[sflag:s13] =	ssyncset.done @p1 $0x0  }
0x1db: {  	s28 =	simm.s32 @!p1 $0xA;
	[sflag:s13] =	ssyncadd.s32 @p1 $0xFFFFEC00  }
0x1dc: {  	[spmem:s3] =	stream.indirect.scatter.add.f32 @!p1 [tilespmem:s4], [sflag:$0xD], $0x10, s10, s30, $0xb8;
	[tilespmem:$0x1E460] =	vst v63  }
0x1dd: {  	_ =	swait.ge @!p1 [sflag:s28], $0x1400  }
0x1de: {  	[sflag:s28] =	ssyncset.done @!p1 $0x0  }
0x1df: {  	s10 =	simm.s32 @!p1 $0x10;
	[sflag:s28] =	ssyncadd.s32 @!p1 $0xFFFFEC00  }
0x1e0: {  	_ =	swait.ge @!p1 [sflag:s10], $0x500  }
0x1e1: {  	[sflag:s10] =	ssyncset.done @!p1 $0x0  }
0x1e2: {  	s31 =	simm.s32 $0x2D0;
	[sflag:s10] =	ssyncadd.s32 @!p1 $0xFFFFFB00  }
0x1e3: {  	[tilespmem:s16], [sflag:$0x4] =	stream.indirect.gather [hbm4b:s5+s14], $0x40, s31, s14, $0xb8;
	[tilespmem:$0x1E460] =	vst v63  }
0x1e4: {  	_ =	swait.ge [sflag:s2], $0x1400  }
0x1e5: {  	[sflag:s2] =	ssyncset.done $0x0  }
0x1e6: {  	s11 =	simm.s32 @p1 $0xB;
	s16 =	simm.s32 $0x5050;
	[sflag:s2] =	ssyncadd.s32 $0xFFFFEC00  }
0x1e7: {  	[spmem:s20] =	stream.indirect.scatter.add.f32 [tilespmem:s15], [sflag:$0x8], $0x40, s16, s14, $0xb8;
	[tilespmem:$0x1E460] =	vst v63  }
0x1e8: {  	_ =	swait.ge @p1 [sflag:s11], $0x1400  }
0x1e9: {  	[sflag:s11] =	ssyncset.done @p1 $0x0  }
0x1ea: {  	s15 =	simm.s32 @!p1 $0xB;
	[sflag:s11] =	ssyncadd.s32 @p1 $0xFFFFEC00  }
0x1eb: {  	[spmem:s3] =	stream.indirect.scatter.add.f32 @!p1 [tilespmem:s4], [sflag:$0xE], $0x10, s16, s30, $0xb8;
	[tilespmem:$0x1E460] =	vst v63  }
0x1ec: {  	_ =	swait.ge @!p1 [sflag:s15], $0x1400  }
0x1ed: {  	[sflag:s15] =	ssyncset.done @!p1 $0x0  }
0x1ee: {  	s16 =	simm.s32 @!p1 $0x11;
	[sflag:s15] =	ssyncadd.s32 @!p1 $0xFFFFEC00  }
0x1ef: {  	_ =	swait.ge @!p1 [sflag:s16], $0x500  }
0x1f0: {  	[sflag:s16] =	ssyncset.done @!p1 $0x0  }
0x1f1: {  	s17 =	simm.s32 $0x320;
	[sflag:s16] =	ssyncadd.s32 @!p1 $0xFFFFFB00  }
0x1f2: {  	[tilespmem:s18], [sflag:$0x5] =	stream.indirect.gather [hbm4b:s5+s14], $0x40, s17, s14, $0xb8;
	[tilespmem:$0x1E460] =	vst v63  }
0x1f3: {  	_ =	swait.ge [sflag:s21], $0x1400  }
0x1f4: {  	[sflag:s21] =	ssyncset.done $0x0  }
0x1f5: {  	s18 =	simm.s32 $0x50A0;
	s17 =	simm.s32 @p1 $0xC;
	[sflag:s21] =	ssyncadd.s32 $0xFFFFEC00  }
0x1f6: {  	[spmem:s20] =	stream.indirect.scatter.add.f32 [tilespmem:s19], [sflag:$0x9], $0x40, s18, s14, $0xb8;
	[tilespmem:$0x1E460] =	vst v63  }
0x1f7: {  	_ =	swait.ge @p1 [sflag:s17], $0x1400  }
0x1f8: {  	[sflag:s17] =	ssyncset.done @p1 $0x0  }
0x1f9: {  	s19 =	simm.s32 @!p1 $0xC;
	[sflag:s17] =	ssyncadd.s32 @p1 $0xFFFFEC00  }
0x1fa: {  	[spmem:s3] =	stream.indirect.scatter.add.f32 @!p1 [tilespmem:s4], [sflag:$0xF], $0x10, s18, s30, $0xb8;
	[tilespmem:$0x1E460] =	vst v63  }
0x1fb: {  	_ =	swait.ge @!p1 [sflag:s19], $0x1400  }
0x1fc: {  	[sflag:s19] =	ssyncset.done @!p1 $0x0  }
0x1fd: {  	s21 =	simm.s32 @!p1 $0x12;
	[sflag:s19] =	ssyncadd.s32 @!p1 $0xFFFFEC00  }
0x1fe: {  	_ =	swait.ge @!p1 [sflag:s21], $0x500  }
0x1ff: {  	s23 =	simm.s32 $0x780;
	s2 =	smov.u32 s3;
	[sflag:s21] =	ssyncset.done @!p1 $0x0  }
0x200: {  	s18 =	simm.s32 $0x370;
	s3 =	smov.u32 s20;
	[sflag:s21] =	ssyncadd.s32 @!p1 $0xFFFFFB00  }
.LBB2_11:
0x201: {  	s8 =	simm.s32 $0x10040;
	s0 =	simm.s32 $0xD840  }
0x202: {  	[tilespmem:s8], [sflag:$0x6] =	stream.indirect.gather [hbm4b:s5+s14], $0x40, s18, s14, $0xb8;
	[tilespmem:$0x1E460] =	vst v63  }
0x203: {  	s18 =	smov.u32 s23;
	s23 =	sadd.s32 $0x780, s23;
	_ =	swait.ge [sflag:s25], $0x1400  }
0x204: {  	s18 =	sshra.s32 s18, $0x2;
	p2 =	sne.s32 s23, $0x12C00;
	[sflag:s25] =	ssyncset.done $0x0  }
0x205: {  	s31 =	simm.s32 @p1 $0x7;
	s20 =	sadd.s32 $0x4F10, s18;
	[sflag:s25] =	ssyncadd.s32 $0xFFFFEC00  }
0x206: {  	[spmem:s3] =	stream.indirect.scatter.add.f32 [tilespmem:s0], [sflag:$0xA], $0x40, s20, s14, $0xb8;
	[tilespmem:$0x1E460] =	vst v63  }
0x207: {  	_ =	swait.ge @p1 [sflag:s31], $0x1400  }
0x208: {  	[sflag:s31] =	ssyncset.done @p1 $0x0  }
0x209: {  	[sflag:s31] =	ssyncadd.s32 @p1 $0xFFFFEC00  }
0x20a: {  	[spmem:s2] =	stream.indirect.scatter.add.f32 @!p1 [tilespmem:s4], [sflag:$0x10], $0x10, s20, s30, $0xb8;
	[tilespmem:$0x1E460] =	vst v63  }
0x20b: {  	s20 =	simm.s32 @!p1 $0x7  }
0x20c: {  	_ =	swait.ge @!p1 [sflag:s20], $0x1400  }
0x20d: {  	[sflag:s20] =	ssyncset.done @!p1 $0x0  }
0x20e: {  	[sflag:s20] =	ssyncadd.s32 @!p1 $0xFFFFEC00;
	s20 =	simm.s32 @!p1 $0xD  }
0x20f: {  	_ =	swait.ge @!p1 [sflag:s20], $0x500  }
0x210: {  	[sflag:s20] =	ssyncset.done @!p1 $0x0  }
0x211: {  	s1 =	simm.s32 $0x9C40;
	[sflag:s20] =	ssyncadd.s32 @!p1 $0xFFFFFB00;
	s20 =	sadd.s32 $0x1E0, s18  }
0x212: {  	[tilespmem:s1], [sflag:$0x1] =	stream.indirect.gather [hbm4b:s5+s14], $0x40, s20, s14, $0xb8;
	[tilespmem:$0x1E460] =	vst v63  }
0x213: {  	_ =	swait.ge [sflag:s22], $0x1400  }
0x214: {  	s9 =	simm.s32 $0xEC40;
	[sflag:s22] =	ssyncset.done $0x0  }
0x215: {  	s31 =	simm.s32 @p1 $0x8;
	s20 =	sadd.s32 $0x4F60, s18;
	[sflag:s22] =	ssyncadd.s32 $0xFFFFEC00  }
0x216: {  	[spmem:s3] =	stream.indirect.scatter.add.f32 [tilespmem:s9], [sflag:$0xB], $0x40, s20, s14, $0xb8;
	[tilespmem:$0x1E460] =	vst v63  }
0x217: {  	_ =	swait.ge @p1 [sflag:s31], $0x1400  }
0x218: {  	[sflag:s31] =	ssyncset.done @p1 $0x0  }
0x219: {  	s7 =	simm.s32 @!p1 $0x8;
	[sflag:s31] =	ssyncadd.s32 @p1 $0xFFFFEC00  }
0x21a: {  	[spmem:s2] =	stream.indirect.scatter.add.f32 @!p1 [tilespmem:s4], [sflag:$0x11], $0x10, s20, s30, $0xb8;
	[tilespmem:$0x1E460] =	vst v63  }
0x21b: {  	_ =	swait.ge @!p1 [sflag:s7], $0x1400  }
0x21c: {  	[sflag:s7] =	ssyncset.done @!p1 $0x0  }
0x21d: {  	[sflag:s7] =	ssyncadd.s32 @!p1 $0xFFFFEC00;
	s7 =	simm.s32 @!p1 $0xE  }
0x21e: {  	_ =	swait.ge @!p1 [sflag:s7], $0x500  }
0x21f: {  	[sflag:s7] =	ssyncset.done @!p1 $0x0  }
0x220: {  	s31 =	simm.s32 $0xB040;
	s20 =	sadd.s32 $0x230, s18;
	[sflag:s7] =	ssyncadd.s32 @!p1 $0xFFFFFB00  }
0x221: {  	[tilespmem:s31], [sflag:$0x2] =	stream.indirect.gather [hbm4b:s5+s14], $0x40, s20, s14, $0xb8;
	[tilespmem:$0x1E460] =	vst v63  }
0x222: {  	_ =	swait.ge [sflag:s29], $0x1400  }
0x223: {  	[sflag:s29] =	ssyncset.done $0x0  }
0x224: {  	s7 =	simm.s32 @p1 $0x9;
	s20 =	sadd.s32 $0x4FB0, s18;
	[sflag:s29] =	ssyncadd.s32 $0xFFFFEC00  }
0x225: {  	[spmem:s3] =	stream.indirect.scatter.add.f32 [tilespmem:s8], [sflag:$0xC], $0x40, s20, s14, $0xb8;
	[tilespmem:$0x1E460] =	vst v63  }
0x226: {  	_ =	swait.ge @p1 [sflag:s7], $0x1400  }
0x227: {  	[sflag:s7] =	ssyncset.done @p1 $0x0  }
0x228: {  	[sflag:s7] =	ssyncadd.s32 @p1 $0xFFFFEC00  }
0x229: {  	[spmem:s2] =	stream.indirect.scatter.add.f32 @!p1 [tilespmem:s4], [sflag:$0x12], $0x10, s20, s30, $0xb8;
	[tilespmem:$0x1E460] =	vst v63  }
0x22a: {  	_ =	swait.ge @!p1 [sflag:s12], $0x1400  }
0x22b: {  	[sflag:s12] =	ssyncset.done @!p1 $0x0  }
0x22c: {  	[sflag:s12] =	ssyncadd.s32 @!p1 $0xFFFFEC00  }
0x22d: {  	_ =	swait.ge @!p1 [sflag:s6], $0x500  }
0x22e: {  	[sflag:s6] =	ssyncset.done @!p1 $0x0  }
0x22f: {  	s7 =	simm.s32 $0xC440;
	s20 =	sadd.s32 $0x280, s18;
	[sflag:s6] =	ssyncadd.s32 @!p1 $0xFFFFFB00  }
0x230: {  	[tilespmem:s7], [sflag:$0x3] =	stream.indirect.gather [hbm4b:s5+s14], $0x40, s20, s14, $0xb8;
	[tilespmem:$0x1E460] =	vst v63  }
0x231: {  	s20 =	simm.s32 $0x1  }
0x232: {  	_ =	swait.ge [sflag:s20], $0x1400  }
0x233: {  	[sflag:s20] =	ssyncset.done $0x0  }
0x234: {  	[sflag:s20] =	ssyncadd.s32 $0xFFFFEC00;
	s20 =	sadd.s32 $0x5000, s18  }
0x235: {  	[spmem:s3] =	stream.indirect.scatter.add.f32 [tilespmem:s1], [sflag:$0x7], $0x40, s20, s14, $0xb8;
	[tilespmem:$0x1E460] =	vst v63  }
0x236: {  	_ =	swait.ge @p1 [sflag:s13], $0x1400  }
0x237: {  	[sflag:s13] =	ssyncset.done @p1 $0x0  }
0x238: {  	[sflag:s13] =	ssyncadd.s32 @p1 $0xFFFFEC00  }
0x239: {  	[spmem:s2] =	stream.indirect.scatter.add.f32 @!p1 [tilespmem:s4], [sflag:$0xD], $0x10, s20, s30, $0xb8;
	[tilespmem:$0x1E460] =	vst v63  }
0x23a: {  	_ =	swait.ge @!p1 [sflag:s28], $0x1400  }
0x23b: {  	[sflag:s28] =	ssyncset.done @!p1 $0x0  }
0x23c: {  	[sflag:s28] =	ssyncadd.s32 @!p1 $0xFFFFEC00  }
0x23d: {  	_ =	swait.ge @!p1 [sflag:s10], $0x500  }
0x23e: {  	[sflag:s10] =	ssyncset.done @!p1 $0x0  }
0x23f: {  	s20 =	sadd.s32 $0x2D0, s18;
	[sflag:s10] =	ssyncadd.s32 @!p1 $0xFFFFFB00  }
0x240: {  	[tilespmem:s0], [sflag:$0x4] =	stream.indirect.gather [hbm4b:s5+s14], $0x40, s20, s14, $0xb8;
	[tilespmem:$0x1E460] =	vst v63  }
0x241: {  	_ =	swait.ge [sflag:s24], $0x1400  }
0x242: {  	[sflag:s24] =	ssyncset.done $0x0  }
0x243: {  	s20 =	sadd.s32 $0x5050, s18;
	[sflag:s24] =	ssyncadd.s32 $0xFFFFEC00  }
0x244: {  	[spmem:s3] =	stream.indirect.scatter.add.f32 [tilespmem:s31], [sflag:$0x8], $0x40, s20, s14, $0xb8;
	[tilespmem:$0x1E460] =	vst v63  }
0x245: {  	_ =	swait.ge @p1 [sflag:s11], $0x1400  }
0x246: {  	[sflag:s11] =	ssyncset.done @p1 $0x0  }
0x247: {  	[sflag:s11] =	ssyncadd.s32 @p1 $0xFFFFEC00  }
0x248: {  	[spmem:s2] =	stream.indirect.scatter.add.f32 @!p1 [tilespmem:s4], [sflag:$0xE], $0x10, s20, s30, $0xb8;
	[tilespmem:$0x1E460] =	vst v63  }
0x249: {  	_ =	swait.ge @!p1 [sflag:s15], $0x1400  }
0x24a: {  	[sflag:s15] =	ssyncset.done @!p1 $0x0  }
0x24b: {  	[sflag:s15] =	ssyncadd.s32 @!p1 $0xFFFFEC00  }
0x24c: {  	_ =	swait.ge @!p1 [sflag:s16], $0x500  }
0x24d: {  	[sflag:s16] =	ssyncset.done @!p1 $0x0  }
0x24e: {  	s1 =	simm.s32 $0xEC40;
	s20 =	sadd.s32 $0x320, s18;
	[sflag:s16] =	ssyncadd.s32 @!p1 $0xFFFFFB00  }
0x24f: {  	[tilespmem:s9], [sflag:$0x5] =	stream.indirect.gather [hbm4b:s5+s14], $0x40, s20, s14, $0xb8;
	[tilespmem:$0x1E460] =	vst v63  }
0x250: {  	_ =	swait.ge [sflag:s26], $0x1400  }
0x251: {  	[sflag:s26] =	ssyncset.done $0x0  }
0x252: {  	s31 =	simm.s32 $0xC440;
	s20 =	sadd.s32 $0x50A0, s18;
	[sflag:s26] =	ssyncadd.s32 $0xFFFFEC00  }
0x253: {  	[spmem:s3] =	stream.indirect.scatter.add.f32 [tilespmem:s7], [sflag:$0x9], $0x40, s20, s14, $0xb8;
	[tilespmem:$0x1E460] =	vst v63  }
0x254: {  	_ =	swait.ge @p1 [sflag:s17], $0x1400  }
0x255: {  	[sflag:s17] =	ssyncset.done @p1 $0x0  }
0x256: {  	[sflag:s17] =	ssyncadd.s32 @p1 $0xFFFFEC00  }
0x257: {  	[spmem:s2] =	stream.indirect.scatter.add.f32 @!p1 [tilespmem:s4], [sflag:$0xF], $0x10, s20, s30, $0xb8;
	[tilespmem:$0x1E460] =	vst v63  }
0x258: {  	_ =	swait.ge @!p1 [sflag:s19], $0x1400  }
.Ltmp5:
0x259: {  	[sflag:s19] =	ssyncset.done @!p1 $0x0;
	(pc) =	sbr.rel @p2 .LBB2_11-.Ltmp5, $4  }
0x25a: {  	[sflag:s19] =	ssyncadd.s32 @!p1 $0xFFFFEC00  }
0x25b: {  	_ =	swait.ge @!p1 [sflag:s21], $0x500  }
0x25c: {  	[sflag:s21] =	ssyncset.done @!p1 $0x0  }
0x25d: {  	s18 =	sadd.s32 $0x370, s18;
	[sflag:s21] =	ssyncadd.s32 @!p1 $0xFFFFFB00  }
0x25e: {  	s7 =	simm.s32 $0x10040  }
0x25f: {  	[tilespmem:s7], [sflag:$0x6] =	stream.indirect.gather [hbm4b:s5+s14], $0x40, s18, s14, $0xb8;
	[tilespmem:$0x1E460] =	vst v63  }
0x260: {  	_ =	swait.ge [sflag:s25], $0x1400  }
0x261: {  	s4 =	simm.s32 $0x9A10;
	[sflag:s25] =	ssyncset.done $0x0  }
0x262: {  	s16 =	simm.s32 $0xD840;
	s0 =	simm.s32 @p1 $0x7;
	[sflag:s25] =	ssyncadd.s32 $0xFFFFEC00  }
0x263: {  	[spmem:s3] =	stream.indirect.scatter.add.f32 [tilespmem:s16], [sflag:$0xA], $0x40, s4, s14, $0xb8;
	[tilespmem:$0x1E460] =	vst v63  }
0x264: {  	_ =	swait.ge @p1 [sflag:s0], $0x1400  }
0x265: {  	s15 =	simm.s32 @!p1 $0x9A10;
	s11 =	simm.s32 @!p1 $0x1B6C0;
	[sflag:s0] =	ssyncset.done @p1 $0x0  }
0x266: {  	s4 =	simm.s32 @!p1 $0x50;
	[sflag:s0] =	ssyncadd.s32 @p1 $0xFFFFEC00;
	s0 =	simm.s32 @!p1 $0x7  }
0x267: {  	[spmem:s2] =	stream.indirect.scatter.add.f32 @!p1 [tilespmem:s11], [sflag:$0x10], $0x10, s15, s4, $0xb8;
	[tilespmem:$0x1E460] =	vst v63  }
0x268: {  	_ =	swait.ge @!p1 [sflag:s0], $0x1400  }
0x269: {  	[sflag:s0] =	ssyncset.done @!p1 $0x0  }
0x26a: {  	[sflag:s0] =	ssyncadd.s32 @!p1 $0xFFFFEC00;
	s0 =	simm.s32 @!p1 $0xD  }
0x26b: {  	_ =	swait.ge @!p1 [sflag:s0], $0x500  }
0x26c: {  	[sflag:s0] =	ssyncset.done @!p1 $0x0  }
0x26d: {  	s19 =	simm.s32 $0x4CE0;
	s20 =	simm.s32 $0x9C40;
	[sflag:s0] =	ssyncadd.s32 @!p1 $0xFFFFFB00  }
0x26e: {  	[tilespmem:s20], [sflag:$0x1] =	stream.indirect.gather [hbm4b:s5+s14], $0x40, s19, s14, $0xb8;
	[tilespmem:$0x1E460] =	vst v63  }
0x26f: {  	_ =	swait.ge [sflag:s22], $0x1400  }
0x270: {  	[sflag:s22] =	ssyncset.done $0x0  }
0x271: {  	s21 =	simm.s32 $0x9A60;
	s0 =	simm.s32 @p1 $0x8;
	[sflag:s22] =	ssyncadd.s32 $0xFFFFEC00  }
0x272: {  	[spmem:s3] =	stream.indirect.scatter.add.f32 [tilespmem:s1], [sflag:$0xB], $0x40, s21, s14, $0xb8;
	[tilespmem:$0x1E460] =	vst v63  }
0x273: {  	_ =	swait.ge @p1 [sflag:s0], $0x1400  }
0x274: {  	[sflag:s0] =	ssyncset.done @p1 $0x0  }
0x275: {  	[sflag:s0] =	ssyncadd.s32 @p1 $0xFFFFEC00;
	s0 =	simm.s32 @!p1 $0x9A60  }
0x276: {  	[spmem:s2] =	stream.indirect.scatter.add.f32 @!p1 [tilespmem:s11], [sflag:$0x11], $0x10, s0, s4, $0xb8;
	[tilespmem:$0x1E460] =	vst v63  }
0x277: {  	s0 =	simm.s32 @!p1 $0x8  }
0x278: {  	_ =	swait.ge @!p1 [sflag:s0], $0x1400  }
0x279: {  	[sflag:s0] =	ssyncset.done @!p1 $0x0  }
0x27a: {  	[sflag:s0] =	ssyncadd.s32 @!p1 $0xFFFFEC00;
	s0 =	simm.s32 @!p1 $0xE  }
0x27b: {  	_ =	swait.ge @!p1 [sflag:s0], $0x500  }
0x27c: {  	[sflag:s0] =	ssyncset.done @!p1 $0x0  }
0x27d: {  	s23 =	simm.s32 $0x4D30;
	s30 =	simm.s32 $0xB040;
	[sflag:s0] =	ssyncadd.s32 @!p1 $0xFFFFFB00  }
0x27e: {  	[tilespmem:s30], [sflag:$0x2] =	stream.indirect.gather [hbm4b:s5+s14], $0x40, s23, s14, $0xb8;
	[tilespmem:$0x1E460] =	vst v63  }
0x27f: {  	_ =	swait.ge [sflag:s29], $0x1400  }
0x280: {  	[sflag:s29] =	ssyncset.done $0x0  }
0x281: {  	s8 =	simm.s32 $0x9AB0;
	s0 =	simm.s32 @p1 $0x9;
	[sflag:s29] =	ssyncadd.s32 $0xFFFFEC00  }
0x282: {  	[spmem:s3] =	stream.indirect.scatter.add.f32 [tilespmem:s7], [sflag:$0xC], $0x40, s8, s14, $0xb8;
	[tilespmem:$0x1E460] =	vst v63  }
0x283: {  	_ =	swait.ge @p1 [sflag:s0], $0x1400  }
0x284: {  	[sflag:s0] =	ssyncset.done @p1 $0x0  }
0x285: {  	[sflag:s0] =	ssyncadd.s32 @p1 $0xFFFFEC00;
	s0 =	simm.s32 @!p1 $0x9AB0  }
0x286: {  	[spmem:s2] =	stream.indirect.scatter.add.f32 @!p1 [tilespmem:s11], [sflag:$0x12], $0x10, s0, s4, $0xb8;
	[tilespmem:$0x1E460] =	vst v63  }
0x287: {  	_ =	swait.ge @!p1 [sflag:s12], $0x1400  }
0x288: {  	[sflag:s12] =	ssyncset.done @!p1 $0x0  }
0x289: {  	[sflag:s12] =	ssyncadd.s32 @!p1 $0xFFFFEC00  }
0x28a: {  	_ =	swait.ge @!p1 [sflag:s6], $0x500  }
0x28b: {  	[sflag:s6] =	ssyncset.done @!p1 $0x0  }
0x28c: {  	s9 =	simm.s32 $0x4D80;
	s8 =	simm.s32 $0x1;
	[sflag:s6] =	ssyncadd.s32 @!p1 $0xFFFFFB00  }
0x28d: {  	[tilespmem:s31], [sflag:$0x3] =	stream.indirect.gather [hbm4b:s5+s14], $0x40, s9, s14, $0xb8;
	[tilespmem:$0x1E460] =	vst v63  }
0x28e: {  	_ =	swait.ge [sflag:s8], $0x1400  }
0x28f: {  	[sflag:s8] =	ssyncset.done $0x0  }
0x290: {  	s12 =	simm.s32 $0x9B00;
	[sflag:s8] =	ssyncadd.s32 $0xFFFFEC00  }
0x291: {  	[spmem:s3] =	stream.indirect.scatter.add.f32 [tilespmem:s20], [sflag:$0x7], $0x40, s12, s14, $0xb8;
	[tilespmem:$0x1E460] =	vst v63  }
0x292: {  	_ =	swait.ge @p1 [sflag:s13], $0x1400  }
0x293: {  	[sflag:s13] =	ssyncset.done @p1 $0x0  }
0x294: {  	s0 =	simm.s32 @!p1 $0x9B00;
	[sflag:s13] =	ssyncadd.s32 @p1 $0xFFFFEC00  }
0x295: {  	[spmem:s2] =	stream.indirect.scatter.add.f32 @!p1 [tilespmem:s11], [sflag:$0xD], $0x10, s0, s4, $0xb8;
	[tilespmem:$0x1E460] =	vst v63  }
0x296: {  	_ =	swait.ge @!p1 [sflag:s28], $0x1400  }
0x297: {  	[sflag:s28] =	ssyncset.done @!p1 $0x0  }
0x298: {  	[sflag:s28] =	ssyncadd.s32 @!p1 $0xFFFFEC00  }
0x299: {  	_ =	swait.ge @!p1 [sflag:s10], $0x500  }
0x29a: {  	[sflag:s10] =	ssyncset.done @!p1 $0x0  }
0x29b: {  	s15 =	simm.s32 $0x4DD0;
	[sflag:s10] =	ssyncadd.s32 @!p1 $0xFFFFFB00  }
0x29c: {  	[tilespmem:s16], [sflag:$0x4] =	stream.indirect.gather [hbm4b:s5+s14], $0x40, s15, s14, $0xb8;
	[tilespmem:$0x1E460] =	vst v63  }
0x29d: {  	_ =	swait.ge [sflag:s24], $0x1400  }
0x29e: {  	[sflag:s24] =	ssyncset.done $0x0  }
0x29f: {  	s17 =	simm.s32 $0x9B50;
	s0 =	simm.s32 @p1 $0x3;
	[sflag:s24] =	ssyncadd.s32 $0xFFFFEC00  }
0x2a0: {  	[spmem:s3] =	stream.indirect.scatter.add.f32 [tilespmem:s30], [sflag:$0x8], $0x40, s17, s14, $0xb8;
	[tilespmem:$0x1E460] =	vst v63  }
0x2a1: {  	_ =	swait.ge @p1 [sflag:s0], $0x1400  }
0x2a2: {  	s1 =	simm.s32 @p1 $0x9BA0;
	[sflag:s0] =	ssyncset.done @p1 $0x0  }
0x2a3: {  	s6 =	simm.s32 @p1 $0xC440;
	[sflag:s0] =	ssyncadd.s32 @p1 $0xFFFFEC00;
	s0 =	simm.s32 @p1 $0x50  }
0x2a4: {  	[spmem:s3] =	stream.indirect.scatter.add.f32 @p1 [tilespmem:s6], [sflag:$0x9], $0x40, s1, s0, $0xb8;
	[tilespmem:$0x1E460] =	vst v63  }
0x2a5: {  	s0 =	simm.s32 @!p1 $0x9B50  }
0x2a6: {  	[spmem:s2] =	stream.indirect.scatter.add.f32 @!p1 [tilespmem:s11], [sflag:$0xE], $0x10, s0, s4, $0xb8;
	[tilespmem:$0x1E460] =	vst v63  }
0x2a7: {  	s0 =	simm.s32 @!p1 $0x3  }
0x2a8: {  	_ =	swait.ge @!p1 [sflag:s0], $0x1400  }
0x2a9: {  	[sflag:s0] =	ssyncset.done @!p1 $0x0  }
0x2aa: {  	s1 =	simm.s32 @!p1 $0xC440;
	[sflag:s0] =	ssyncadd.s32 @!p1 $0xFFFFEC00;
	s0 =	simm.s32 @!p1 $0x9BA0  }
0x2ab: {  	[spmem:s3] =	stream.indirect.scatter.add.f32 @!p1 [tilespmem:s1], [sflag:$0x9], $0x40, s0, s4, $0xb8;
	[tilespmem:$0x1E460] =	vst v63  }
0x2ac: {  	_ = 	snop  }
0x2ad: {  	[spmem:s2] =	stream.indirect.scatter.add.f32 @!p1 [tilespmem:s11], [sflag:$0xF], $0x10, s0, s4, $0xb8;
	[tilespmem:$0x1E460] =	vst v63  }
0x2ae: {  	_ =	swait.ge [sflag:s25], $0x1400  }
0x2af: {  	[sflag:s25] =	ssyncset.done $0x0  }
0x2b0: {  	s18 =	simm.s32 $0x9BF0;
	[sflag:s25] =	ssyncadd.s32 $0xFFFFEC00  }
0x2b1: {  	[spmem:s3] =	stream.indirect.scatter.add.f32 [tilespmem:s16], [sflag:$0xA], $0x40, s18, s14, $0xb8;
	[tilespmem:$0x1E460] =	vst v63  }
0x2b2: {  	s1 =	simm.s32 @p0 $0x9BF0;
	s0 =	simm.s32 @p0 $0x50;
	s4 =	simm.s32 @p0 $0x1B6C0  }
0x2b3: {  	[spmem:s2] =	stream.indirect.scatter.add.f32 @p0 [tilespmem:s4], [sflag:$0x10], $0x10, s1, s0, $0xb8;
	[tilespmem:$0x1E460] =	vst v63  }
0x2b4: {  	s0 =	simm.s32 @p0 $0xB  }
0x2b5: {  	_ =	swait.ge @p0 [sflag:s0], $0x1400  }
0x2b6: {  	[sflag:s0] =	ssyncset.done @p0 $0x0  }
0x2b7: {  	[sflag:s0] =	ssyncadd.s32 @p0 $0xFFFFEC00;
	s0 =	simm.s32 @p0 $0x11  }
0x2b8: {  	_ =	swait.ge @p0 [sflag:s0], $0x500  }
0x2b9: {  	[sflag:s0] =	ssyncset.done @p0 $0x0  }
0x2ba: {  	[sflag:s0] =	ssyncadd.s32 @p0 $0xFFFFFB00;
	s0 =	simm.s32 @p0 $0xC  }
0x2bb: {  	_ =	swait.ge @p0 [sflag:s0], $0x1400  }
0x2bc: {  	[sflag:s0] =	ssyncset.done @p0 $0x0  }
0x2bd: {  	[sflag:s0] =	ssyncadd.s32 @p0 $0xFFFFEC00;
	s0 =	simm.s32 @p0 $0x12  }
0x2be: {  	_ =	swait.ge @p0 [sflag:s0], $0x500  }
0x2bf: {  	[sflag:s0] =	ssyncset.done @p0 $0x0  }
0x2c0: {  	[sflag:s0] =	ssyncadd.s32 @p0 $0xFFFFFB00;
	s0 =	simm.s32 @p0 $0x7  }
0x2c1: {  	_ =	swait.ge @p0 [sflag:s0], $0x1400  }
0x2c2: {  	[sflag:s0] =	ssyncset.done @p0 $0x0  }
0x2c3: {  	[sflag:s0] =	ssyncadd.s32 @p0 $0xFFFFEC00;
	s0 =	simm.s32 @p0 $0xD  }
0x2c4: {  	_ =	swait.ge @p0 [sflag:s0], $0x500  }
0x2c5: {  	[sflag:s0] =	ssyncset.done @p0 $0x0  }
0x2c6: {  	[sflag:s0] =	ssyncadd.s32 @p0 $0xFFFFFB00;
	s0 =	simm.s32 @p0 $0x8  }
0x2c7: {  	_ =	swait.ge @p0 [sflag:s0], $0x1400  }
0x2c8: {  	[sflag:s0] =	ssyncset.done @p0 $0x0  }
0x2c9: {  	[sflag:s0] =	ssyncadd.s32 @p0 $0xFFFFEC00;
	s0 =	simm.s32 @p0 $0xE  }
0x2ca: {  	_ =	swait.ge @p0 [sflag:s0], $0x500  }
0x2cb: {  	[sflag:s0] =	ssyncset.done @p0 $0x0  }
0x2cc: {  	[sflag:s0] =	ssyncadd.s32 @p0 $0xFFFFFB00;
	s0 =	simm.s32 @p0 $0x9  }
0x2cd: {  	_ =	swait.ge @p0 [sflag:s0], $0x1400  }
0x2ce: {  	[sflag:s0] =	ssyncset.done @p0 $0x0  }
0x2cf: {  	[sflag:s0] =	ssyncadd.s32 @p0 $0xFFFFEC00;
	s0 =	simm.s32 @p0 $0xF  }
0x2d0: {  	_ =	swait.ge @p0 [sflag:s0], $0x500  }
0x2d1: {  	[sflag:s0] =	ssyncset.done @p0 $0x0  }
0x2d2: {  	[sflag:s0] =	ssyncadd.s32 @p0 $0xFFFFFB00;
	s0 =	simm.s32 @p0 $0xA  }
0x2d3: {  	_ =	swait.ge @p0 [sflag:s0], $0x1400  }
0x2d4: {  	[sflag:s0] =	ssyncset.done @p0 $0x0  }
0x2d5: {  	[sflag:s0] =	ssyncadd.s32 @p0 $0xFFFFEC00;
	s0 =	simm.s32 @p0 $0x10  }
0x2d6: {  	_ =	swait.ge @p0 [sflag:s0], $0x500  }
0x2d7: {  	[sflag:s0] =	ssyncset.done @p0 $0x0  }
0x2d8: {  	[sflag:s0] =	ssyncadd.s32 @p0 $0xFFFFFB00;
	s0 =	simm.s32 @!p0 $0xB  }
0x2d9: {  	_ =	swait.ge @!p0 [sflag:s0], $0x1400  }
0x2da: {  	[sflag:s0] =	ssyncset.done @!p0 $0x0  }
0x2db: {  	[sflag:s0] =	ssyncadd.s32 @!p0 $0xFFFFEC00;
	s0 =	simm.s32 @!p0 $0xC  }
0x2dc: {  	_ =	swait.ge @!p0 [sflag:s0], $0x1400  }
0x2dd: {  	[sflag:s0] =	ssyncset.done @!p0 $0x0  }
0x2de: {  	[sflag:s0] =	ssyncadd.s32 @!p0 $0xFFFFEC00;
	s0 =	simm.s32 @!p0 $0x7  }
0x2df: {  	_ =	swait.ge @!p0 [sflag:s0], $0x1400  }
0x2e0: {  	[sflag:s0] =	ssyncset.done @!p0 $0x0  }
0x2e1: {  	[sflag:s0] =	ssyncadd.s32 @!p0 $0xFFFFEC00;
	s0 =	simm.s32 @!p0 $0x8  }
0x2e2: {  	_ =	swait.ge @!p0 [sflag:s0], $0x1400  }
0x2e3: {  	[sflag:s0] =	ssyncset.done @!p0 $0x0  }
0x2e4: {  	[sflag:s0] =	ssyncadd.s32 @!p0 $0xFFFFEC00;
	s0 =	simm.s32 @!p0 $0x9  }
0x2e5: {  	_ =	swait.ge @!p0 [sflag:s0], $0x1400  }
0x2e6: {  	[sflag:s0] =	ssyncset.done @!p0 $0x0  }
0x2e7: {  	[sflag:s0] =	ssyncadd.s32 @!p0 $0xFFFFEC00;
	s0 =	simm.s32 @!p0 $0xA  }
0x2e8: {  	_ =	swait.ge @!p0 [sflag:s0], $0x1400  }
0x2e9: {  	[sflag:s0] =	ssyncset.done @!p0 $0x0  }
0x2ea: {  	[sflag:s0] =	ssyncadd.s32 @!p0 $0xFFFFEC00  }
0x2eb: {  	[bflag:$0x0] =	sbarrier.arrive $0xFFFF  }
0x2ec: {  	s19 =	stileid.u32;
	s23 =	simm.s32 $0x10;
	s21 =	sld [smem:$0x7F7]  }
0x2ed: {  	s28 =	simm.s32 $0x8;
	s0 =	sshll.u32 s19, $0x6;
	s20 =	rddreg [dreg:$0x4]  }
0x2ee: {  	s6 =	simm.s32 $0x13;
	s0 =	sor.u32 $0x1C13, s0;
	s1 =	sshrl.u32 s20, $0x3  }
0x2ef: {  	[hbm:s21@s23], [sflag:s0] =	dma.strided [spmem:s1@s28], $0x1388, s8, $0x8   }
0x2f0: {  	_ =	swait.ge [sflag:s6], $0x1388  }
0x2f1: {  	s1 =	sld [smem:$0x7F9]  }
0x2f2: {  	s4 =	sld [smem:$0x7FD]  }
0x2f3: {  	[sflag:s6] =	ssyncset.done $0x0  }
0x2f4: {  	[sflag:s6] =	ssyncadd.s32 $0xFFFFEC78  }
0x2f5: {  	[hbm:s1], [sflag:s0] =	dma.local @!p1 [spmem:s4], $0x4E2  }
0x2f6: {  	s0 =	simm.s32 @!p1 $0x13  }
0x2f7: {  	_ =	swait.ge @!p1 [sflag:s0], $0x4E2  }
0x2f8: {  	s30 =	sld [smem:$0x7DC]  }
0x2f9: {  	s31 =	sld [smem:$0x7FC];
	_ =	sdelay $0x1  }
0x2fa: {  	s7 =	simm.s32 $0x4E20;
	s4 =	sadd.s32 $0x1, s30  }
0x2fb: {  	s9 =	simm.s32 $0x5;
	s12 =	simm.s32 $0x6;
	p2 =	sne.s32 s4, s31  }
.Ltmp6:
0x2fc: {  	s13 =	simm.s32 $0x1;
	s10 =	simm.s32 $0x10040;
	(pc) =	sbr.rel @p2 .LBB2_1-.Ltmp6, $4  }
0x2fd: {  	s15 =	simm.s32 $0xB040;
	s11 =	simm.s32 $0x9C40;
	s16 =	simm.s32 $0xD840  }
0x2fe: {  	s18 =	simm.s32 $0xEC40;
	s19 =	simm.s32 $0xC440;
	s20 =	smov.u32 s3  }
0x2ff: {  	s3 =	smov.u32 s2;
	s2 =	simm.s32 $0x2;
	[sflag:s0] =	ssyncset.done @!p1 $0x0  }
0x300: {  	s21 =	simm.s32 $0x3;
	s8 =	simm.s32 $0x4;
	[sflag:s0] =	ssyncadd.s32 @!p1 $0xFFFFFB1E  }
0x301: {  	_ =	sfence.sel $0x180000  }
0x302: {  	[bflag:$0x0] =	sbarrier.arrive $0xFFFF  }
0x303: {  	_ =	strace $0x90000047  }
0x304: {  	s0 =	stileid.u32;
	[bflag:$0x2] =	sbarrier.arrive $0xFFFF  }
0x305: {  	p0 =	sne.s32 s0, $0x0;
	s0 =	rddreg [dreg:$0x3]  }
0x306: {  	s0 =	sadd.s32 @!p0 $0x100000, s0  }
0x307: {  	[sflag:s0] =	ssyncadd.tile.s32 @!p0 $0x1;
	_ =	shalt  }
.Lfunc_end2:
_tile_overlayer_lowered:
.L_overlay_start_2:
0x308: {  	(tag) =	ssettag $0x2  }
0x309: {  	s0 =	rddreg [dreg:$0x0];
	s2 =	stileid.u32  }
0x30a: {  	s1 =	rddreg [dreg:$0x1];
	p0 =	sne.s32 s2, $0x0  }
0x30b: {  	s3 =	rddreg [dreg:$0x2];
	[bflag:$0x3] =	sbarrier.arrive $0xFFFF;
	s2 =	simm.s32 @!p0 $0x1C13  }
0x30c: {  	[timem:s3], [sflag:s2] =	dma.local @!p0 [hbm:s0], s1  }
0x30d: {  	s0 =	simm.s32 @!p0 $0x13  }
0x30e: {  	_ =	swait.ge @!p0 [sflag:s0], s1  }
0x30f: {  	s1 =	ssub.s32 @!p0 $0x0, s1;
	[sflag:s0] =	ssyncset.done @!p0 $0x0  }
0x310: {  	[sflag:s0] =	ssyncadd.s32 @!p0 s1  }
0x311: {  	[bflag:$0x3] =	sbarrier.arrive $0xFFFF  }
0x312: {  	_ =	shalt  }

</sc_bundles>
